<compile_context>
chip_gen: v7x
topology: tpu7x:2x2x1
jax: 0.10.2.dev20260603
libtpu: 0.0.44.dev20260713+nightly
codegen_flags: <defaults>
</compile_context>

<pallas_src>
import functools

import jax
import jax.numpy as jnp
from jax import lax
from jax.experimental import pallas as pl
from jax.experimental.pallas import tpu as pltpu
from jax.experimental.pallas import tpu_sc as plsc

N = 10000
E = 320000
DIN = 128
DH = 128
DOUT = 64
G = 128

SC_NC = 2
SC_NS = 16
SC_NW = SC_NC * SC_NS

NP = 10112
CH = 128
NCH = 80
EP = SC_NW * NCH * CH
RPT = NP // SC_NS
OFFS = tuple(range(0, RPT - 8, 16)) + (RPT - 16,)

BN = 2528
NB = NP // BN



def _hbm_to_spmem_1d(hbm_ref, sp_ref, vbuf, lo):
    pltpu.sync_copy(hbm_ref.at[pl.ds(lo, RPT)], vbuf)
    pltpu.sync_copy(vbuf, sp_ref.at[pl.ds(lo, RPT)])


def _spmem_to_hbm_1d(sp_ref, hbm_ref, vbuf, lo, out_lo):
    pltpu.sync_copy(sp_ref.at[pl.ds(lo, RPT)], vbuf)
    pltpu.sync_copy(vbuf, hbm_ref.at[pl.ds(out_lo, RPT)])


def _fill_ones(ref, n):
    def zbody(i, c):
        ref[pl.ds(i * 16, 16)] = jnp.zeros((16,), jnp.float32) + 1.0
        return c
    lax.fori_loop(0, n // 16, zbody, 0)


def _deg_body(dst_hbm, z1_hbm, out_hbm, dst_v, ones_v, vbuf, deg_s, sd):
    cid = lax.axis_index("c")
    sid = lax.axis_index("s")
    wid = cid * SC_NS + sid
    lo = sid * RPT
    _hbm_to_spmem_1d(z1_hbm, deg_s, vbuf, lo)
    pltpu.sync_copy(dst_hbm.at[wid], dst_v)
    _fill_ones(ones_v, CH)
    plsc.subcore_barrier()

    def body(j, c):
        pltpu.async_copy(ones_v, deg_s.at[dst_v.at[j]], sd, add=True)

        @pl.when(j >= 8)
        def _drain():
            pltpu.make_async_copy(ones_v, deg_s.at[dst_v.at[0]], sd).wait()
        return c

    lax.fori_loop(0, NCH, body, 0)

    def drain(j, c):
        pltpu.make_async_copy(ones_v, deg_s.at[dst_v.at[0]], sd).wait()
        return c

    lax.fori_loop(0, 8, drain, 0)
    plsc.subcore_barrier()
    _spmem_to_hbm_1d(deg_s, out_hbm, vbuf, lo, cid * NP + lo)


_deg_sc = pl.kernel(
    _deg_body,
    out_type=jax.ShapeDtypeStruct((SC_NC * NP,), jnp.float32),
    mesh=plsc.VectorSubcoreMesh(core_axis_name="c", subcore_axis_name="s"),
    scratch_types=[
        pltpu.VMEM((NCH, CH), jnp.int32),
        pltpu.VMEM((CH,), jnp.float32),
        pltpu.VMEM((RPT,), jnp.float32),
        pltpu.VMEM_SHARED((NP,), jnp.float32),
        pltpu.SemaphoreType.DMA,
    ],
)


def _edge_body(y_hbm, z_hbm, srcf_hbm, dst_hbm, out_hbm,
               dst_v, sb0, sb1, bufa, bufb, acc,
               sia, sib, sga, sgb, ssa, ssb):
    cid = lax.axis_index("c")
    sid = lax.axis_index("s")
    wid = cid * SC_NS + sid
    lo = sid * RPT
    base = wid * (NCH * CH)
    @pl.when(cid == 0)
    def _init_y():
        pltpu.sync_copy(y_hbm.at[pl.ds(lo, RPT)], acc.at[pl.ds(lo, RPT)])

    @pl.when(cid == 1)
    def _init_z():
        pltpu.sync_copy(z_hbm.at[pl.ds(lo, RPT)], acc.at[pl.ds(lo, RPT)])

    pltpu.sync_copy(dst_hbm.at[wid], dst_v)
    pltpu.sync_copy(srcf_hbm.at[pl.ds(base, CH)], sb0)
    pltpu.async_copy(y_hbm.at[sb0], bufa, sga)
    pltpu.sync_copy(srcf_hbm.at[pl.ds(base + CH, CH)], sb1)
    pltpu.async_copy(y_hbm.at[sb1], bufb, sgb)
    plsc.subcore_barrier()

    def body(i, c):
        a = 2 * i
        b = a + 1
        pltpu.make_async_copy(y_hbm.at[sb0], bufa, sga).wait()
        sca = pltpu.async_copy(bufa, acc.at[dst_v.at[a]], ssa, add=True)
        ia = pltpu.async_copy(srcf_hbm.at[pl.ds(base + (a + 2) * CH, CH)],
                              sb0, sia)
        pltpu.make_async_copy(y_hbm.at[sb1], bufb, sgb).wait()
        scb = pltpu.async_copy(bufb, acc.at[dst_v.at[b]], ssb, add=True)
        ib = pltpu.async_copy(srcf_hbm.at[pl.ds(base + (b + 2) * CH, CH)],
                              sb1, sib)
        sca.wait()
        ia.wait()
        pltpu.async_copy(y_hbm.at[sb0], bufa, sga)
        scb.wait()
        ib.wait()
        pltpu.async_copy(y_hbm.at[sb1], bufb, sgb)
        return c

    lax.fori_loop(0, NCH // 2 - 1, body, 0)
    pltpu.make_async_copy(y_hbm.at[sb0], bufa, sga).wait()
    pltpu.sync_copy(bufa, acc.at[dst_v.at[NCH - 2]], add=True)
    pltpu.make_async_copy(y_hbm.at[sb1], bufb, sgb).wait()
    pltpu.sync_copy(bufb, acc.at[dst_v.at[NCH - 1]], add=True)
    plsc.subcore_barrier()
    pltpu.sync_copy(acc.at[pl.ds(lo, RPT)], out_hbm.at[cid, pl.ds(lo, RPT)])


_edge_sc = pl.kernel(
    _edge_body,
    out_type=jax.ShapeDtypeStruct((SC_NC, NP, DH), jnp.float32),
    mesh=plsc.VectorSubcoreMesh(core_axis_name="c", subcore_axis_name="s"),
    scratch_types=[
        pltpu.VMEM((NCH, CH), jnp.int32),
        pltpu.VMEM((CH,), jnp.int32),
        pltpu.VMEM((CH,), jnp.int32),
        pltpu.VMEM((CH, DH), jnp.float32),
        pltpu.VMEM((CH, DH), jnp.float32),
        pltpu.VMEM_SHARED((NP, DH), jnp.float32),
        pltpu.SemaphoreType.DMA,
        pltpu.SemaphoreType.DMA,
        pltpu.SemaphoreType.DMA,
        pltpu.SemaphoreType.DMA,
        pltpu.SemaphoreType.DMA,
        pltpu.SemaphoreType.DMA,
    ],
)


def _prop1_body(ty_hbm, z1_hbm, src3_hbm, dst_hbm, out_hbm,
                src_v, dst_v, b0_, b1_, b2_, b3_, vbuf, ty_s, t_s,
                sg0, sg1, sg2, sg3, ss0, ss1, ss2, ss3):
    cid = lax.axis_index("c")
    sid = lax.axis_index("s")
    wid = cid * SC_NS + sid
    lo = sid * RPT
    bufs = (b0_, b1_, b2_, b3_)
    sgs = (sg0, sg1, sg2, sg3)
    sss = (ss0, ss1, ss2, ss3)
    _hbm_to_spmem_1d(ty_hbm, ty_s, vbuf, lo)
    _hbm_to_spmem_1d(z1_hbm, t_s, vbuf, lo)
    pltpu.sync_copy(src3_hbm.at[wid], src_v)
    pltpu.sync_copy(dst_hbm.at[wid], dst_v)
    plsc.subcore_barrier()
    for k in range(4):
        pltpu.async_copy(ty_s.at[src_v.at[k]], bufs[k], sgs[k])

    def body(i, c):
        a = 4 * i
        scs = []
        for k in range(4):
            pltpu.make_async_copy(ty_s.at[src_v.at[a + k]],
                                  bufs[k], sgs[k]).wait()
            scs.append(pltpu.async_copy(bufs[k], t_s.at[dst_v.at[a + k]],
                                        sss[k], add=True))
        for k in range(4):
            scs[k].wait()
            pltpu.async_copy(ty_s.at[src_v.at[a + 4 + k]], bufs[k], sgs[k])
        return c

    lax.fori_loop(0, NCH // 4 - 1, body, 0)
    for k in range(4):
        a = NCH - 4 + k
        pltpu.make_async_copy(ty_s.at[src_v.at[a]], bufs[k], sgs[k]).wait()
        pltpu.sync_copy(bufs[k], t_s.at[dst_v.at[a]], add=True)
    plsc.subcore_barrier()
    _spmem_to_hbm_1d(t_s, out_hbm, vbuf, lo, cid * NP + lo)


_prop1_sc = pl.kernel(
    _prop1_body,
    out_type=jax.ShapeDtypeStruct((SC_NC * NP,), jnp.float32),
    mesh=plsc.VectorSubcoreMesh(core_axis_name="c", subcore_axis_name="s"),
    scratch_types=[
        pltpu.VMEM((NCH, CH), jnp.int32),
        pltpu.VMEM((NCH, CH), jnp.int32),
        pltpu.VMEM((CH,), jnp.float32),
        pltpu.VMEM((CH,), jnp.float32),
        pltpu.VMEM((CH,), jnp.float32),
        pltpu.VMEM((CH,), jnp.float32),
        pltpu.VMEM((RPT,), jnp.float32),
        pltpu.VMEM_SHARED((NP,), jnp.float32),
        pltpu.VMEM_SHARED((NP,), jnp.float32),
        pltpu.SemaphoreType.DMA,
        pltpu.SemaphoreType.DMA,
        pltpu.SemaphoreType.DMA,
        pltpu.SemaphoreType.DMA,
        pltpu.SemaphoreType.DMA,
        pltpu.SemaphoreType.DMA,
        pltpu.SemaphoreType.DMA,
        pltpu.SemaphoreType.DMA,
    ],
)


def _prop2_body(s1f_hbm, ty_hbm, dinv_hbm, z1_hbm, src3_hbm, dst_hbm,
                pym_hbm, outp_hbm, outm_hbm,
                src_v, dst_v, s0b, s1b, tyb, dvb, pyb, myb, vbuf,
                gp0, gp1, gp2, gp3, gm0, gm1, gm2, gm3,
                py_s, my_s, pa_s, ma_s,
                sgp0, sgp1, sgp2, sgp3, sgm0, sgm1, sgm2, sgm3,
                ssp0, ssp1, ssp2, ssp3, ssm0, ssm1, ssm2, ssm3):
    cid = lax.axis_index("c")
    sid = lax.axis_index("s")
    wid = cid * SC_NS + sid
    lo = sid * RPT
    base = wid * (NCH * CH)
    pltpu.sync_copy(s1f_hbm.at[pl.ds(lo, RPT)], s0b.at[pl.ds(0, RPT)])
    pltpu.sync_copy(s1f_hbm.at[pl.ds(NP + lo, RPT)], s1b.at[pl.ds(0, RPT)])
    pltpu.sync_copy(ty_hbm.at[pl.ds(lo, RPT)], tyb.at[pl.ds(0, RPT)])
    pltpu.sync_copy(dinv_hbm.at[pl.ds(lo, RPT)], dvb.at[pl.ds(0, RPT)])
    for o in OFFS:
        dv = dvb[pl.ds(o, 16)]
        t1 = dv * (s0b[pl.ds(o, 16)] + s1b[pl.ds(o, 16)] + tyb[pl.ds(o, 16)])
        pyb[pl.ds(o, 16)] = jnp.maximum(t1, 0.0) * dv
        myb[pl.ds(o, 16)] = jnp.maximum(-t1, 0.0) * dv
    pltpu.sync_copy(pyb.at[pl.ds(0, RPT)], py_s.at[pl.ds(lo, RPT)])
    pltpu.sync_copy(myb.at[pl.ds(0, RPT)], my_s.at[pl.ds(lo, RPT)])

    @pl.when(cid == 0)
    def _emit_pym():
        pltpu.sync_copy(pyb.at[pl.ds(0, RPT)], pym_hbm.at[pl.ds(lo, RPT)])
        pltpu.sync_copy(myb.at[pl.ds(0, RPT)], pym_hbm.at[pl.ds(NP + lo, RPT)])

    _hbm_to_spmem_1d(z1_hbm, pa_s, vbuf, lo)
    _hbm_to_spmem_1d(z1_hbm, ma_s, vbuf, lo)
    pltpu.sync_copy(src3_hbm.at[wid], src_v)
    pltpu.sync_copy(dst_hbm.at[wid], dst_v)
    plsc.subcore_barrier()
    pbufs = (gp0, gp1, gp2, gp3)
    mbufs = (gm0, gm1, gm2, gm3)
    sgps = (sgp0, sgp1, sgp2, sgp3)
    sgms = (sgm0, sgm1, sgm2, sgm3)
    ssps = (ssp0, ssp1, ssp2, ssp3)
    ssms = (ssm0, ssm1, ssm2, ssm3)
    for k in range(4):
        pltpu.async_copy(py_s.at[src_v.at[k]], pbufs[k], sgps[k])
        pltpu.async_copy(my_s.at[src_v.at[k]], mbufs[k], sgms[k])

    def body(i, c):
        a = 4 * i
        scs = []
        for k in range(4):
            pltpu.make_async_copy(py_s.at[src_v.at[a + k]],
                                  pbufs[k], sgps[k]).wait()
            scs.append(pltpu.async_copy(pbufs[k], pa_s.at[dst_v.at[a + k]],
                                        ssps[k], add=True))
            pltpu.make_async_copy(my_s.at[src_v.at[a + k]],
                                  mbufs[k], sgms[k]).wait()
            scs.append(pltpu.async_copy(mbufs[k], ma_s.at[dst_v.at[a + k]],
                                        ssms[k], add=True))
        for k in range(4):
            scs[2 * k].wait()
            pltpu.async_copy(py_s.at[src_v.at[a + 4 + k]], pbufs[k], sgps[k])
            scs[2 * k + 1].wait()
            pltpu.async_copy(my_s.at[src_v.at[a + 4 + k]], mbufs[k], sgms[k])
        return c

    lax.fori_loop(0, NCH // 4 - 1, body, 0)
    for k in range(4):
        a = NCH - 4 + k
        pltpu.make_async_copy(py_s.at[src_v.at[a]], pbufs[k], sgps[k]).wait()
        pltpu.sync_copy(pbufs[k], pa_s.at[dst_v.at[a]], add=True)
        pltpu.make_async_copy(my_s.at[src_v.at[a]], mbufs[k], sgms[k]).wait()
        pltpu.sync_copy(mbufs[k], ma_s.at[dst_v.at[a]], add=True)
    plsc.subcore_barrier()
    _spmem_to_hbm_1d(pa_s, outp_hbm, vbuf, lo, cid * NP + lo)
    _spmem_to_hbm_1d(ma_s, outm_hbm, vbuf, lo, cid * NP + lo)


_prop2_sc = pl.kernel(
    _prop2_body,
    out_type=(jax.ShapeDtypeStruct((SC_NC * NP,), jnp.float32),
              jax.ShapeDtypeStruct((SC_NC * NP,), jnp.float32),
              jax.ShapeDtypeStruct((SC_NC * NP,), jnp.float32)),
    mesh=plsc.VectorSubcoreMesh(core_axis_name="c", subcore_axis_name="s"),
    scratch_types=[
        pltpu.VMEM((NCH, CH), jnp.int32),
        pltpu.VMEM((NCH, CH), jnp.int32),
        pltpu.VMEM((RPT + 8,), jnp.float32),
        pltpu.VMEM((RPT + 8,), jnp.float32),
        pltpu.VMEM((RPT + 8,), jnp.float32),
        pltpu.VMEM((RPT + 8,), jnp.float32),
        pltpu.VMEM((RPT + 8,), jnp.float32),
        pltpu.VMEM((RPT + 8,), jnp.float32),
        pltpu.VMEM((RPT,), jnp.float32),
    ] + [pltpu.VMEM((CH,), jnp.float32)] * 8 + [
        pltpu.VMEM_SHARED((NP,), jnp.float32),
        pltpu.VMEM_SHARED((NP,), jnp.float32),
        pltpu.VMEM_SHARED((NP,), jnp.float32),
        pltpu.VMEM_SHARED((NP,), jnp.float32),
    ] + [pltpu.SemaphoreType.DMA] * 16,
)



def _h0_body(x_ref, w0_ref, h0_ref):
    h0_ref[...] = jnp.dot(x_ref[...], w0_ref[...],
                          preferred_element_type=jnp.float32)


def _scale_body(h0_ref, degf_ref, y_ref, dinv_ref):
    deg = degf_ref[0] + degf_ref[1] + 1.0
    dinv = jax.lax.rsqrt(deg).reshape(NP, 1)
    y_ref[...] = h0_ref[...] * dinv
    dinv_ref[...] = dinv


def _attn_body(s_ref, dinv_ref, b0_ref, wa_ref, ba_ref, hw_ref, ty_ref):
    dinv = dinv_ref[:, :1]
    st = s_ref[0] + s_ref[1]
    h1 = jnp.maximum(dinv * st + b0_ref[...], 0.0)
    z = jnp.dot(h1, wa_ref[...], preferred_element_type=jnp.float32) + ba_ref[0, 0]
    r = jnp.dot(h1, hw_ref[...], preferred_element_type=jnp.float32)
    valid = jax.lax.broadcasted_iota(jnp.int32, (NP, 1), 0) < N
    z = jnp.where(valid, z, -jnp.inf)
    mz = jnp.max(z)
    ez = jnp.where(valid, jnp.exp(z - mz), 0.0)
    se = jnp.sum(ez)
    ty_ref[...] = (ez / se) * r * dinv


def _final_body(qs_ref, pmy_ref, dinv_ref, bf_ref, w1_ref, w2_ref, b2_ref,
                wo_ref, bo_ref, out_ref, sums, cnts):
    i = pl.program_id(0)

    @pl.when(i == 0)
    def _init():
        sums[...] = jnp.zeros_like(sums)
        cnts[...] = jnp.zeros_like(cnts)

    dinv = dinv_ref[:, :1]
    q = dinv * (qs_ref[...] + pmy_ref[...])
    wp = jnp.maximum(w1_ref[...], 0.0)
    wm = jnp.maximum(-w1_ref[...], 0.0)
    va = jnp.dot(wp, w2_ref[...], preferred_element_type=jnp.float32)
    vc = jnp.dot(wm, w2_ref[...], preferred_element_type=jnp.float32)
    h3 = jnp.maximum(q[:, :1] * va + q[:, 1:2] * vc + b2_ref[...], 0.0)
    iot = jax.lax.broadcasted_iota(jnp.int32, (1, G), 1).astype(jnp.float32)
    oh = (bf_ref[...] == iot).astype(jnp.float32)
    sums[...] += jax.lax.dot_general(oh, h3, (((0,), (0,)), ((), ())),
                                     preferred_element_type=jnp.float32)
    ones = jnp.ones((BN, 1), dtype=jnp.float32)
    cnts[...] += jax.lax.dot_general(oh, ones, (((0,), (0,)), ((), ())),
                                     preferred_element_type=jnp.float32)

    @pl.when(i == NB - 1)
    def _fin():
        pooled = sums[...] / jnp.maximum(cnts[...], 1.0)
        out = jnp.dot(pooled, wo_ref[...], preferred_element_type=jnp.float32)
        out = out + bo_ref[...]
        mo = jnp.max(out, axis=1, keepdims=True)
        lse = mo + jnp.log(jnp.sum(jnp.exp(out - mo), axis=1, keepdims=True))
        out_ref[...] = out - lse


_h0 = pl.pallas_call(
    _h0_body,
    out_shape=jax.ShapeDtypeStruct((NP, DH), jnp.float32),
)

_scale = pl.pallas_call(
    _scale_body,
    out_shape=(jax.ShapeDtypeStruct((NP, DH), jnp.float32),
               jax.ShapeDtypeStruct((NP, 1), jnp.float32)),
)

_attn = pl.pallas_call(
    _attn_body,
    out_shape=jax.ShapeDtypeStruct((NP, 1), jnp.float32),
)

_final = pl.pallas_call(
    _final_body,
    grid=(NB,),
    in_specs=[
        pl.BlockSpec((BN, 2), lambda i: (i, 0)),
        pl.BlockSpec((BN, 2), lambda i: (i, 0)),
        pl.BlockSpec((BN, 1), lambda i: (i, 0)),
        pl.BlockSpec((BN, 1), lambda i: (i, 0)),
        pl.BlockSpec((1, DH), lambda i: (0, 0)),
        pl.BlockSpec((DH, DH), lambda i: (0, 0)),
        pl.BlockSpec((1, DH), lambda i: (0, 0)),
        pl.BlockSpec((DH, DOUT), lambda i: (0, 0)),
        pl.BlockSpec((1, DOUT), lambda i: (0, 0)),
    ],
    out_specs=pl.BlockSpec((G, DOUT), lambda i: (0, 0)),
    out_shape=jax.ShapeDtypeStruct((G, DOUT), jnp.float32),
    scratch_shapes=[
        pltpu.VMEM((G, DH), jnp.float32),
        pltpu.VMEM((G, 1), jnp.float32),
    ],
)


def kernel(x, edge_index, batch, W0, b0, Wa, ba, hw, W1, b1, W2, b2, Wo, bo):
    src = edge_index[0]
    dst = edge_index[1]
    pad_idx = (N + (jnp.arange(EP - E, dtype=jnp.int32) % 16))
    src_f = jnp.concatenate([src, pad_idx])
    src_p = src_f.reshape(SC_NW, NCH, CH)
    dst_f = jnp.concatenate([dst, pad_idx])
    dst_p = dst_f.reshape(SC_NW, NCH, CH)
    x_p = jnp.pad(x, ((0, NP - N), (0, 0)))

    z1 = jnp.zeros((NP,), jnp.float32)
    zY = jnp.zeros((NP, DH), jnp.float32)
    H0 = _h0(x_p, W0)
    degf = _deg_sc(dst_p, z1)
    Y, dinv = _scale(H0, degf.reshape(SC_NC, NP))
    Spart = _edge_sc(Y, zY, src_f, dst_p)
    ty = _attn(Spart, dinv, b0.reshape(1, DH), Wa, ba.reshape(1, 1), hw)
    s1f = _prop1_sc(ty[:, 0], z1, src_p, dst_p)
    pymf, qpf, qmf = _prop2_sc(s1f, ty[:, 0], dinv[:, 0], z1, src_p, dst_p)
    pmy = jnp.stack([pymf[:NP], pymf[NP:]], axis=1)
    qs = jnp.stack([qpf[:NP] + qpf[NP:], qmf[:NP] + qmf[NP:]], axis=1)
    bf = jnp.pad(batch.astype(jnp.float32), (0, NP - N),
                 constant_values=-1.0).reshape(NP, 1)
    return _final(qs, pmy, dinv, bf, W1, W2, b2.reshape(1, DH), Wo,
                  bo.reshape(1, DOUT))

# --- scband reference (transcript-rebuilt; emitter-appended) ---
"""Pipeline reference for scband-shglnn-task2-38165079392551 (READ-ONLY COPY).

The authoritative reference and input builder live on the scoring server;
editing this copy changes nothing except your own understanding.
"""

import jax, jax.numpy as jnp
import numpy as np

N = 10000
E = 320000
DIN = 128
DH = 128
DOUT = 64
G = 128


def gcn_conv(x, src, dst, W, b, n):
    loop = jnp.arange(n)
    s = jnp.concatenate([src, loop])
    d = jnp.concatenate([dst, loop])
    deg = jnp.zeros((n,), dtype=x.dtype).at[d].add(1.0)
    dinv = jax.lax.rsqrt(deg)
    norm = dinv[s] * dinv[d]
    h = x @ W
    msg = h[s] * norm[:, None]
    out = jnp.zeros((n, h.shape[1]), dtype=h.dtype).at[d].add(msg)
    return out + b


def setup_inputs(seed: int = 0) -> dict:
    key = jax.random.key(seed)
    ks = jax.random.split(key, 12)
    x = jax.random.normal(ks[0], (N, DIN), dtype=jnp.float32)
    edge_index = jax.random.randint(ks[1], (2, E), 0, N, dtype=jnp.int64 if jax.config.jax_enable_x64 else jnp.int32).astype(jnp.int32)
    batch = jnp.sort(jax.random.randint(ks[2], (N,), 0, G).astype(jnp.int32))
    s = 1.0 / np.sqrt(DH)
    W0 = jax.random.normal(ks[3], (DIN, DH), dtype=jnp.float32) * s
    b0 = jnp.zeros((DH,), dtype=jnp.float32)
    Wa = jax.random.normal(ks[4], (DH, 1), dtype=jnp.float32) * s
    ba = jnp.zeros((1,), dtype=jnp.float32)
    hw = jnp.ones((DH, 1), dtype=jnp.float32)
    W1 = jax.random.normal(ks[5], (1, DH), dtype=jnp.float32)
    b1 = jnp.zeros((DH,), dtype=jnp.float32)
    W2 = jax.random.normal(ks[6], (DH, DH), dtype=jnp.float32) * s
    b2 = jnp.zeros((DH,), dtype=jnp.float32)
    Wo = jax.random.normal(ks[7], (DH, DOUT), dtype=jnp.float32) * s
    bo = jnp.zeros((DOUT,), dtype=jnp.float32)
    return {"x": x, "edge_index": edge_index, "batch": batch, "W0": W0, "b0": b0,
            "Wa": Wa, "ba": ba, "hw": hw, "W1": W1, "b1": b1, "W2": W2, "b2": b2,
            "Wo": Wo, "bo": bo}


def reference(x, edge_index, batch, W0, b0, Wa, ba, hw, W1, b1, W2, b2, Wo, bo):
    src = edge_index[0]
    dst = edge_index[1]
    h = jax.nn.relu(gcn_conv(x, src, dst, W0, b0, N))
    attn = jax.nn.softmax(h @ Wa + ba, axis=0)
    h = h * attn
    h = h @ hw  # [N, 1]
    h = jax.nn.relu(gcn_conv(h, src, dst, W1, b1, N))
    h = jax.nn.relu(gcn_conv(h, src, dst, W2, b2, N))
    sums = jax.ops.segment_sum(h, batch, num_segments=G)
    cnts = jax.ops.segment_sum(jnp.ones((N,), dtype=h.dtype), batch, num_segments=G)
    pooled = sums / jnp.maximum(cnts, 1.0)[:, None]
    out = pooled @ Wo + bo
    return jax.nn.log_softmax(out, axis=1)

if __name__ == "__main__":
    import jax
    _d = setup_inputs()
    print(jax.jit(kernel)(*tuple(_d.values())))

</pallas_src>

<mosaic_0001>
#map = affine_map<(d0, d1) -> (0, 0, 0)>
#map1 = affine_map<(d0, d1) -> (0)>
module attributes {stable_mosaic.version = 14 : i64} {
  func.func @_deg_body(%arg0: i32, %arg1: i32, %arg2: memref<32x80x128xi32, #tpu.memory_space<hbm>>, %arg3: memref<10112xf32, #tpu.memory_space<hbm>>, %arg4: memref<20224xf32, #tpu.memory_space<hbm>>, %arg5: memref<80x128xi32, #tpu.memory_space<vmem>>, %arg6: memref<128xf32, #tpu.memory_space<vmem>>, %arg7: memref<632xf32, #tpu.memory_space<vmem>>, %arg8: memref<10112xf32, #tpu.memory_space<vmem_shared>>, %arg9: memref<!tpu.dma_semaphore, #tpu.memory_space<semaphore_mem>>) attributes {dimension_semantics = [#tpu.dimension_semantics<core_parallel>, #tpu.dimension_semantics<subcore_parallel>], iteration_bounds = array<i64: 2, 16>, scalar_prefetch = 0 : i64, scratch_operands = 5 : i64, tpu.core_type = #tpu.core_type<sc_vector_subcore>, window_params = [{transform_indices = #map}, {transform_indices = #map1}, {transform_indices = #map1}]} {
    %mul3A = arith.constant 16 : i32
    %mul3A_0 = arith.muli %arg0, %mul3A : i32
    %add3A = arith.addi %mul3A_0, %arg1 : i32
    %mul3A_1 = arith.constant 632 : i32
    %mul3A_2 = arith.muli %arg1, %mul3A_1 : i32
    "tpu.region"() ({
      %run_scoped3A = tpu.sem_alloc : memref<!tpu.dma_semaphore, #tpu.memory_space<semaphore_mem>>
      %dma_start3A = tpu.memref_slice %arg3[%mul3A_2] : memref<10112xf32, #tpu.memory_space<hbm>> -> memref<632xf32, #tpu.memory_space<hbm>>
      %dma_start3A_24 = tpu.memref_slice %arg3[%mul3A_2] : memref<10112xf32, #tpu.memory_space<hbm>> -> memref<632xf32, #tpu.memory_space<hbm>>
      tpu.enqueue_dma source(%dma_start3A_24 : memref<632xf32, #tpu.memory_space<hbm>>) target(%arg7 : memref<632xf32, #tpu.memory_space<vmem>>) target_semaphore(%run_scoped3A : memref<!tpu.dma_semaphore, #tpu.memory_space<semaphore_mem>>)
      %dma_wait3A = tpu.memref_slice %arg3[%mul3A_2] : memref<10112xf32, #tpu.memory_space<hbm>> -> memref<632xf32, #tpu.memory_space<hbm>>
      %dma_wait3A_25 = tpu.memref_slice %arg3[%mul3A_2] : memref<10112xf32, #tpu.memory_space<hbm>> -> memref<632xf32, #tpu.memory_space<hbm>>
      tpu.wait_dma2 semaphore(%run_scoped3A : memref<!tpu.dma_semaphore, #tpu.memory_space<semaphore_mem>>) src(%dma_wait3A_25 : memref<632xf32, #tpu.memory_space<hbm>>) dst(%arg7 : memref<632xf32, #tpu.memory_space<vmem>>)
      tpu.yield
    }) : () -> ()
    "tpu.region"() ({
      %run_scoped3A = tpu.sem_alloc : memref<!tpu.dma_semaphore, #tpu.memory_space<semaphore_mem>>
      %dma_start3A = tpu.memref_slice %arg8[%mul3A_2] : memref<10112xf32, #tpu.memory_space<vmem_shared>> -> memref<632xf32, #tpu.memory_space<vmem_shared>>
      %dma_start3A_24 = tpu.memref_slice %arg8[%mul3A_2] : memref<10112xf32, #tpu.memory_space<vmem_shared>> -> memref<632xf32, #tpu.memory_space<vmem_shared>>
      tpu.enqueue_dma source(%arg7 : memref<632xf32, #tpu.memory_space<vmem>>) target(%dma_start3A_24 : memref<632xf32, #tpu.memory_space<vmem_shared>>) target_semaphore(%run_scoped3A : memref<!tpu.dma_semaphore, #tpu.memory_space<semaphore_mem>>)
      %dma_wait3A = tpu.memref_slice %arg8[%mul3A_2] : memref<10112xf32, #tpu.memory_space<vmem_shared>> -> memref<632xf32, #tpu.memory_space<vmem_shared>>
      %dma_wait3A_25 = tpu.memref_slice %arg8[%mul3A_2] : memref<10112xf32, #tpu.memory_space<vmem_shared>> -> memref<632xf32, #tpu.memory_space<vmem_shared>>
      tpu.wait_dma2 semaphore(%run_scoped3A : memref<!tpu.dma_semaphore, #tpu.memory_space<semaphore_mem>>) src(%arg7 : memref<632xf32, #tpu.memory_space<vmem>>) dst(%dma_wait3A_25 : memref<632xf32, #tpu.memory_space<vmem_shared>>)
      tpu.yield
    }) : () -> ()
    "tpu.region"() ({
      %run_scoped3A = tpu.sem_alloc : memref<!tpu.dma_semaphore, #tpu.memory_space<semaphore_mem>>
      %dma_start3A = arith.constant 0 : i32
      %dma_start3A_24 = arith.constant 0 : i32
      %dma_start3A_25 = tpu.memref_slice %arg2[%add3A, %dma_start3A, %dma_start3A_24] : memref<32x80x128xi32, #tpu.memory_space<hbm>> -> memref<1x80x128xi32, #tpu.memory_space<hbm>>
      %dma_start3A_26 = tpu.memref_squeeze %dma_start3A_25 : memref<1x80x128xi32, #tpu.memory_space<hbm>> -> memref<80x128xi32, #tpu.memory_space<hbm>>
      %dma_start3A_27 = arith.constant 0 : i32
      %dma_start3A_28 = arith.constant 0 : i32
      %dma_start3A_29 = tpu.memref_slice %arg2[%add3A, %dma_start3A_27, %dma_start3A_28] : memref<32x80x128xi32, #tpu.memory_space<hbm>> -> memref<1x80x128xi32, #tpu.memory_space<hbm>>
      %dma_start3A_30 = tpu.memref_squeeze %dma_start3A_29 : memref<1x80x128xi32, #tpu.memory_space<hbm>> -> memref<80x128xi32, #tpu.memory_space<hbm>>
      tpu.enqueue_dma source(%dma_start3A_30 : memref<80x128xi32, #tpu.memory_space<hbm>>) target(%arg5 : memref<80x128xi32, #tpu.memory_space<vmem>>) target_semaphore(%run_scoped3A : memref<!tpu.dma_semaphore, #tpu.memory_space<semaphore_mem>>)
      %dma_wait3A = arith.constant 0 : i32
      %dma_wait3A_31 = arith.constant 0 : i32
      %dma_wait3A_32 = tpu.memref_slice %arg2[%add3A, %dma_wait3A, %dma_wait3A_31] : memref<32x80x128xi32, #tpu.memory_space<hbm>> -> memref<1x80x128xi32, #tpu.memory_space<hbm>>
      %dma_wait3A_33 = tpu.memref_squeeze %dma_wait3A_32 : memref<1x80x128xi32, #tpu.memory_space<hbm>> -> memref<80x128xi32, #tpu.memory_space<hbm>>
      %dma_wait3A_34 = arith.constant 0 : i32
      %dma_wait3A_35 = arith.constant 0 : i32
      %dma_wait3A_36 = tpu.memref_slice %arg2[%add3A, %dma_wait3A_34, %dma_wait3A_35] : memref<32x80x128xi32, #tpu.memory_space<hbm>> -> memref<1x80x128xi32, #tpu.memory_space<hbm>>
      %dma_wait3A_37 = tpu.memref_squeeze %dma_wait3A_36 : memref<1x80x128xi32, #tpu.memory_space<hbm>> -> memref<80x128xi32, #tpu.memory_space<hbm>>
      tpu.wait_dma2 semaphore(%run_scoped3A : memref<!tpu.dma_semaphore, #tpu.memory_space<semaphore_mem>>) src(%dma_wait3A_37 : memref<80x128xi32, #tpu.memory_space<hbm>>) dst(%arg5 : memref<80x128xi32, #tpu.memory_space<vmem>>)
      tpu.yield
    }) : () -> ()
    %scan3A = arith.constant 0 : i32
    %scan3A_3 = arith.constant 0 : i32
    %scan3A_4 = arith.constant 8 : i32
    %scan3A_5 = arith.addi %scan3A_3, %scan3A_4 : i32
    %scan3A_6 = arith.constant 1 : i32
    scf.for %scan3A_24 = %scan3A_3 to %scan3A_5 step %scan3A_6  : i32 {
      %broadcast_in_dim3A = arith.constant 0.000000e+00 : f32
      %broadcast_in_dim3A_25 = vector.broadcast %broadcast_in_dim3A : f32 to vector<16xf32>
      %add3A_26 = arith.constant 1.000000e+00 : f32
      %add3A_27 = vector.broadcast %add3A_26 : f32 to vector<16xf32>
      %add3A_28 = arith.addf %broadcast_in_dim3A_25, %add3A_27 : vector<16xf32>
      %mul3A_29 = arith.constant 16 : i32
      %mul3A_30 = arith.muli %scan3A_24, %mul3A_29 : i32
      %swap3A = arith.index_cast %mul3A_30 : i32 to index
      %swap3A_31 = tpu.vector_load %arg6[%swap3A] {strides = array<i32>} : memref<128xf32, #tpu.memory_space<vmem>>, vector<16xf32>,
      %swap3A_32 = vector.shape_cast %swap3A_31 : vector<16xf32> to vector<16xf32>
      %swap3A_33 = vector.shape_cast %add3A_28 : vector<16xf32> to vector<16xf32>
      tpu.vector_store %arg6[%swap3A], %swap3A_33 {strides = array<i32>} : memref<128xf32, #tpu.memory_space<vmem>>, vector<16xf32>,
    }
    %scan3A_7 = arith.constant 8 : i32
    %barrier3A = arith.constant 0 : index
    tpu.barrier barrier_id(%barrier3A)
    %scan3A_8 = arith.constant 0 : i32
    %scan3A_9 = arith.constant 0 : i32
    %scan3A_10 = arith.constant 80 : i32
    %scan3A_11 = arith.addi %scan3A_9, %scan3A_10 : i32
    %scan3A_12 = arith.constant 1 : i32
    scf.for %scan3A_24 = %scan3A_9 to %scan3A_11 step %scan3A_12  : i32 {
      %dma_start3A = arith.constant 0 : i32
      %dma_start3A_25 = tpu.memref_slice %arg5[%scan3A_24, %dma_start3A] : memref<80x128xi32, #tpu.memory_space<vmem>> -> memref<1x128xi32, #tpu.memory_space<vmem>>
      %dma_start3A_26 = tpu.memref_squeeze %dma_start3A_25 : memref<1x128xi32, #tpu.memory_space<vmem>> -> memref<128xi32, #tpu.memory_space<vmem>>
      %dma_start3A_27 = arith.constant 0 : i32
      %dma_start3A_28 = tpu.memref_slice %arg8[%dma_start3A_27] : memref<10112xf32, #tpu.memory_space<vmem_shared>> -> memref<10112xf32, #tpu.memory_space<vmem_shared>>
      tpu.enqueue_indirect_dma source(%arg6 : memref<128xf32, #tpu.memory_space<vmem>>) target(%dma_start3A_28 : memref<10112xf32, #tpu.memory_space<vmem_shared>>) offsets(%dma_start3A_26 : memref<128xi32, #tpu.memory_space<vmem>>) semaphore(%arg9 : memref<!tpu.dma_semaphore, #tpu.memory_space<semaphore_mem>>) {add = true}
      %ge3A = arith.constant 8 : i32
      %ge3A_29 = arith.cmpi sge, %scan3A_24, %ge3A : i32
      %convert_element_type3A = arith.extui %ge3A_29 : i1 to i32
      %cond3A = arith.constant 0 : i32
      %cond3A_30 = arith.cmpi ne, %convert_element_type3A, %cond3A : i32
      scf.if %cond3A_30 {
        %dma_wait3A = arith.constant 0 : i32
        %dma_wait3A_31 = arith.constant 0 : i32
        %dma_wait3A_32 = tpu.memref_slice %arg5[%dma_wait3A, %dma_wait3A_31] : memref<80x128xi32, #tpu.memory_space<vmem>> -> memref<1x128xi32, #tpu.memory_space<vmem>>
        %dma_wait3A_33 = tpu.memref_squeeze %dma_wait3A_32 : memref<1x128xi32, #tpu.memory_space<vmem>> -> memref<128xi32, #tpu.memory_space<vmem>>
        %dma_wait3A_34 = arith.constant 0 : i32
        %dma_wait3A_35 = tpu.memref_slice %arg8[%dma_wait3A_34] : memref<10112xf32, #tpu.memory_space<vmem_shared>> -> memref<10112xf32, #tpu.memory_space<vmem_shared>>
        tpu.wait_indirect_dma semaphore(%arg9 : memref<!tpu.dma_semaphore, #tpu.memory_space<semaphore_mem>>) src(%arg6 : memref<128xf32, #tpu.memory_space<vmem>>) dst(%dma_wait3A_35 : memref<10112xf32, #tpu.memory_space<vmem_shared>>)
      } else {
      }
    }
    %scan3A_13 = arith.constant 80 : i32
    %scan3A_14 = arith.constant 0 : i32
    %scan3A_15 = arith.constant 0 : i32
    %scan3A_16 = arith.constant 8 : i32
    %scan3A_17 = arith.addi %scan3A_15, %scan3A_16 : i32
    %scan3A_18 = arith.constant 1 : i32
    scf.for %scan3A_24 = %scan3A_15 to %scan3A_17 step %scan3A_18  : i32 {
      %dma_wait3A = arith.constant 0 : i32
      %dma_wait3A_25 = arith.constant 0 : i32
      %dma_wait3A_26 = tpu.memref_slice %arg5[%dma_wait3A, %dma_wait3A_25] : memref<80x128xi32, #tpu.memory_space<vmem>> -> memref<1x128xi32, #tpu.memory_space<vmem>>
      %dma_wait3A_27 = tpu.memref_squeeze %dma_wait3A_26 : memref<1x128xi32, #tpu.memory_space<vmem>> -> memref<128xi32, #tpu.memory_space<vmem>>
      %dma_wait3A_28 = arith.constant 0 : i32
      %dma_wait3A_29 = tpu.memref_slice %arg8[%dma_wait3A_28] : memref<10112xf32, #tpu.memory_space<vmem_shared>> -> memref<10112xf32, #tpu.memory_space<vmem_shared>>
      tpu.wait_indirect_dma semaphore(%arg9 : memref<!tpu.dma_semaphore, #tpu.memory_space<semaphore_mem>>) src(%arg6 : memref<128xf32, #tpu.memory_space<vmem>>) dst(%dma_wait3A_29 : memref<10112xf32, #tpu.memory_space<vmem_shared>>)
    }
    %scan3A_19 = arith.constant 8 : i32
    %barrier3A_20 = arith.constant 0 : index
    tpu.barrier barrier_id(%barrier3A_20)
    %mul3A_21 = arith.constant 10112 : i32
    %mul3A_22 = arith.muli %arg0, %mul3A_21 : i32
    %add3A_23 = arith.addi %mul3A_22, %mul3A_2 : i32
    "tpu.region"() ({
      %run_scoped3A = tpu.sem_alloc : memref<!tpu.dma_semaphore, #tpu.memory_space<semaphore_mem>>
      %dma_start3A = tpu.memref_slice %arg8[%mul3A_2] : memref<10112xf32, #tpu.memory_space<vmem_shared>> -> memref<632xf32, #tpu.memory_space<vmem_shared>>
      %dma_start3A_24 = tpu.memref_slice %arg8[%mul3A_2] : memref<10112xf32, #tpu.memory_space<vmem_shared>> -> memref<632xf32, #tpu.memory_space<vmem_shared>>
      tpu.enqueue_dma source(%dma_start3A_24 : memref<632xf32, #tpu.memory_space<vmem_shared>>) target(%arg7 : memref<632xf32, #tpu.memory_space<vmem>>) target_semaphore(%run_scoped3A : memref<!tpu.dma_semaphore, #tpu.memory_space<semaphore_mem>>)
      %dma_wait3A = tpu.memref_slice %arg8[%mul3A_2] : memref<10112xf32, #tpu.memory_space<vmem_shared>> -> memref<632xf32, #tpu.memory_space<vmem_shared>>
      %dma_wait3A_25 = tpu.memref_slice %arg8[%mul3A_2] : memref<10112xf32, #tpu.memory_space<vmem_shared>> -> memref<632xf32, #tpu.memory_space<vmem_shared>>
      tpu.wait_dma2 semaphore(%run_scoped3A : memref<!tpu.dma_semaphore, #tpu.memory_space<semaphore_mem>>) src(%dma_wait3A_25 : memref<632xf32, #tpu.memory_space<vmem_shared>>) dst(%arg7 : memref<632xf32, #tpu.memory_space<vmem>>)
      tpu.yield
    }) : () -> ()
    "tpu.region"() ({
      %run_scoped3A = tpu.sem_alloc : memref<!tpu.dma_semaphore, #tpu.memory_space<semaphore_mem>>
      %dma_start3A = tpu.memref_slice %arg4[%add3A_23] : memref<20224xf32, #tpu.memory_space<hbm>> -> memref<632xf32, #tpu.memory_space<hbm>>
      %dma_start3A_24 = tpu.memref_slice %arg4[%add3A_23] : memref<20224xf32, #tpu.memory_space<hbm>> -> memref<632xf32, #tpu.memory_space<hbm>>
      tpu.enqueue_dma source(%arg7 : memref<632xf32, #tpu.memory_space<vmem>>) target(%dma_start3A_24 : memref<632xf32, #tpu.memory_space<hbm>>) target_semaphore(%run_scoped3A : memref<!tpu.dma_semaphore, #tpu.memory_space<semaphore_mem>>)
      %dma_wait3A = tpu.memref_slice %arg4[%add3A_23] : memref<20224xf32, #tpu.memory_space<hbm>> -> memref<632xf32, #tpu.memory_space<hbm>>
      %dma_wait3A_25 = tpu.memref_slice %arg4[%add3A_23] : memref<20224xf32, #tpu.memory_space<hbm>> -> memref<632xf32, #tpu.memory_space<hbm>>
      tpu.wait_dma2 semaphore(%run_scoped3A : memref<!tpu.dma_semaphore, #tpu.memory_space<semaphore_mem>>) src(%arg7 : memref<632xf32, #tpu.memory_space<vmem>>) dst(%dma_wait3A_25 : memref<632xf32, #tpu.memory_space<hbm>>)
      tpu.yield
    }) : () -> ()
    return
  }
}

#map = affine_map<(d0, d1) -> (0)>
#map1 = affine_map<(d0, d1) -> (0, 0, 0)>
module attributes {stable_mosaic.version = 14 : i64} {
  func.func @_prop1_body(%arg0: i32, %arg1: i32, %arg2: memref<10112xf32, #tpu.memory_space<hbm>>, %arg3: memref<10112xf32, #tpu.memory_space<hbm>>, %arg4: memref<32x80x128xi32, #tpu.memory_space<hbm>>, %arg5: memref<32x80x128xi32, #tpu.memory_space<hbm>>, %arg6: memref<20224xf32, #tpu.memory_space<hbm>>, %arg7: memref<80x128xi32, #tpu.memory_space<vmem>>, %arg8: memref<80x128xi32, #tpu.memory_space<vmem>>, %arg9: memref<128xf32, #tpu.memory_space<vmem>>, %arg10: memref<128xf32, #tpu.memory_space<vmem>>, %arg11: memref<128xf32, #tpu.memory_space<vmem>>, %arg12: memref<128xf32, #tpu.memory_space<vmem>>, %arg13: memref<632xf32, #tpu.memory_space<vmem>>, %arg14: memref<10112xf32, #tpu.memory_space<vmem_shared>>, %arg15: memref<10112xf32, #tpu.memory_space<vmem_shared>>, %arg16: memref<!tpu.dma_semaphore, #tpu.memory_space<semaphore_mem>>, %arg17: memref<!tpu.dma_semaphore, #tpu.memory_space<semaphore_mem>>, %arg18: memref<!tpu.dma_semaphore, #tpu.memory_space<semaphore_mem>>, %arg19: memref<!tpu.dma_semaphore, #tpu.memory_space<semaphore_mem>>, %arg20: memref<!tpu.dma_semaphore, #tpu.memory_space<semaphore_mem>>, %arg21: memref<!tpu.dma_semaphore, #tpu.memory_space<semaphore_mem>>, %arg22: memref<!tpu.dma_semaphore, #tpu.memory_space<semaphore_mem>>, %arg23: memref<!tpu.dma_semaphore, #tpu.memory_space<semaphore_mem>>) attributes {dimension_semantics = [#tpu.dimension_semantics<core_parallel>, #tpu.dimension_semantics<subcore_parallel>], iteration_bounds = array<i64: 2, 16>, scalar_prefetch = 0 : i64, scratch_operands = 17 : i64, tpu.core_type = #tpu.core_type<sc_vector_subcore>, window_params = [{transform_indices = #map}, {transform_indices = #map}, {transform_indices = #map1}, {transform_indices = #map1}, {transform_indices = #map}]} {
    %mul3A = arith.constant 16 : i32
    %mul3A_0 = arith.muli %arg0, %mul3A : i32
    %add3A = arith.addi %mul3A_0, %arg1 : i32
    %mul3A_1 = arith.constant 632 : i32
    %mul3A_2 = arith.muli %arg1, %mul3A_1 : i32
    "tpu.region"() ({
      %run_scoped3A_61 = tpu.sem_alloc : memref<!tpu.dma_semaphore, #tpu.memory_space<semaphore_mem>>
      %dma_start3A_62 = tpu.memref_slice %arg2[%mul3A_2] : memref<10112xf32, #tpu.memory_space<hbm>> -> memref<632xf32, #tpu.memory_space<hbm>>
      %dma_start3A_63 = tpu.memref_slice %arg2[%mul3A_2] : memref<10112xf32, #tpu.memory_space<hbm>> -> memref<632xf32, #tpu.memory_space<hbm>>
      tpu.enqueue_dma source(%dma_start3A_63 : memref<632xf32, #tpu.memory_space<hbm>>) target(%arg13 : memref<632xf32, #tpu.memory_space<vmem>>) target_semaphore(%run_scoped3A_61 : memref<!tpu.dma_semaphore, #tpu.memory_space<semaphore_mem>>)
      %dma_wait3A_64 = tpu.memref_slice %arg2[%mul3A_2] : memref<10112xf32, #tpu.memory_space<hbm>> -> memref<632xf32, #tpu.memory_space<hbm>>
      %dma_wait3A_65 = tpu.memref_slice %arg2[%mul3A_2] : memref<10112xf32, #tpu.memory_space<hbm>> -> memref<632xf32, #tpu.memory_space<hbm>>
      tpu.wait_dma2 semaphore(%run_scoped3A_61 : memref<!tpu.dma_semaphore, #tpu.memory_space<semaphore_mem>>) src(%dma_wait3A_65 : memref<632xf32, #tpu.memory_space<hbm>>) dst(%arg13 : memref<632xf32, #tpu.memory_space<vmem>>)
      tpu.yield
    }) : () -> ()
    "tpu.region"() ({
      %run_scoped3A_61 = tpu.sem_alloc : memref<!tpu.dma_semaphore, #tpu.memory_space<semaphore_mem>>
      %dma_start3A_62 = tpu.memref_slice %arg14[%mul3A_2] : memref<10112xf32, #tpu.memory_space<vmem_shared>> -> memref<632xf32, #tpu.memory_space<vmem_shared>>
      %dma_start3A_63 = tpu.memref_slice %arg14[%mul3A_2] : memref<10112xf32, #tpu.memory_space<vmem_shared>> -> memref<632xf32, #tpu.memory_space<vmem_shared>>
      tpu.enqueue_dma source(%arg13 : memref<632xf32, #tpu.memory_space<vmem>>) target(%dma_start3A_63 : memref<632xf32, #tpu.memory_space<vmem_shared>>) target_semaphore(%run_scoped3A_61 : memref<!tpu.dma_semaphore, #tpu.memory_space<semaphore_mem>>)
      %dma_wait3A_64 = tpu.memref_slice %arg14[%mul3A_2] : memref<10112xf32, #tpu.memory_space<vmem_shared>> -> memref<632xf32, #tpu.memory_space<vmem_shared>>
      %dma_wait3A_65 = tpu.memref_slice %arg14[%mul3A_2] : memref<10112xf32, #tpu.memory_space<vmem_shared>> -> memref<632xf32, #tpu.memory_space<vmem_shared>>
      tpu.wait_dma2 semaphore(%run_scoped3A_61 : memref<!tpu.dma_semaphore, #tpu.memory_space<semaphore_mem>>) src(%arg13 : memref<632xf32, #tpu.memory_space<vmem>>) dst(%dma_wait3A_65 : memref<632xf32, #tpu.memory_space<vmem_shared>>)
      tpu.yield
    }) : () -> ()
    "tpu.region"() ({
      %run_scoped3A_61 = tpu.sem_alloc : memref<!tpu.dma_semaphore, #tpu.memory_space<semaphore_mem>>
      %dma_start3A_62 = tpu.memref_slice %arg3[%mul3A_2] : memref<10112xf32, #tpu.memory_space<hbm>> -> memref<632xf32, #tpu.memory_space<hbm>>
      %dma_start3A_63 = tpu.memref_slice %arg3[%mul3A_2] : memref<10112xf32, #tpu.memory_space<hbm>> -> memref<632xf32, #tpu.memory_space<hbm>>
      tpu.enqueue_dma source(%dma_start3A_63 : memref<632xf32, #tpu.memory_space<hbm>>) target(%arg13 : memref<632xf32, #tpu.memory_space<vmem>>) target_semaphore(%run_scoped3A_61 : memref<!tpu.dma_semaphore, #tpu.memory_space<semaphore_mem>>)
      %dma_wait3A_64 = tpu.memref_slice %arg3[%mul3A_2] : memref<10112xf32, #tpu.memory_space<hbm>> -> memref<632xf32, #tpu.memory_space<hbm>>
      %dma_wait3A_65 = tpu.memref_slice %arg3[%mul3A_2] : memref<10112xf32, #tpu.memory_space<hbm>> -> memref<632xf32, #tpu.memory_space<hbm>>
      tpu.wait_dma2 semaphore(%run_scoped3A_61 : memref<!tpu.dma_semaphore, #tpu.memory_space<semaphore_mem>>) src(%dma_wait3A_65 : memref<632xf32, #tpu.memory_space<hbm>>) dst(%arg13 : memref<632xf32, #tpu.memory_space<vmem>>)
      tpu.yield
    }) : () -> ()
    "tpu.region"() ({
      %run_scoped3A_61 = tpu.sem_alloc : memref<!tpu.dma_semaphore, #tpu.memory_space<semaphore_mem>>
      %dma_start3A_62 = tpu.memref_slice %arg15[%mul3A_2] : memref<10112xf32, #tpu.memory_space<vmem_shared>> -> memref<632xf32, #tpu.memory_space<vmem_shared>>
      %dma_start3A_63 = tpu.memref_slice %arg15[%mul3A_2] : memref<10112xf32, #tpu.memory_space<vmem_shared>> -> memref<632xf32, #tpu.memory_space<vmem_shared>>
      tpu.enqueue_dma source(%arg13 : memref<632xf32, #tpu.memory_space<vmem>>) target(%dma_start3A_63 : memref<632xf32, #tpu.memory_space<vmem_shared>>) target_semaphore(%run_scoped3A_61 : memref<!tpu.dma_semaphore, #tpu.memory_space<semaphore_mem>>)
      %dma_wait3A_64 = tpu.memref_slice %arg15[%mul3A_2] : memref<10112xf32, #tpu.memory_space<vmem_shared>> -> memref<632xf32, #tpu.memory_space<vmem_shared>>
      %dma_wait3A_65 = tpu.memref_slice %arg15[%mul3A_2] : memref<10112xf32, #tpu.memory_space<vmem_shared>> -> memref<632xf32, #tpu.memory_space<vmem_shared>>
      tpu.wait_dma2 semaphore(%run_scoped3A_61 : memref<!tpu.dma_semaphore, #tpu.memory_space<semaphore_mem>>) src(%arg13 : memref<632xf32, #tpu.memory_space<vmem>>) dst(%dma_wait3A_65 : memref<632xf32, #tpu.memory_space<vmem_shared>>)
      tpu.yield
    }) : () -> ()
    "tpu.region"() ({
      %run_scoped3A_61 = tpu.sem_alloc : memref<!tpu.dma_semaphore, #tpu.memory_space<semaphore_mem>>
      %dma_start3A_62 = arith.constant 0 : i32
      %dma_start3A_63 = arith.constant 0 : i32
      %dma_start3A_64 = tpu.memref_slice %arg4[%add3A, %dma_start3A_62, %dma_start3A_63] : memref<32x80x128xi32, #tpu.memory_space<hbm>> -> memref<1x80x128xi32, #tpu.memory_space<hbm>>
      %dma_start3A_65 = tpu.memref_squeeze %dma_start3A_64 : memref<1x80x128xi32, #tpu.memory_space<hbm>> -> memref<80x128xi32, #tpu.memory_space<hbm>>
      %dma_start3A_66 = arith.constant 0 : i32
      %dma_start3A_67 = arith.constant 0 : i32
      %dma_start3A_68 = tpu.memref_slice %arg4[%add3A, %dma_start3A_66, %dma_start3A_67] : memref<32x80x128xi32, #tpu.memory_space<hbm>> -> memref<1x80x128xi32, #tpu.memory_space<hbm>>
      %dma_start3A_69 = tpu.memref_squeeze %dma_start3A_68 : memref<1x80x128xi32, #tpu.memory_space<hbm>> -> memref<80x128xi32, #tpu.memory_space<hbm>>
      tpu.enqueue_dma source(%dma_start3A_69 : memref<80x128xi32, #tpu.memory_space<hbm>>) target(%arg7 : memref<80x128xi32, #tpu.memory_space<vmem>>) target_semaphore(%run_scoped3A_61 : memref<!tpu.dma_semaphore, #tpu.memory_space<semaphore_mem>>)
      %dma_wait3A_70 = arith.constant 0 : i32
      %dma_wait3A_71 = arith.constant 0 : i32
      %dma_wait3A_72 = tpu.memref_slice %arg4[%add3A, %dma_wait3A_70, %dma_wait3A_71] : memref<32x80x128xi32, #tpu.memory_space<hbm>> -> memref<1x80x128xi32, #tpu.memory_space<hbm>>
      %dma_wait3A_73 = tpu.memref_squeeze %dma_wait3A_72 : memref<1x80x128xi32, #tpu.memory_space<hbm>> -> memref<80x128xi32, #tpu.memory_space<hbm>>
      %dma_wait3A_74 = arith.constant 0 : i32
      %dma_wait3A_75 = arith.constant 0 : i32
      %dma_wait3A_76 = tpu.memref_slice %arg4[%add3A, %dma_wait3A_74, %dma_wait3A_75] : memref<32x80x128xi32, #tpu.memory_space<hbm>> -> memref<1x80x128xi32, #tpu.memory_space<hbm>>
      %dma_wait3A_77 = tpu.memref_squeeze %dma_wait3A_76 : memref<1x80x128xi32, #tpu.memory_space<hbm>> -> memref<80x128xi32, #tpu.memory_space<hbm>>
      tpu.wait_dma2 semaphore(%run_scoped3A_61 : memref<!tpu.dma_semaphore, #tpu.memory_space<semaphore_mem>>) src(%dma_wait3A_77 : memref<80x128xi32, #tpu.memory_space<hbm>>) dst(%arg7 : memref<80x128xi32, #tpu.memory_space<vmem>>)
      tpu.yield
    }) : () -> ()
    "tpu.region"() ({
      %run_scoped3A_61 = tpu.sem_alloc : memref<!tpu.dma_semaphore, #tpu.memory_space<semaphore_mem>>
      %dma_start3A_62 = arith.constant 0 : i32
      %dma_start3A_63 = arith.constant 0 : i32
      %dma_start3A_64 = tpu.memref_slice %arg5[%add3A, %dma_start3A_62, %dma_start3A_63] : memref<32x80x128xi32, #tpu.memory_space<hbm>> -> memref<1x80x128xi32, #tpu.memory_space<hbm>>
      %dma_start3A_65 = tpu.memref_squeeze %dma_start3A_64 : memref<1x80x128xi32, #tpu.memory_space<hbm>> -> memref<80x128xi32, #tpu.memory_space<hbm>>
      %dma_start3A_66 = arith.constant 0 : i32
      %dma_start3A_67 = arith.constant 0 : i32
      %dma_start3A_68 = tpu.memref_slice %arg5[%add3A, %dma_start3A_66, %dma_start3A_67] : memref<32x80x128xi32, #tpu.memory_space<hbm>> -> memref<1x80x128xi32, #tpu.memory_space<hbm>>
      %dma_start3A_69 = tpu.memref_squeeze %dma_start3A_68 : memref<1x80x128xi32, #tpu.memory_space<hbm>> -> memref<80x128xi32, #tpu.memory_space<hbm>>
      tpu.enqueue_dma source(%dma_start3A_69 : memref<80x128xi32, #tpu.memory_space<hbm>>) target(%arg8 : memref<80x128xi32, #tpu.memory_space<vmem>>) target_semaphore(%run_scoped3A_61 : memref<!tpu.dma_semaphore, #tpu.memory_space<semaphore_mem>>)
      %dma_wait3A_70 = arith.constant 0 : i32
      %dma_wait3A_71 = arith.constant 0 : i32
      %dma_wait3A_72 = tpu.memref_slice %arg5[%add3A, %dma_wait3A_70, %dma_wait3A_71] : memref<32x80x128xi32, #tpu.memory_space<hbm>> -> memref<1x80x128xi32, #tpu.memory_space<hbm>>
      %dma_wait3A_73 = tpu.memref_squeeze %dma_wait3A_72 : memref<1x80x128xi32, #tpu.memory_space<hbm>> -> memref<80x128xi32, #tpu.memory_space<hbm>>
      %dma_wait3A_74 = arith.constant 0 : i32
      %dma_wait3A_75 = arith.constant 0 : i32
      %dma_wait3A_76 = tpu.memref_slice %arg5[%add3A, %dma_wait3A_74, %dma_wait3A_75] : memref<32x80x128xi32, #tpu.memory_space<hbm>> -> memref<1x80x128xi32, #tpu.memory_space<hbm>>
      %dma_wait3A_77 = tpu.memref_squeeze %dma_wait3A_76 : memref<1x80x128xi32, #tpu.memory_space<hbm>> -> memref<80x128xi32, #tpu.memory_space<hbm>>
      tpu.wait_dma2 semaphore(%run_scoped3A_61 : memref<!tpu.dma_semaphore, #tpu.memory_space<semaphore_mem>>) src(%dma_wait3A_77 : memref<80x128xi32, #tpu.memory_space<hbm>>) dst(%arg8 : memref<80x128xi32, #tpu.memory_space<vmem>>)
      tpu.yield
    }) : () -> ()
    %barrier3A = arith.constant 0 : index
    tpu.barrier barrier_id(%barrier3A)
    %dma_start3A = arith.constant 0 : i32
    %dma_start3A_3 = arith.constant 0 : i32
    %dma_start3A_4 = tpu.memref_slice %arg7[%dma_start3A, %dma_start3A_3] : memref<80x128xi32, #tpu.memory_space<vmem>> -> memref<1x128xi32, #tpu.memory_space<vmem>>
    %dma_start3A_5 = tpu.memref_squeeze %dma_start3A_4 : memref<1x128xi32, #tpu.memory_space<vmem>> -> memref<128xi32, #tpu.memory_space<vmem>>
    %dma_start3A_6 = arith.constant 0 : i32
    %dma_start3A_7 = tpu.memref_slice %arg14[%dma_start3A_6] : memref<10112xf32, #tpu.memory_space<vmem_shared>> -> memref<10112xf32, #tpu.memory_space<vmem_shared>>
    tpu.enqueue_indirect_dma source(%dma_start3A_7 : memref<10112xf32, #tpu.memory_space<vmem_shared>>) target(%arg9 : memref<128xf32, #tpu.memory_space<vmem>>) offsets(%dma_start3A_5 : memref<128xi32, #tpu.memory_space<vmem>>) semaphore(%arg16 : memref<!tpu.dma_semaphore, #tpu.memory_space<semaphore_mem>>)
    %dma_start3A_8 = arith.constant 1 : i32
    %dma_start3A_9 = arith.constant 0 : i32
    %dma_start3A_10 = tpu.memref_slice %arg7[%dma_start3A_8, %dma_start3A_9] : memref<80x128xi32, #tpu.memory_space<vmem>> -> memref<1x128xi32, #tpu.memory_space<vmem>>
    %dma_start3A_11 = tpu.memref_squeeze %dma_start3A_10 : memref<1x128xi32, #tpu.memory_space<vmem>> -> memref<128xi32, #tpu.memory_space<vmem>>
    %dma_start3A_12 = arith.constant 0 : i32
    %dma_start3A_13 = tpu.memref_slice %arg14[%dma_start3A_12] : memref<10112xf32, #tpu.memory_space<vmem_shared>> -> memref<10112xf32, #tpu.memory_space<vmem_shared>>
    tpu.enqueue_indirect_dma source(%dma_start3A_13 : memref<10112xf32, #tpu.memory_space<vmem_shared>>) target(%arg10 : memref<128xf32, #tpu.memory_space<vmem>>) offsets(%dma_start3A_11 : memref<128xi32, #tpu.memory_space<vmem>>) semaphore(%arg17 : memref<!tpu.dma_semaphore, #tpu.memory_space<semaphore_mem>>)
    %dma_start3A_14 = arith.constant 2 : i32
    %dma_start3A_15 = arith.constant 0 : i32
    %dma_start3A_16 = tpu.memref_slice %arg7[%dma_start3A_14, %dma_start3A_15] : memref<80x128xi32, #tpu.memory_space<vmem>> -> memref<1x128xi32, #tpu.memory_space<vmem>>
    %dma_start3A_17 = tpu.memref_squeeze %dma_start3A_16 : memref<1x128xi32, #tpu.memory_space<vmem>> -> memref<128xi32, #tpu.memory_space<vmem>>
    %dma_start3A_18 = arith.constant 0 : i32
    %dma_start3A_19 = tpu.memref_slice %arg14[%dma_start3A_18] : memref<10112xf32, #tpu.memory_space<vmem_shared>> -> memref<10112xf32, #tpu.memory_space<vmem_shared>>
    tpu.enqueue_indirect_dma source(%dma_start3A_19 : memref<10112xf32, #tpu.memory_space<vmem_shared>>) target(%arg11 : memref<128xf32, #tpu.memory_space<vmem>>) offsets(%dma_start3A_17 : memref<128xi32, #tpu.memory_space<vmem>>) semaphore(%arg18 : memref<!tpu.dma_semaphore, #tpu.memory_space<semaphore_mem>>)
    %dma_start3A_20 = arith.constant 3 : i32
    %dma_start3A_21 = arith.constant 0 : i32
    %dma_start3A_22 = tpu.memref_slice %arg7[%dma_start3A_20, %dma_start3A_21] : memref<80x128xi32, #tpu.memory_space<vmem>> -> memref<1x128xi32, #tpu.memory_space<vmem>>
    %dma_start3A_23 = tpu.memref_squeeze %dma_start3A_22 : memref<1x128xi32, #tpu.memory_space<vmem>> -> memref<128xi32, #tpu.memory_space<vmem>>
    %dma_start3A_24 = arith.constant 0 : i32
    %dma_start3A_25 = tpu.memref_slice %arg14[%dma_start3A_24] : memref<10112xf32, #tpu.memory_space<vmem_shared>> -> memref<10112xf32, #tpu.memory_space<vmem_shared>>
    tpu.enqueue_indirect_dma source(%dma_start3A_25 : memref<10112xf32, #tpu.memory_space<vmem_shared>>) target(%arg12 : memref<128xf32, #tpu.memory_space<vmem>>) offsets(%dma_start3A_23 : memref<128xi32, #tpu.memory_space<vmem>>) semaphore(%arg19 : memref<!tpu.dma_semaphore, #tpu.memory_space<semaphore_mem>>)
    %scan3A = arith.constant 0 : i32
    %scan3A_26 = arith.constant 0 : i32
    %scan3A_27 = arith.constant 19 : i32
    %scan3A_28 = arith.addi %scan3A_26, %scan3A_27 : i32
    %scan3A_29 = arith.constant 1 : i32
    scf.for %scan3A_61 = %scan3A_26 to %scan3A_28 step %scan3A_29  : i32 {
      %mul3A_62 = arith.constant 4 : i32
      %mul3A_63 = arith.muli %mul3A_62, %scan3A_61 : i32
      %add3A_64 = arith.constant 0 : i32
      %add3A_65 = arith.addi %mul3A_63, %add3A_64 : i32
      %dma_wait3A_66 = arith.constant 0 : i32
      %dma_wait3A_67 = tpu.memref_slice %arg7[%add3A_65, %dma_wait3A_66] : memref<80x128xi32, #tpu.memory_space<vmem>> -> memref<1x128xi32, #tpu.memory_space<vmem>>
      %dma_wait3A_68 = tpu.memref_squeeze %dma_wait3A_67 : memref<1x128xi32, #tpu.memory_space<vmem>> -> memref<128xi32, #tpu.memory_space<vmem>>
      %dma_wait3A_69 = arith.constant 0 : i32
      %dma_wait3A_70 = tpu.memref_slice %arg14[%dma_wait3A_69] : memref<10112xf32, #tpu.memory_space<vmem_shared>> -> memref<10112xf32, #tpu.memory_space<vmem_shared>>
      tpu.wait_indirect_dma semaphore(%arg16 : memref<!tpu.dma_semaphore, #tpu.memory_space<semaphore_mem>>) src(%dma_wait3A_70 : memref<10112xf32, #tpu.memory_space<vmem_shared>>) dst(%arg9 : memref<128xf32, #tpu.memory_space<vmem>>)
      %add3A_71 = arith.constant 0 : i32
      %add3A_72 = arith.addi %mul3A_63, %add3A_71 : i32
      %dma_start3A_73 = arith.constant 0 : i32
      %dma_start3A_74 = tpu.memref_slice %arg8[%add3A_72, %dma_start3A_73] : memref<80x128xi32, #tpu.memory_space<vmem>> -> memref<1x128xi32, #tpu.memory_space<vmem>>
      %dma_start3A_75 = tpu.memref_squeeze %dma_start3A_74 : memref<1x128xi32, #tpu.memory_space<vmem>> -> memref<128xi32, #tpu.memory_space<vmem>>
      %dma_start3A_76 = arith.constant 0 : i32
      %dma_start3A_77 = tpu.memref_slice %arg15[%dma_start3A_76] : memref<10112xf32, #tpu.memory_space<vmem_shared>> -> memref<10112xf32, #tpu.memory_space<vmem_shared>>
      tpu.enqueue_indirect_dma source(%arg9 : memref<128xf32, #tpu.memory_space<vmem>>) target(%dma_start3A_77 : memref<10112xf32, #tpu.memory_space<vmem_shared>>) offsets(%dma_start3A_75 : memref<128xi32, #tpu.memory_space<vmem>>) semaphore(%arg20 : memref<!tpu.dma_semaphore, #tpu.memory_space<semaphore_mem>>) {add = true}
      %add3A_78 = arith.constant 1 : i32
      %add3A_79 = arith.addi %mul3A_63, %add3A_78 : i32
      %dma_wait3A_80 = arith.constant 0 : i32
      %dma_wait3A_81 = tpu.memref_slice %arg7[%add3A_79, %dma_wait3A_80] : memref<80x128xi32, #tpu.memory_space<vmem>> -> memref<1x128xi32, #tpu.memory_space<vmem>>
      %dma_wait3A_82 = tpu.memref_squeeze %dma_wait3A_81 : memref<1x128xi32, #tpu.memory_space<vmem>> -> memref<128xi32, #tpu.memory_space<vmem>>
      %dma_wait3A_83 = arith.constant 0 : i32
      %dma_wait3A_84 = tpu.memref_slice %arg14[%dma_wait3A_83] : memref<10112xf32, #tpu.memory_space<vmem_shared>> -> memref<10112xf32, #tpu.memory_space<vmem_shared>>
      tpu.wait_indirect_dma semaphore(%arg17 : memref<!tpu.dma_semaphore, #tpu.memory_space<semaphore_mem>>) src(%dma_wait3A_84 : memref<10112xf32, #tpu.memory_space<vmem_shared>>) dst(%arg10 : memref<128xf32, #tpu.memory_space<vmem>>)
      %add3A_85 = arith.constant 1 : i32
      %add3A_86 = arith.addi %mul3A_63, %add3A_85 : i32
      %dma_start3A_87 = arith.constant 0 : i32
      %dma_start3A_88 = tpu.memref_slice %arg8[%add3A_86, %dma_start3A_87] : memref<80x128xi32, #tpu.memory_space<vmem>> -> memref<1x128xi32, #tpu.memory_space<vmem>>
      %dma_start3A_89 = tpu.memref_squeeze %dma_start3A_88 : memref<1x128xi32, #tpu.memory_space<vmem>> -> memref<128xi32, #tpu.memory_space<vmem>>
      %dma_start3A_90 = arith.constant 0 : i32
      %dma_start3A_91 = tpu.memref_slice %arg15[%dma_start3A_90] : memref<10112xf32, #tpu.memory_space<vmem_shared>> -> memref<10112xf32, #tpu.memory_space<vmem_shared>>
      tpu.enqueue_indirect_dma source(%arg10 : memref<128xf32, #tpu.memory_space<vmem>>) target(%dma_start3A_91 : memref<10112xf32, #tpu.memory_space<vmem_shared>>) offsets(%dma_start3A_89 : memref<128xi32, #tpu.memory_space<vmem>>) semaphore(%arg21 : memref<!tpu.dma_semaphore, #tpu.memory_space<semaphore_mem>>) {add = true}
      %add3A_92 = arith.constant 2 : i32
      %add3A_93 = arith.addi %mul3A_63, %add3A_92 : i32
      %dma_wait3A_94 = arith.constant 0 : i32
      %dma_wait3A_95 = tpu.memref_slice %arg7[%add3A_93, %dma_wait3A_94] : memref<80x128xi32, #tpu.memory_space<vmem>> -> memref<1x128xi32, #tpu.memory_space<vmem>>
      %dma_wait3A_96 = tpu.memref_squeeze %dma_wait3A_95 : memref<1x128xi32, #tpu.memory_space<vmem>> -> memref<128xi32, #tpu.memory_space<vmem>>
      %dma_wait3A_97 = arith.constant 0 : i32
      %dma_wait3A_98 = tpu.memref_slice %arg14[%dma_wait3A_97] : memref<10112xf32, #tpu.memory_space<vmem_shared>> -> memref<10112xf32, #tpu.memory_space<vmem_shared>>
      tpu.wait_indirect_dma semaphore(%arg18 : memref<!tpu.dma_semaphore, #tpu.memory_space<semaphore_mem>>) src(%dma_wait3A_98 : memref<10112xf32, #tpu.memory_space<vmem_shared>>) dst(%arg11 : memref<128xf32, #tpu.memory_space<vmem>>)
      %add3A_99 = arith.constant 2 : i32
      %add3A_100 = arith.addi %mul3A_63, %add3A_99 : i32
      %dma_start3A_101 = arith.constant 0 : i32
      %dma_start3A_102 = tpu.memref_slice %arg8[%add3A_100, %dma_start3A_101] : memref<80x128xi32, #tpu.memory_space<vmem>> -> memref<1x128xi32, #tpu.memory_space<vmem>>
      %dma_start3A_103 = tpu.memref_squeeze %dma_start3A_102 : memref<1x128xi32, #tpu.memory_space<vmem>> -> memref<128xi32, #tpu.memory_space<vmem>>
      %dma_start3A_104 = arith.constant 0 : i32
      %dma_start3A_105 = tpu.memref_slice %arg15[%dma_start3A_104] : memref<10112xf32, #tpu.memory_space<vmem_shared>> -> memref<10112xf32, #tpu.memory_space<vmem_shared>>
      tpu.enqueue_indirect_dma source(%arg11 : memref<128xf32, #tpu.memory_space<vmem>>) target(%dma_start3A_105 : memref<10112xf32, #tpu.memory_space<vmem_shared>>) offsets(%dma_start3A_103 : memref<128xi32, #tpu.memory_space<vmem>>) semaphore(%arg22 : memref<!tpu.dma_semaphore, #tpu.memory_space<semaphore_mem>>) {add = true}
      %add3A_106 = arith.constant 3 : i32
      %add3A_107 = arith.addi %mul3A_63, %add3A_106 : i32
      %dma_wait3A_108 = arith.constant 0 : i32
      %dma_wait3A_109 = tpu.memref_slice %arg7[%add3A_107, %dma_wait3A_108] : memref<80x128xi32, #tpu.memory_space<vmem>> -> memref<1x128xi32, #tpu.memory_space<vmem>>
      %dma_wait3A_110 = tpu.memref_squeeze %dma_wait3A_109 : memref<1x128xi32, #tpu.memory_space<vmem>> -> memref<128xi32, #tpu.memory_space<vmem>>
      %dma_wait3A_111 = arith.constant 0 : i32
      %dma_wait3A_112 = tpu.memref_slice %arg14[%dma_wait3A_111] : memref<10112xf32, #tpu.memory_space<vmem_shared>> -> memref<10112xf32, #tpu.memory_space<vmem_shared>>
      tpu.wait_indirect_dma semaphore(%arg19 : memref<!tpu.dma_semaphore, #tpu.memory_space<semaphore_mem>>) src(%dma_wait3A_112 : memref<10112xf32, #tpu.memory_space<vmem_shared>>) dst(%arg12 : memref<128xf32, #tpu.memory_space<vmem>>)
      %add3A_113 = arith.constant 3 : i32
      %add3A_114 = arith.addi %mul3A_63, %add3A_113 : i32
      %dma_start3A_115 = arith.constant 0 : i32
      %dma_start3A_116 = tpu.memref_slice %arg8[%add3A_114, %dma_start3A_115] : memref<80x128xi32, #tpu.memory_space<vmem>> -> memref<1x128xi32, #tpu.memory_space<vmem>>
      %dma_start3A_117 = tpu.memref_squeeze %dma_start3A_116 : memref<1x128xi32, #tpu.memory_space<vmem>> -> memref<128xi32, #tpu.memory_space<vmem>>
      %dma_start3A_118 = arith.constant 0 : i32
      %dma_start3A_119 = tpu.memref_slice %arg15[%dma_start3A_118] : memref<10112xf32, #tpu.memory_space<vmem_shared>> -> memref<10112xf32, #tpu.memory_space<vmem_shared>>
      tpu.enqueue_indirect_dma source(%arg12 : memref<128xf32, #tpu.memory_space<vmem>>) target(%dma_start3A_119 : memref<10112xf32, #tpu.memory_space<vmem_shared>>) offsets(%dma_start3A_117 : memref<128xi32, #tpu.memory_space<vmem>>) semaphore(%arg23 : memref<!tpu.dma_semaphore, #tpu.memory_space<semaphore_mem>>) {add = true}
      %dma_wait3A_120 = arith.constant 0 : i32
      %dma_wait3A_121 = tpu.memref_slice %arg8[%add3A_72, %dma_wait3A_120] : memref<80x128xi32, #tpu.memory_space<vmem>> -> memref<1x128xi32, #tpu.memory_space<vmem>>
      %dma_wait3A_122 = tpu.memref_squeeze %dma_wait3A_121 : memref<1x128xi32, #tpu.memory_space<vmem>> -> memref<128xi32, #tpu.memory_space<vmem>>
      %dma_wait3A_123 = arith.constant 0 : i32
      %dma_wait3A_124 = tpu.memref_slice %arg15[%dma_wait3A_123] : memref<10112xf32, #tpu.memory_space<vmem_shared>> -> memref<10112xf32, #tpu.memory_space<vmem_shared>>
      tpu.wait_indirect_dma semaphore(%arg20 : memref<!tpu.dma_semaphore, #tpu.memory_space<semaphore_mem>>) src(%arg9 : memref<128xf32, #tpu.memory_space<vmem>>) dst(%dma_wait3A_124 : memref<10112xf32, #tpu.memory_space<vmem_shared>>)
      %add3A_125 = arith.constant 4 : i32
      %add3A_126 = arith.addi %mul3A_63, %add3A_125 : i32
      %add3A_127 = arith.constant 0 : i32
      %add3A_128 = arith.addi %add3A_126, %add3A_127 : i32
      %dma_start3A_129 = arith.constant 0 : i32
      %dma_start3A_130 = tpu.memref_slice %arg7[%add3A_128, %dma_start3A_129] : memref<80x128xi32, #tpu.memory_space<vmem>> -> memref<1x128xi32, #tpu.memory_space<vmem>>
      %dma_start3A_131 = tpu.memref_squeeze %dma_start3A_130 : memref<1x128xi32, #tpu.memory_space<vmem>> -> memref<128xi32, #tpu.memory_space<vmem>>
      %dma_start3A_132 = arith.constant 0 : i32
      %dma_start3A_133 = tpu.memref_slice %arg14[%dma_start3A_132] : memref<10112xf32, #tpu.memory_space<vmem_shared>> -> memref<10112xf32, #tpu.memory_space<vmem_shared>>
      tpu.enqueue_indirect_dma source(%dma_start3A_133 : memref<10112xf32, #tpu.memory_space<vmem_shared>>) target(%arg9 : memref<128xf32, #tpu.memory_space<vmem>>) offsets(%dma_start3A_131 : memref<128xi32, #tpu.memory_space<vmem>>) semaphore(%arg16 : memref<!tpu.dma_semaphore, #tpu.memory_space<semaphore_mem>>)
      %dma_wait3A_134 = arith.constant 0 : i32
      %dma_wait3A_135 = tpu.memref_slice %arg8[%add3A_86, %dma_wait3A_134] : memref<80x128xi32, #tpu.memory_space<vmem>> -> memref<1x128xi32, #tpu.memory_space<vmem>>
      %dma_wait3A_136 = tpu.memref_squeeze %dma_wait3A_135 : memref<1x128xi32, #tpu.memory_space<vmem>> -> memref<128xi32, #tpu.memory_space<vmem>>
      %dma_wait3A_137 = arith.constant 0 : i32
      %dma_wait3A_138 = tpu.memref_slice %arg15[%dma_wait3A_137] : memref<10112xf32, #tpu.memory_space<vmem_shared>> -> memref<10112xf32, #tpu.memory_space<vmem_shared>>
      tpu.wait_indirect_dma semaphore(%arg21 : memref<!tpu.dma_semaphore, #tpu.memory_space<semaphore_mem>>) src(%arg10 : memref<128xf32, #tpu.memory_space<vmem>>) dst(%dma_wait3A_138 : memref<10112xf32, #tpu.memory_space<vmem_shared>>)
      %add3A_139 = arith.constant 4 : i32
      %add3A_140 = arith.addi %mul3A_63, %add3A_139 : i32
      %add3A_141 = arith.constant 1 : i32
      %add3A_142 = arith.addi %add3A_140, %add3A_141 : i32
      %dma_start3A_143 = arith.constant 0 : i32
      %dma_start3A_144 = tpu.memref_slice %arg7[%add3A_142, %dma_start3A_143] : memref<80x128xi32, #tpu.memory_space<vmem>> -> memref<1x128xi32, #tpu.memory_space<vmem>>
      %dma_start3A_145 = tpu.memref_squeeze %dma_start3A_144 : memref<1x128xi32, #tpu.memory_space<vmem>> -> memref<128xi32, #tpu.memory_space<vmem>>
      %dma_start3A_146 = arith.constant 0 : i32
      %dma_start3A_147 = tpu.memref_slice %arg14[%dma_start3A_146] : memref<10112xf32, #tpu.memory_space<vmem_shared>> -> memref<10112xf32, #tpu.memory_space<vmem_shared>>
      tpu.enqueue_indirect_dma source(%dma_start3A_147 : memref<10112xf32, #tpu.memory_space<vmem_shared>>) target(%arg10 : memref<128xf32, #tpu.memory_space<vmem>>) offsets(%dma_start3A_145 : memref<128xi32, #tpu.memory_space<vmem>>) semaphore(%arg17 : memref<!tpu.dma_semaphore, #tpu.memory_space<semaphore_mem>>)
      %dma_wait3A_148 = arith.constant 0 : i32
      %dma_wait3A_149 = tpu.memref_slice %arg8[%add3A_100, %dma_wait3A_148] : memref<80x128xi32, #tpu.memory_space<vmem>> -> memref<1x128xi32, #tpu.memory_space<vmem>>
      %dma_wait3A_150 = tpu.memref_squeeze %dma_wait3A_149 : memref<1x128xi32, #tpu.memory_space<vmem>> -> memref<128xi32, #tpu.memory_space<vmem>>
      %dma_wait3A_151 = arith.constant 0 : i32
      %dma_wait3A_152 = tpu.memref_slice %arg15[%dma_wait3A_151] : memref<10112xf32, #tpu.memory_space<vmem_shared>> -> memref<10112xf32, #tpu.memory_space<vmem_shared>>
      tpu.wait_indirect_dma semaphore(%arg22 : memref<!tpu.dma_semaphore, #tpu.memory_space<semaphore_mem>>) src(%arg11 : memref<128xf32, #tpu.memory_space<vmem>>) dst(%dma_wait3A_152 : memref<10112xf32, #tpu.memory_space<vmem_shared>>)
      %add3A_153 = arith.constant 4 : i32
      %add3A_154 = arith.addi %mul3A_63, %add3A_153 : i32
      %add3A_155 = arith.constant 2 : i32
      %add3A_156 = arith.addi %add3A_154, %add3A_155 : i32
      %dma_start3A_157 = arith.constant 0 : i32
      %dma_start3A_158 = tpu.memref_slice %arg7[%add3A_156, %dma_start3A_157] : memref<80x128xi32, #tpu.memory_space<vmem>> -> memref<1x128xi32, #tpu.memory_space<vmem>>
      %dma_start3A_159 = tpu.memref_squeeze %dma_start3A_158 : memref<1x128xi32, #tpu.memory_space<vmem>> -> memref<128xi32, #tpu.memory_space<vmem>>
      %dma_start3A_160 = arith.constant 0 : i32
      %dma_start3A_161 = tpu.memref_slice %arg14[%dma_start3A_160] : memref<10112xf32, #tpu.memory_space<vmem_shared>> -> memref<10112xf32, #tpu.memory_space<vmem_shared>>
      tpu.enqueue_indirect_dma source(%dma_start3A_161 : memref<10112xf32, #tpu.memory_space<vmem_shared>>) target(%arg11 : memref<128xf32, #tpu.memory_space<vmem>>) offsets(%dma_start3A_159 : memref<128xi32, #tpu.memory_space<vmem>>) semaphore(%arg18 : memref<!tpu.dma_semaphore, #tpu.memory_space<semaphore_mem>>)
      %dma_wait3A_162 = arith.constant 0 : i32
      %dma_wait3A_163 = tpu.memref_slice %arg8[%add3A_114, %dma_wait3A_162] : memref<80x128xi32, #tpu.memory_space<vmem>> -> memref<1x128xi32, #tpu.memory_space<vmem>>
      %dma_wait3A_164 = tpu.memref_squeeze %dma_wait3A_163 : memref<1x128xi32, #tpu.memory_space<vmem>> -> memref<128xi32, #tpu.memory_space<vmem>>
      %dma_wait3A_165 = arith.constant 0 : i32
      %dma_wait3A_166 = tpu.memref_slice %arg15[%dma_wait3A_165] : memref<10112xf32, #tpu.memory_space<vmem_shared>> -> memref<10112xf32, #tpu.memory_space<vmem_shared>>
      tpu.wait_indirect_dma semaphore(%arg23 : memref<!tpu.dma_semaphore, #tpu.memory_space<semaphore_mem>>) src(%arg12 : memref<128xf32, #tpu.memory_space<vmem>>) dst(%dma_wait3A_166 : memref<10112xf32, #tpu.memory_space<vmem_shared>>)
      %add3A_167 = arith.constant 4 : i32
      %add3A_168 = arith.addi %mul3A_63, %add3A_167 : i32
      %add3A_169 = arith.constant 3 : i32
      %add3A_170 = arith.addi %add3A_168, %add3A_169 : i32
      %dma_start3A_171 = arith.constant 0 : i32
      %dma_start3A_172 = tpu.memref_slice %arg7[%add3A_170, %dma_start3A_171] : memref<80x128xi32, #tpu.memory_space<vmem>> -> memref<1x128xi32, #tpu.memory_space<vmem>>
      %dma_start3A_173 = tpu.memref_squeeze %dma_start3A_172 : memref<1x128xi32, #tpu.memory_space<vmem>> -> memref<128xi32, #tpu.memory_space<vmem>>
      %dma_start3A_174 = arith.constant 0 : i32
      %dma_start3A_175 = tpu.memref_slice %arg14[%dma_start3A_174] : memref<10112xf32, #tpu.memory_space<vmem_shared>> -> memref<10112xf32, #tpu.memory_space<vmem_shared>>
      tpu.enqueue_indirect_dma source(%dma_start3A_175 : memref<10112xf32, #tpu.memory_space<vmem_shared>>) target(%arg12 : memref<128xf32, #tpu.memory_space<vmem>>) offsets(%dma_start3A_173 : memref<128xi32, #tpu.memory_space<vmem>>) semaphore(%arg19 : memref<!tpu.dma_semaphore, #tpu.memory_space<semaphore_mem>>)
    }
    %scan3A_30 = arith.constant 19 : i32
    %dma_wait3A = arith.constant 76 : i32
    %dma_wait3A_31 = arith.constant 0 : i32
    %dma_wait3A_32 = tpu.memref_slice %arg7[%dma_wait3A, %dma_wait3A_31] : memref<80x128xi32, #tpu.memory_space<vmem>> -> memref<1x128xi32, #tpu.memory_space<vmem>>
    %dma_wait3A_33 = tpu.memref_squeeze %dma_wait3A_32 : memref<1x128xi32, #tpu.memory_space<vmem>> -> memref<128xi32, #tpu.memory_space<vmem>>
    %dma_wait3A_34 = arith.constant 0 : i32
    %dma_wait3A_35 = tpu.memref_slice %arg14[%dma_wait3A_34] : memref<10112xf32, #tpu.memory_space<vmem_shared>> -> memref<10112xf32, #tpu.memory_space<vmem_shared>>
    tpu.wait_indirect_dma semaphore(%arg16 : memref<!tpu.dma_semaphore, #tpu.memory_space<semaphore_mem>>) src(%dma_wait3A_35 : memref<10112xf32, #tpu.memory_space<vmem_shared>>) dst(%arg9 : memref<128xf32, #tpu.memory_space<vmem>>)
    %run_scoped3A = arith.constant 76 : i32
    "tpu.region"() ({
      %run_scoped3A_61 = tpu.sem_alloc : memref<!tpu.dma_semaphore, #tpu.memory_space<semaphore_mem>>
      %dma_start3A_62 = arith.constant 0 : i32
      %dma_start3A_63 = tpu.memref_slice %arg8[%run_scoped3A, %dma_start3A_62] : memref<80x128xi32, #tpu.memory_space<vmem>> -> memref<1x128xi32, #tpu.memory_space<vmem>>
      %dma_start3A_64 = tpu.memref_squeeze %dma_start3A_63 : memref<1x128xi32, #tpu.memory_space<vmem>> -> memref<128xi32, #tpu.memory_space<vmem>>
      %dma_start3A_65 = arith.constant 0 : i32
      %dma_start3A_66 = tpu.memref_slice %arg15[%dma_start3A_65] : memref<10112xf32, #tpu.memory_space<vmem_shared>> -> memref<10112xf32, #tpu.memory_space<vmem_shared>>
      tpu.enqueue_indirect_dma source(%arg9 : memref<128xf32, #tpu.memory_space<vmem>>) target(%dma_start3A_66 : memref<10112xf32, #tpu.memory_space<vmem_shared>>) offsets(%dma_start3A_64 : memref<128xi32, #tpu.memory_space<vmem>>) semaphore(%run_scoped3A_61 : memref<!tpu.dma_semaphore, #tpu.memory_space<semaphore_mem>>) {add = true}
      %dma_wait3A_67 = arith.constant 0 : i32
      %dma_wait3A_68 = tpu.memref_slice %arg8[%run_scoped3A, %dma_wait3A_67] : memref<80x128xi32, #tpu.memory_space<vmem>> -> memref<1x128xi32, #tpu.memory_space<vmem>>
      %dma_wait3A_69 = tpu.memref_squeeze %dma_wait3A_68 : memref<1x128xi32, #tpu.memory_space<vmem>> -> memref<128xi32, #tpu.memory_space<vmem>>
      %dma_wait3A_70 = arith.constant 0 : i32
      %dma_wait3A_71 = tpu.memref_slice %arg15[%dma_wait3A_70] : memref<10112xf32, #tpu.memory_space<vmem_shared>> -> memref<10112xf32, #tpu.memory_space<vmem_shared>>
      tpu.wait_indirect_dma semaphore(%run_scoped3A_61 : memref<!tpu.dma_semaphore, #tpu.memory_space<semaphore_mem>>) src(%arg9 : memref<128xf32, #tpu.memory_space<vmem>>) dst(%dma_wait3A_71 : memref<10112xf32, #tpu.memory_space<vmem_shared>>)
      tpu.yield
    }) : () -> ()
    %dma_wait3A_36 = arith.constant 77 : i32
    %dma_wait3A_37 = arith.constant 0 : i32
    %dma_wait3A_38 = tpu.memref_slice %arg7[%dma_wait3A_36, %dma_wait3A_37] : memref<80x128xi32, #tpu.memory_space<vmem>> -> memref<1x128xi32, #tpu.memory_space<vmem>>
    %dma_wait3A_39 = tpu.memref_squeeze %dma_wait3A_38 : memref<1x128xi32, #tpu.memory_space<vmem>> -> memref<128xi32, #tpu.memory_space<vmem>>
    %dma_wait3A_40 = arith.constant 0 : i32
    %dma_wait3A_41 = tpu.memref_slice %arg14[%dma_wait3A_40] : memref<10112xf32, #tpu.memory_space<vmem_shared>> -> memref<10112xf32, #tpu.memory_space<vmem_shared>>
    tpu.wait_indirect_dma semaphore(%arg17 : memref<!tpu.dma_semaphore, #tpu.memory_space<semaphore_mem>>) src(%dma_wait3A_41 : memref<10112xf32, #tpu.memory_space<vmem_shared>>) dst(%arg10 : memref<128xf32, #tpu.memory_space<vmem>>)
    %run_scoped3A_42 = arith.constant 77 : i32
    "tpu.region"() ({
      %run_scoped3A_61 = tpu.sem_alloc : memref<!tpu.dma_semaphore, #tpu.memory_space<semaphore_mem>>
      %dma_start3A_62 = arith.constant 0 : i32
      %dma_start3A_63 = tpu.memref_slice %arg8[%run_scoped3A_42, %dma_start3A_62] : memref<80x128xi32, #tpu.memory_space<vmem>> -> memref<1x128xi32, #tpu.memory_space<vmem>>
      %dma_start3A_64 = tpu.memref_squeeze %dma_start3A_63 : memref<1x128xi32, #tpu.memory_space<vmem>> -> memref<128xi32, #tpu.memory_space<vmem>>
      %dma_start3A_65 = arith.constant 0 : i32
      %dma_start3A_66 = tpu.memref_slice %arg15[%dma_start3A_65] : memref<10112xf32, #tpu.memory_space<vmem_shared>> -> memref<10112xf32, #tpu.memory_space<vmem_shared>>
      tpu.enqueue_indirect_dma source(%arg10 : memref<128xf32, #tpu.memory_space<vmem>>) target(%dma_start3A_66 : memref<10112xf32, #tpu.memory_space<vmem_shared>>) offsets(%dma_start3A_64 : memref<128xi32, #tpu.memory_space<vmem>>) semaphore(%run_scoped3A_61 : memref<!tpu.dma_semaphore, #tpu.memory_space<semaphore_mem>>) {add = true}
      %dma_wait3A_67 = arith.constant 0 : i32
      %dma_wait3A_68 = tpu.memref_slice %arg8[%run_scoped3A_42, %dma_wait3A_67] : memref<80x128xi32, #tpu.memory_space<vmem>> -> memref<1x128xi32, #tpu.memory_space<vmem>>
      %dma_wait3A_69 = tpu.memref_squeeze %dma_wait3A_68 : memref<1x128xi32, #tpu.memory_space<vmem>> -> memref<128xi32, #tpu.memory_space<vmem>>
      %dma_wait3A_70 = arith.constant 0 : i32
      %dma_wait3A_71 = tpu.memref_slice %arg15[%dma_wait3A_70] : memref<10112xf32, #tpu.memory_space<vmem_shared>> -> memref<10112xf32, #tpu.memory_space<vmem_shared>>
      tpu.wait_indirect_dma semaphore(%run_scoped3A_61 : memref<!tpu.dma_semaphore, #tpu.memory_space<semaphore_mem>>) src(%arg10 : memref<128xf32, #tpu.memory_space<vmem>>) dst(%dma_wait3A_71 : memref<10112xf32, #tpu.memory_space<vmem_shared>>)
      tpu.yield
    }) : () -> ()
    %dma_wait3A_43 = arith.constant 78 : i32
    %dma_wait3A_44 = arith.constant 0 : i32
    %dma_wait3A_45 = tpu.memref_slice %arg7[%dma_wait3A_43, %dma_wait3A_44] : memref<80x128xi32, #tpu.memory_space<vmem>> -> memref<1x128xi32, #tpu.memory_space<vmem>>
    %dma_wait3A_46 = tpu.memref_squeeze %dma_wait3A_45 : memref<1x128xi32, #tpu.memory_space<vmem>> -> memref<128xi32, #tpu.memory_space<vmem>>
    %dma_wait3A_47 = arith.constant 0 : i32
    %dma_wait3A_48 = tpu.memref_slice %arg14[%dma_wait3A_47] : memref<10112xf32, #tpu.memory_space<vmem_shared>> -> memref<10112xf32, #tpu.memory_space<vmem_shared>>
    tpu.wait_indirect_dma semaphore(%arg18 : memref<!tpu.dma_semaphore, #tpu.memory_space<semaphore_mem>>) src(%dma_wait3A_48 : memref<10112xf32, #tpu.memory_space<vmem_shared>>) dst(%arg11 : memref<128xf32, #tpu.memory_space<vmem>>)
    %run_scoped3A_49 = arith.constant 78 : i32
    "tpu.region"() ({
      %run_scoped3A_61 = tpu.sem_alloc : memref<!tpu.dma_semaphore, #tpu.memory_space<semaphore_mem>>
      %dma_start3A_62 = arith.constant 0 : i32
      %dma_start3A_63 = tpu.memref_slice %arg8[%run_scoped3A_49, %dma_start3A_62] : memref<80x128xi32, #tpu.memory_space<vmem>> -> memref<1x128xi32, #tpu.memory_space<vmem>>
      %dma_start3A_64 = tpu.memref_squeeze %dma_start3A_63 : memref<1x128xi32, #tpu.memory_space<vmem>> -> memref<128xi32, #tpu.memory_space<vmem>>
      %dma_start3A_65 = arith.constant 0 : i32
      %dma_start3A_66 = tpu.memref_slice %arg15[%dma_start3A_65] : memref<10112xf32, #tpu.memory_space<vmem_shared>> -> memref<10112xf32, #tpu.memory_space<vmem_shared>>
      tpu.enqueue_indirect_dma source(%arg11 : memref<128xf32, #tpu.memory_space<vmem>>) target(%dma_start3A_66 : memref<10112xf32, #tpu.memory_space<vmem_shared>>) offsets(%dma_start3A_64 : memref<128xi32, #tpu.memory_space<vmem>>) semaphore(%run_scoped3A_61 : memref<!tpu.dma_semaphore, #tpu.memory_space<semaphore_mem>>) {add = true}
      %dma_wait3A_67 = arith.constant 0 : i32
      %dma_wait3A_68 = tpu.memref_slice %arg8[%run_scoped3A_49, %dma_wait3A_67] : memref<80x128xi32, #tpu.memory_space<vmem>> -> memref<1x128xi32, #tpu.memory_space<vmem>>
      %dma_wait3A_69 = tpu.memref_squeeze %dma_wait3A_68 : memref<1x128xi32, #tpu.memory_space<vmem>> -> memref<128xi32, #tpu.memory_space<vmem>>
      %dma_wait3A_70 = arith.constant 0 : i32
      %dma_wait3A_71 = tpu.memref_slice %arg15[%dma_wait3A_70] : memref<10112xf32, #tpu.memory_space<vmem_shared>> -> memref<10112xf32, #tpu.memory_space<vmem_shared>>
      tpu.wait_indirect_dma semaphore(%run_scoped3A_61 : memref<!tpu.dma_semaphore, #tpu.memory_space<semaphore_mem>>) src(%arg11 : memref<128xf32, #tpu.memory_space<vmem>>) dst(%dma_wait3A_71 : memref<10112xf32, #tpu.memory_space<vmem_shared>>)
      tpu.yield
    }) : () -> ()
    %dma_wait3A_50 = arith.constant 79 : i32
    %dma_wait3A_51 = arith.constant 0 : i32
    %dma_wait3A_52 = tpu.memref_slice %arg7[%dma_wait3A_50, %dma_wait3A_51] : memref<80x128xi32, #tpu.memory_space<vmem>> -> memref<1x128xi32, #tpu.memory_space<vmem>>
    %dma_wait3A_53 = tpu.memref_squeeze %dma_wait3A_52 : memref<1x128xi32, #tpu.memory_space<vmem>> -> memref<128xi32, #tpu.memory_space<vmem>>
    %dma_wait3A_54 = arith.constant 0 : i32
    %dma_wait3A_55 = tpu.memref_slice %arg14[%dma_wait3A_54] : memref<10112xf32, #tpu.memory_space<vmem_shared>> -> memref<10112xf32, #tpu.memory_space<vmem_shared>>
    tpu.wait_indirect_dma semaphore(%arg19 : memref<!tpu.dma_semaphore, #tpu.memory_space<semaphore_mem>>) src(%dma_wait3A_55 : memref<10112xf32, #tpu.memory_space<vmem_shared>>) dst(%arg12 : memref<128xf32, #tpu.memory_space<vmem>>)
    %run_scoped3A_56 = arith.constant 79 : i32
    "tpu.region"() ({
      %run_scoped3A_61 = tpu.sem_alloc : memref<!tpu.dma_semaphore, #tpu.memory_space<semaphore_mem>>
      %dma_start3A_62 = arith.constant 0 : i32
      %dma_start3A_63 = tpu.memref_slice %arg8[%run_scoped3A_56, %dma_start3A_62] : memref<80x128xi32, #tpu.memory_space<vmem>> -> memref<1x128xi32, #tpu.memory_space<vmem>>
      %dma_start3A_64 = tpu.memref_squeeze %dma_start3A_63 : memref<1x128xi32, #tpu.memory_space<vmem>> -> memref<128xi32, #tpu.memory_space<vmem>>
      %dma_start3A_65 = arith.constant 0 : i32
      %dma_start3A_66 = tpu.memref_slice %arg15[%dma_start3A_65] : memref<10112xf32, #tpu.memory_space<vmem_shared>> -> memref<10112xf32, #tpu.memory_space<vmem_shared>>
      tpu.enqueue_indirect_dma source(%arg12 : memref<128xf32, #tpu.memory_space<vmem>>) target(%dma_start3A_66 : memref<10112xf32, #tpu.memory_space<vmem_shared>>) offsets(%dma_start3A_64 : memref<128xi32, #tpu.memory_space<vmem>>) semaphore(%run_scoped3A_61 : memref<!tpu.dma_semaphore, #tpu.memory_space<semaphore_mem>>) {add = true}
      %dma_wait3A_67 = arith.constant 0 : i32
      %dma_wait3A_68 = tpu.memref_slice %arg8[%run_scoped3A_56, %dma_wait3A_67] : memref<80x128xi32, #tpu.memory_space<vmem>> -> memref<1x128xi32, #tpu.memory_space<vmem>>
      %dma_wait3A_69 = tpu.memref_squeeze %dma_wait3A_68 : memref<1x128xi32, #tpu.memory_space<vmem>> -> memref<128xi32, #tpu.memory_space<vmem>>
      %dma_wait3A_70 = arith.constant 0 : i32
      %dma_wait3A_71 = tpu.memref_slice %arg15[%dma_wait3A_70] : memref<10112xf32, #tpu.memory_space<vmem_shared>> -> memref<10112xf32, #tpu.memory_space<vmem_shared>>
      tpu.wait_indirect_dma semaphore(%run_scoped3A_61 : memref<!tpu.dma_semaphore, #tpu.memory_space<semaphore_mem>>) src(%arg12 : memref<128xf32, #tpu.memory_space<vmem>>) dst(%dma_wait3A_71 : memref<10112xf32, #tpu.memory_space<vmem_shared>>)
      tpu.yield
    }) : () -> ()
    %barrier3A_57 = arith.constant 0 : index
    tpu.barrier barrier_id(%barrier3A_57)
    %mul3A_58 = arith.constant 10112 : i32
    %mul3A_59 = arith.muli %arg0, %mul3A_58 : i32
    %add3A_60 = arith.addi %mul3A_59, %mul3A_2 : i32
    "tpu.region"() ({
      %run_scoped3A_61 = tpu.sem_alloc : memref<!tpu.dma_semaphore, #tpu.memory_space<semaphore_mem>>
      %dma_start3A_62 = tpu.memref_slice %arg15[%mul3A_2] : memref<10112xf32, #tpu.memory_space<vmem_shared>> -> memref<632xf32, #tpu.memory_space<vmem_shared>>
      %dma_start3A_63 = tpu.memref_slice %arg15[%mul3A_2] : memref<10112xf32, #tpu.memory_space<vmem_shared>> -> memref<632xf32, #tpu.memory_space<vmem_shared>>
      tpu.enqueue_dma source(%dma_start3A_63 : memref<632xf32, #tpu.memory_space<vmem_shared>>) target(%arg13 : memref<632xf32, #tpu.memory_space<vmem>>) target_semaphore(%run_scoped3A_61 : memref<!tpu.dma_semaphore, #tpu.memory_space<semaphore_mem>>)
      %dma_wait3A_64 = tpu.memref_slice %arg15[%mul3A_2] : memref<10112xf32, #tpu.memory_space<vmem_shared>> -> memref<632xf32, #tpu.memory_space<vmem_shared>>
      %dma_wait3A_65 = tpu.memref_slice %arg15[%mul3A_2] : memref<10112xf32, #tpu.memory_space<vmem_shared>> -> memref<632xf32, #tpu.memory_space<vmem_shared>>
      tpu.wait_dma2 semaphore(%run_scoped3A_61 : memref<!tpu.dma_semaphore, #tpu.memory_space<semaphore_mem>>) src(%dma_wait3A_65 : memref<632xf32, #tpu.memory_space<vmem_shared>>) dst(%arg13 : memref<632xf32, #tpu.memory_space<vmem>>)
      tpu.yield
    }) : () -> ()
    "tpu.region"() ({
      %run_scoped3A_61 = tpu.sem_alloc : memref<!tpu.dma_semaphore, #tpu.memory_space<semaphore_mem>>
      %dma_start3A_62 = tpu.memref_slice %arg6[%add3A_60] : memref<20224xf32, #tpu.memory_space<hbm>> -> memref<632xf32, #tpu.memory_space<hbm>>
      %dma_start3A_63 = tpu.memref_slice %arg6[%add3A_60] : memref<20224xf32, #tpu.memory_space<hbm>> -> memref<632xf32, #tpu.memory_space<hbm>>
      tpu.enqueue_dma source(%arg13 : memref<632xf32, #tpu.memory_space<vmem>>) target(%dma_start3A_63 : memref<632xf32, #tpu.memory_space<hbm>>) target_semaphore(%run_scoped3A_61 : memref<!tpu.dma_semaphore, #tpu.memory_space<semaphore_mem>>)
      %dma_wait3A_64 = tpu.memref_slice %arg6[%add3A_60] : memref<20224xf32, #tpu.memory_space<hbm>> -> memref<632xf32, #tpu.memory_space<hbm>>
      %dma_wait3A_65 = tpu.memref_slice %arg6[%add3A_60] : memref<20224xf32, #tpu.memory_space<hbm>> -> memref<632xf32, #tpu.memory_space<hbm>>
      tpu.wait_dma2 semaphore(%run_scoped3A_61 : memref<!tpu.dma_semaphore, #tpu.memory_space<semaphore_mem>>) src(%arg13 : memref<632xf32, #tpu.memory_space<vmem>>) dst(%dma_wait3A_65 : memref<632xf32, #tpu.memory_space<hbm>>)
      tpu.yield
    }) : () -> ()
    return
  }
}

#map = affine_map<(d0, d1) -> (0, 0)>
#map1 = affine_map<(d0, d1) -> (0)>
#map2 = affine_map<(d0, d1) -> (0, 0, 0)>
module attributes {stable_mosaic.version = 14 : i64} {
  func.func @_edge_body(%arg0: i32, %arg1: i32, %arg2: memref<10112x128xf32, #tpu.memory_space<hbm>>, %arg3: memref<10112x128xf32, #tpu.memory_space<hbm>>, %arg4: memref<327680xi32, #tpu.memory_space<hbm>>, %arg5: memref<32x80x128xi32, #tpu.memory_space<hbm>>, %arg6: memref<2x10112x128xf32, #tpu.memory_space<hbm>>, %arg7: memref<80x128xi32, #tpu.memory_space<vmem>>, %arg8: memref<128xi32, #tpu.memory_space<vmem>>, %arg9: memref<128xi32, #tpu.memory_space<vmem>>, %arg10: memref<128x128xf32, #tpu.memory_space<vmem>>, %arg11: memref<128x128xf32, #tpu.memory_space<vmem>>, %arg12: memref<10112x128xf32, #tpu.memory_space<vmem_shared>>, %arg13: memref<!tpu.dma_semaphore, #tpu.memory_space<semaphore_mem>>, %arg14: memref<!tpu.dma_semaphore, #tpu.memory_space<semaphore_mem>>, %arg15: memref<!tpu.dma_semaphore, #tpu.memory_space<semaphore_mem>>, %arg16: memref<!tpu.dma_semaphore, #tpu.memory_space<semaphore_mem>>, %arg17: memref<!tpu.dma_semaphore, #tpu.memory_space<semaphore_mem>>, %arg18: memref<!tpu.dma_semaphore, #tpu.memory_space<semaphore_mem>>) attributes {dimension_semantics = [#tpu.dimension_semantics<core_parallel>, #tpu.dimension_semantics<subcore_parallel>], iteration_bounds = array<i64: 2, 16>, scalar_prefetch = 0 : i64, scratch_operands = 12 : i64, tpu.core_type = #tpu.core_type<sc_vector_subcore>, window_params = [{transform_indices = #map}, {transform_indices = #map}, {transform_indices = #map1}, {transform_indices = #map2}, {transform_indices = #map2}]} {
    %mul3A = arith.constant 16 : i32
    %mul3A_0 = arith.muli %arg0, %mul3A : i32
    %add3A = arith.addi %mul3A_0, %arg1 : i32
    %mul3A_1 = arith.constant 632 : i32
    %mul3A_2 = arith.muli %arg1, %mul3A_1 : i32
    %mul3A_3 = arith.constant 10240 : i32
    %mul3A_4 = arith.muli %add3A, %mul3A_3 : i32
    %eq3A = arith.constant 0 : i32
    %eq3A_5 = arith.cmpi eq, %arg0, %eq3A : i32
    %convert_element_type3A = arith.extui %eq3A_5 : i1 to i32
    %cond3A = arith.constant 0 : i32
    %cond3A_6 = arith.cmpi ne, %convert_element_type3A, %cond3A : i32
    scf.if %cond3A_6 {
      "tpu.region"() ({
        %run_scoped3A_31 = tpu.sem_alloc : memref<!tpu.dma_semaphore, #tpu.memory_space<semaphore_mem>>
        %dma_start3A_32 = arith.constant 0 : i32
        %dma_start3A_33 = tpu.memref_slice %arg12[%mul3A_2, %dma_start3A_32] : memref<10112x128xf32, #tpu.memory_space<vmem_shared>> -> memref<632x128xf32, #tpu.memory_space<vmem_shared>>
        %dma_start3A_34 = arith.constant 0 : i32
        %dma_start3A_35 = tpu.memref_slice %arg2[%mul3A_2, %dma_start3A_34] : memref<10112x128xf32, #tpu.memory_space<hbm>> -> memref<632x128xf32, #tpu.memory_space<hbm>>
        tpu.enqueue_dma source(%dma_start3A_35 : memref<632x128xf32, #tpu.memory_space<hbm>>) target(%dma_start3A_33 : memref<632x128xf32, #tpu.memory_space<vmem_shared>>) target_semaphore(%run_scoped3A_31 : memref<!tpu.dma_semaphore, #tpu.memory_space<semaphore_mem>>)
        %dma_wait3A_36 = arith.constant 0 : i32
        %dma_wait3A_37 = tpu.memref_slice %arg12[%mul3A_2, %dma_wait3A_36] : memref<10112x128xf32, #tpu.memory_space<vmem_shared>> -> memref<632x128xf32, #tpu.memory_space<vmem_shared>>
        %dma_wait3A_38 = arith.constant 0 : i32
        %dma_wait3A_39 = tpu.memref_slice %arg2[%mul3A_2, %dma_wait3A_38] : memref<10112x128xf32, #tpu.memory_space<hbm>> -> memref<632x128xf32, #tpu.memory_space<hbm>>
        tpu.wait_dma2 semaphore(%run_scoped3A_31 : memref<!tpu.dma_semaphore, #tpu.memory_space<semaphore_mem>>) src(%dma_wait3A_39 : memref<632x128xf32, #tpu.memory_space<hbm>>) dst(%dma_wait3A_37 : memref<632x128xf32, #tpu.memory_space<vmem_shared>>)
        tpu.yield
      }) : () -> ()
    } else {
    }
    %eq3A_7 = arith.constant 1 : i32
    %eq3A_8 = arith.cmpi eq, %arg0, %eq3A_7 : i32
    %convert_element_type3A_9 = arith.extui %eq3A_8 : i1 to i32
    %cond3A_10 = arith.constant 0 : i32
    %cond3A_11 = arith.cmpi ne, %convert_element_type3A_9, %cond3A_10 : i32
    scf.if %cond3A_11 {
      "tpu.region"() ({
        %run_scoped3A_31 = tpu.sem_alloc : memref<!tpu.dma_semaphore, #tpu.memory_space<semaphore_mem>>
        %dma_start3A_32 = arith.constant 0 : i32
        %dma_start3A_33 = tpu.memref_slice %arg12[%mul3A_2, %dma_start3A_32] : memref<10112x128xf32, #tpu.memory_space<vmem_shared>> -> memref<632x128xf32, #tpu.memory_space<vmem_shared>>
        %dma_start3A_34 = arith.constant 0 : i32
        %dma_start3A_35 = tpu.memref_slice %arg3[%mul3A_2, %dma_start3A_34] : memref<10112x128xf32, #tpu.memory_space<hbm>> -> memref<632x128xf32, #tpu.memory_space<hbm>>
        tpu.enqueue_dma source(%dma_start3A_35 : memref<632x128xf32, #tpu.memory_space<hbm>>) target(%dma_start3A_33 : memref<632x128xf32, #tpu.memory_space<vmem_shared>>) target_semaphore(%run_scoped3A_31 : memref<!tpu.dma_semaphore, #tpu.memory_space<semaphore_mem>>)
        %dma_wait3A_36 = arith.constant 0 : i32
        %dma_wait3A_37 = tpu.memref_slice %arg12[%mul3A_2, %dma_wait3A_36] : memref<10112x128xf32, #tpu.memory_space<vmem_shared>> -> memref<632x128xf32, #tpu.memory_space<vmem_shared>>
        %dma_wait3A_38 = arith.constant 0 : i32
        %dma_wait3A_39 = tpu.memref_slice %arg3[%mul3A_2, %dma_wait3A_38] : memref<10112x128xf32, #tpu.memory_space<hbm>> -> memref<632x128xf32, #tpu.memory_space<hbm>>
        tpu.wait_dma2 semaphore(%run_scoped3A_31 : memref<!tpu.dma_semaphore, #tpu.memory_space<semaphore_mem>>) src(%dma_wait3A_39 : memref<632x128xf32, #tpu.memory_space<hbm>>) dst(%dma_wait3A_37 : memref<632x128xf32, #tpu.memory_space<vmem_shared>>)
        tpu.yield
      }) : () -> ()
    } else {
    }
    "tpu.region"() ({
      %run_scoped3A_31 = tpu.sem_alloc : memref<!tpu.dma_semaphore, #tpu.memory_space<semaphore_mem>>
      %dma_start3A_32 = arith.constant 0 : i32
      %dma_start3A_33 = arith.constant 0 : i32
      %dma_start3A_34 = tpu.memref_slice %arg5[%add3A, %dma_start3A_32, %dma_start3A_33] : memref<32x80x128xi32, #tpu.memory_space<hbm>> -> memref<1x80x128xi32, #tpu.memory_space<hbm>>
      %dma_start3A_35 = tpu.memref_squeeze %dma_start3A_34 : memref<1x80x128xi32, #tpu.memory_space<hbm>> -> memref<80x128xi32, #tpu.memory_space<hbm>>
      %dma_start3A_36 = arith.constant 0 : i32
      %dma_start3A_37 = arith.constant 0 : i32
      %dma_start3A_38 = tpu.memref_slice %arg5[%add3A, %dma_start3A_36, %dma_start3A_37] : memref<32x80x128xi32, #tpu.memory_space<hbm>> -> memref<1x80x128xi32, #tpu.memory_space<hbm>>
      %dma_start3A_39 = tpu.memref_squeeze %dma_start3A_38 : memref<1x80x128xi32, #tpu.memory_space<hbm>> -> memref<80x128xi32, #tpu.memory_space<hbm>>
      tpu.enqueue_dma source(%dma_start3A_39 : memref<80x128xi32, #tpu.memory_space<hbm>>) target(%arg7 : memref<80x128xi32, #tpu.memory_space<vmem>>) target_semaphore(%run_scoped3A_31 : memref<!tpu.dma_semaphore, #tpu.memory_space<semaphore_mem>>)
      %dma_wait3A_40 = arith.constant 0 : i32
      %dma_wait3A_41 = arith.constant 0 : i32
      %dma_wait3A_42 = tpu.memref_slice %arg5[%add3A, %dma_wait3A_40, %dma_wait3A_41] : memref<32x80x128xi32, #tpu.memory_space<hbm>> -> memref<1x80x128xi32, #tpu.memory_space<hbm>>
      %dma_wait3A_43 = tpu.memref_squeeze %dma_wait3A_42 : memref<1x80x128xi32, #tpu.memory_space<hbm>> -> memref<80x128xi32, #tpu.memory_space<hbm>>
      %dma_wait3A_44 = arith.constant 0 : i32
      %dma_wait3A_45 = arith.constant 0 : i32
      %dma_wait3A_46 = tpu.memref_slice %arg5[%add3A, %dma_wait3A_44, %dma_wait3A_45] : memref<32x80x128xi32, #tpu.memory_space<hbm>> -> memref<1x80x128xi32, #tpu.memory_space<hbm>>
      %dma_wait3A_47 = tpu.memref_squeeze %dma_wait3A_46 : memref<1x80x128xi32, #tpu.memory_space<hbm>> -> memref<80x128xi32, #tpu.memory_space<hbm>>
      tpu.wait_dma2 semaphore(%run_scoped3A_31 : memref<!tpu.dma_semaphore, #tpu.memory_space<semaphore_mem>>) src(%dma_wait3A_47 : memref<80x128xi32, #tpu.memory_space<hbm>>) dst(%arg7 : memref<80x128xi32, #tpu.memory_space<vmem>>)
      tpu.yield
    }) : () -> ()
    "tpu.region"() ({
      %run_scoped3A_31 = tpu.sem_alloc : memref<!tpu.dma_semaphore, #tpu.memory_space<semaphore_mem>>
      %dma_start3A_32 = tpu.memref_slice %arg4[%mul3A_4] : memref<327680xi32, #tpu.memory_space<hbm>> -> memref<128xi32, #tpu.memory_space<hbm>>
      %dma_start3A_33 = tpu.memref_slice %arg4[%mul3A_4] : memref<327680xi32, #tpu.memory_space<hbm>> -> memref<128xi32, #tpu.memory_space<hbm>>
      tpu.enqueue_dma source(%dma_start3A_33 : memref<128xi32, #tpu.memory_space<hbm>>) target(%arg8 : memref<128xi32, #tpu.memory_space<vmem>>) target_semaphore(%run_scoped3A_31 : memref<!tpu.dma_semaphore, #tpu.memory_space<semaphore_mem>>)
      %dma_wait3A_34 = tpu.memref_slice %arg4[%mul3A_4] : memref<327680xi32, #tpu.memory_space<hbm>> -> memref<128xi32, #tpu.memory_space<hbm>>
      %dma_wait3A_35 = tpu.memref_slice %arg4[%mul3A_4] : memref<327680xi32, #tpu.memory_space<hbm>> -> memref<128xi32, #tpu.memory_space<hbm>>
      tpu.wait_dma2 semaphore(%run_scoped3A_31 : memref<!tpu.dma_semaphore, #tpu.memory_space<semaphore_mem>>) src(%dma_wait3A_35 : memref<128xi32, #tpu.memory_space<hbm>>) dst(%arg8 : memref<128xi32, #tpu.memory_space<vmem>>)
      tpu.yield
    }) : () -> ()
    %dma_start3A = arith.constant 0 : i32
    %dma_start3A_12 = arith.constant 0 : i32
    %dma_start3A_13 = tpu.memref_slice %arg2[%dma_start3A, %dma_start3A_12] : memref<10112x128xf32, #tpu.memory_space<hbm>> -> memref<10112x128xf32, #tpu.memory_space<hbm>>
    tpu.enqueue_indirect_dma source(%dma_start3A_13 : memref<10112x128xf32, #tpu.memory_space<hbm>>) target(%arg10 : memref<128x128xf32, #tpu.memory_space<vmem>>) offsets(%arg8 : memref<128xi32, #tpu.memory_space<vmem>>) semaphore(%arg15 : memref<!tpu.dma_semaphore, #tpu.memory_space<semaphore_mem>>)
    %add3A_14 = arith.constant 128 : i32
    %add3A_15 = arith.addi %mul3A_4, %add3A_14 : i32
    "tpu.region"() ({
      %run_scoped3A_31 = tpu.sem_alloc : memref<!tpu.dma_semaphore, #tpu.memory_space<semaphore_mem>>
      %dma_start3A_32 = tpu.memref_slice %arg4[%add3A_15] : memref<327680xi32, #tpu.memory_space<hbm>> -> memref<128xi32, #tpu.memory_space<hbm>>
      %dma_start3A_33 = tpu.memref_slice %arg4[%add3A_15] : memref<327680xi32, #tpu.memory_space<hbm>> -> memref<128xi32, #tpu.memory_space<hbm>>
      tpu.enqueue_dma source(%dma_start3A_33 : memref<128xi32, #tpu.memory_space<hbm>>) target(%arg9 : memref<128xi32, #tpu.memory_space<vmem>>) target_semaphore(%run_scoped3A_31 : memref<!tpu.dma_semaphore, #tpu.memory_space<semaphore_mem>>)
      %dma_wait3A_34 = tpu.memref_slice %arg4[%add3A_15] : memref<327680xi32, #tpu.memory_space<hbm>> -> memref<128xi32, #tpu.memory_space<hbm>>
      %dma_wait3A_35 = tpu.memref_slice %arg4[%add3A_15] : memref<327680xi32, #tpu.memory_space<hbm>> -> memref<128xi32, #tpu.memory_space<hbm>>
      tpu.wait_dma2 semaphore(%run_scoped3A_31 : memref<!tpu.dma_semaphore, #tpu.memory_space<semaphore_mem>>) src(%dma_wait3A_35 : memref<128xi32, #tpu.memory_space<hbm>>) dst(%arg9 : memref<128xi32, #tpu.memory_space<vmem>>)
      tpu.yield
    }) : () -> ()
    %dma_start3A_16 = arith.constant 0 : i32
    %dma_start3A_17 = arith.constant 0 : i32
    %dma_start3A_18 = tpu.memref_slice %arg2[%dma_start3A_16, %dma_start3A_17] : memref<10112x128xf32, #tpu.memory_space<hbm>> -> memref<10112x128xf32, #tpu.memory_space<hbm>>
    tpu.enqueue_indirect_dma source(%dma_start3A_18 : memref<10112x128xf32, #tpu.memory_space<hbm>>) target(%arg11 : memref<128x128xf32, #tpu.memory_space<vmem>>) offsets(%arg9 : memref<128xi32, #tpu.memory_space<vmem>>) semaphore(%arg16 : memref<!tpu.dma_semaphore, #tpu.memory_space<semaphore_mem>>)
    %barrier3A = arith.constant 0 : index
    tpu.barrier barrier_id(%barrier3A)
    %scan3A = arith.constant 0 : i32
    %scan3A_19 = arith.constant 0 : i32
    %scan3A_20 = arith.constant 39 : i32
    %scan3A_21 = arith.addi %scan3A_19, %scan3A_20 : i32
    %scan3A_22 = arith.constant 1 : i32
    scf.for %scan3A_31 = %scan3A_19 to %scan3A_21 step %scan3A_22  : i32 {
      %mul3A_32 = arith.constant 2 : i32
      %mul3A_33 = arith.muli %mul3A_32, %scan3A_31 : i32
      %add3A_34 = arith.constant 1 : i32
      %add3A_35 = arith.addi %mul3A_33, %add3A_34 : i32
      %dma_wait3A_36 = arith.constant 0 : i32
      %dma_wait3A_37 = arith.constant 0 : i32
      %dma_wait3A_38 = tpu.memref_slice %arg2[%dma_wait3A_36, %dma_wait3A_37] : memref<10112x128xf32, #tpu.memory_space<hbm>> -> memref<10112x128xf32, #tpu.memory_space<hbm>>
      tpu.wait_indirect_dma semaphore(%arg15 : memref<!tpu.dma_semaphore, #tpu.memory_space<semaphore_mem>>) src(%dma_wait3A_38 : memref<10112x128xf32, #tpu.memory_space<hbm>>) dst(%arg10 : memref<128x128xf32, #tpu.memory_space<vmem>>)
      %dma_start3A_39 = arith.constant 0 : i32
      %dma_start3A_40 = tpu.memref_slice %arg7[%mul3A_33, %dma_start3A_39] : memref<80x128xi32, #tpu.memory_space<vmem>> -> memref<1x128xi32, #tpu.memory_space<vmem>>
      %dma_start3A_41 = tpu.memref_squeeze %dma_start3A_40 : memref<1x128xi32, #tpu.memory_space<vmem>> -> memref<128xi32, #tpu.memory_space<vmem>>
      %dma_start3A_42 = arith.constant 0 : i32
      %dma_start3A_43 = arith.constant 0 : i32
      %dma_start3A_44 = tpu.memref_slice %arg12[%dma_start3A_42, %dma_start3A_43] : memref<10112x128xf32, #tpu.memory_space<vmem_shared>> -> memref<10112x128xf32, #tpu.memory_space<vmem_shared>>
      tpu.enqueue_indirect_dma source(%arg10 : memref<128x128xf32, #tpu.memory_space<vmem>>) target(%dma_start3A_44 : memref<10112x128xf32, #tpu.memory_space<vmem_shared>>) offsets(%dma_start3A_41 : memref<128xi32, #tpu.memory_space<vmem>>) semaphore(%arg17 : memref<!tpu.dma_semaphore, #tpu.memory_space<semaphore_mem>>) {add = true}
      %add3A_45 = arith.constant 2 : i32
      %add3A_46 = arith.addi %mul3A_33, %add3A_45 : i32
      %mul3A_47 = arith.constant 128 : i32
      %mul3A_48 = arith.muli %add3A_46, %mul3A_47 : i32
      %add3A_49 = arith.addi %mul3A_4, %mul3A_48 : i32
      %dma_start3A_50 = tpu.memref_slice %arg4[%add3A_49] : memref<327680xi32, #tpu.memory_space<hbm>> -> memref<128xi32, #tpu.memory_space<hbm>>
      %dma_start3A_51 = tpu.memref_slice %arg4[%add3A_49] : memref<327680xi32, #tpu.memory_space<hbm>> -> memref<128xi32, #tpu.memory_space<hbm>>
      tpu.enqueue_dma source(%dma_start3A_51 : memref<128xi32, #tpu.memory_space<hbm>>) target(%arg8 : memref<128xi32, #tpu.memory_space<vmem>>) target_semaphore(%arg13 : memref<!tpu.dma_semaphore, #tpu.memory_space<semaphore_mem>>)
      %dma_wait3A_52 = arith.constant 0 : i32
      %dma_wait3A_53 = arith.constant 0 : i32
      %dma_wait3A_54 = tpu.memref_slice %arg2[%dma_wait3A_52, %dma_wait3A_53] : memref<10112x128xf32, #tpu.memory_space<hbm>> -> memref<10112x128xf32, #tpu.memory_space<hbm>>
      tpu.wait_indirect_dma semaphore(%arg16 : memref<!tpu.dma_semaphore, #tpu.memory_space<semaphore_mem>>) src(%dma_wait3A_54 : memref<10112x128xf32, #tpu.memory_space<hbm>>) dst(%arg11 : memref<128x128xf32, #tpu.memory_space<vmem>>)
      %dma_start3A_55 = arith.constant 0 : i32
      %dma_start3A_56 = tpu.memref_slice %arg7[%add3A_35, %dma_start3A_55] : memref<80x128xi32, #tpu.memory_space<vmem>> -> memref<1x128xi32, #tpu.memory_space<vmem>>
      %dma_start3A_57 = tpu.memref_squeeze %dma_start3A_56 : memref<1x128xi32, #tpu.memory_space<vmem>> -> memref<128xi32, #tpu.memory_space<vmem>>
      %dma_start3A_58 = arith.constant 0 : i32
      %dma_start3A_59 = arith.constant 0 : i32
      %dma_start3A_60 = tpu.memref_slice %arg12[%dma_start3A_58, %dma_start3A_59] : memref<10112x128xf32, #tpu.memory_space<vmem_shared>> -> memref<10112x128xf32, #tpu.memory_space<vmem_shared>>
      tpu.enqueue_indirect_dma source(%arg11 : memref<128x128xf32, #tpu.memory_space<vmem>>) target(%dma_start3A_60 : memref<10112x128xf32, #tpu.memory_space<vmem_shared>>) offsets(%dma_start3A_57 : memref<128xi32, #tpu.memory_space<vmem>>) semaphore(%arg18 : memref<!tpu.dma_semaphore, #tpu.memory_space<semaphore_mem>>) {add = true}
      %add3A_61 = arith.constant 2 : i32
      %add3A_62 = arith.addi %add3A_35, %add3A_61 : i32
      %mul3A_63 = arith.constant 128 : i32
      %mul3A_64 = arith.muli %add3A_62, %mul3A_63 : i32
      %add3A_65 = arith.addi %mul3A_4, %mul3A_64 : i32
      %dma_start3A_66 = tpu.memref_slice %arg4[%add3A_65] : memref<327680xi32, #tpu.memory_space<hbm>> -> memref<128xi32, #tpu.memory_space<hbm>>
      %dma_start3A_67 = tpu.memref_slice %arg4[%add3A_65] : memref<327680xi32, #tpu.memory_space<hbm>> -> memref<128xi32, #tpu.memory_space<hbm>>
      tpu.enqueue_dma source(%dma_start3A_67 : memref<128xi32, #tpu.memory_space<hbm>>) target(%arg9 : memref<128xi32, #tpu.memory_space<vmem>>) target_semaphore(%arg14 : memref<!tpu.dma_semaphore, #tpu.memory_space<semaphore_mem>>)
      %dma_wait3A_68 = arith.constant 0 : i32
      %dma_wait3A_69 = tpu.memref_slice %arg7[%mul3A_33, %dma_wait3A_68] : memref<80x128xi32, #tpu.memory_space<vmem>> -> memref<1x128xi32, #tpu.memory_space<vmem>>
      %dma_wait3A_70 = tpu.memref_squeeze %dma_wait3A_69 : memref<1x128xi32, #tpu.memory_space<vmem>> -> memref<128xi32, #tpu.memory_space<vmem>>
      %dma_wait3A_71 = arith.constant 0 : i32
      %dma_wait3A_72 = arith.constant 0 : i32
      %dma_wait3A_73 = tpu.memref_slice %arg12[%dma_wait3A_71, %dma_wait3A_72] : memref<10112x128xf32, #tpu.memory_space<vmem_shared>> -> memref<10112x128xf32, #tpu.memory_space<vmem_shared>>
      tpu.wait_indirect_dma semaphore(%arg17 : memref<!tpu.dma_semaphore, #tpu.memory_space<semaphore_mem>>) src(%arg10 : memref<128x128xf32, #tpu.memory_space<vmem>>) dst(%dma_wait3A_73 : memref<10112x128xf32, #tpu.memory_space<vmem_shared>>)
      %dma_wait3A_74 = tpu.memref_slice %arg4[%add3A_49] : memref<327680xi32, #tpu.memory_space<hbm>> -> memref<128xi32, #tpu.memory_space<hbm>>
      %dma_wait3A_75 = tpu.memref_slice %arg4[%add3A_49] : memref<327680xi32, #tpu.memory_space<hbm>> -> memref<128xi32, #tpu.memory_space<hbm>>
      tpu.wait_dma2 semaphore(%arg13 : memref<!tpu.dma_semaphore, #tpu.memory_space<semaphore_mem>>) src(%dma_wait3A_75 : memref<128xi32, #tpu.memory_space<hbm>>) dst(%arg8 : memref<128xi32, #tpu.memory_space<vmem>>)
      %dma_start3A_76 = arith.constant 0 : i32
      %dma_start3A_77 = arith.constant 0 : i32
      %dma_start3A_78 = tpu.memref_slice %arg2[%dma_start3A_76, %dma_start3A_77] : memref<10112x128xf32, #tpu.memory_space<hbm>> -> memref<10112x128xf32, #tpu.memory_space<hbm>>
      tpu.enqueue_indirect_dma source(%dma_start3A_78 : memref<10112x128xf32, #tpu.memory_space<hbm>>) target(%arg10 : memref<128x128xf32, #tpu.memory_space<vmem>>) offsets(%arg8 : memref<128xi32, #tpu.memory_space<vmem>>) semaphore(%arg15 : memref<!tpu.dma_semaphore, #tpu.memory_space<semaphore_mem>>)
      %dma_wait3A_79 = arith.constant 0 : i32
      %dma_wait3A_80 = tpu.memref_slice %arg7[%add3A_35, %dma_wait3A_79] : memref<80x128xi32, #tpu.memory_space<vmem>> -> memref<1x128xi32, #tpu.memory_space<vmem>>
      %dma_wait3A_81 = tpu.memref_squeeze %dma_wait3A_80 : memref<1x128xi32, #tpu.memory_space<vmem>> -> memref<128xi32, #tpu.memory_space<vmem>>
      %dma_wait3A_82 = arith.constant 0 : i32
      %dma_wait3A_83 = arith.constant 0 : i32
      %dma_wait3A_84 = tpu.memref_slice %arg12[%dma_wait3A_82, %dma_wait3A_83] : memref<10112x128xf32, #tpu.memory_space<vmem_shared>> -> memref<10112x128xf32, #tpu.memory_space<vmem_shared>>
      tpu.wait_indirect_dma semaphore(%arg18 : memref<!tpu.dma_semaphore, #tpu.memory_space<semaphore_mem>>) src(%arg11 : memref<128x128xf32, #tpu.memory_space<vmem>>) dst(%dma_wait3A_84 : memref<10112x128xf32, #tpu.memory_space<vmem_shared>>)
      %dma_wait3A_85 = tpu.memref_slice %arg4[%add3A_65] : memref<327680xi32, #tpu.memory_space<hbm>> -> memref<128xi32, #tpu.memory_space<hbm>>
      %dma_wait3A_86 = tpu.memref_slice %arg4[%add3A_65] : memref<327680xi32, #tpu.memory_space<hbm>> -> memref<128xi32, #tpu.memory_space<hbm>>
      tpu.wait_dma2 semaphore(%arg14 : memref<!tpu.dma_semaphore, #tpu.memory_space<semaphore_mem>>) src(%dma_wait3A_86 : memref<128xi32, #tpu.memory_space<hbm>>) dst(%arg9 : memref<128xi32, #tpu.memory_space<vmem>>)
      %dma_start3A_87 = arith.constant 0 : i32
      %dma_start3A_88 = arith.constant 0 : i32
      %dma_start3A_89 = tpu.memref_slice %arg2[%dma_start3A_87, %dma_start3A_88] : memref<10112x128xf32, #tpu.memory_space<hbm>> -> memref<10112x128xf32, #tpu.memory_space<hbm>>
      tpu.enqueue_indirect_dma source(%dma_start3A_89 : memref<10112x128xf32, #tpu.memory_space<hbm>>) target(%arg11 : memref<128x128xf32, #tpu.memory_space<vmem>>) offsets(%arg9 : memref<128xi32, #tpu.memory_space<vmem>>) semaphore(%arg16 : memref<!tpu.dma_semaphore, #tpu.memory_space<semaphore_mem>>)
    }
    %scan3A_23 = arith.constant 39 : i32
    %dma_wait3A = arith.constant 0 : i32
    %dma_wait3A_24 = arith.constant 0 : i32
    %dma_wait3A_25 = tpu.memref_slice %arg2[%dma_wait3A, %dma_wait3A_24] : memref<10112x128xf32, #tpu.memory_space<hbm>> -> memref<10112x128xf32, #tpu.memory_space<hbm>>
    tpu.wait_indirect_dma semaphore(%arg15 : memref<!tpu.dma_semaphore, #tpu.memory_space<semaphore_mem>>) src(%dma_wait3A_25 : memref<10112x128xf32, #tpu.memory_space<hbm>>) dst(%arg10 : memref<128x128xf32, #tpu.memory_space<vmem>>)
    %run_scoped3A = arith.constant 78 : i32
    "tpu.region"() ({
      %run_scoped3A_31 = tpu.sem_alloc : memref<!tpu.dma_semaphore, #tpu.memory_space<semaphore_mem>>
      %dma_start3A_32 = arith.constant 0 : i32
      %dma_start3A_33 = tpu.memref_slice %arg7[%run_scoped3A, %dma_start3A_32] : memref<80x128xi32, #tpu.memory_space<vmem>> -> memref<1x128xi32, #tpu.memory_space<vmem>>
      %dma_start3A_34 = tpu.memref_squeeze %dma_start3A_33 : memref<1x128xi32, #tpu.memory_space<vmem>> -> memref<128xi32, #tpu.memory_space<vmem>>
      %dma_start3A_35 = arith.constant 0 : i32
      %dma_start3A_36 = arith.constant 0 : i32
      %dma_start3A_37 = tpu.memref_slice %arg12[%dma_start3A_35, %dma_start3A_36] : memref<10112x128xf32, #tpu.memory_space<vmem_shared>> -> memref<10112x128xf32, #tpu.memory_space<vmem_shared>>
      tpu.enqueue_indirect_dma source(%arg10 : memref<128x128xf32, #tpu.memory_space<vmem>>) target(%dma_start3A_37 : memref<10112x128xf32, #tpu.memory_space<vmem_shared>>) offsets(%dma_start3A_34 : memref<128xi32, #tpu.memory_space<vmem>>) semaphore(%run_scoped3A_31 : memref<!tpu.dma_semaphore, #tpu.memory_space<semaphore_mem>>) {add = true}
      %dma_wait3A_38 = arith.constant 0 : i32
      %dma_wait3A_39 = tpu.memref_slice %arg7[%run_scoped3A, %dma_wait3A_38] : memref<80x128xi32, #tpu.memory_space<vmem>> -> memref<1x128xi32, #tpu.memory_space<vmem>>
      %dma_wait3A_40 = tpu.memref_squeeze %dma_wait3A_39 : memref<1x128xi32, #tpu.memory_space<vmem>> -> memref<128xi32, #tpu.memory_space<vmem>>
      %dma_wait3A_41 = arith.constant 0 : i32
      %dma_wait3A_42 = arith.constant 0 : i32
      %dma_wait3A_43 = tpu.memref_slice %arg12[%dma_wait3A_41, %dma_wait3A_42] : memref<10112x128xf32, #tpu.memory_space<vmem_shared>> -> memref<10112x128xf32, #tpu.memory_space<vmem_shared>>
      tpu.wait_indirect_dma semaphore(%run_scoped3A_31 : memref<!tpu.dma_semaphore, #tpu.memory_space<semaphore_mem>>) src(%arg10 : memref<128x128xf32, #tpu.memory_space<vmem>>) dst(%dma_wait3A_43 : memref<10112x128xf32, #tpu.memory_space<vmem_shared>>)
      tpu.yield
    }) : () -> ()
    %dma_wait3A_26 = arith.constant 0 : i32
    %dma_wait3A_27 = arith.constant 0 : i32
    %dma_wait3A_28 = tpu.memref_slice %arg2[%dma_wait3A_26, %dma_wait3A_27] : memref<10112x128xf32, #tpu.memory_space<hbm>> -> memref<10112x128xf32, #tpu.memory_space<hbm>>
    tpu.wait_indirect_dma semaphore(%arg16 : memref<!tpu.dma_semaphore, #tpu.memory_space<semaphore_mem>>) src(%dma_wait3A_28 : memref<10112x128xf32, #tpu.memory_space<hbm>>) dst(%arg11 : memref<128x128xf32, #tpu.memory_space<vmem>>)
    %run_scoped3A_29 = arith.constant 79 : i32
    "tpu.region"() ({
      %run_scoped3A_31 = tpu.sem_alloc : memref<!tpu.dma_semaphore, #tpu.memory_space<semaphore_mem>>
      %dma_start3A_32 = arith.constant 0 : i32
      %dma_start3A_33 = tpu.memref_slice %arg7[%run_scoped3A_29, %dma_start3A_32] : memref<80x128xi32, #tpu.memory_space<vmem>> -> memref<1x128xi32, #tpu.memory_space<vmem>>
      %dma_start3A_34 = tpu.memref_squeeze %dma_start3A_33 : memref<1x128xi32, #tpu.memory_space<vmem>> -> memref<128xi32, #tpu.memory_space<vmem>>
      %dma_start3A_35 = arith.constant 0 : i32
      %dma_start3A_36 = arith.constant 0 : i32
      %dma_start3A_37 = tpu.memref_slice %arg12[%dma_start3A_35, %dma_start3A_36] : memref<10112x128xf32, #tpu.memory_space<vmem_shared>> -> memref<10112x128xf32, #tpu.memory_space<vmem_shared>>
      tpu.enqueue_indirect_dma source(%arg11 : memref<128x128xf32, #tpu.memory_space<vmem>>) target(%dma_start3A_37 : memref<10112x128xf32, #tpu.memory_space<vmem_shared>>) offsets(%dma_start3A_34 : memref<128xi32, #tpu.memory_space<vmem>>) semaphore(%run_scoped3A_31 : memref<!tpu.dma_semaphore, #tpu.memory_space<semaphore_mem>>) {add = true}
      %dma_wait3A_38 = arith.constant 0 : i32
      %dma_wait3A_39 = tpu.memref_slice %arg7[%run_scoped3A_29, %dma_wait3A_38] : memref<80x128xi32, #tpu.memory_space<vmem>> -> memref<1x128xi32, #tpu.memory_space<vmem>>
      %dma_wait3A_40 = tpu.memref_squeeze %dma_wait3A_39 : memref<1x128xi32, #tpu.memory_space<vmem>> -> memref<128xi32, #tpu.memory_space<vmem>>
      %dma_wait3A_41 = arith.constant 0 : i32
      %dma_wait3A_42 = arith.constant 0 : i32
      %dma_wait3A_43 = tpu.memref_slice %arg12[%dma_wait3A_41, %dma_wait3A_42] : memref<10112x128xf32, #tpu.memory_space<vmem_shared>> -> memref<10112x128xf32, #tpu.memory_space<vmem_shared>>
      tpu.wait_indirect_dma semaphore(%run_scoped3A_31 : memref<!tpu.dma_semaphore, #tpu.memory_space<semaphore_mem>>) src(%arg11 : memref<128x128xf32, #tpu.memory_space<vmem>>) dst(%dma_wait3A_43 : memref<10112x128xf32, #tpu.memory_space<vmem_shared>>)
      tpu.yield
    }) : () -> ()
    %barrier3A_30 = arith.constant 0 : index
    tpu.barrier barrier_id(%barrier3A_30)
    "tpu.region"() ({
      %run_scoped3A_31 = tpu.sem_alloc : memref<!tpu.dma_semaphore, #tpu.memory_space<semaphore_mem>>
      %dma_start3A_32 = arith.constant 0 : i32
      %dma_start3A_33 = tpu.memref_slice %arg6[%arg0, %mul3A_2, %dma_start3A_32] : memref<2x10112x128xf32, #tpu.memory_space<hbm>> -> memref<1x632x128xf32, #tpu.memory_space<hbm>>
      %dma_start3A_34 = tpu.memref_squeeze %dma_start3A_33 : memref<1x632x128xf32, #tpu.memory_space<hbm>> -> memref<632x128xf32, #tpu.memory_space<hbm>>
      %dma_start3A_35 = arith.constant 0 : i32
      %dma_start3A_36 = tpu.memref_slice %arg12[%mul3A_2, %dma_start3A_35] : memref<10112x128xf32, #tpu.memory_space<vmem_shared>> -> memref<632x128xf32, #tpu.memory_space<vmem_shared>>
      tpu.enqueue_dma source(%dma_start3A_36 : memref<632x128xf32, #tpu.memory_space<vmem_shared>>) target(%dma_start3A_34 : memref<632x128xf32, #tpu.memory_space<hbm>>) target_semaphore(%run_scoped3A_31 : memref<!tpu.dma_semaphore, #tpu.memory_space<semaphore_mem>>)
      %dma_wait3A_37 = arith.constant 0 : i32
      %dma_wait3A_38 = tpu.memref_slice %arg6[%arg0, %mul3A_2, %dma_wait3A_37] : memref<2x10112x128xf32, #tpu.memory_space<hbm>> -> memref<1x632x128xf32, #tpu.memory_space<hbm>>
      %dma_wait3A_39 = tpu.memref_squeeze %dma_wait3A_38 : memref<1x632x128xf32, #tpu.memory_space<hbm>> -> memref<632x128xf32, #tpu.memory_space<hbm>>
      %dma_wait3A_40 = arith.constant 0 : i32
      %dma_wait3A_41 = tpu.memref_slice %arg12[%mul3A_2, %dma_wait3A_40] : memref<10112x128xf32, #tpu.memory_space<vmem_shared>> -> memref<632x128xf32, #tpu.memory_space<vmem_shared>>
      tpu.wait_dma2 semaphore(%run_scoped3A_31 : memref<!tpu.dma_semaphore, #tpu.memory_space<semaphore_mem>>) src(%dma_wait3A_41 : memref<632x128xf32, #tpu.memory_space<vmem_shared>>) dst(%dma_wait3A_39 : memref<632x128xf32, #tpu.memory_space<hbm>>)
      tpu.yield
    }) : () -> ()
    return
  }
}

#map = affine_map<(d0, d1) -> (0)>
#map1 = affine_map<(d0, d1) -> (0, 0, 0)>
module attributes {stable_mosaic.version = 14 : i64} {
  func.func @_prop2_body(%arg0: i32, %arg1: i32, %arg2: memref<20224xf32, #tpu.memory_space<hbm>>, %arg3: memref<10112xf32, #tpu.memory_space<hbm>>, %arg4: memref<10112xf32, #tpu.memory_space<hbm>>, %arg5: memref<10112xf32, #tpu.memory_space<hbm>>, %arg6: memref<32x80x128xi32, #tpu.memory_space<hbm>>, %arg7: memref<32x80x128xi32, #tpu.memory_space<hbm>>, %arg8: memref<20224xf32, #tpu.memory_space<hbm>>, %arg9: memref<20224xf32, #tpu.memory_space<hbm>>, %arg10: memref<20224xf32, #tpu.memory_space<hbm>>, %arg11: memref<80x128xi32, #tpu.memory_space<vmem>>, %arg12: memref<80x128xi32, #tpu.memory_space<vmem>>, %arg13: memref<640xf32, #tpu.memory_space<vmem>>, %arg14: memref<640xf32, #tpu.memory_space<vmem>>, %arg15: memref<640xf32, #tpu.memory_space<vmem>>, %arg16: memref<640xf32, #tpu.memory_space<vmem>>, %arg17: memref<640xf32, #tpu.memory_space<vmem>>, %arg18: memref<640xf32, #tpu.memory_space<vmem>>, %arg19: memref<632xf32, #tpu.memory_space<vmem>>, %arg20: memref<128xf32, #tpu.memory_space<vmem>>, %arg21: memref<128xf32, #tpu.memory_space<vmem>>, %arg22: memref<128xf32, #tpu.memory_space<vmem>>, %arg23: memref<128xf32, #tpu.memory_space<vmem>>, %arg24: memref<128xf32, #tpu.memory_space<vmem>>, %arg25: memref<128xf32, #tpu.memory_space<vmem>>, %arg26: memref<128xf32, #tpu.memory_space<vmem>>, %arg27: memref<128xf32, #tpu.memory_space<vmem>>, %arg28: memref<10112xf32, #tpu.memory_space<vmem_shared>>, %arg29: memref<10112xf32, #tpu.memory_space<vmem_shared>>, %arg30: memref<10112xf32, #tpu.memory_space<vmem_shared>>, %arg31: memref<10112xf32, #tpu.memory_space<vmem_shared>>, %arg32: memref<!tpu.dma_semaphore, #tpu.memory_space<semaphore_mem>>, %arg33: memref<!tpu.dma_semaphore, #tpu.memory_space<semaphore_mem>>, %arg34: memref<!tpu.dma_semaphore, #tpu.memory_space<semaphore_mem>>, %arg35: memref<!tpu.dma_semaphore, #tpu.memory_space<semaphore_mem>>, %arg36: memref<!tpu.dma_semaphore, #tpu.memory_space<semaphore_mem>>, %arg37: memref<!tpu.dma_semaphore, #tpu.memory_space<semaphore_mem>>, %arg38: memref<!tpu.dma_semaphore, #tpu.memory_space<semaphore_mem>>, %arg39: memref<!tpu.dma_semaphore, #tpu.memory_space<semaphore_mem>>, %arg40: memref<!tpu.dma_semaphore, #tpu.memory_space<semaphore_mem>>, %arg41: memref<!tpu.dma_semaphore, #tpu.memory_space<semaphore_mem>>, %arg42: memref<!tpu.dma_semaphore, #tpu.memory_space<semaphore_mem>>, %arg43: memref<!tpu.dma_semaphore, #tpu.memory_space<semaphore_mem>>, %arg44: memref<!tpu.dma_semaphore, #tpu.memory_space<semaphore_mem>>, %arg45: memref<!tpu.dma_semaphore, #tpu.memory_space<semaphore_mem>>, %arg46: memref<!tpu.dma_semaphore, #tpu.memory_space<semaphore_mem>>, %arg47: memref<!tpu.dma_semaphore, #tpu.memory_space<semaphore_mem>>) attributes {dimension_semantics = [#tpu.dimension_semantics<core_parallel>, #tpu.dimension_semantics<subcore_parallel>], iteration_bounds = array<i64: 2, 16>, scalar_prefetch = 0 : i64, scratch_operands = 37 : i64, tpu.core_type = #tpu.core_type<sc_vector_subcore>, window_params = [{transform_indices = #map}, {transform_indices = #map}, {transform_indices = #map}, {transform_indices = #map}, {transform_indices = #map1}, {transform_indices = #map1}, {transform_indices = #map}, {transform_indices = #map}, {transform_indices = #map}]} {
    %mul3A = arith.constant 16 : i32
    %mul3A_0 = arith.muli %arg0, %mul3A : i32
    %add3A = arith.addi %mul3A_0, %arg1 : i32
    %mul3A_1 = arith.constant 632 : i32
    %mul3A_2 = arith.muli %arg1, %mul3A_1 : i32
    %mul3A_3 = arith.constant 10240 : i32
    %mul3A_4 = arith.muli %add3A, %mul3A_3 : i32
    "tpu.region"() ({
      %run_scoped3A_1478 = tpu.sem_alloc : memref<!tpu.dma_semaphore, #tpu.memory_space<semaphore_mem>>
      %dma_start3A_1479 = arith.constant 0 : i32
      %dma_start3A_1480 = tpu.memref_slice %arg13[%dma_start3A_1479] : memref<640xf32, #tpu.memory_space<vmem>> -> memref<632xf32, #tpu.memory_space<vmem>>
      %dma_start3A_1481 = tpu.memref_slice %arg2[%mul3A_2] : memref<20224xf32, #tpu.memory_space<hbm>> -> memref<632xf32, #tpu.memory_space<hbm>>
      %dma_start3A_1482 = arith.constant 0 : i32
      %dma_start3A_1483 = tpu.memref_slice %arg13[%dma_start3A_1482] : memref<640xf32, #tpu.memory_space<vmem>> -> memref<632xf32, #tpu.memory_space<vmem>>
      %dma_start3A_1484 = tpu.memref_slice %arg2[%mul3A_2] : memref<20224xf32, #tpu.memory_space<hbm>> -> memref<632xf32, #tpu.memory_space<hbm>>
      tpu.enqueue_dma source(%dma_start3A_1484 : memref<632xf32, #tpu.memory_space<hbm>>) target(%dma_start3A_1483 : memref<632xf32, #tpu.memory_space<vmem>>) target_semaphore(%run_scoped3A_1478 : memref<!tpu.dma_semaphore, #tpu.memory_space<semaphore_mem>>)
      %dma_wait3A_1485 = arith.constant 0 : i32
      %dma_wait3A_1486 = tpu.memref_slice %arg13[%dma_wait3A_1485] : memref<640xf32, #tpu.memory_space<vmem>> -> memref<632xf32, #tpu.memory_space<vmem>>
      %dma_wait3A_1487 = tpu.memref_slice %arg2[%mul3A_2] : memref<20224xf32, #tpu.memory_space<hbm>> -> memref<632xf32, #tpu.memory_space<hbm>>
      %dma_wait3A_1488 = arith.constant 0 : i32
      %dma_wait3A_1489 = tpu.memref_slice %arg13[%dma_wait3A_1488] : memref<640xf32, #tpu.memory_space<vmem>> -> memref<632xf32, #tpu.memory_space<vmem>>
      %dma_wait3A_1490 = tpu.memref_slice %arg2[%mul3A_2] : memref<20224xf32, #tpu.memory_space<hbm>> -> memref<632xf32, #tpu.memory_space<hbm>>
      tpu.wait_dma2 semaphore(%run_scoped3A_1478 : memref<!tpu.dma_semaphore, #tpu.memory_space<semaphore_mem>>) src(%dma_wait3A_1490 : memref<632xf32, #tpu.memory_space<hbm>>) dst(%dma_wait3A_1489 : memref<632xf32, #tpu.memory_space<vmem>>)
      tpu.yield
    }) : () -> ()
    %add3A_5 = arith.constant 10112 : i32
    %add3A_6 = arith.addi %add3A_5, %mul3A_2 : i32
    "tpu.region"() ({
      %run_scoped3A_1478 = tpu.sem_alloc : memref<!tpu.dma_semaphore, #tpu.memory_space<semaphore_mem>>
      %dma_start3A_1479 = arith.constant 0 : i32
      %dma_start3A_1480 = tpu.memref_slice %arg14[%dma_start3A_1479] : memref<640xf32, #tpu.memory_space<vmem>> -> memref<632xf32, #tpu.memory_space<vmem>>
      %dma_start3A_1481 = tpu.memref_slice %arg2[%add3A_6] : memref<20224xf32, #tpu.memory_space<hbm>> -> memref<632xf32, #tpu.memory_space<hbm>>
      %dma_start3A_1482 = arith.constant 0 : i32
      %dma_start3A_1483 = tpu.memref_slice %arg14[%dma_start3A_1482] : memref<640xf32, #tpu.memory_space<vmem>> -> memref<632xf32, #tpu.memory_space<vmem>>
      %dma_start3A_1484 = tpu.memref_slice %arg2[%add3A_6] : memref<20224xf32, #tpu.memory_space<hbm>> -> memref<632xf32, #tpu.memory_space<hbm>>
      tpu.enqueue_dma source(%dma_start3A_1484 : memref<632xf32, #tpu.memory_space<hbm>>) target(%dma_start3A_1483 : memref<632xf32, #tpu.memory_space<vmem>>) target_semaphore(%run_scoped3A_1478 : memref<!tpu.dma_semaphore, #tpu.memory_space<semaphore_mem>>)
      %dma_wait3A_1485 = arith.constant 0 : i32
      %dma_wait3A_1486 = tpu.memref_slice %arg14[%dma_wait3A_1485] : memref<640xf32, #tpu.memory_space<vmem>> -> memref<632xf32, #tpu.memory_space<vmem>>
      %dma_wait3A_1487 = tpu.memref_slice %arg2[%add3A_6] : memref<20224xf32, #tpu.memory_space<hbm>> -> memref<632xf32, #tpu.memory_space<hbm>>
      %dma_wait3A_1488 = arith.constant 0 : i32
      %dma_wait3A_1489 = tpu.memref_slice %arg14[%dma_wait3A_1488] : memref<640xf32, #tpu.memory_space<vmem>> -> memref<632xf32, #tpu.memory_space<vmem>>
      %dma_wait3A_1490 = tpu.memref_slice %arg2[%add3A_6] : memref<20224xf32, #tpu.memory_space<hbm>> -> memref<632xf32, #tpu.memory_space<hbm>>
      tpu.wait_dma2 semaphore(%run_scoped3A_1478 : memref<!tpu.dma_semaphore, #tpu.memory_space<semaphore_mem>>) src(%dma_wait3A_1490 : memref<632xf32, #tpu.memory_space<hbm>>) dst(%dma_wait3A_1489 : memref<632xf32, #tpu.memory_space<vmem>>)
      tpu.yield
    }) : () -> ()
    "tpu.region"() ({
      %run_scoped3A_1478 = tpu.sem_alloc : memref<!tpu.dma_semaphore, #tpu.memory_space<semaphore_mem>>
      %dma_start3A_1479 = arith.constant 0 : i32
      %dma_start3A_1480 = tpu.memref_slice %arg15[%dma_start3A_1479] : memref<640xf32, #tpu.memory_space<vmem>> -> memref<632xf32, #tpu.memory_space<vmem>>
      %dma_start3A_1481 = tpu.memref_slice %arg3[%mul3A_2] : memref<10112xf32, #tpu.memory_space<hbm>> -> memref<632xf32, #tpu.memory_space<hbm>>
      %dma_start3A_1482 = arith.constant 0 : i32
      %dma_start3A_1483 = tpu.memref_slice %arg15[%dma_start3A_1482] : memref<640xf32, #tpu.memory_space<vmem>> -> memref<632xf32, #tpu.memory_space<vmem>>
      %dma_start3A_1484 = tpu.memref_slice %arg3[%mul3A_2] : memref<10112xf32, #tpu.memory_space<hbm>> -> memref<632xf32, #tpu.memory_space<hbm>>
      tpu.enqueue_dma source(%dma_start3A_1484 : memref<632xf32, #tpu.memory_space<hbm>>) target(%dma_start3A_1483 : memref<632xf32, #tpu.memory_space<vmem>>) target_semaphore(%run_scoped3A_1478 : memref<!tpu.dma_semaphore, #tpu.memory_space<semaphore_mem>>)
      %dma_wait3A_1485 = arith.constant 0 : i32
      %dma_wait3A_1486 = tpu.memref_slice %arg15[%dma_wait3A_1485] : memref<640xf32, #tpu.memory_space<vmem>> -> memref<632xf32, #tpu.memory_space<vmem>>
      %dma_wait3A_1487 = tpu.memref_slice %arg3[%mul3A_2] : memref<10112xf32, #tpu.memory_space<hbm>> -> memref<632xf32, #tpu.memory_space<hbm>>
      %dma_wait3A_1488 = arith.constant 0 : i32
      %dma_wait3A_1489 = tpu.memref_slice %arg15[%dma_wait3A_1488] : memref<640xf32, #tpu.memory_space<vmem>> -> memref<632xf32, #tpu.memory_space<vmem>>
      %dma_wait3A_1490 = tpu.memref_slice %arg3[%mul3A_2] : memref<10112xf32, #tpu.memory_space<hbm>> -> memref<632xf32, #tpu.memory_space<hbm>>
      tpu.wait_dma2 semaphore(%run_scoped3A_1478 : memref<!tpu.dma_semaphore, #tpu.memory_space<semaphore_mem>>) src(%dma_wait3A_1490 : memref<632xf32, #tpu.memory_space<hbm>>) dst(%dma_wait3A_1489 : memref<632xf32, #tpu.memory_space<vmem>>)
      tpu.yield
    }) : () -> ()
    "tpu.region"() ({
      %run_scoped3A_1478 = tpu.sem_alloc : memref<!tpu.dma_semaphore, #tpu.memory_space<semaphore_mem>>
      %dma_start3A_1479 = arith.constant 0 : i32
      %dma_start3A_1480 = tpu.memref_slice %arg16[%dma_start3A_1479] : memref<640xf32, #tpu.memory_space<vmem>> -> memref<632xf32, #tpu.memory_space<vmem>>
      %dma_start3A_1481 = tpu.memref_slice %arg4[%mul3A_2] : memref<10112xf32, #tpu.memory_space<hbm>> -> memref<632xf32, #tpu.memory_space<hbm>>
      %dma_start3A_1482 = arith.constant 0 : i32
      %dma_start3A_1483 = tpu.memref_slice %arg16[%dma_start3A_1482] : memref<640xf32, #tpu.memory_space<vmem>> -> memref<632xf32, #tpu.memory_space<vmem>>
      %dma_start3A_1484 = tpu.memref_slice %arg4[%mul3A_2] : memref<10112xf32, #tpu.memory_space<hbm>> -> memref<632xf32, #tpu.memory_space<hbm>>
      tpu.enqueue_dma source(%dma_start3A_1484 : memref<632xf32, #tpu.memory_space<hbm>>) target(%dma_start3A_1483 : memref<632xf32, #tpu.memory_space<vmem>>) target_semaphore(%run_scoped3A_1478 : memref<!tpu.dma_semaphore, #tpu.memory_space<semaphore_mem>>)
      %dma_wait3A_1485 = arith.constant 0 : i32
      %dma_wait3A_1486 = tpu.memref_slice %arg16[%dma_wait3A_1485] : memref<640xf32, #tpu.memory_space<vmem>> -> memref<632xf32, #tpu.memory_space<vmem>>
      %dma_wait3A_1487 = tpu.memref_slice %arg4[%mul3A_2] : memref<10112xf32, #tpu.memory_space<hbm>> -> memref<632xf32, #tpu.memory_space<hbm>>
      %dma_wait3A_1488 = arith.constant 0 : i32
      %dma_wait3A_1489 = tpu.memref_slice %arg16[%dma_wait3A_1488] : memref<640xf32, #tpu.memory_space<vmem>> -> memref<632xf32, #tpu.memory_space<vmem>>
      %dma_wait3A_1490 = tpu.memref_slice %arg4[%mul3A_2] : memref<10112xf32, #tpu.memory_space<hbm>> -> memref<632xf32, #tpu.memory_space<hbm>>
      tpu.wait_dma2 semaphore(%run_scoped3A_1478 : memref<!tpu.dma_semaphore, #tpu.memory_space<semaphore_mem>>) src(%dma_wait3A_1490 : memref<632xf32, #tpu.memory_space<hbm>>) dst(%dma_wait3A_1489 : memref<632xf32, #tpu.memory_space<vmem>>)
      tpu.yield
    }) : () -> ()
    %get3A = arith.constant 0 : index
    %get3A_7 = tpu.vector_load %arg16[%get3A] {strides = array<i32>} : memref<640xf32, #tpu.memory_space<vmem>>, vector<16xf32>,
    %get3A_8 = vector.shape_cast %get3A_7 : vector<16xf32> to vector<16xf32>
    %get3A_9 = arith.constant 0 : index
    %get3A_10 = tpu.vector_load %arg13[%get3A_9] {strides = array<i32>} : memref<640xf32, #tpu.memory_space<vmem>>, vector<16xf32>,
    %get3A_11 = vector.shape_cast %get3A_10 : vector<16xf32> to vector<16xf32>
    %get3A_12 = arith.constant 0 : index
    %get3A_13 = tpu.vector_load %arg14[%get3A_12] {strides = array<i32>} : memref<640xf32, #tpu.memory_space<vmem>>, vector<16xf32>,
    %get3A_14 = vector.shape_cast %get3A_13 : vector<16xf32> to vector<16xf32>
    %add3A_15 = arith.addf %get3A_11, %get3A_14 : vector<16xf32>
    %get3A_16 = arith.constant 0 : index
    %get3A_17 = tpu.vector_load %arg15[%get3A_16] {strides = array<i32>} : memref<640xf32, #tpu.memory_space<vmem>>, vector<16xf32>,
    %get3A_18 = vector.shape_cast %get3A_17 : vector<16xf32> to vector<16xf32>
    %add3A_19 = arith.addf %add3A_15, %get3A_18 : vector<16xf32>
    %mul3A_20 = arith.mulf %get3A_8, %add3A_19 : vector<16xf32>
    %max3A = arith.constant 0.000000e+00 : f32
    %max3A_21 = vector.broadcast %max3A : f32 to vector<16xf32>
    %max3A_22 = arith.maximumf %mul3A_20, %max3A_21 : vector<16xf32>
    %mul3A_23 = arith.mulf %max3A_22, %get3A_8 : vector<16xf32>
    %swap3A = arith.constant 0 : index
    %swap3A_24 = tpu.vector_load %arg17[%swap3A] {strides = array<i32>} : memref<640xf32, #tpu.memory_space<vmem>>, vector<16xf32>,
    %swap3A_25 = vector.shape_cast %swap3A_24 : vector<16xf32> to vector<16xf32>
    %swap3A_26 = vector.shape_cast %mul3A_23 : vector<16xf32> to vector<16xf32>
    tpu.vector_store %arg17[%swap3A], %swap3A_26 {strides = array<i32>} : memref<640xf32, #tpu.memory_space<vmem>>, vector<16xf32>,
    %neg3A = arith.constant 0.000000e+00 : f32
    %neg3A_27 = vector.broadcast %neg3A : f32 to vector<16xf32>
    %neg3A_28 = arith.subf %neg3A_27, %mul3A_20 : vector<16xf32>
    %max3A_29 = arith.constant 0.000000e+00 : f32
    %max3A_30 = vector.broadcast %max3A_29 : f32 to vector<16xf32>
    %max3A_31 = arith.maximumf %neg3A_28, %max3A_30 : vector<16xf32>
    %mul3A_32 = arith.mulf %max3A_31, %get3A_8 : vector<16xf32>
    %swap3A_33 = arith.constant 0 : index
    %swap3A_34 = tpu.vector_load %arg18[%swap3A_33] {strides = array<i32>} : memref<640xf32, #tpu.memory_space<vmem>>, vector<16xf32>,
    %swap3A_35 = vector.shape_cast %swap3A_34 : vector<16xf32> to vector<16xf32>
    %swap3A_36 = vector.shape_cast %mul3A_32 : vector<16xf32> to vector<16xf32>
    tpu.vector_store %arg18[%swap3A_33], %swap3A_36 {strides = array<i32>} : memref<640xf32, #tpu.memory_space<vmem>>, vector<16xf32>,
    %get3A_37 = arith.constant 16 : index
    %get3A_38 = tpu.vector_load %arg16[%get3A_37] {strides = array<i32>} : memref<640xf32, #tpu.memory_space<vmem>>, vector<16xf32>,
    %get3A_39 = vector.shape_cast %get3A_38 : vector<16xf32> to vector<16xf32>
    %get3A_40 = arith.constant 16 : index
    %get3A_41 = tpu.vector_load %arg13[%get3A_40] {strides = array<i32>} : memref<640xf32, #tpu.memory_space<vmem>>, vector<16xf32>,
    %get3A_42 = vector.shape_cast %get3A_41 : vector<16xf32> to vector<16xf32>
    %get3A_43 = arith.constant 16 : index
    %get3A_44 = tpu.vector_load %arg14[%get3A_43] {strides = array<i32>} : memref<640xf32, #tpu.memory_space<vmem>>, vector<16xf32>,
    %get3A_45 = vector.shape_cast %get3A_44 : vector<16xf32> to vector<16xf32>
    %add3A_46 = arith.addf %get3A_42, %get3A_45 : vector<16xf32>
    %get3A_47 = arith.constant 16 : index
    %get3A_48 = tpu.vector_load %arg15[%get3A_47] {strides = array<i32>} : memref<640xf32, #tpu.memory_space<vmem>>, vector<16xf32>,
    %get3A_49 = vector.shape_cast %get3A_48 : vector<16xf32> to vector<16xf32>
    %add3A_50 = arith.addf %add3A_46, %get3A_49 : vector<16xf32>
    %mul3A_51 = arith.mulf %get3A_39, %add3A_50 : vector<16xf32>
    %max3A_52 = arith.constant 0.000000e+00 : f32
    %max3A_53 = vector.broadcast %max3A_52 : f32 to vector<16xf32>
    %max3A_54 = arith.maximumf %mul3A_51, %max3A_53 : vector<16xf32>
    %mul3A_55 = arith.mulf %max3A_54, %get3A_39 : vector<16xf32>
    %swap3A_56 = arith.constant 16 : index
    %swap3A_57 = tpu.vector_load %arg17[%swap3A_56] {strides = array<i32>} : memref<640xf32, #tpu.memory_space<vmem>>, vector<16xf32>,
    %swap3A_58 = vector.shape_cast %swap3A_57 : vector<16xf32> to vector<16xf32>
    %swap3A_59 = vector.shape_cast %mul3A_55 : vector<16xf32> to vector<16xf32>
    tpu.vector_store %arg17[%swap3A_56], %swap3A_59 {strides = array<i32>} : memref<640xf32, #tpu.memory_space<vmem>>, vector<16xf32>,
    %neg3A_60 = arith.constant 0.000000e+00 : f32
    %neg3A_61 = vector.broadcast %neg3A_60 : f32 to vector<16xf32>
    %neg3A_62 = arith.subf %neg3A_61, %mul3A_51 : vector<16xf32>
    %max3A_63 = arith.constant 0.000000e+00 : f32
    %max3A_64 = vector.broadcast %max3A_63 : f32 to vector<16xf32>
    %max3A_65 = arith.maximumf %neg3A_62, %max3A_64 : vector<16xf32>
    %mul3A_66 = arith.mulf %max3A_65, %get3A_39 : vector<16xf32>
    %swap3A_67 = arith.constant 16 : index
    %swap3A_68 = tpu.vector_load %arg18[%swap3A_67] {strides = array<i32>} : memref<640xf32, #tpu.memory_space<vmem>>, vector<16xf32>,
    %swap3A_69 = vector.shape_cast %swap3A_68 : vector<16xf32> to vector<16xf32>
    %swap3A_70 = vector.shape_cast %mul3A_66 : vector<16xf32> to vector<16xf32>
    tpu.vector_store %arg18[%swap3A_67], %swap3A_70 {strides = array<i32>} : memref<640xf32, #tpu.memory_space<vmem>>, vector<16xf32>,
    %get3A_71 = arith.constant 32 : index
    %get3A_72 = tpu.vector_load %arg16[%get3A_71] {strides = array<i32>} : memref<640xf32, #tpu.memory_space<vmem>>, vector<16xf32>,
    %get3A_73 = vector.shape_cast %get3A_72 : vector<16xf32> to vector<16xf32>
    %get3A_74 = arith.constant 32 : index
    %get3A_75 = tpu.vector_load %arg13[%get3A_74] {strides = array<i32>} : memref<640xf32, #tpu.memory_space<vmem>>, vector<16xf32>,
    %get3A_76 = vector.shape_cast %get3A_75 : vector<16xf32> to vector<16xf32>
    %get3A_77 = arith.constant 32 : index
    %get3A_78 = tpu.vector_load %arg14[%get3A_77] {strides = array<i32>} : memref<640xf32, #tpu.memory_space<vmem>>, vector<16xf32>,
    %get3A_79 = vector.shape_cast %get3A_78 : vector<16xf32> to vector<16xf32>
    %add3A_80 = arith.addf %get3A_76, %get3A_79 : vector<16xf32>
    %get3A_81 = arith.constant 32 : index
    %get3A_82 = tpu.vector_load %arg15[%get3A_81] {strides = array<i32>} : memref<640xf32, #tpu.memory_space<vmem>>, vector<16xf32>,
    %get3A_83 = vector.shape_cast %get3A_82 : vector<16xf32> to vector<16xf32>
    %add3A_84 = arith.addf %add3A_80, %get3A_83 : vector<16xf32>
    %mul3A_85 = arith.mulf %get3A_73, %add3A_84 : vector<16xf32>
    %max3A_86 = arith.constant 0.000000e+00 : f32
    %max3A_87 = vector.broadcast %max3A_86 : f32 to vector<16xf32>
    %max3A_88 = arith.maximumf %mul3A_85, %max3A_87 : vector<16xf32>
    %mul3A_89 = arith.mulf %max3A_88, %get3A_73 : vector<16xf32>
    %swap3A_90 = arith.constant 32 : index
    %swap3A_91 = tpu.vector_load %arg17[%swap3A_90] {strides = array<i32>} : memref<640xf32, #tpu.memory_space<vmem>>, vector<16xf32>,
    %swap3A_92 = vector.shape_cast %swap3A_91 : vector<16xf32> to vector<16xf32>
    %swap3A_93 = vector.shape_cast %mul3A_89 : vector<16xf32> to vector<16xf32>
    tpu.vector_store %arg17[%swap3A_90], %swap3A_93 {strides = array<i32>} : memref<640xf32, #tpu.memory_space<vmem>>, vector<16xf32>,
    %neg3A_94 = arith.constant 0.000000e+00 : f32
    %neg3A_95 = vector.broadcast %neg3A_94 : f32 to vector<16xf32>
    %neg3A_96 = arith.subf %neg3A_95, %mul3A_85 : vector<16xf32>
    %max3A_97 = arith.constant 0.000000e+00 : f32
    %max3A_98 = vector.broadcast %max3A_97 : f32 to vector<16xf32>
    %max3A_99 = arith.maximumf %neg3A_96, %max3A_98 : vector<16xf32>
    %mul3A_100 = arith.mulf %max3A_99, %get3A_73 : vector<16xf32>
    %swap3A_101 = arith.constant 32 : index
    %swap3A_102 = tpu.vector_load %arg18[%swap3A_101] {strides = array<i32>} : memref<640xf32, #tpu.memory_space<vmem>>, vector<16xf32>,
    %swap3A_103 = vector.shape_cast %swap3A_102 : vector<16xf32> to vector<16xf32>
    %swap3A_104 = vector.shape_cast %mul3A_100 : vector<16xf32> to vector<16xf32>
    tpu.vector_store %arg18[%swap3A_101], %swap3A_104 {strides = array<i32>} : memref<640xf32, #tpu.memory_space<vmem>>, vector<16xf32>,
    %get3A_105 = arith.constant 48 : index
    %get3A_106 = tpu.vector_load %arg16[%get3A_105] {strides = array<i32>} : memref<640xf32, #tpu.memory_space<vmem>>, vector<16xf32>,
    %get3A_107 = vector.shape_cast %get3A_106 : vector<16xf32> to vector<16xf32>
    %get3A_108 = arith.constant 48 : index
    %get3A_109 = tpu.vector_load %arg13[%get3A_108] {strides = array<i32>} : memref<640xf32, #tpu.memory_space<vmem>>, vector<16xf32>,
    %get3A_110 = vector.shape_cast %get3A_109 : vector<16xf32> to vector<16xf32>
    %get3A_111 = arith.constant 48 : index
    %get3A_112 = tpu.vector_load %arg14[%get3A_111] {strides = array<i32>} : memref<640xf32, #tpu.memory_space<vmem>>, vector<16xf32>,
    %get3A_113 = vector.shape_cast %get3A_112 : vector<16xf32> to vector<16xf32>
    %add3A_114 = arith.addf %get3A_110, %get3A_113 : vector<16xf32>
    %get3A_115 = arith.constant 48 : index
    %get3A_116 = tpu.vector_load %arg15[%get3A_115] {strides = array<i32>} : memref<640xf32, #tpu.memory_space<vmem>>, vector<16xf32>,
    %get3A_117 = vector.shape_cast %get3A_116 : vector<16xf32> to vector<16xf32>
    %add3A_118 = arith.addf %add3A_114, %get3A_117 : vector<16xf32>
    %mul3A_119 = arith.mulf %get3A_107, %add3A_118 : vector<16xf32>
    %max3A_120 = arith.constant 0.000000e+00 : f32
    %max3A_121 = vector.broadcast %max3A_120 : f32 to vector<16xf32>
    %max3A_122 = arith.maximumf %mul3A_119, %max3A_121 : vector<16xf32>
    %mul3A_123 = arith.mulf %max3A_122, %get3A_107 : vector<16xf32>
    %swap3A_124 = arith.constant 48 : index
    %swap3A_125 = tpu.vector_load %arg17[%swap3A_124] {strides = array<i32>} : memref<640xf32, #tpu.memory_space<vmem>>, vector<16xf32>,
    %swap3A_126 = vector.shape_cast %swap3A_125 : vector<16xf32> to vector<16xf32>
    %swap3A_127 = vector.shape_cast %mul3A_123 : vector<16xf32> to vector<16xf32>
    tpu.vector_store %arg17[%swap3A_124], %swap3A_127 {strides = array<i32>} : memref<640xf32, #tpu.memory_space<vmem>>, vector<16xf32>,
    %neg3A_128 = arith.constant 0.000000e+00 : f32
    %neg3A_129 = vector.broadcast %neg3A_128 : f32 to vector<16xf32>
    %neg3A_130 = arith.subf %neg3A_129, %mul3A_119 : vector<16xf32>
    %max3A_131 = arith.constant 0.000000e+00 : f32
    %max3A_132 = vector.broadcast %max3A_131 : f32 to vector<16xf32>
    %max3A_133 = arith.maximumf %neg3A_130, %max3A_132 : vector<16xf32>
    %mul3A_134 = arith.mulf %max3A_133, %get3A_107 : vector<16xf32>
    %swap3A_135 = arith.constant 48 : index
    %swap3A_136 = tpu.vector_load %arg18[%swap3A_135] {strides = array<i32>} : memref<640xf32, #tpu.memory_space<vmem>>, vector<16xf32>,
    %swap3A_137 = vector.shape_cast %swap3A_136 : vector<16xf32> to vector<16xf32>
    %swap3A_138 = vector.shape_cast %mul3A_134 : vector<16xf32> to vector<16xf32>
    tpu.vector_store %arg18[%swap3A_135], %swap3A_138 {strides = array<i32>} : memref<640xf32, #tpu.memory_space<vmem>>, vector<16xf32>,
    %get3A_139 = arith.constant 64 : index
    %get3A_140 = tpu.vector_load %arg16[%get3A_139] {strides = array<i32>} : memref<640xf32, #tpu.memory_space<vmem>>, vector<16xf32>,
    %get3A_141 = vector.shape_cast %get3A_140 : vector<16xf32> to vector<16xf32>
    %get3A_142 = arith.constant 64 : index
    %get3A_143 = tpu.vector_load %arg13[%get3A_142] {strides = array<i32>} : memref<640xf32, #tpu.memory_space<vmem>>, vector<16xf32>,
    %get3A_144 = vector.shape_cast %get3A_143 : vector<16xf32> to vector<16xf32>
    %get3A_145 = arith.constant 64 : index
    %get3A_146 = tpu.vector_load %arg14[%get3A_145] {strides = array<i32>} : memref<640xf32, #tpu.memory_space<vmem>>, vector<16xf32>,
    %get3A_147 = vector.shape_cast %get3A_146 : vector<16xf32> to vector<16xf32>
    %add3A_148 = arith.addf %get3A_144, %get3A_147 : vector<16xf32>
    %get3A_149 = arith.constant 64 : index
    %get3A_150 = tpu.vector_load %arg15[%get3A_149] {strides = array<i32>} : memref<640xf32, #tpu.memory_space<vmem>>, vector<16xf32>,
    %get3A_151 = vector.shape_cast %get3A_150 : vector<16xf32> to vector<16xf32>
    %add3A_152 = arith.addf %add3A_148, %get3A_151 : vector<16xf32>
    %mul3A_153 = arith.mulf %get3A_141, %add3A_152 : vector<16xf32>
    %max3A_154 = arith.constant 0.000000e+00 : f32
    %max3A_155 = vector.broadcast %max3A_154 : f32 to vector<16xf32>
    %max3A_156 = arith.maximumf %mul3A_153, %max3A_155 : vector<16xf32>
    %mul3A_157 = arith.mulf %max3A_156, %get3A_141 : vector<16xf32>
    %swap3A_158 = arith.constant 64 : index
    %swap3A_159 = tpu.vector_load %arg17[%swap3A_158] {strides = array<i32>} : memref<640xf32, #tpu.memory_space<vmem>>, vector<16xf32>,
    %swap3A_160 = vector.shape_cast %swap3A_159 : vector<16xf32> to vector<16xf32>
    %swap3A_161 = vector.shape_cast %mul3A_157 : vector<16xf32> to vector<16xf32>
    tpu.vector_store %arg17[%swap3A_158], %swap3A_161 {strides = array<i32>} : memref<640xf32, #tpu.memory_space<vmem>>, vector<16xf32>,
    %neg3A_162 = arith.constant 0.000000e+00 : f32
    %neg3A_163 = vector.broadcast %neg3A_162 : f32 to vector<16xf32>
    %neg3A_164 = arith.subf %neg3A_163, %mul3A_153 : vector<16xf32>
    %max3A_165 = arith.constant 0.000000e+00 : f32
    %max3A_166 = vector.broadcast %max3A_165 : f32 to vector<16xf32>
    %max3A_167 = arith.maximumf %neg3A_164, %max3A_166 : vector<16xf32>
    %mul3A_168 = arith.mulf %max3A_167, %get3A_141 : vector<16xf32>
    %swap3A_169 = arith.constant 64 : index
    %swap3A_170 = tpu.vector_load %arg18[%swap3A_169] {strides = array<i32>} : memref<640xf32, #tpu.memory_space<vmem>>, vector<16xf32>,
    %swap3A_171 = vector.shape_cast %swap3A_170 : vector<16xf32> to vector<16xf32>
    %swap3A_172 = vector.shape_cast %mul3A_168 : vector<16xf32> to vector<16xf32>
    tpu.vector_store %arg18[%swap3A_169], %swap3A_172 {strides = array<i32>} : memref<640xf32, #tpu.memory_space<vmem>>, vector<16xf32>,
    %get3A_173 = arith.constant 80 : index
    %get3A_174 = tpu.vector_load %arg16[%get3A_173] {strides = array<i32>} : memref<640xf32, #tpu.memory_space<vmem>>, vector<16xf32>,
    %get3A_175 = vector.shape_cast %get3A_174 : vector<16xf32> to vector<16xf32>
    %get3A_176 = arith.constant 80 : index
    %get3A_177 = tpu.vector_load %arg13[%get3A_176] {strides = array<i32>} : memref<640xf32, #tpu.memory_space<vmem>>, vector<16xf32>,
    %get3A_178 = vector.shape_cast %get3A_177 : vector<16xf32> to vector<16xf32>
    %get3A_179 = arith.constant 80 : index
    %get3A_180 = tpu.vector_load %arg14[%get3A_179] {strides = array<i32>} : memref<640xf32, #tpu.memory_space<vmem>>, vector<16xf32>,
    %get3A_181 = vector.shape_cast %get3A_180 : vector<16xf32> to vector<16xf32>
    %add3A_182 = arith.addf %get3A_178, %get3A_181 : vector<16xf32>
    %get3A_183 = arith.constant 80 : index
    %get3A_184 = tpu.vector_load %arg15[%get3A_183] {strides = array<i32>} : memref<640xf32, #tpu.memory_space<vmem>>, vector<16xf32>,
    %get3A_185 = vector.shape_cast %get3A_184 : vector<16xf32> to vector<16xf32>
    %add3A_186 = arith.addf %add3A_182, %get3A_185 : vector<16xf32>
    %mul3A_187 = arith.mulf %get3A_175, %add3A_186 : vector<16xf32>
    %max3A_188 = arith.constant 0.000000e+00 : f32
    %max3A_189 = vector.broadcast %max3A_188 : f32 to vector<16xf32>
    %max3A_190 = arith.maximumf %mul3A_187, %max3A_189 : vector<16xf32>
    %mul3A_191 = arith.mulf %max3A_190, %get3A_175 : vector<16xf32>
    %swap3A_192 = arith.constant 80 : index
    %swap3A_193 = tpu.vector_load %arg17[%swap3A_192] {strides = array<i32>} : memref<640xf32, #tpu.memory_space<vmem>>, vector<16xf32>,
    %swap3A_194 = vector.shape_cast %swap3A_193 : vector<16xf32> to vector<16xf32>
    %swap3A_195 = vector.shape_cast %mul3A_191 : vector<16xf32> to vector<16xf32>
    tpu.vector_store %arg17[%swap3A_192], %swap3A_195 {strides = array<i32>} : memref<640xf32, #tpu.memory_space<vmem>>, vector<16xf32>,
    %neg3A_196 = arith.constant 0.000000e+00 : f32
    %neg3A_197 = vector.broadcast %neg3A_196 : f32 to vector<16xf32>
    %neg3A_198 = arith.subf %neg3A_197, %mul3A_187 : vector<16xf32>
    %max3A_199 = arith.constant 0.000000e+00 : f32
    %max3A_200 = vector.broadcast %max3A_199 : f32 to vector<16xf32>
    %max3A_201 = arith.maximumf %neg3A_198, %max3A_200 : vector<16xf32>
    %mul3A_202 = arith.mulf %max3A_201, %get3A_175 : vector<16xf32>
    %swap3A_203 = arith.constant 80 : index
    %swap3A_204 = tpu.vector_load %arg18[%swap3A_203] {strides = array<i32>} : memref<640xf32, #tpu.memory_space<vmem>>, vector<16xf32>,
    %swap3A_205 = vector.shape_cast %swap3A_204 : vector<16xf32> to vector<16xf32>
    %swap3A_206 = vector.shape_cast %mul3A_202 : vector<16xf32> to vector<16xf32>
    tpu.vector_store %arg18[%swap3A_203], %swap3A_206 {strides = array<i32>} : memref<640xf32, #tpu.memory_space<vmem>>, vector<16xf32>,
    %get3A_207 = arith.constant 96 : index
    %get3A_208 = tpu.vector_load %arg16[%get3A_207] {strides = array<i32>} : memref<640xf32, #tpu.memory_space<vmem>>, vector<16xf32>,
    %get3A_209 = vector.shape_cast %get3A_208 : vector<16xf32> to vector<16xf32>
    %get3A_210 = arith.constant 96 : index
    %get3A_211 = tpu.vector_load %arg13[%get3A_210] {strides = array<i32>} : memref<640xf32, #tpu.memory_space<vmem>>, vector<16xf32>,
    %get3A_212 = vector.shape_cast %get3A_211 : vector<16xf32> to vector<16xf32>
    %get3A_213 = arith.constant 96 : index
    %get3A_214 = tpu.vector_load %arg14[%get3A_213] {strides = array<i32>} : memref<640xf32, #tpu.memory_space<vmem>>, vector<16xf32>,
    %get3A_215 = vector.shape_cast %get3A_214 : vector<16xf32> to vector<16xf32>
    %add3A_216 = arith.addf %get3A_212, %get3A_215 : vector<16xf32>
    %get3A_217 = arith.constant 96 : index
    %get3A_218 = tpu.vector_load %arg15[%get3A_217] {strides = array<i32>} : memref<640xf32, #tpu.memory_space<vmem>>, vector<16xf32>,
    %get3A_219 = vector.shape_cast %get3A_218 : vector<16xf32> to vector<16xf32>
    %add3A_220 = arith.addf %add3A_216, %get3A_219 : vector<16xf32>
    %mul3A_221 = arith.mulf %get3A_209, %add3A_220 : vector<16xf32>
    %max3A_222 = arith.constant 0.000000e+00 : f32
    %max3A_223 = vector.broadcast %max3A_222 : f32 to vector<16xf32>
    %max3A_224 = arith.maximumf %mul3A_221, %max3A_223 : vector<16xf32>
    %mul3A_225 = arith.mulf %max3A_224, %get3A_209 : vector<16xf32>
    %swap3A_226 = arith.constant 96 : index
    %swap3A_227 = tpu.vector_load %arg17[%swap3A_226] {strides = array<i32>} : memref<640xf32, #tpu.memory_space<vmem>>, vector<16xf32>,
    %swap3A_228 = vector.shape_cast %swap3A_227 : vector<16xf32> to vector<16xf32>
    %swap3A_229 = vector.shape_cast %mul3A_225 : vector<16xf32> to vector<16xf32>
    tpu.vector_store %arg17[%swap3A_226], %swap3A_229 {strides = array<i32>} : memref<640xf32, #tpu.memory_space<vmem>>, vector<16xf32>,
    %neg3A_230 = arith.constant 0.000000e+00 : f32
    %neg3A_231 = vector.broadcast %neg3A_230 : f32 to vector<16xf32>
    %neg3A_232 = arith.subf %neg3A_231, %mul3A_221 : vector<16xf32>
    %max3A_233 = arith.constant 0.000000e+00 : f32
    %max3A_234 = vector.broadcast %max3A_233 : f32 to vector<16xf32>
    %max3A_235 = arith.maximumf %neg3A_232, %max3A_234 : vector<16xf32>
    %mul3A_236 = arith.mulf %max3A_235, %get3A_209 : vector<16xf32>
    %swap3A_237 = arith.constant 96 : index
    %swap3A_238 = tpu.vector_load %arg18[%swap3A_237] {strides = array<i32>} : memref<640xf32, #tpu.memory_space<vmem>>, vector<16xf32>,
    %swap3A_239 = vector.shape_cast %swap3A_238 : vector<16xf32> to vector<16xf32>
    %swap3A_240 = vector.shape_cast %mul3A_236 : vector<16xf32> to vector<16xf32>
    tpu.vector_store %arg18[%swap3A_237], %swap3A_240 {strides = array<i32>} : memref<640xf32, #tpu.memory_space<vmem>>, vector<16xf32>,
    %get3A_241 = arith.constant 112 : index
    %get3A_242 = tpu.vector_load %arg16[%get3A_241] {strides = array<i32>} : memref<640xf32, #tpu.memory_space<vmem>>, vector<16xf32>,
    %get3A_243 = vector.shape_cast %get3A_242 : vector<16xf32> to vector<16xf32>
    %get3A_244 = arith.constant 112 : index
    %get3A_245 = tpu.vector_load %arg13[%get3A_244] {strides = array<i32>} : memref<640xf32, #tpu.memory_space<vmem>>, vector<16xf32>,
    %get3A_246 = vector.shape_cast %get3A_245 : vector<16xf32> to vector<16xf32>
    %get3A_247 = arith.constant 112 : index
    %get3A_248 = tpu.vector_load %arg14[%get3A_247] {strides = array<i32>} : memref<640xf32, #tpu.memory_space<vmem>>, vector<16xf32>,
    %get3A_249 = vector.shape_cast %get3A_248 : vector<16xf32> to vector<16xf32>
    %add3A_250 = arith.addf %get3A_246, %get3A_249 : vector<16xf32>
    %get3A_251 = arith.constant 112 : index
    %get3A_252 = tpu.vector_load %arg15[%get3A_251] {strides = array<i32>} : memref<640xf32, #tpu.memory_space<vmem>>, vector<16xf32>,
    %get3A_253 = vector.shape_cast %get3A_252 : vector<16xf32> to vector<16xf32>
    %add3A_254 = arith.addf %add3A_250, %get3A_253 : vector<16xf32>
    %mul3A_255 = arith.mulf %get3A_243, %add3A_254 : vector<16xf32>
    %max3A_256 = arith.constant 0.000000e+00 : f32
    %max3A_257 = vector.broadcast %max3A_256 : f32 to vector<16xf32>
    %max3A_258 = arith.maximumf %mul3A_255, %max3A_257 : vector<16xf32>
    %mul3A_259 = arith.mulf %max3A_258, %get3A_243 : vector<16xf32>
    %swap3A_260 = arith.constant 112 : index
    %swap3A_261 = tpu.vector_load %arg17[%swap3A_260] {strides = array<i32>} : memref<640xf32, #tpu.memory_space<vmem>>, vector<16xf32>,
    %swap3A_262 = vector.shape_cast %swap3A_261 : vector<16xf32> to vector<16xf32>
    %swap3A_263 = vector.shape_cast %mul3A_259 : vector<16xf32> to vector<16xf32>
    tpu.vector_store %arg17[%swap3A_260], %swap3A_263 {strides = array<i32>} : memref<640xf32, #tpu.memory_space<vmem>>, vector<16xf32>,
    %neg3A_264 = arith.constant 0.000000e+00 : f32
    %neg3A_265 = vector.broadcast %neg3A_264 : f32 to vector<16xf32>
    %neg3A_266 = arith.subf %neg3A_265, %mul3A_255 : vector<16xf32>
    %max3A_267 = arith.constant 0.000000e+00 : f32
    %max3A_268 = vector.broadcast %max3A_267 : f32 to vector<16xf32>
    %max3A_269 = arith.maximumf %neg3A_266, %max3A_268 : vector<16xf32>
    %mul3A_270 = arith.mulf %max3A_269, %get3A_243 : vector<16xf32>
    %swap3A_271 = arith.constant 112 : index
    %swap3A_272 = tpu.vector_load %arg18[%swap3A_271] {strides = array<i32>} : memref<640xf32, #tpu.memory_space<vmem>>, vector<16xf32>,
    %swap3A_273 = vector.shape_cast %swap3A_272 : vector<16xf32> to vector<16xf32>
    %swap3A_274 = vector.shape_cast %mul3A_270 : vector<16xf32> to vector<16xf32>
    tpu.vector_store %arg18[%swap3A_271], %swap3A_274 {strides = array<i32>} : memref<640xf32, #tpu.memory_space<vmem>>, vector<16xf32>,
    %get3A_275 = arith.constant 128 : index
    %get3A_276 = tpu.vector_load %arg16[%get3A_275] {strides = array<i32>} : memref<640xf32, #tpu.memory_space<vmem>>, vector<16xf32>,
    %get3A_277 = vector.shape_cast %get3A_276 : vector<16xf32> to vector<16xf32>
    %get3A_278 = arith.constant 128 : index
    %get3A_279 = tpu.vector_load %arg13[%get3A_278] {strides = array<i32>} : memref<640xf32, #tpu.memory_space<vmem>>, vector<16xf32>,
    %get3A_280 = vector.shape_cast %get3A_279 : vector<16xf32> to vector<16xf32>
    %get3A_281 = arith.constant 128 : index
    %get3A_282 = tpu.vector_load %arg14[%get3A_281] {strides = array<i32>} : memref<640xf32, #tpu.memory_space<vmem>>, vector<16xf32>,
    %get3A_283 = vector.shape_cast %get3A_282 : vector<16xf32> to vector<16xf32>
    %add3A_284 = arith.addf %get3A_280, %get3A_283 : vector<16xf32>
    %get3A_285 = arith.constant 128 : index
    %get3A_286 = tpu.vector_load %arg15[%get3A_285] {strides = array<i32>} : memref<640xf32, #tpu.memory_space<vmem>>, vector<16xf32>,
    %get3A_287 = vector.shape_cast %get3A_286 : vector<16xf32> to vector<16xf32>
    %add3A_288 = arith.addf %add3A_284, %get3A_287 : vector<16xf32>
    %mul3A_289 = arith.mulf %get3A_277, %add3A_288 : vector<16xf32>
    %max3A_290 = arith.constant 0.000000e+00 : f32
    %max3A_291 = vector.broadcast %max3A_290 : f32 to vector<16xf32>
    %max3A_292 = arith.maximumf %mul3A_289, %max3A_291 : vector<16xf32>
    %mul3A_293 = arith.mulf %max3A_292, %get3A_277 : vector<16xf32>
    %swap3A_294 = arith.constant 128 : index
    %swap3A_295 = tpu.vector_load %arg17[%swap3A_294] {strides = array<i32>} : memref<640xf32, #tpu.memory_space<vmem>>, vector<16xf32>,
    %swap3A_296 = vector.shape_cast %swap3A_295 : vector<16xf32> to vector<16xf32>
    %swap3A_297 = vector.shape_cast %mul3A_293 : vector<16xf32> to vector<16xf32>
    tpu.vector_store %arg17[%swap3A_294], %swap3A_297 {strides = array<i32>} : memref<640xf32, #tpu.memory_space<vmem>>, vector<16xf32>,
    %neg3A_298 = arith.constant 0.000000e+00 : f32
    %neg3A_299 = vector.broadcast %neg3A_298 : f32 to vector<16xf32>
    %neg3A_300 = arith.subf %neg3A_299, %mul3A_289 : vector<16xf32>
    %max3A_301 = arith.constant 0.000000e+00 : f32
    %max3A_302 = vector.broadcast %max3A_301 : f32 to vector<16xf32>
    %max3A_303 = arith.maximumf %neg3A_300, %max3A_302 : vector<16xf32>
    %mul3A_304 = arith.mulf %max3A_303, %get3A_277 : vector<16xf32>
    %swap3A_305 = arith.constant 128 : index
    %swap3A_306 = tpu.vector_load %arg18[%swap3A_305] {strides = array<i32>} : memref<640xf32, #tpu.memory_space<vmem>>, vector<16xf32>,
    %swap3A_307 = vector.shape_cast %swap3A_306 : vector<16xf32> to vector<16xf32>
    %swap3A_308 = vector.shape_cast %mul3A_304 : vector<16xf32> to vector<16xf32>
    tpu.vector_store %arg18[%swap3A_305], %swap3A_308 {strides = array<i32>} : memref<640xf32, #tpu.memory_space<vmem>>, vector<16xf32>,
    %get3A_309 = arith.constant 144 : index
    %get3A_310 = tpu.vector_load %arg16[%get3A_309] {strides = array<i32>} : memref<640xf32, #tpu.memory_space<vmem>>, vector<16xf32>,
    %get3A_311 = vector.shape_cast %get3A_310 : vector<16xf32> to vector<16xf32>
    %get3A_312 = arith.constant 144 : index
    %get3A_313 = tpu.vector_load %arg13[%get3A_312] {strides = array<i32>} : memref<640xf32, #tpu.memory_space<vmem>>, vector<16xf32>,
    %get3A_314 = vector.shape_cast %get3A_313 : vector<16xf32> to vector<16xf32>
    %get3A_315 = arith.constant 144 : index
    %get3A_316 = tpu.vector_load %arg14[%get3A_315] {strides = array<i32>} : memref<640xf32, #tpu.memory_space<vmem>>, vector<16xf32>,
    %get3A_317 = vector.shape_cast %get3A_316 : vector<16xf32> to vector<16xf32>
    %add3A_318 = arith.addf %get3A_314, %get3A_317 : vector<16xf32>
    %get3A_319 = arith.constant 144 : index
    %get3A_320 = tpu.vector_load %arg15[%get3A_319] {strides = array<i32>} : memref<640xf32, #tpu.memory_space<vmem>>, vector<16xf32>,
    %get3A_321 = vector.shape_cast %get3A_320 : vector<16xf32> to vector<16xf32>
    %add3A_322 = arith.addf %add3A_318, %get3A_321 : vector<16xf32>
    %mul3A_323 = arith.mulf %get3A_311, %add3A_322 : vector<16xf32>
    %max3A_324 = arith.constant 0.000000e+00 : f32
    %max3A_325 = vector.broadcast %max3A_324 : f32 to vector<16xf32>
    %max3A_326 = arith.maximumf %mul3A_323, %max3A_325 : vector<16xf32>
    %mul3A_327 = arith.mulf %max3A_326, %get3A_311 : vector<16xf32>
    %swap3A_328 = arith.constant 144 : index
    %swap3A_329 = tpu.vector_load %arg17[%swap3A_328] {strides = array<i32>} : memref<640xf32, #tpu.memory_space<vmem>>, vector<16xf32>,
    %swap3A_330 = vector.shape_cast %swap3A_329 : vector<16xf32> to vector<16xf32>
    %swap3A_331 = vector.shape_cast %mul3A_327 : vector<16xf32> to vector<16xf32>
    tpu.vector_store %arg17[%swap3A_328], %swap3A_331 {strides = array<i32>} : memref<640xf32, #tpu.memory_space<vmem>>, vector<16xf32>,
    %neg3A_332 = arith.constant 0.000000e+00 : f32
    %neg3A_333 = vector.broadcast %neg3A_332 : f32 to vector<16xf32>
    %neg3A_334 = arith.subf %neg3A_333, %mul3A_323 : vector<16xf32>
    %max3A_335 = arith.constant 0.000000e+00 : f32
    %max3A_336 = vector.broadcast %max3A_335 : f32 to vector<16xf32>
    %max3A_337 = arith.maximumf %neg3A_334, %max3A_336 : vector<16xf32>
    %mul3A_338 = arith.mulf %max3A_337, %get3A_311 : vector<16xf32>
    %swap3A_339 = arith.constant 144 : index
    %swap3A_340 = tpu.vector_load %arg18[%swap3A_339] {strides = array<i32>} : memref<640xf32, #tpu.memory_space<vmem>>, vector<16xf32>,
    %swap3A_341 = vector.shape_cast %swap3A_340 : vector<16xf32> to vector<16xf32>
    %swap3A_342 = vector.shape_cast %mul3A_338 : vector<16xf32> to vector<16xf32>
    tpu.vector_store %arg18[%swap3A_339], %swap3A_342 {strides = array<i32>} : memref<640xf32, #tpu.memory_space<vmem>>, vector<16xf32>,
    %get3A_343 = arith.constant 160 : index
    %get3A_344 = tpu.vector_load %arg16[%get3A_343] {strides = array<i32>} : memref<640xf32, #tpu.memory_space<vmem>>, vector<16xf32>,
    %get3A_345 = vector.shape_cast %get3A_344 : vector<16xf32> to vector<16xf32>
    %get3A_346 = arith.constant 160 : index
    %get3A_347 = tpu.vector_load %arg13[%get3A_346] {strides = array<i32>} : memref<640xf32, #tpu.memory_space<vmem>>, vector<16xf32>,
    %get3A_348 = vector.shape_cast %get3A_347 : vector<16xf32> to vector<16xf32>
    %get3A_349 = arith.constant 160 : index
    %get3A_350 = tpu.vector_load %arg14[%get3A_349] {strides = array<i32>} : memref<640xf32, #tpu.memory_space<vmem>>, vector<16xf32>,
    %get3A_351 = vector.shape_cast %get3A_350 : vector<16xf32> to vector<16xf32>
    %add3A_352 = arith.addf %get3A_348, %get3A_351 : vector<16xf32>
    %get3A_353 = arith.constant 160 : index
    %get3A_354 = tpu.vector_load %arg15[%get3A_353] {strides = array<i32>} : memref<640xf32, #tpu.memory_space<vmem>>, vector<16xf32>,
    %get3A_355 = vector.shape_cast %get3A_354 : vector<16xf32> to vector<16xf32>
    %add3A_356 = arith.addf %add3A_352, %get3A_355 : vector<16xf32>
    %mul3A_357 = arith.mulf %get3A_345, %add3A_356 : vector<16xf32>
    %max3A_358 = arith.constant 0.000000e+00 : f32
    %max3A_359 = vector.broadcast %max3A_358 : f32 to vector<16xf32>
    %max3A_360 = arith.maximumf %mul3A_357, %max3A_359 : vector<16xf32>
    %mul3A_361 = arith.mulf %max3A_360, %get3A_345 : vector<16xf32>
    %swap3A_362 = arith.constant 160 : index
    %swap3A_363 = tpu.vector_load %arg17[%swap3A_362] {strides = array<i32>} : memref<640xf32, #tpu.memory_space<vmem>>, vector<16xf32>,
    %swap3A_364 = vector.shape_cast %swap3A_363 : vector<16xf32> to vector<16xf32>
    %swap3A_365 = vector.shape_cast %mul3A_361 : vector<16xf32> to vector<16xf32>
    tpu.vector_store %arg17[%swap3A_362], %swap3A_365 {strides = array<i32>} : memref<640xf32, #tpu.memory_space<vmem>>, vector<16xf32>,
    %neg3A_366 = arith.constant 0.000000e+00 : f32
    %neg3A_367 = vector.broadcast %neg3A_366 : f32 to vector<16xf32>
    %neg3A_368 = arith.subf %neg3A_367, %mul3A_357 : vector<16xf32>
    %max3A_369 = arith.constant 0.000000e+00 : f32
    %max3A_370 = vector.broadcast %max3A_369 : f32 to vector<16xf32>
    %max3A_371 = arith.maximumf %neg3A_368, %max3A_370 : vector<16xf32>
    %mul3A_372 = arith.mulf %max3A_371, %get3A_345 : vector<16xf32>
    %swap3A_373 = arith.constant 160 : index
    %swap3A_374 = tpu.vector_load %arg18[%swap3A_373] {strides = array<i32>} : memref<640xf32, #tpu.memory_space<vmem>>, vector<16xf32>,
    %swap3A_375 = vector.shape_cast %swap3A_374 : vector<16xf32> to vector<16xf32>
    %swap3A_376 = vector.shape_cast %mul3A_372 : vector<16xf32> to vector<16xf32>
    tpu.vector_store %arg18[%swap3A_373], %swap3A_376 {strides = array<i32>} : memref<640xf32, #tpu.memory_space<vmem>>, vector<16xf32>,
    %get3A_377 = arith.constant 176 : index
    %get3A_378 = tpu.vector_load %arg16[%get3A_377] {strides = array<i32>} : memref<640xf32, #tpu.memory_space<vmem>>, vector<16xf32>,
    %get3A_379 = vector.shape_cast %get3A_378 : vector<16xf32> to vector<16xf32>
    %get3A_380 = arith.constant 176 : index
    %get3A_381 = tpu.vector_load %arg13[%get3A_380] {strides = array<i32>} : memref<640xf32, #tpu.memory_space<vmem>>, vector<16xf32>,
    %get3A_382 = vector.shape_cast %get3A_381 : vector<16xf32> to vector<16xf32>
    %get3A_383 = arith.constant 176 : index
    %get3A_384 = tpu.vector_load %arg14[%get3A_383] {strides = array<i32>} : memref<640xf32, #tpu.memory_space<vmem>>, vector<16xf32>,
    %get3A_385 = vector.shape_cast %get3A_384 : vector<16xf32> to vector<16xf32>
    %add3A_386 = arith.addf %get3A_382, %get3A_385 : vector<16xf32>
    %get3A_387 = arith.constant 176 : index
    %get3A_388 = tpu.vector_load %arg15[%get3A_387] {strides = array<i32>} : memref<640xf32, #tpu.memory_space<vmem>>, vector<16xf32>,
    %get3A_389 = vector.shape_cast %get3A_388 : vector<16xf32> to vector<16xf32>
    %add3A_390 = arith.addf %add3A_386, %get3A_389 : vector<16xf32>
    %mul3A_391 = arith.mulf %get3A_379, %add3A_390 : vector<16xf32>
    %max3A_392 = arith.constant 0.000000e+00 : f32
    %max3A_393 = vector.broadcast %max3A_392 : f32 to vector<16xf32>
    %max3A_394 = arith.maximumf %mul3A_391, %max3A_393 : vector<16xf32>
    %mul3A_395 = arith.mulf %max3A_394, %get3A_379 : vector<16xf32>
    %swap3A_396 = arith.constant 176 : index
    %swap3A_397 = tpu.vector_load %arg17[%swap3A_396] {strides = array<i32>} : memref<640xf32, #tpu.memory_space<vmem>>, vector<16xf32>,
    %swap3A_398 = vector.shape_cast %swap3A_397 : vector<16xf32> to vector<16xf32>
    %swap3A_399 = vector.shape_cast %mul3A_395 : vector<16xf32> to vector<16xf32>
    tpu.vector_store %arg17[%swap3A_396], %swap3A_399 {strides = array<i32>} : memref<640xf32, #tpu.memory_space<vmem>>, vector<16xf32>,
    %neg3A_400 = arith.constant 0.000000e+00 : f32
    %neg3A_401 = vector.broadcast %neg3A_400 : f32 to vector<16xf32>
    %neg3A_402 = arith.subf %neg3A_401, %mul3A_391 : vector<16xf32>
    %max3A_403 = arith.constant 0.000000e+00 : f32
    %max3A_404 = vector.broadcast %max3A_403 : f32 to vector<16xf32>
    %max3A_405 = arith.maximumf %neg3A_402, %max3A_404 : vector<16xf32>
    %mul3A_406 = arith.mulf %max3A_405, %get3A_379 : vector<16xf32>
    %swap3A_407 = arith.constant 176 : index
    %swap3A_408 = tpu.vector_load %arg18[%swap3A_407] {strides = array<i32>} : memref<640xf32, #tpu.memory_space<vmem>>, vector<16xf32>,
    %swap3A_409 = vector.shape_cast %swap3A_408 : vector<16xf32> to vector<16xf32>
    %swap3A_410 = vector.shape_cast %mul3A_406 : vector<16xf32> to vector<16xf32>
    tpu.vector_store %arg18[%swap3A_407], %swap3A_410 {strides = array<i32>} : memref<640xf32, #tpu.memory_space<vmem>>, vector<16xf32>,
    %get3A_411 = arith.constant 192 : index
    %get3A_412 = tpu.vector_load %arg16[%get3A_411] {strides = array<i32>} : memref<640xf32, #tpu.memory_space<vmem>>, vector<16xf32>,
    %get3A_413 = vector.shape_cast %get3A_412 : vector<16xf32> to vector<16xf32>
    %get3A_414 = arith.constant 192 : index
    %get3A_415 = tpu.vector_load %arg13[%get3A_414] {strides = array<i32>} : memref<640xf32, #tpu.memory_space<vmem>>, vector<16xf32>,
    %get3A_416 = vector.shape_cast %get3A_415 : vector<16xf32> to vector<16xf32>
    %get3A_417 = arith.constant 192 : index
    %get3A_418 = tpu.vector_load %arg14[%get3A_417] {strides = array<i32>} : memref<640xf32, #tpu.memory_space<vmem>>, vector<16xf32>,
    %get3A_419 = vector.shape_cast %get3A_418 : vector<16xf32> to vector<16xf32>
    %add3A_420 = arith.addf %get3A_416, %get3A_419 : vector<16xf32>
    %get3A_421 = arith.constant 192 : index
    %get3A_422 = tpu.vector_load %arg15[%get3A_421] {strides = array<i32>} : memref<640xf32, #tpu.memory_space<vmem>>, vector<16xf32>,
    %get3A_423 = vector.shape_cast %get3A_422 : vector<16xf32> to vector<16xf32>
    %add3A_424 = arith.addf %add3A_420, %get3A_423 : vector<16xf32>
    %mul3A_425 = arith.mulf %get3A_413, %add3A_424 : vector<16xf32>
    %max3A_426 = arith.constant 0.000000e+00 : f32
    %max3A_427 = vector.broadcast %max3A_426 : f32 to vector<16xf32>
    %max3A_428 = arith.maximumf %mul3A_425, %max3A_427 : vector<16xf32>
    %mul3A_429 = arith.mulf %max3A_428, %get3A_413 : vector<16xf32>
    %swap3A_430 = arith.constant 192 : index
    %swap3A_431 = tpu.vector_load %arg17[%swap3A_430] {strides = array<i32>} : memref<640xf32, #tpu.memory_space<vmem>>, vector<16xf32>,
    %swap3A_432 = vector.shape_cast %swap3A_431 : vector<16xf32> to vector<16xf32>
    %swap3A_433 = vector.shape_cast %mul3A_429 : vector<16xf32> to vector<16xf32>
    tpu.vector_store %arg17[%swap3A_430], %swap3A_433 {strides = array<i32>} : memref<640xf32, #tpu.memory_space<vmem>>, vector<16xf32>,
    %neg3A_434 = arith.constant 0.000000e+00 : f32
    %neg3A_435 = vector.broadcast %neg3A_434 : f32 to vector<16xf32>
    %neg3A_436 = arith.subf %neg3A_435, %mul3A_425 : vector<16xf32>
    %max3A_437 = arith.constant 0.000000e+00 : f32
    %max3A_438 = vector.broadcast %max3A_437 : f32 to vector<16xf32>
    %max3A_439 = arith.maximumf %neg3A_436, %max3A_438 : vector<16xf32>
    %mul3A_440 = arith.mulf %max3A_439, %get3A_413 : vector<16xf32>
    %swap3A_441 = arith.constant 192 : index
    %swap3A_442 = tpu.vector_load %arg18[%swap3A_441] {strides = array<i32>} : memref<640xf32, #tpu.memory_space<vmem>>, vector<16xf32>,
    %swap3A_443 = vector.shape_cast %swap3A_442 : vector<16xf32> to vector<16xf32>
    %swap3A_444 = vector.shape_cast %mul3A_440 : vector<16xf32> to vector<16xf32>
    tpu.vector_store %arg18[%swap3A_441], %swap3A_444 {strides = array<i32>} : memref<640xf32, #tpu.memory_space<vmem>>, vector<16xf32>,
    %get3A_445 = arith.constant 208 : index
    %get3A_446 = tpu.vector_load %arg16[%get3A_445] {strides = array<i32>} : memref<640xf32, #tpu.memory_space<vmem>>, vector<16xf32>,
    %get3A_447 = vector.shape_cast %get3A_446 : vector<16xf32> to vector<16xf32>
    %get3A_448 = arith.constant 208 : index
    %get3A_449 = tpu.vector_load %arg13[%get3A_448] {strides = array<i32>} : memref<640xf32, #tpu.memory_space<vmem>>, vector<16xf32>,
    %get3A_450 = vector.shape_cast %get3A_449 : vector<16xf32> to vector<16xf32>
    %get3A_451 = arith.constant 208 : index
    %get3A_452 = tpu.vector_load %arg14[%get3A_451] {strides = array<i32>} : memref<640xf32, #tpu.memory_space<vmem>>, vector<16xf32>,
    %get3A_453 = vector.shape_cast %get3A_452 : vector<16xf32> to vector<16xf32>
    %add3A_454 = arith.addf %get3A_450, %get3A_453 : vector<16xf32>
    %get3A_455 = arith.constant 208 : index
    %get3A_456 = tpu.vector_load %arg15[%get3A_455] {strides = array<i32>} : memref<640xf32, #tpu.memory_space<vmem>>, vector<16xf32>,
    %get3A_457 = vector.shape_cast %get3A_456 : vector<16xf32> to vector<16xf32>
    %add3A_458 = arith.addf %add3A_454, %get3A_457 : vector<16xf32>
    %mul3A_459 = arith.mulf %get3A_447, %add3A_458 : vector<16xf32>
    %max3A_460 = arith.constant 0.000000e+00 : f32
    %max3A_461 = vector.broadcast %max3A_460 : f32 to vector<16xf32>
    %max3A_462 = arith.maximumf %mul3A_459, %max3A_461 : vector<16xf32>
    %mul3A_463 = arith.mulf %max3A_462, %get3A_447 : vector<16xf32>
    %swap3A_464 = arith.constant 208 : index
    %swap3A_465 = tpu.vector_load %arg17[%swap3A_464] {strides = array<i32>} : memref<640xf32, #tpu.memory_space<vmem>>, vector<16xf32>,
    %swap3A_466 = vector.shape_cast %swap3A_465 : vector<16xf32> to vector<16xf32>
    %swap3A_467 = vector.shape_cast %mul3A_463 : vector<16xf32> to vector<16xf32>
    tpu.vector_store %arg17[%swap3A_464], %swap3A_467 {strides = array<i32>} : memref<640xf32, #tpu.memory_space<vmem>>, vector<16xf32>,
    %neg3A_468 = arith.constant 0.000000e+00 : f32
    %neg3A_469 = vector.broadcast %neg3A_468 : f32 to vector<16xf32>
    %neg3A_470 = arith.subf %neg3A_469, %mul3A_459 : vector<16xf32>
    %max3A_471 = arith.constant 0.000000e+00 : f32
    %max3A_472 = vector.broadcast %max3A_471 : f32 to vector<16xf32>
    %max3A_473 = arith.maximumf %neg3A_470, %max3A_472 : vector<16xf32>
    %mul3A_474 = arith.mulf %max3A_473, %get3A_447 : vector<16xf32>
    %swap3A_475 = arith.constant 208 : index
    %swap3A_476 = tpu.vector_load %arg18[%swap3A_475] {strides = array<i32>} : memref<640xf32, #tpu.memory_space<vmem>>, vector<16xf32>,
    %swap3A_477 = vector.shape_cast %swap3A_476 : vector<16xf32> to vector<16xf32>
    %swap3A_478 = vector.shape_cast %mul3A_474 : vector<16xf32> to vector<16xf32>
    tpu.vector_store %arg18[%swap3A_475], %swap3A_478 {strides = array<i32>} : memref<640xf32, #tpu.memory_space<vmem>>, vector<16xf32>,
    %get3A_479 = arith.constant 224 : index
    %get3A_480 = tpu.vector_load %arg16[%get3A_479] {strides = array<i32>} : memref<640xf32, #tpu.memory_space<vmem>>, vector<16xf32>,
    %get3A_481 = vector.shape_cast %get3A_480 : vector<16xf32> to vector<16xf32>
    %get3A_482 = arith.constant 224 : index
    %get3A_483 = tpu.vector_load %arg13[%get3A_482] {strides = array<i32>} : memref<640xf32, #tpu.memory_space<vmem>>, vector<16xf32>,
    %get3A_484 = vector.shape_cast %get3A_483 : vector<16xf32> to vector<16xf32>
    %get3A_485 = arith.constant 224 : index
    %get3A_486 = tpu.vector_load %arg14[%get3A_485] {strides = array<i32>} : memref<640xf32, #tpu.memory_space<vmem>>, vector<16xf32>,
    %get3A_487 = vector.shape_cast %get3A_486 : vector<16xf32> to vector<16xf32>
    %add3A_488 = arith.addf %get3A_484, %get3A_487 : vector<16xf32>
    %get3A_489 = arith.constant 224 : index
    %get3A_490 = tpu.vector_load %arg15[%get3A_489] {strides = array<i32>} : memref<640xf32, #tpu.memory_space<vmem>>, vector<16xf32>,
    %get3A_491 = vector.shape_cast %get3A_490 : vector<16xf32> to vector<16xf32>
    %add3A_492 = arith.addf %add3A_488, %get3A_491 : vector<16xf32>
    %mul3A_493 = arith.mulf %get3A_481, %add3A_492 : vector<16xf32>
    %max3A_494 = arith.constant 0.000000e+00 : f32
    %max3A_495 = vector.broadcast %max3A_494 : f32 to vector<16xf32>
    %max3A_496 = arith.maximumf %mul3A_493, %max3A_495 : vector<16xf32>
    %mul3A_497 = arith.mulf %max3A_496, %get3A_481 : vector<16xf32>
    %swap3A_498 = arith.constant 224 : index
    %swap3A_499 = tpu.vector_load %arg17[%swap3A_498] {strides = array<i32>} : memref<640xf32, #tpu.memory_space<vmem>>, vector<16xf32>,
    %swap3A_500 = vector.shape_cast %swap3A_499 : vector<16xf32> to vector<16xf32>
    %swap3A_501 = vector.shape_cast %mul3A_497 : vector<16xf32> to vector<16xf32>
    tpu.vector_store %arg17[%swap3A_498], %swap3A_501 {strides = array<i32>} : memref<640xf32, #tpu.memory_space<vmem>>, vector<16xf32>,
    %neg3A_502 = arith.constant 0.000000e+00 : f32
    %neg3A_503 = vector.broadcast %neg3A_502 : f32 to vector<16xf32>
    %neg3A_504 = arith.subf %neg3A_503, %mul3A_493 : vector<16xf32>
    %max3A_505 = arith.constant 0.000000e+00 : f32
    %max3A_506 = vector.broadcast %max3A_505 : f32 to vector<16xf32>
    %max3A_507 = arith.maximumf %neg3A_504, %max3A_506 : vector<16xf32>
    %mul3A_508 = arith.mulf %max3A_507, %get3A_481 : vector<16xf32>
    %swap3A_509 = arith.constant 224 : index
    %swap3A_510 = tpu.vector_load %arg18[%swap3A_509] {strides = array<i32>} : memref<640xf32, #tpu.memory_space<vmem>>, vector<16xf32>,
    %swap3A_511 = vector.shape_cast %swap3A_510 : vector<16xf32> to vector<16xf32>
    %swap3A_512 = vector.shape_cast %mul3A_508 : vector<16xf32> to vector<16xf32>
    tpu.vector_store %arg18[%swap3A_509], %swap3A_512 {strides = array<i32>} : memref<640xf32, #tpu.memory_space<vmem>>, vector<16xf32>,
    %get3A_513 = arith.constant 240 : index
    %get3A_514 = tpu.vector_load %arg16[%get3A_513] {strides = array<i32>} : memref<640xf32, #tpu.memory_space<vmem>>, vector<16xf32>,
    %get3A_515 = vector.shape_cast %get3A_514 : vector<16xf32> to vector<16xf32>
    %get3A_516 = arith.constant 240 : index
    %get3A_517 = tpu.vector_load %arg13[%get3A_516] {strides = array<i32>} : memref<640xf32, #tpu.memory_space<vmem>>, vector<16xf32>,
    %get3A_518 = vector.shape_cast %get3A_517 : vector<16xf32> to vector<16xf32>
    %get3A_519 = arith.constant 240 : index
    %get3A_520 = tpu.vector_load %arg14[%get3A_519] {strides = array<i32>} : memref<640xf32, #tpu.memory_space<vmem>>, vector<16xf32>,
    %get3A_521 = vector.shape_cast %get3A_520 : vector<16xf32> to vector<16xf32>
    %add3A_522 = arith.addf %get3A_518, %get3A_521 : vector<16xf32>
    %get3A_523 = arith.constant 240 : index
    %get3A_524 = tpu.vector_load %arg15[%get3A_523] {strides = array<i32>} : memref<640xf32, #tpu.memory_space<vmem>>, vector<16xf32>,
    %get3A_525 = vector.shape_cast %get3A_524 : vector<16xf32> to vector<16xf32>
    %add3A_526 = arith.addf %add3A_522, %get3A_525 : vector<16xf32>
    %mul3A_527 = arith.mulf %get3A_515, %add3A_526 : vector<16xf32>
    %max3A_528 = arith.constant 0.000000e+00 : f32
    %max3A_529 = vector.broadcast %max3A_528 : f32 to vector<16xf32>
    %max3A_530 = arith.maximumf %mul3A_527, %max3A_529 : vector<16xf32>
    %mul3A_531 = arith.mulf %max3A_530, %get3A_515 : vector<16xf32>
    %swap3A_532 = arith.constant 240 : index
    %swap3A_533 = tpu.vector_load %arg17[%swap3A_532] {strides = array<i32>} : memref<640xf32, #tpu.memory_space<vmem>>, vector<16xf32>,
    %swap3A_534 = vector.shape_cast %swap3A_533 : vector<16xf32> to vector<16xf32>
    %swap3A_535 = vector.shape_cast %mul3A_531 : vector<16xf32> to vector<16xf32>
    tpu.vector_store %arg17[%swap3A_532], %swap3A_535 {strides = array<i32>} : memref<640xf32, #tpu.memory_space<vmem>>, vector<16xf32>,
    %neg3A_536 = arith.constant 0.000000e+00 : f32
    %neg3A_537 = vector.broadcast %neg3A_536 : f32 to vector<16xf32>
    %neg3A_538 = arith.subf %neg3A_537, %mul3A_527 : vector<16xf32>
    %max3A_539 = arith.constant 0.000000e+00 : f32
    %max3A_540 = vector.broadcast %max3A_539 : f32 to vector<16xf32>
    %max3A_541 = arith.maximumf %neg3A_538, %max3A_540 : vector<16xf32>
    %mul3A_542 = arith.mulf %max3A_541, %get3A_515 : vector<16xf32>
    %swap3A_543 = arith.constant 240 : index
    %swap3A_544 = tpu.vector_load %arg18[%swap3A_543] {strides = array<i32>} : memref<640xf32, #tpu.memory_space<vmem>>, vector<16xf32>,
    %swap3A_545 = vector.shape_cast %swap3A_544 : vector<16xf32> to vector<16xf32>
    %swap3A_546 = vector.shape_cast %mul3A_542 : vector<16xf32> to vector<16xf32>
    tpu.vector_store %arg18[%swap3A_543], %swap3A_546 {strides = array<i32>} : memref<640xf32, #tpu.memory_space<vmem>>, vector<16xf32>,
    %get3A_547 = arith.constant 256 : index
    %get3A_548 = tpu.vector_load %arg16[%get3A_547] {strides = array<i32>} : memref<640xf32, #tpu.memory_space<vmem>>, vector<16xf32>,
    %get3A_549 = vector.shape_cast %get3A_548 : vector<16xf32> to vector<16xf32>
    %get3A_550 = arith.constant 256 : index
    %get3A_551 = tpu.vector_load %arg13[%get3A_550] {strides = array<i32>} : memref<640xf32, #tpu.memory_space<vmem>>, vector<16xf32>,
    %get3A_552 = vector.shape_cast %get3A_551 : vector<16xf32> to vector<16xf32>
    %get3A_553 = arith.constant 256 : index
    %get3A_554 = tpu.vector_load %arg14[%get3A_553] {strides = array<i32>} : memref<640xf32, #tpu.memory_space<vmem>>, vector<16xf32>,
    %get3A_555 = vector.shape_cast %get3A_554 : vector<16xf32> to vector<16xf32>
    %add3A_556 = arith.addf %get3A_552, %get3A_555 : vector<16xf32>
    %get3A_557 = arith.constant 256 : index
    %get3A_558 = tpu.vector_load %arg15[%get3A_557] {strides = array<i32>} : memref<640xf32, #tpu.memory_space<vmem>>, vector<16xf32>,
    %get3A_559 = vector.shape_cast %get3A_558 : vector<16xf32> to vector<16xf32>
    %add3A_560 = arith.addf %add3A_556, %get3A_559 : vector<16xf32>
    %mul3A_561 = arith.mulf %get3A_549, %add3A_560 : vector<16xf32>
    %max3A_562 = arith.constant 0.000000e+00 : f32
    %max3A_563 = vector.broadcast %max3A_562 : f32 to vector<16xf32>
    %max3A_564 = arith.maximumf %mul3A_561, %max3A_563 : vector<16xf32>
    %mul3A_565 = arith.mulf %max3A_564, %get3A_549 : vector<16xf32>
    %swap3A_566 = arith.constant 256 : index
    %swap3A_567 = tpu.vector_load %arg17[%swap3A_566] {strides = array<i32>} : memref<640xf32, #tpu.memory_space<vmem>>, vector<16xf32>,
    %swap3A_568 = vector.shape_cast %swap3A_567 : vector<16xf32> to vector<16xf32>
    %swap3A_569 = vector.shape_cast %mul3A_565 : vector<16xf32> to vector<16xf32>
    tpu.vector_store %arg17[%swap3A_566], %swap3A_569 {strides = array<i32>} : memref<640xf32, #tpu.memory_space<vmem>>, vector<16xf32>,
    %neg3A_570 = arith.constant 0.000000e+00 : f32
    %neg3A_571 = vector.broadcast %neg3A_570 : f32 to vector<16xf32>
    %neg3A_572 = arith.subf %neg3A_571, %mul3A_561 : vector<16xf32>
    %max3A_573 = arith.constant 0.000000e+00 : f32
    %max3A_574 = vector.broadcast %max3A_573 : f32 to vector<16xf32>
    %max3A_575 = arith.maximumf %neg3A_572, %max3A_574 : vector<16xf32>
    %mul3A_576 = arith.mulf %max3A_575, %get3A_549 : vector<16xf32>
    %swap3A_577 = arith.constant 256 : index
    %swap3A_578 = tpu.vector_load %arg18[%swap3A_577] {strides = array<i32>} : memref<640xf32, #tpu.memory_space<vmem>>, vector<16xf32>,
    %swap3A_579 = vector.shape_cast %swap3A_578 : vector<16xf32> to vector<16xf32>
    %swap3A_580 = vector.shape_cast %mul3A_576 : vector<16xf32> to vector<16xf32>
    tpu.vector_store %arg18[%swap3A_577], %swap3A_580 {strides = array<i32>} : memref<640xf32, #tpu.memory_space<vmem>>, vector<16xf32>,
    %get3A_581 = arith.constant 272 : index
    %get3A_582 = tpu.vector_load %arg16[%get3A_581] {strides = array<i32>} : memref<640xf32, #tpu.memory_space<vmem>>, vector<16xf32>,
    %get3A_583 = vector.shape_cast %get3A_582 : vector<16xf32> to vector<16xf32>
    %get3A_584 = arith.constant 272 : index
    %get3A_585 = tpu.vector_load %arg13[%get3A_584] {strides = array<i32>} : memref<640xf32, #tpu.memory_space<vmem>>, vector<16xf32>,
    %get3A_586 = vector.shape_cast %get3A_585 : vector<16xf32> to vector<16xf32>
    %get3A_587 = arith.constant 272 : index
    %get3A_588 = tpu.vector_load %arg14[%get3A_587] {strides = array<i32>} : memref<640xf32, #tpu.memory_space<vmem>>, vector<16xf32>,
    %get3A_589 = vector.shape_cast %get3A_588 : vector<16xf32> to vector<16xf32>
    %add3A_590 = arith.addf %get3A_586, %get3A_589 : vector<16xf32>
    %get3A_591 = arith.constant 272 : index
    %get3A_592 = tpu.vector_load %arg15[%get3A_591] {strides = array<i32>} : memref<640xf32, #tpu.memory_space<vmem>>, vector<16xf32>,
    %get3A_593 = vector.shape_cast %get3A_592 : vector<16xf32> to vector<16xf32>
    %add3A_594 = arith.addf %add3A_590, %get3A_593 : vector<16xf32>
    %mul3A_595 = arith.mulf %get3A_583, %add3A_594 : vector<16xf32>
    %max3A_596 = arith.constant 0.000000e+00 : f32
    %max3A_597 = vector.broadcast %max3A_596 : f32 to vector<16xf32>
    %max3A_598 = arith.maximumf %mul3A_595, %max3A_597 : vector<16xf32>
    %mul3A_599 = arith.mulf %max3A_598, %get3A_583 : vector<16xf32>
    %swap3A_600 = arith.constant 272 : index
    %swap3A_601 = tpu.vector_load %arg17[%swap3A_600] {strides = array<i32>} : memref<640xf32, #tpu.memory_space<vmem>>, vector<16xf32>,
    %swap3A_602 = vector.shape_cast %swap3A_601 : vector<16xf32> to vector<16xf32>
    %swap3A_603 = vector.shape_cast %mul3A_599 : vector<16xf32> to vector<16xf32>
    tpu.vector_store %arg17[%swap3A_600], %swap3A_603 {strides = array<i32>} : memref<640xf32, #tpu.memory_space<vmem>>, vector<16xf32>,
    %neg3A_604 = arith.constant 0.000000e+00 : f32
    %neg3A_605 = vector.broadcast %neg3A_604 : f32 to vector<16xf32>
    %neg3A_606 = arith.subf %neg3A_605, %mul3A_595 : vector<16xf32>
    %max3A_607 = arith.constant 0.000000e+00 : f32
    %max3A_608 = vector.broadcast %max3A_607 : f32 to vector<16xf32>
    %max3A_609 = arith.maximumf %neg3A_606, %max3A_608 : vector<16xf32>
    %mul3A_610 = arith.mulf %max3A_609, %get3A_583 : vector<16xf32>
    %swap3A_611 = arith.constant 272 : index
    %swap3A_612 = tpu.vector_load %arg18[%swap3A_611] {strides = array<i32>} : memref<640xf32, #tpu.memory_space<vmem>>, vector<16xf32>,
    %swap3A_613 = vector.shape_cast %swap3A_612 : vector<16xf32> to vector<16xf32>
    %swap3A_614 = vector.shape_cast %mul3A_610 : vector<16xf32> to vector<16xf32>
    tpu.vector_store %arg18[%swap3A_611], %swap3A_614 {strides = array<i32>} : memref<640xf32, #tpu.memory_space<vmem>>, vector<16xf32>,
    %get3A_615 = arith.constant 288 : index
    %get3A_616 = tpu.vector_load %arg16[%get3A_615] {strides = array<i32>} : memref<640xf32, #tpu.memory_space<vmem>>, vector<16xf32>,
    %get3A_617 = vector.shape_cast %get3A_616 : vector<16xf32> to vector<16xf32>
    %get3A_618 = arith.constant 288 : index
    %get3A_619 = tpu.vector_load %arg13[%get3A_618] {strides = array<i32>} : memref<640xf32, #tpu.memory_space<vmem>>, vector<16xf32>,
    %get3A_620 = vector.shape_cast %get3A_619 : vector<16xf32> to vector<16xf32>
    %get3A_621 = arith.constant 288 : index
    %get3A_622 = tpu.vector_load %arg14[%get3A_621] {strides = array<i32>} : memref<640xf32, #tpu.memory_space<vmem>>, vector<16xf32>,
    %get3A_623 = vector.shape_cast %get3A_622 : vector<16xf32> to vector<16xf32>
    %add3A_624 = arith.addf %get3A_620, %get3A_623 : vector<16xf32>
    %get3A_625 = arith.constant 288 : index
    %get3A_626 = tpu.vector_load %arg15[%get3A_625] {strides = array<i32>} : memref<640xf32, #tpu.memory_space<vmem>>, vector<16xf32>,
    %get3A_627 = vector.shape_cast %get3A_626 : vector<16xf32> to vector<16xf32>
    %add3A_628 = arith.addf %add3A_624, %get3A_627 : vector<16xf32>
    %mul3A_629 = arith.mulf %get3A_617, %add3A_628 : vector<16xf32>
    %max3A_630 = arith.constant 0.000000e+00 : f32
    %max3A_631 = vector.broadcast %max3A_630 : f32 to vector<16xf32>
    %max3A_632 = arith.maximumf %mul3A_629, %max3A_631 : vector<16xf32>
    %mul3A_633 = arith.mulf %max3A_632, %get3A_617 : vector<16xf32>
    %swap3A_634 = arith.constant 288 : index
    %swap3A_635 = tpu.vector_load %arg17[%swap3A_634] {strides = array<i32>} : memref<640xf32, #tpu.memory_space<vmem>>, vector<16xf32>,
    %swap3A_636 = vector.shape_cast %swap3A_635 : vector<16xf32> to vector<16xf32>
    %swap3A_637 = vector.shape_cast %mul3A_633 : vector<16xf32> to vector<16xf32>
    tpu.vector_store %arg17[%swap3A_634], %swap3A_637 {strides = array<i32>} : memref<640xf32, #tpu.memory_space<vmem>>, vector<16xf32>,
    %neg3A_638 = arith.constant 0.000000e+00 : f32
    %neg3A_639 = vector.broadcast %neg3A_638 : f32 to vector<16xf32>
    %neg3A_640 = arith.subf %neg3A_639, %mul3A_629 : vector<16xf32>
    %max3A_641 = arith.constant 0.000000e+00 : f32
    %max3A_642 = vector.broadcast %max3A_641 : f32 to vector<16xf32>
    %max3A_643 = arith.maximumf %neg3A_640, %max3A_642 : vector<16xf32>
    %mul3A_644 = arith.mulf %max3A_643, %get3A_617 : vector<16xf32>
    %swap3A_645 = arith.constant 288 : index
    %swap3A_646 = tpu.vector_load %arg18[%swap3A_645] {strides = array<i32>} : memref<640xf32, #tpu.memory_space<vmem>>, vector<16xf32>,
    %swap3A_647 = vector.shape_cast %swap3A_646 : vector<16xf32> to vector<16xf32>
    %swap3A_648 = vector.shape_cast %mul3A_644 : vector<16xf32> to vector<16xf32>
    tpu.vector_store %arg18[%swap3A_645], %swap3A_648 {strides = array<i32>} : memref<640xf32, #tpu.memory_space<vmem>>, vector<16xf32>,
    %get3A_649 = arith.constant 304 : index
    %get3A_650 = tpu.vector_load %arg16[%get3A_649] {strides = array<i32>} : memref<640xf32, #tpu.memory_space<vmem>>, vector<16xf32>,
    %get3A_651 = vector.shape_cast %get3A_650 : vector<16xf32> to vector<16xf32>
    %get3A_652 = arith.constant 304 : index
    %get3A_653 = tpu.vector_load %arg13[%get3A_652] {strides = array<i32>} : memref<640xf32, #tpu.memory_space<vmem>>, vector<16xf32>,
    %get3A_654 = vector.shape_cast %get3A_653 : vector<16xf32> to vector<16xf32>
    %get3A_655 = arith.constant 304 : index
    %get3A_656 = tpu.vector_load %arg14[%get3A_655] {strides = array<i32>} : memref<640xf32, #tpu.memory_space<vmem>>, vector<16xf32>,
    %get3A_657 = vector.shape_cast %get3A_656 : vector<16xf32> to vector<16xf32>
    %add3A_658 = arith.addf %get3A_654, %get3A_657 : vector<16xf32>
    %get3A_659 = arith.constant 304 : index
    %get3A_660 = tpu.vector_load %arg15[%get3A_659] {strides = array<i32>} : memref<640xf32, #tpu.memory_space<vmem>>, vector<16xf32>,
    %get3A_661 = vector.shape_cast %get3A_660 : vector<16xf32> to vector<16xf32>
    %add3A_662 = arith.addf %add3A_658, %get3A_661 : vector<16xf32>
    %mul3A_663 = arith.mulf %get3A_651, %add3A_662 : vector<16xf32>
    %max3A_664 = arith.constant 0.000000e+00 : f32
    %max3A_665 = vector.broadcast %max3A_664 : f32 to vector<16xf32>
    %max3A_666 = arith.maximumf %mul3A_663, %max3A_665 : vector<16xf32>
    %mul3A_667 = arith.mulf %max3A_666, %get3A_651 : vector<16xf32>
    %swap3A_668 = arith.constant 304 : index
    %swap3A_669 = tpu.vector_load %arg17[%swap3A_668] {strides = array<i32>} : memref<640xf32, #tpu.memory_space<vmem>>, vector<16xf32>,
    %swap3A_670 = vector.shape_cast %swap3A_669 : vector<16xf32> to vector<16xf32>
    %swap3A_671 = vector.shape_cast %mul3A_667 : vector<16xf32> to vector<16xf32>
    tpu.vector_store %arg17[%swap3A_668], %swap3A_671 {strides = array<i32>} : memref<640xf32, #tpu.memory_space<vmem>>, vector<16xf32>,
    %neg3A_672 = arith.constant 0.000000e+00 : f32
    %neg3A_673 = vector.broadcast %neg3A_672 : f32 to vector<16xf32>
    %neg3A_674 = arith.subf %neg3A_673, %mul3A_663 : vector<16xf32>
    %max3A_675 = arith.constant 0.000000e+00 : f32
    %max3A_676 = vector.broadcast %max3A_675 : f32 to vector<16xf32>
    %max3A_677 = arith.maximumf %neg3A_674, %max3A_676 : vector<16xf32>
    %mul3A_678 = arith.mulf %max3A_677, %get3A_651 : vector<16xf32>
    %swap3A_679 = arith.constant 304 : index
    %swap3A_680 = tpu.vector_load %arg18[%swap3A_679] {strides = array<i32>} : memref<640xf32, #tpu.memory_space<vmem>>, vector<16xf32>,
    %swap3A_681 = vector.shape_cast %swap3A_680 : vector<16xf32> to vector<16xf32>
    %swap3A_682 = vector.shape_cast %mul3A_678 : vector<16xf32> to vector<16xf32>
    tpu.vector_store %arg18[%swap3A_679], %swap3A_682 {strides = array<i32>} : memref<640xf32, #tpu.memory_space<vmem>>, vector<16xf32>,
    %get3A_683 = arith.constant 320 : index
    %get3A_684 = tpu.vector_load %arg16[%get3A_683] {strides = array<i32>} : memref<640xf32, #tpu.memory_space<vmem>>, vector<16xf32>,
    %get3A_685 = vector.shape_cast %get3A_684 : vector<16xf32> to vector<16xf32>
    %get3A_686 = arith.constant 320 : index
    %get3A_687 = tpu.vector_load %arg13[%get3A_686] {strides = array<i32>} : memref<640xf32, #tpu.memory_space<vmem>>, vector<16xf32>,
    %get3A_688 = vector.shape_cast %get3A_687 : vector<16xf32> to vector<16xf32>
    %get3A_689 = arith.constant 320 : index
    %get3A_690 = tpu.vector_load %arg14[%get3A_689] {strides = array<i32>} : memref<640xf32, #tpu.memory_space<vmem>>, vector<16xf32>,
    %get3A_691 = vector.shape_cast %get3A_690 : vector<16xf32> to vector<16xf32>
    %add3A_692 = arith.addf %get3A_688, %get3A_691 : vector<16xf32>
    %get3A_693 = arith.constant 320 : index
    %get3A_694 = tpu.vector_load %arg15[%get3A_693] {strides = array<i32>} : memref<640xf32, #tpu.memory_space<vmem>>, vector<16xf32>,
    %get3A_695 = vector.shape_cast %get3A_694 : vector<16xf32> to vector<16xf32>
    %add3A_696 = arith.addf %add3A_692, %get3A_695 : vector<16xf32>
    %mul3A_697 = arith.mulf %get3A_685, %add3A_696 : vector<16xf32>
    %max3A_698 = arith.constant 0.000000e+00 : f32
    %max3A_699 = vector.broadcast %max3A_698 : f32 to vector<16xf32>
    %max3A_700 = arith.maximumf %mul3A_697, %max3A_699 : vector<16xf32>
    %mul3A_701 = arith.mulf %max3A_700, %get3A_685 : vector<16xf32>
    %swap3A_702 = arith.constant 320 : index
    %swap3A_703 = tpu.vector_load %arg17[%swap3A_702] {strides = array<i32>} : memref<640xf32, #tpu.memory_space<vmem>>, vector<16xf32>,
    %swap3A_704 = vector.shape_cast %swap3A_703 : vector<16xf32> to vector<16xf32>
    %swap3A_705 = vector.shape_cast %mul3A_701 : vector<16xf32> to vector<16xf32>
    tpu.vector_store %arg17[%swap3A_702], %swap3A_705 {strides = array<i32>} : memref<640xf32, #tpu.memory_space<vmem>>, vector<16xf32>,
    %neg3A_706 = arith.constant 0.000000e+00 : f32
    %neg3A_707 = vector.broadcast %neg3A_706 : f32 to vector<16xf32>
    %neg3A_708 = arith.subf %neg3A_707, %mul3A_697 : vector<16xf32>
    %max3A_709 = arith.constant 0.000000e+00 : f32
    %max3A_710 = vector.broadcast %max3A_709 : f32 to vector<16xf32>
    %max3A_711 = arith.maximumf %neg3A_708, %max3A_710 : vector<16xf32>
    %mul3A_712 = arith.mulf %max3A_711, %get3A_685 : vector<16xf32>
    %swap3A_713 = arith.constant 320 : index
    %swap3A_714 = tpu.vector_load %arg18[%swap3A_713] {strides = array<i32>} : memref<640xf32, #tpu.memory_space<vmem>>, vector<16xf32>,
    %swap3A_715 = vector.shape_cast %swap3A_714 : vector<16xf32> to vector<16xf32>
    %swap3A_716 = vector.shape_cast %mul3A_712 : vector<16xf32> to vector<16xf32>
    tpu.vector_store %arg18[%swap3A_713], %swap3A_716 {strides = array<i32>} : memref<640xf32, #tpu.memory_space<vmem>>, vector<16xf32>,
    %get3A_717 = arith.constant 336 : index
    %get3A_718 = tpu.vector_load %arg16[%get3A_717] {strides = array<i32>} : memref<640xf32, #tpu.memory_space<vmem>>, vector<16xf32>,
    %get3A_719 = vector.shape_cast %get3A_718 : vector<16xf32> to vector<16xf32>
    %get3A_720 = arith.constant 336 : index
    %get3A_721 = tpu.vector_load %arg13[%get3A_720] {strides = array<i32>} : memref<640xf32, #tpu.memory_space<vmem>>, vector<16xf32>,
    %get3A_722 = vector.shape_cast %get3A_721 : vector<16xf32> to vector<16xf32>
    %get3A_723 = arith.constant 336 : index
    %get3A_724 = tpu.vector_load %arg14[%get3A_723] {strides = array<i32>} : memref<640xf32, #tpu.memory_space<vmem>>, vector<16xf32>,
    %get3A_725 = vector.shape_cast %get3A_724 : vector<16xf32> to vector<16xf32>
    %add3A_726 = arith.addf %get3A_722, %get3A_725 : vector<16xf32>
    %get3A_727 = arith.constant 336 : index
    %get3A_728 = tpu.vector_load %arg15[%get3A_727] {strides = array<i32>} : memref<640xf32, #tpu.memory_space<vmem>>, vector<16xf32>,
    %get3A_729 = vector.shape_cast %get3A_728 : vector<16xf32> to vector<16xf32>
    %add3A_730 = arith.addf %add3A_726, %get3A_729 : vector<16xf32>
    %mul3A_731 = arith.mulf %get3A_719, %add3A_730 : vector<16xf32>
    %max3A_732 = arith.constant 0.000000e+00 : f32
    %max3A_733 = vector.broadcast %max3A_732 : f32 to vector<16xf32>
    %max3A_734 = arith.maximumf %mul3A_731, %max3A_733 : vector<16xf32>
    %mul3A_735 = arith.mulf %max3A_734, %get3A_719 : vector<16xf32>
    %swap3A_736 = arith.constant 336 : index
    %swap3A_737 = tpu.vector_load %arg17[%swap3A_736] {strides = array<i32>} : memref<640xf32, #tpu.memory_space<vmem>>, vector<16xf32>,
    %swap3A_738 = vector.shape_cast %swap3A_737 : vector<16xf32> to vector<16xf32>
    %swap3A_739 = vector.shape_cast %mul3A_735 : vector<16xf32> to vector<16xf32>
    tpu.vector_store %arg17[%swap3A_736], %swap3A_739 {strides = array<i32>} : memref<640xf32, #tpu.memory_space<vmem>>, vector<16xf32>,
    %neg3A_740 = arith.constant 0.000000e+00 : f32
    %neg3A_741 = vector.broadcast %neg3A_740 : f32 to vector<16xf32>
    %neg3A_742 = arith.subf %neg3A_741, %mul3A_731 : vector<16xf32>
    %max3A_743 = arith.constant 0.000000e+00 : f32
    %max3A_744 = vector.broadcast %max3A_743 : f32 to vector<16xf32>
    %max3A_745 = arith.maximumf %neg3A_742, %max3A_744 : vector<16xf32>
    %mul3A_746 = arith.mulf %max3A_745, %get3A_719 : vector<16xf32>
    %swap3A_747 = arith.constant 336 : index
    %swap3A_748 = tpu.vector_load %arg18[%swap3A_747] {strides = array<i32>} : memref<640xf32, #tpu.memory_space<vmem>>, vector<16xf32>,
    %swap3A_749 = vector.shape_cast %swap3A_748 : vector<16xf32> to vector<16xf32>
    %swap3A_750 = vector.shape_cast %mul3A_746 : vector<16xf32> to vector<16xf32>
    tpu.vector_store %arg18[%swap3A_747], %swap3A_750 {strides = array<i32>} : memref<640xf32, #tpu.memory_space<vmem>>, vector<16xf32>,
    %get3A_751 = arith.constant 352 : index
    %get3A_752 = tpu.vector_load %arg16[%get3A_751] {strides = array<i32>} : memref<640xf32, #tpu.memory_space<vmem>>, vector<16xf32>,
    %get3A_753 = vector.shape_cast %get3A_752 : vector<16xf32> to vector<16xf32>
    %get3A_754 = arith.constant 352 : index
    %get3A_755 = tpu.vector_load %arg13[%get3A_754] {strides = array<i32>} : memref<640xf32, #tpu.memory_space<vmem>>, vector<16xf32>,
    %get3A_756 = vector.shape_cast %get3A_755 : vector<16xf32> to vector<16xf32>
    %get3A_757 = arith.constant 352 : index
    %get3A_758 = tpu.vector_load %arg14[%get3A_757] {strides = array<i32>} : memref<640xf32, #tpu.memory_space<vmem>>, vector<16xf32>,
    %get3A_759 = vector.shape_cast %get3A_758 : vector<16xf32> to vector<16xf32>
    %add3A_760 = arith.addf %get3A_756, %get3A_759 : vector<16xf32>
    %get3A_761 = arith.constant 352 : index
    %get3A_762 = tpu.vector_load %arg15[%get3A_761] {strides = array<i32>} : memref<640xf32, #tpu.memory_space<vmem>>, vector<16xf32>,
    %get3A_763 = vector.shape_cast %get3A_762 : vector<16xf32> to vector<16xf32>
    %add3A_764 = arith.addf %add3A_760, %get3A_763 : vector<16xf32>
    %mul3A_765 = arith.mulf %get3A_753, %add3A_764 : vector<16xf32>
    %max3A_766 = arith.constant 0.000000e+00 : f32
    %max3A_767 = vector.broadcast %max3A_766 : f32 to vector<16xf32>
    %max3A_768 = arith.maximumf %mul3A_765, %max3A_767 : vector<16xf32>
    %mul3A_769 = arith.mulf %max3A_768, %get3A_753 : vector<16xf32>
    %swap3A_770 = arith.constant 352 : index
    %swap3A_771 = tpu.vector_load %arg17[%swap3A_770] {strides = array<i32>} : memref<640xf32, #tpu.memory_space<vmem>>, vector<16xf32>,
    %swap3A_772 = vector.shape_cast %swap3A_771 : vector<16xf32> to vector<16xf32>
    %swap3A_773 = vector.shape_cast %mul3A_769 : vector<16xf32> to vector<16xf32>
    tpu.vector_store %arg17[%swap3A_770], %swap3A_773 {strides = array<i32>} : memref<640xf32, #tpu.memory_space<vmem>>, vector<16xf32>,
    %neg3A_774 = arith.constant 0.000000e+00 : f32
    %neg3A_775 = vector.broadcast %neg3A_774 : f32 to vector<16xf32>
    %neg3A_776 = arith.subf %neg3A_775, %mul3A_765 : vector<16xf32>
    %max3A_777 = arith.constant 0.000000e+00 : f32
    %max3A_778 = vector.broadcast %max3A_777 : f32 to vector<16xf32>
    %max3A_779 = arith.maximumf %neg3A_776, %max3A_778 : vector<16xf32>
    %mul3A_780 = arith.mulf %max3A_779, %get3A_753 : vector<16xf32>
    %swap3A_781 = arith.constant 352 : index
    %swap3A_782 = tpu.vector_load %arg18[%swap3A_781] {strides = array<i32>} : memref<640xf32, #tpu.memory_space<vmem>>, vector<16xf32>,
    %swap3A_783 = vector.shape_cast %swap3A_782 : vector<16xf32> to vector<16xf32>
    %swap3A_784 = vector.shape_cast %mul3A_780 : vector<16xf32> to vector<16xf32>
    tpu.vector_store %arg18[%swap3A_781], %swap3A_784 {strides = array<i32>} : memref<640xf32, #tpu.memory_space<vmem>>, vector<16xf32>,
    %get3A_785 = arith.constant 368 : index
    %get3A_786 = tpu.vector_load %arg16[%get3A_785] {strides = array<i32>} : memref<640xf32, #tpu.memory_space<vmem>>, vector<16xf32>,
    %get3A_787 = vector.shape_cast %get3A_786 : vector<16xf32> to vector<16xf32>
    %get3A_788 = arith.constant 368 : index
    %get3A_789 = tpu.vector_load %arg13[%get3A_788] {strides = array<i32>} : memref<640xf32, #tpu.memory_space<vmem>>, vector<16xf32>,
    %get3A_790 = vector.shape_cast %get3A_789 : vector<16xf32> to vector<16xf32>
    %get3A_791 = arith.constant 368 : index
    %get3A_792 = tpu.vector_load %arg14[%get3A_791] {strides = array<i32>} : memref<640xf32, #tpu.memory_space<vmem>>, vector<16xf32>,
    %get3A_793 = vector.shape_cast %get3A_792 : vector<16xf32> to vector<16xf32>
    %add3A_794 = arith.addf %get3A_790, %get3A_793 : vector<16xf32>
    %get3A_795 = arith.constant 368 : index
    %get3A_796 = tpu.vector_load %arg15[%get3A_795] {strides = array<i32>} : memref<640xf32, #tpu.memory_space<vmem>>, vector<16xf32>,
    %get3A_797 = vector.shape_cast %get3A_796 : vector<16xf32> to vector<16xf32>
    %add3A_798 = arith.addf %add3A_794, %get3A_797 : vector<16xf32>
    %mul3A_799 = arith.mulf %get3A_787, %add3A_798 : vector<16xf32>
    %max3A_800 = arith.constant 0.000000e+00 : f32
    %max3A_801 = vector.broadcast %max3A_800 : f32 to vector<16xf32>
    %max3A_802 = arith.maximumf %mul3A_799, %max3A_801 : vector<16xf32>
    %mul3A_803 = arith.mulf %max3A_802, %get3A_787 : vector<16xf32>
    %swap3A_804 = arith.constant 368 : index
    %swap3A_805 = tpu.vector_load %arg17[%swap3A_804] {strides = array<i32>} : memref<640xf32, #tpu.memory_space<vmem>>, vector<16xf32>,
    %swap3A_806 = vector.shape_cast %swap3A_805 : vector<16xf32> to vector<16xf32>
    %swap3A_807 = vector.shape_cast %mul3A_803 : vector<16xf32> to vector<16xf32>
    tpu.vector_store %arg17[%swap3A_804], %swap3A_807 {strides = array<i32>} : memref<640xf32, #tpu.memory_space<vmem>>, vector<16xf32>,
    %neg3A_808 = arith.constant 0.000000e+00 : f32
    %neg3A_809 = vector.broadcast %neg3A_808 : f32 to vector<16xf32>
    %neg3A_810 = arith.subf %neg3A_809, %mul3A_799 : vector<16xf32>
    %max3A_811 = arith.constant 0.000000e+00 : f32
    %max3A_812 = vector.broadcast %max3A_811 : f32 to vector<16xf32>
    %max3A_813 = arith.maximumf %neg3A_810, %max3A_812 : vector<16xf32>
    %mul3A_814 = arith.mulf %max3A_813, %get3A_787 : vector<16xf32>
    %swap3A_815 = arith.constant 368 : index
    %swap3A_816 = tpu.vector_load %arg18[%swap3A_815] {strides = array<i32>} : memref<640xf32, #tpu.memory_space<vmem>>, vector<16xf32>,
    %swap3A_817 = vector.shape_cast %swap3A_816 : vector<16xf32> to vector<16xf32>
    %swap3A_818 = vector.shape_cast %mul3A_814 : vector<16xf32> to vector<16xf32>
    tpu.vector_store %arg18[%swap3A_815], %swap3A_818 {strides = array<i32>} : memref<640xf32, #tpu.memory_space<vmem>>, vector<16xf32>,
    %get3A_819 = arith.constant 384 : index
    %get3A_820 = tpu.vector_load %arg16[%get3A_819] {strides = array<i32>} : memref<640xf32, #tpu.memory_space<vmem>>, vector<16xf32>,
    %get3A_821 = vector.shape_cast %get3A_820 : vector<16xf32> to vector<16xf32>
    %get3A_822 = arith.constant 384 : index
    %get3A_823 = tpu.vector_load %arg13[%get3A_822] {strides = array<i32>} : memref<640xf32, #tpu.memory_space<vmem>>, vector<16xf32>,
    %get3A_824 = vector.shape_cast %get3A_823 : vector<16xf32> to vector<16xf32>
    %get3A_825 = arith.constant 384 : index
    %get3A_826 = tpu.vector_load %arg14[%get3A_825] {strides = array<i32>} : memref<640xf32, #tpu.memory_space<vmem>>, vector<16xf32>,
    %get3A_827 = vector.shape_cast %get3A_826 : vector<16xf32> to vector<16xf32>
    %add3A_828 = arith.addf %get3A_824, %get3A_827 : vector<16xf32>
    %get3A_829 = arith.constant 384 : index
    %get3A_830 = tpu.vector_load %arg15[%get3A_829] {strides = array<i32>} : memref<640xf32, #tpu.memory_space<vmem>>, vector<16xf32>,
    %get3A_831 = vector.shape_cast %get3A_830 : vector<16xf32> to vector<16xf32>
    %add3A_832 = arith.addf %add3A_828, %get3A_831 : vector<16xf32>
    %mul3A_833 = arith.mulf %get3A_821, %add3A_832 : vector<16xf32>
    %max3A_834 = arith.constant 0.000000e+00 : f32
    %max3A_835 = vector.broadcast %max3A_834 : f32 to vector<16xf32>
    %max3A_836 = arith.maximumf %mul3A_833, %max3A_835 : vector<16xf32>
    %mul3A_837 = arith.mulf %max3A_836, %get3A_821 : vector<16xf32>
    %swap3A_838 = arith.constant 384 : index
    %swap3A_839 = tpu.vector_load %arg17[%swap3A_838] {strides = array<i32>} : memref<640xf32, #tpu.memory_space<vmem>>, vector<16xf32>,
    %swap3A_840 = vector.shape_cast %swap3A_839 : vector<16xf32> to vector<16xf32>
    %swap3A_841 = vector.shape_cast %mul3A_837 : vector<16xf32> to vector<16xf32>
    tpu.vector_store %arg17[%swap3A_838], %swap3A_841 {strides = array<i32>} : memref<640xf32, #tpu.memory_space<vmem>>, vector<16xf32>,
    %neg3A_842 = arith.constant 0.000000e+00 : f32
    %neg3A_843 = vector.broadcast %neg3A_842 : f32 to vector<16xf32>
    %neg3A_844 = arith.subf %neg3A_843, %mul3A_833 : vector<16xf32>
    %max3A_845 = arith.constant 0.000000e+00 : f32
    %max3A_846 = vector.broadcast %max3A_845 : f32 to vector<16xf32>
    %max3A_847 = arith.maximumf %neg3A_844, %max3A_846 : vector<16xf32>
    %mul3A_848 = arith.mulf %max3A_847, %get3A_821 : vector<16xf32>
    %swap3A_849 = arith.constant 384 : index
    %swap3A_850 = tpu.vector_load %arg18[%swap3A_849] {strides = array<i32>} : memref<640xf32, #tpu.memory_space<vmem>>, vector<16xf32>,
    %swap3A_851 = vector.shape_cast %swap3A_850 : vector<16xf32> to vector<16xf32>
    %swap3A_852 = vector.shape_cast %mul3A_848 : vector<16xf32> to vector<16xf32>
    tpu.vector_store %arg18[%swap3A_849], %swap3A_852 {strides = array<i32>} : memref<640xf32, #tpu.memory_space<vmem>>, vector<16xf32>,
    %get3A_853 = arith.constant 400 : index
    %get3A_854 = tpu.vector_load %arg16[%get3A_853] {strides = array<i32>} : memref<640xf32, #tpu.memory_space<vmem>>, vector<16xf32>,
    %get3A_855 = vector.shape_cast %get3A_854 : vector<16xf32> to vector<16xf32>
    %get3A_856 = arith.constant 400 : index
    %get3A_857 = tpu.vector_load %arg13[%get3A_856] {strides = array<i32>} : memref<640xf32, #tpu.memory_space<vmem>>, vector<16xf32>,
    %get3A_858 = vector.shape_cast %get3A_857 : vector<16xf32> to vector<16xf32>
    %get3A_859 = arith.constant 400 : index
    %get3A_860 = tpu.vector_load %arg14[%get3A_859] {strides = array<i32>} : memref<640xf32, #tpu.memory_space<vmem>>, vector<16xf32>,
    %get3A_861 = vector.shape_cast %get3A_860 : vector<16xf32> to vector<16xf32>
    %add3A_862 = arith.addf %get3A_858, %get3A_861 : vector<16xf32>
    %get3A_863 = arith.constant 400 : index
    %get3A_864 = tpu.vector_load %arg15[%get3A_863] {strides = array<i32>} : memref<640xf32, #tpu.memory_space<vmem>>, vector<16xf32>,
    %get3A_865 = vector.shape_cast %get3A_864 : vector<16xf32> to vector<16xf32>
    %add3A_866 = arith.addf %add3A_862, %get3A_865 : vector<16xf32>
    %mul3A_867 = arith.mulf %get3A_855, %add3A_866 : vector<16xf32>
    %max3A_868 = arith.constant 0.000000e+00 : f32
    %max3A_869 = vector.broadcast %max3A_868 : f32 to vector<16xf32>
    %max3A_870 = arith.maximumf %mul3A_867, %max3A_869 : vector<16xf32>
    %mul3A_871 = arith.mulf %max3A_870, %get3A_855 : vector<16xf32>
    %swap3A_872 = arith.constant 400 : index
    %swap3A_873 = tpu.vector_load %arg17[%swap3A_872] {strides = array<i32>} : memref<640xf32, #tpu.memory_space<vmem>>, vector<16xf32>,
    %swap3A_874 = vector.shape_cast %swap3A_873 : vector<16xf32> to vector<16xf32>
    %swap3A_875 = vector.shape_cast %mul3A_871 : vector<16xf32> to vector<16xf32>
    tpu.vector_store %arg17[%swap3A_872], %swap3A_875 {strides = array<i32>} : memref<640xf32, #tpu.memory_space<vmem>>, vector<16xf32>,
    %neg3A_876 = arith.constant 0.000000e+00 : f32
    %neg3A_877 = vector.broadcast %neg3A_876 : f32 to vector<16xf32>
    %neg3A_878 = arith.subf %neg3A_877, %mul3A_867 : vector<16xf32>
    %max3A_879 = arith.constant 0.000000e+00 : f32
    %max3A_880 = vector.broadcast %max3A_879 : f32 to vector<16xf32>
    %max3A_881 = arith.maximumf %neg3A_878, %max3A_880 : vector<16xf32>
    %mul3A_882 = arith.mulf %max3A_881, %get3A_855 : vector<16xf32>
    %swap3A_883 = arith.constant 400 : index
    %swap3A_884 = tpu.vector_load %arg18[%swap3A_883] {strides = array<i32>} : memref<640xf32, #tpu.memory_space<vmem>>, vector<16xf32>,
    %swap3A_885 = vector.shape_cast %swap3A_884 : vector<16xf32> to vector<16xf32>
    %swap3A_886 = vector.shape_cast %mul3A_882 : vector<16xf32> to vector<16xf32>
    tpu.vector_store %arg18[%swap3A_883], %swap3A_886 {strides = array<i32>} : memref<640xf32, #tpu.memory_space<vmem>>, vector<16xf32>,
    %get3A_887 = arith.constant 416 : index
    %get3A_888 = tpu.vector_load %arg16[%get3A_887] {strides = array<i32>} : memref<640xf32, #tpu.memory_space<vmem>>, vector<16xf32>,
    %get3A_889 = vector.shape_cast %get3A_888 : vector<16xf32> to vector<16xf32>
    %get3A_890 = arith.constant 416 : index
    %get3A_891 = tpu.vector_load %arg13[%get3A_890] {strides = array<i32>} : memref<640xf32, #tpu.memory_space<vmem>>, vector<16xf32>,
    %get3A_892 = vector.shape_cast %get3A_891 : vector<16xf32> to vector<16xf32>
    %get3A_893 = arith.constant 416 : index
    %get3A_894 = tpu.vector_load %arg14[%get3A_893] {strides = array<i32>} : memref<640xf32, #tpu.memory_space<vmem>>, vector<16xf32>,
    %get3A_895 = vector.shape_cast %get3A_894 : vector<16xf32> to vector<16xf32>
    %add3A_896 = arith.addf %get3A_892, %get3A_895 : vector<16xf32>
    %get3A_897 = arith.constant 416 : index
    %get3A_898 = tpu.vector_load %arg15[%get3A_897] {strides = array<i32>} : memref<640xf32, #tpu.memory_space<vmem>>, vector<16xf32>,
    %get3A_899 = vector.shape_cast %get3A_898 : vector<16xf32> to vector<16xf32>
    %add3A_900 = arith.addf %add3A_896, %get3A_899 : vector<16xf32>
    %mul3A_901 = arith.mulf %get3A_889, %add3A_900 : vector<16xf32>
    %max3A_902 = arith.constant 0.000000e+00 : f32
    %max3A_903 = vector.broadcast %max3A_902 : f32 to vector<16xf32>
    %max3A_904 = arith.maximumf %mul3A_901, %max3A_903 : vector<16xf32>
    %mul3A_905 = arith.mulf %max3A_904, %get3A_889 : vector<16xf32>
    %swap3A_906 = arith.constant 416 : index
    %swap3A_907 = tpu.vector_load %arg17[%swap3A_906] {strides = array<i32>} : memref<640xf32, #tpu.memory_space<vmem>>, vector<16xf32>,
    %swap3A_908 = vector.shape_cast %swap3A_907 : vector<16xf32> to vector<16xf32>
    %swap3A_909 = vector.shape_cast %mul3A_905 : vector<16xf32> to vector<16xf32>
    tpu.vector_store %arg17[%swap3A_906], %swap3A_909 {strides = array<i32>} : memref<640xf32, #tpu.memory_space<vmem>>, vector<16xf32>,
    %neg3A_910 = arith.constant 0.000000e+00 : f32
    %neg3A_911 = vector.broadcast %neg3A_910 : f32 to vector<16xf32>
    %neg3A_912 = arith.subf %neg3A_911, %mul3A_901 : vector<16xf32>
    %max3A_913 = arith.constant 0.000000e+00 : f32
    %max3A_914 = vector.broadcast %max3A_913 : f32 to vector<16xf32>
    %max3A_915 = arith.maximumf %neg3A_912, %max3A_914 : vector<16xf32>
    %mul3A_916 = arith.mulf %max3A_915, %get3A_889 : vector<16xf32>
    %swap3A_917 = arith.constant 416 : index
    %swap3A_918 = tpu.vector_load %arg18[%swap3A_917] {strides = array<i32>} : memref<640xf32, #tpu.memory_space<vmem>>, vector<16xf32>,
    %swap3A_919 = vector.shape_cast %swap3A_918 : vector<16xf32> to vector<16xf32>
    %swap3A_920 = vector.shape_cast %mul3A_916 : vector<16xf32> to vector<16xf32>
    tpu.vector_store %arg18[%swap3A_917], %swap3A_920 {strides = array<i32>} : memref<640xf32, #tpu.memory_space<vmem>>, vector<16xf32>,
    %get3A_921 = arith.constant 432 : index
    %get3A_922 = tpu.vector_load %arg16[%get3A_921] {strides = array<i32>} : memref<640xf32, #tpu.memory_space<vmem>>, vector<16xf32>,
    %get3A_923 = vector.shape_cast %get3A_922 : vector<16xf32> to vector<16xf32>
    %get3A_924 = arith.constant 432 : index
    %get3A_925 = tpu.vector_load %arg13[%get3A_924] {strides = array<i32>} : memref<640xf32, #tpu.memory_space<vmem>>, vector<16xf32>,
    %get3A_926 = vector.shape_cast %get3A_925 : vector<16xf32> to vector<16xf32>
    %get3A_927 = arith.constant 432 : index
    %get3A_928 = tpu.vector_load %arg14[%get3A_927] {strides = array<i32>} : memref<640xf32, #tpu.memory_space<vmem>>, vector<16xf32>,
    %get3A_929 = vector.shape_cast %get3A_928 : vector<16xf32> to vector<16xf32>
    %add3A_930 = arith.addf %get3A_926, %get3A_929 : vector<16xf32>
    %get3A_931 = arith.constant 432 : index
    %get3A_932 = tpu.vector_load %arg15[%get3A_931] {strides = array<i32>} : memref<640xf32, #tpu.memory_space<vmem>>, vector<16xf32>,
    %get3A_933 = vector.shape_cast %get3A_932 : vector<16xf32> to vector<16xf32>
    %add3A_934 = arith.addf %add3A_930, %get3A_933 : vector<16xf32>
    %mul3A_935 = arith.mulf %get3A_923, %add3A_934 : vector<16xf32>
    %max3A_936 = arith.constant 0.000000e+00 : f32
    %max3A_937 = vector.broadcast %max3A_936 : f32 to vector<16xf32>
    %max3A_938 = arith.maximumf %mul3A_935, %max3A_937 : vector<16xf32>
    %mul3A_939 = arith.mulf %max3A_938, %get3A_923 : vector<16xf32>
    %swap3A_940 = arith.constant 432 : index
    %swap3A_941 = tpu.vector_load %arg17[%swap3A_940] {strides = array<i32>} : memref<640xf32, #tpu.memory_space<vmem>>, vector<16xf32>,
    %swap3A_942 = vector.shape_cast %swap3A_941 : vector<16xf32> to vector<16xf32>
    %swap3A_943 = vector.shape_cast %mul3A_939 : vector<16xf32> to vector<16xf32>
    tpu.vector_store %arg17[%swap3A_940], %swap3A_943 {strides = array<i32>} : memref<640xf32, #tpu.memory_space<vmem>>, vector<16xf32>,
    %neg3A_944 = arith.constant 0.000000e+00 : f32
    %neg3A_945 = vector.broadcast %neg3A_944 : f32 to vector<16xf32>
    %neg3A_946 = arith.subf %neg3A_945, %mul3A_935 : vector<16xf32>
    %max3A_947 = arith.constant 0.000000e+00 : f32
    %max3A_948 = vector.broadcast %max3A_947 : f32 to vector<16xf32>
    %max3A_949 = arith.maximumf %neg3A_946, %max3A_948 : vector<16xf32>
    %mul3A_950 = arith.mulf %max3A_949, %get3A_923 : vector<16xf32>
    %swap3A_951 = arith.constant 432 : index
    %swap3A_952 = tpu.vector_load %arg18[%swap3A_951] {strides = array<i32>} : memref<640xf32, #tpu.memory_space<vmem>>, vector<16xf32>,
    %swap3A_953 = vector.shape_cast %swap3A_952 : vector<16xf32> to vector<16xf32>
    %swap3A_954 = vector.shape_cast %mul3A_950 : vector<16xf32> to vector<16xf32>
    tpu.vector_store %arg18[%swap3A_951], %swap3A_954 {strides = array<i32>} : memref<640xf32, #tpu.memory_space<vmem>>, vector<16xf32>,
    %get3A_955 = arith.constant 448 : index
    %get3A_956 = tpu.vector_load %arg16[%get3A_955] {strides = array<i32>} : memref<640xf32, #tpu.memory_space<vmem>>, vector<16xf32>,
    %get3A_957 = vector.shape_cast %get3A_956 : vector<16xf32> to vector<16xf32>
    %get3A_958 = arith.constant 448 : index
    %get3A_959 = tpu.vector_load %arg13[%get3A_958] {strides = array<i32>} : memref<640xf32, #tpu.memory_space<vmem>>, vector<16xf32>,
    %get3A_960 = vector.shape_cast %get3A_959 : vector<16xf32> to vector<16xf32>
    %get3A_961 = arith.constant 448 : index
    %get3A_962 = tpu.vector_load %arg14[%get3A_961] {strides = array<i32>} : memref<640xf32, #tpu.memory_space<vmem>>, vector<16xf32>,
    %get3A_963 = vector.shape_cast %get3A_962 : vector<16xf32> to vector<16xf32>
    %add3A_964 = arith.addf %get3A_960, %get3A_963 : vector<16xf32>
    %get3A_965 = arith.constant 448 : index
    %get3A_966 = tpu.vector_load %arg15[%get3A_965] {strides = array<i32>} : memref<640xf32, #tpu.memory_space<vmem>>, vector<16xf32>,
    %get3A_967 = vector.shape_cast %get3A_966 : vector<16xf32> to vector<16xf32>
    %add3A_968 = arith.addf %add3A_964, %get3A_967 : vector<16xf32>
    %mul3A_969 = arith.mulf %get3A_957, %add3A_968 : vector<16xf32>
    %max3A_970 = arith.constant 0.000000e+00 : f32
    %max3A_971 = vector.broadcast %max3A_970 : f32 to vector<16xf32>
    %max3A_972 = arith.maximumf %mul3A_969, %max3A_971 : vector<16xf32>
    %mul3A_973 = arith.mulf %max3A_972, %get3A_957 : vector<16xf32>
    %swap3A_974 = arith.constant 448 : index
    %swap3A_975 = tpu.vector_load %arg17[%swap3A_974] {strides = array<i32>} : memref<640xf32, #tpu.memory_space<vmem>>, vector<16xf32>,
    %swap3A_976 = vector.shape_cast %swap3A_975 : vector<16xf32> to vector<16xf32>
    %swap3A_977 = vector.shape_cast %mul3A_973 : vector<16xf32> to vector<16xf32>
    tpu.vector_store %arg17[%swap3A_974], %swap3A_977 {strides = array<i32>} : memref<640xf32, #tpu.memory_space<vmem>>, vector<16xf32>,
    %neg3A_978 = arith.constant 0.000000e+00 : f32
    %neg3A_979 = vector.broadcast %neg3A_978 : f32 to vector<16xf32>
    %neg3A_980 = arith.subf %neg3A_979, %mul3A_969 : vector<16xf32>
    %max3A_981 = arith.constant 0.000000e+00 : f32
    %max3A_982 = vector.broadcast %max3A_981 : f32 to vector<16xf32>
    %max3A_983 = arith.maximumf %neg3A_980, %max3A_982 : vector<16xf32>
    %mul3A_984 = arith.mulf %max3A_983, %get3A_957 : vector<16xf32>
    %swap3A_985 = arith.constant 448 : index
    %swap3A_986 = tpu.vector_load %arg18[%swap3A_985] {strides = array<i32>} : memref<640xf32, #tpu.memory_space<vmem>>, vector<16xf32>,
    %swap3A_987 = vector.shape_cast %swap3A_986 : vector<16xf32> to vector<16xf32>
    %swap3A_988 = vector.shape_cast %mul3A_984 : vector<16xf32> to vector<16xf32>
    tpu.vector_store %arg18[%swap3A_985], %swap3A_988 {strides = array<i32>} : memref<640xf32, #tpu.memory_space<vmem>>, vector<16xf32>,
    %get3A_989 = arith.constant 464 : index
    %get3A_990 = tpu.vector_load %arg16[%get3A_989] {strides = array<i32>} : memref<640xf32, #tpu.memory_space<vmem>>, vector<16xf32>,
    %get3A_991 = vector.shape_cast %get3A_990 : vector<16xf32> to vector<16xf32>
    %get3A_992 = arith.constant 464 : index
    %get3A_993 = tpu.vector_load %arg13[%get3A_992] {strides = array<i32>} : memref<640xf32, #tpu.memory_space<vmem>>, vector<16xf32>,
    %get3A_994 = vector.shape_cast %get3A_993 : vector<16xf32> to vector<16xf32>
    %get3A_995 = arith.constant 464 : index
    %get3A_996 = tpu.vector_load %arg14[%get3A_995] {strides = array<i32>} : memref<640xf32, #tpu.memory_space<vmem>>, vector<16xf32>,
    %get3A_997 = vector.shape_cast %get3A_996 : vector<16xf32> to vector<16xf32>
    %add3A_998 = arith.addf %get3A_994, %get3A_997 : vector<16xf32>
    %get3A_999 = arith.constant 464 : index
    %get3A_1000 = tpu.vector_load %arg15[%get3A_999] {strides = array<i32>} : memref<640xf32, #tpu.memory_space<vmem>>, vector<16xf32>,
    %get3A_1001 = vector.shape_cast %get3A_1000 : vector<16xf32> to vector<16xf32>
    %add3A_1002 = arith.addf %add3A_998, %get3A_1001 : vector<16xf32>
    %mul3A_1003 = arith.mulf %get3A_991, %add3A_1002 : vector<16xf32>
    %max3A_1004 = arith.constant 0.000000e+00 : f32
    %max3A_1005 = vector.broadcast %max3A_1004 : f32 to vector<16xf32>
    %max3A_1006 = arith.maximumf %mul3A_1003, %max3A_1005 : vector<16xf32>
    %mul3A_1007 = arith.mulf %max3A_1006, %get3A_991 : vector<16xf32>
    %swap3A_1008 = arith.constant 464 : index
    %swap3A_1009 = tpu.vector_load %arg17[%swap3A_1008] {strides = array<i32>} : memref<640xf32, #tpu.memory_space<vmem>>, vector<16xf32>,
    %swap3A_1010 = vector.shape_cast %swap3A_1009 : vector<16xf32> to vector<16xf32>
    %swap3A_1011 = vector.shape_cast %mul3A_1007 : vector<16xf32> to vector<16xf32>
    tpu.vector_store %arg17[%swap3A_1008], %swap3A_1011 {strides = array<i32>} : memref<640xf32, #tpu.memory_space<vmem>>, vector<16xf32>,
    %neg3A_1012 = arith.constant 0.000000e+00 : f32
    %neg3A_1013 = vector.broadcast %neg3A_1012 : f32 to vector<16xf32>
    %neg3A_1014 = arith.subf %neg3A_1013, %mul3A_1003 : vector<16xf32>
    %max3A_1015 = arith.constant 0.000000e+00 : f32
    %max3A_1016 = vector.broadcast %max3A_1015 : f32 to vector<16xf32>
    %max3A_1017 = arith.maximumf %neg3A_1014, %max3A_1016 : vector<16xf32>
    %mul3A_1018 = arith.mulf %max3A_1017, %get3A_991 : vector<16xf32>
    %swap3A_1019 = arith.constant 464 : index
    %swap3A_1020 = tpu.vector_load %arg18[%swap3A_1019] {strides = array<i32>} : memref<640xf32, #tpu.memory_space<vmem>>, vector<16xf32>,
    %swap3A_1021 = vector.shape_cast %swap3A_1020 : vector<16xf32> to vector<16xf32>
    %swap3A_1022 = vector.shape_cast %mul3A_1018 : vector<16xf32> to vector<16xf32>
    tpu.vector_store %arg18[%swap3A_1019], %swap3A_1022 {strides = array<i32>} : memref<640xf32, #tpu.memory_space<vmem>>, vector<16xf32>,
    %get3A_1023 = arith.constant 480 : index
    %get3A_1024 = tpu.vector_load %arg16[%get3A_1023] {strides = array<i32>} : memref<640xf32, #tpu.memory_space<vmem>>, vector<16xf32>,
    %get3A_1025 = vector.shape_cast %get3A_1024 : vector<16xf32> to vector<16xf32>
    %get3A_1026 = arith.constant 480 : index
    %get3A_1027 = tpu.vector_load %arg13[%get3A_1026] {strides = array<i32>} : memref<640xf32, #tpu.memory_space<vmem>>, vector<16xf32>,
    %get3A_1028 = vector.shape_cast %get3A_1027 : vector<16xf32> to vector<16xf32>
    %get3A_1029 = arith.constant 480 : index
    %get3A_1030 = tpu.vector_load %arg14[%get3A_1029] {strides = array<i32>} : memref<640xf32, #tpu.memory_space<vmem>>, vector<16xf32>,
    %get3A_1031 = vector.shape_cast %get3A_1030 : vector<16xf32> to vector<16xf32>
    %add3A_1032 = arith.addf %get3A_1028, %get3A_1031 : vector<16xf32>
    %get3A_1033 = arith.constant 480 : index
    %get3A_1034 = tpu.vector_load %arg15[%get3A_1033] {strides = array<i32>} : memref<640xf32, #tpu.memory_space<vmem>>, vector<16xf32>,
    %get3A_1035 = vector.shape_cast %get3A_1034 : vector<16xf32> to vector<16xf32>
    %add3A_1036 = arith.addf %add3A_1032, %get3A_1035 : vector<16xf32>
    %mul3A_1037 = arith.mulf %get3A_1025, %add3A_1036 : vector<16xf32>
    %max3A_1038 = arith.constant 0.000000e+00 : f32
    %max3A_1039 = vector.broadcast %max3A_1038 : f32 to vector<16xf32>
    %max3A_1040 = arith.maximumf %mul3A_1037, %max3A_1039 : vector<16xf32>
    %mul3A_1041 = arith.mulf %max3A_1040, %get3A_1025 : vector<16xf32>
    %swap3A_1042 = arith.constant 480 : index
    %swap3A_1043 = tpu.vector_load %arg17[%swap3A_1042] {strides = array<i32>} : memref<640xf32, #tpu.memory_space<vmem>>, vector<16xf32>,
    %swap3A_1044 = vector.shape_cast %swap3A_1043 : vector<16xf32> to vector<16xf32>
    %swap3A_1045 = vector.shape_cast %mul3A_1041 : vector<16xf32> to vector<16xf32>
    tpu.vector_store %arg17[%swap3A_1042], %swap3A_1045 {strides = array<i32>} : memref<640xf32, #tpu.memory_space<vmem>>, vector<16xf32>,
    %neg3A_1046 = arith.constant 0.000000e+00 : f32
    %neg3A_1047 = vector.broadcast %neg3A_1046 : f32 to vector<16xf32>
    %neg3A_1048 = arith.subf %neg3A_1047, %mul3A_1037 : vector<16xf32>
    %max3A_1049 = arith.constant 0.000000e+00 : f32
    %max3A_1050 = vector.broadcast %max3A_1049 : f32 to vector<16xf32>
    %max3A_1051 = arith.maximumf %neg3A_1048, %max3A_1050 : vector<16xf32>
    %mul3A_1052 = arith.mulf %max3A_1051, %get3A_1025 : vector<16xf32>
    %swap3A_1053 = arith.constant 480 : index
    %swap3A_1054 = tpu.vector_load %arg18[%swap3A_1053] {strides = array<i32>} : memref<640xf32, #tpu.memory_space<vmem>>, vector<16xf32>,
    %swap3A_1055 = vector.shape_cast %swap3A_1054 : vector<16xf32> to vector<16xf32>
    %swap3A_1056 = vector.shape_cast %mul3A_1052 : vector<16xf32> to vector<16xf32>
    tpu.vector_store %arg18[%swap3A_1053], %swap3A_1056 {strides = array<i32>} : memref<640xf32, #tpu.memory_space<vmem>>, vector<16xf32>,
    %get3A_1057 = arith.constant 496 : index
    %get3A_1058 = tpu.vector_load %arg16[%get3A_1057] {strides = array<i32>} : memref<640xf32, #tpu.memory_space<vmem>>, vector<16xf32>,
    %get3A_1059 = vector.shape_cast %get3A_1058 : vector<16xf32> to vector<16xf32>
    %get3A_1060 = arith.constant 496 : index
    %get3A_1061 = tpu.vector_load %arg13[%get3A_1060] {strides = array<i32>} : memref<640xf32, #tpu.memory_space<vmem>>, vector<16xf32>,
    %get3A_1062 = vector.shape_cast %get3A_1061 : vector<16xf32> to vector<16xf32>
    %get3A_1063 = arith.constant 496 : index
    %get3A_1064 = tpu.vector_load %arg14[%get3A_1063] {strides = array<i32>} : memref<640xf32, #tpu.memory_space<vmem>>, vector<16xf32>,
    %get3A_1065 = vector.shape_cast %get3A_1064 : vector<16xf32> to vector<16xf32>
    %add3A_1066 = arith.addf %get3A_1062, %get3A_1065 : vector<16xf32>
    %get3A_1067 = arith.constant 496 : index
    %get3A_1068 = tpu.vector_load %arg15[%get3A_1067] {strides = array<i32>} : memref<640xf32, #tpu.memory_space<vmem>>, vector<16xf32>,
    %get3A_1069 = vector.shape_cast %get3A_1068 : vector<16xf32> to vector<16xf32>
    %add3A_1070 = arith.addf %add3A_1066, %get3A_1069 : vector<16xf32>
    %mul3A_1071 = arith.mulf %get3A_1059, %add3A_1070 : vector<16xf32>
    %max3A_1072 = arith.constant 0.000000e+00 : f32
    %max3A_1073 = vector.broadcast %max3A_1072 : f32 to vector<16xf32>
    %max3A_1074 = arith.maximumf %mul3A_1071, %max3A_1073 : vector<16xf32>
    %mul3A_1075 = arith.mulf %max3A_1074, %get3A_1059 : vector<16xf32>
    %swap3A_1076 = arith.constant 496 : index
    %swap3A_1077 = tpu.vector_load %arg17[%swap3A_1076] {strides = array<i32>} : memref<640xf32, #tpu.memory_space<vmem>>, vector<16xf32>,
    %swap3A_1078 = vector.shape_cast %swap3A_1077 : vector<16xf32> to vector<16xf32>
    %swap3A_1079 = vector.shape_cast %mul3A_1075 : vector<16xf32> to vector<16xf32>
    tpu.vector_store %arg17[%swap3A_1076], %swap3A_1079 {strides = array<i32>} : memref<640xf32, #tpu.memory_space<vmem>>, vector<16xf32>,
    %neg3A_1080 = arith.constant 0.000000e+00 : f32
    %neg3A_1081 = vector.broadcast %neg3A_1080 : f32 to vector<16xf32>
    %neg3A_1082 = arith.subf %neg3A_1081, %mul3A_1071 : vector<16xf32>
    %max3A_1083 = arith.constant 0.000000e+00 : f32
    %max3A_1084 = vector.broadcast %max3A_1083 : f32 to vector<16xf32>
    %max3A_1085 = arith.maximumf %neg3A_1082, %max3A_1084 : vector<16xf32>
    %mul3A_1086 = arith.mulf %max3A_1085, %get3A_1059 : vector<16xf32>
    %swap3A_1087 = arith.constant 496 : index
    %swap3A_1088 = tpu.vector_load %arg18[%swap3A_1087] {strides = array<i32>} : memref<640xf32, #tpu.memory_space<vmem>>, vector<16xf32>,
    %swap3A_1089 = vector.shape_cast %swap3A_1088 : vector<16xf32> to vector<16xf32>
    %swap3A_1090 = vector.shape_cast %mul3A_1086 : vector<16xf32> to vector<16xf32>
    tpu.vector_store %arg18[%swap3A_1087], %swap3A_1090 {strides = array<i32>} : memref<640xf32, #tpu.memory_space<vmem>>, vector<16xf32>,
    %get3A_1091 = arith.constant 512 : index
    %get3A_1092 = tpu.vector_load %arg16[%get3A_1091] {strides = array<i32>} : memref<640xf32, #tpu.memory_space<vmem>>, vector<16xf32>,
    %get3A_1093 = vector.shape_cast %get3A_1092 : vector<16xf32> to vector<16xf32>
    %get3A_1094 = arith.constant 512 : index
    %get3A_1095 = tpu.vector_load %arg13[%get3A_1094] {strides = array<i32>} : memref<640xf32, #tpu.memory_space<vmem>>, vector<16xf32>,
    %get3A_1096 = vector.shape_cast %get3A_1095 : vector<16xf32> to vector<16xf32>
    %get3A_1097 = arith.constant 512 : index
    %get3A_1098 = tpu.vector_load %arg14[%get3A_1097] {strides = array<i32>} : memref<640xf32, #tpu.memory_space<vmem>>, vector<16xf32>,
    %get3A_1099 = vector.shape_cast %get3A_1098 : vector<16xf32> to vector<16xf32>
    %add3A_1100 = arith.addf %get3A_1096, %get3A_1099 : vector<16xf32>
    %get3A_1101 = arith.constant 512 : index
    %get3A_1102 = tpu.vector_load %arg15[%get3A_1101] {strides = array<i32>} : memref<640xf32, #tpu.memory_space<vmem>>, vector<16xf32>,
    %get3A_1103 = vector.shape_cast %get3A_1102 : vector<16xf32> to vector<16xf32>
    %add3A_1104 = arith.addf %add3A_1100, %get3A_1103 : vector<16xf32>
    %mul3A_1105 = arith.mulf %get3A_1093, %add3A_1104 : vector<16xf32>
    %max3A_1106 = arith.constant 0.000000e+00 : f32
    %max3A_1107 = vector.broadcast %max3A_1106 : f32 to vector<16xf32>
    %max3A_1108 = arith.maximumf %mul3A_1105, %max3A_1107 : vector<16xf32>
    %mul3A_1109 = arith.mulf %max3A_1108, %get3A_1093 : vector<16xf32>
    %swap3A_1110 = arith.constant 512 : index
    %swap3A_1111 = tpu.vector_load %arg17[%swap3A_1110] {strides = array<i32>} : memref<640xf32, #tpu.memory_space<vmem>>, vector<16xf32>,
    %swap3A_1112 = vector.shape_cast %swap3A_1111 : vector<16xf32> to vector<16xf32>
    %swap3A_1113 = vector.shape_cast %mul3A_1109 : vector<16xf32> to vector<16xf32>
    tpu.vector_store %arg17[%swap3A_1110], %swap3A_1113 {strides = array<i32>} : memref<640xf32, #tpu.memory_space<vmem>>, vector<16xf32>,
    %neg3A_1114 = arith.constant 0.000000e+00 : f32
    %neg3A_1115 = vector.broadcast %neg3A_1114 : f32 to vector<16xf32>
    %neg3A_1116 = arith.subf %neg3A_1115, %mul3A_1105 : vector<16xf32>
    %max3A_1117 = arith.constant 0.000000e+00 : f32
    %max3A_1118 = vector.broadcast %max3A_1117 : f32 to vector<16xf32>
    %max3A_1119 = arith.maximumf %neg3A_1116, %max3A_1118 : vector<16xf32>
    %mul3A_1120 = arith.mulf %max3A_1119, %get3A_1093 : vector<16xf32>
    %swap3A_1121 = arith.constant 512 : index
    %swap3A_1122 = tpu.vector_load %arg18[%swap3A_1121] {strides = array<i32>} : memref<640xf32, #tpu.memory_space<vmem>>, vector<16xf32>,
    %swap3A_1123 = vector.shape_cast %swap3A_1122 : vector<16xf32> to vector<16xf32>
    %swap3A_1124 = vector.shape_cast %mul3A_1120 : vector<16xf32> to vector<16xf32>
    tpu.vector_store %arg18[%swap3A_1121], %swap3A_1124 {strides = array<i32>} : memref<640xf32, #tpu.memory_space<vmem>>, vector<16xf32>,
    %get3A_1125 = arith.constant 528 : index
    %get3A_1126 = tpu.vector_load %arg16[%get3A_1125] {strides = array<i32>} : memref<640xf32, #tpu.memory_space<vmem>>, vector<16xf32>,
    %get3A_1127 = vector.shape_cast %get3A_1126 : vector<16xf32> to vector<16xf32>
    %get3A_1128 = arith.constant 528 : index
    %get3A_1129 = tpu.vector_load %arg13[%get3A_1128] {strides = array<i32>} : memref<640xf32, #tpu.memory_space<vmem>>, vector<16xf32>,
    %get3A_1130 = vector.shape_cast %get3A_1129 : vector<16xf32> to vector<16xf32>
    %get3A_1131 = arith.constant 528 : index
    %get3A_1132 = tpu.vector_load %arg14[%get3A_1131] {strides = array<i32>} : memref<640xf32, #tpu.memory_space<vmem>>, vector<16xf32>,
    %get3A_1133 = vector.shape_cast %get3A_1132 : vector<16xf32> to vector<16xf32>
    %add3A_1134 = arith.addf %get3A_1130, %get3A_1133 : vector<16xf32>
    %get3A_1135 = arith.constant 528 : index
    %get3A_1136 = tpu.vector_load %arg15[%get3A_1135] {strides = array<i32>} : memref<640xf32, #tpu.memory_space<vmem>>, vector<16xf32>,
    %get3A_1137 = vector.shape_cast %get3A_1136 : vector<16xf32> to vector<16xf32>
    %add3A_1138 = arith.addf %add3A_1134, %get3A_1137 : vector<16xf32>
    %mul3A_1139 = arith.mulf %get3A_1127, %add3A_1138 : vector<16xf32>
    %max3A_1140 = arith.constant 0.000000e+00 : f32
    %max3A_1141 = vector.broadcast %max3A_1140 : f32 to vector<16xf32>
    %max3A_1142 = arith.maximumf %mul3A_1139, %max3A_1141 : vector<16xf32>
    %mul3A_1143 = arith.mulf %max3A_1142, %get3A_1127 : vector<16xf32>
    %swap3A_1144 = arith.constant 528 : index
    %swap3A_1145 = tpu.vector_load %arg17[%swap3A_1144] {strides = array<i32>} : memref<640xf32, #tpu.memory_space<vmem>>, vector<16xf32>,
    %swap3A_1146 = vector.shape_cast %swap3A_1145 : vector<16xf32> to vector<16xf32>
    %swap3A_1147 = vector.shape_cast %mul3A_1143 : vector<16xf32> to vector<16xf32>
    tpu.vector_store %arg17[%swap3A_1144], %swap3A_1147 {strides = array<i32>} : memref<640xf32, #tpu.memory_space<vmem>>, vector<16xf32>,
    %neg3A_1148 = arith.constant 0.000000e+00 : f32
    %neg3A_1149 = vector.broadcast %neg3A_1148 : f32 to vector<16xf32>
    %neg3A_1150 = arith.subf %neg3A_1149, %mul3A_1139 : vector<16xf32>
    %max3A_1151 = arith.constant 0.000000e+00 : f32
    %max3A_1152 = vector.broadcast %max3A_1151 : f32 to vector<16xf32>
    %max3A_1153 = arith.maximumf %neg3A_1150, %max3A_1152 : vector<16xf32>
    %mul3A_1154 = arith.mulf %max3A_1153, %get3A_1127 : vector<16xf32>
    %swap3A_1155 = arith.constant 528 : index
    %swap3A_1156 = tpu.vector_load %arg18[%swap3A_1155] {strides = array<i32>} : memref<640xf32, #tpu.memory_space<vmem>>, vector<16xf32>,
    %swap3A_1157 = vector.shape_cast %swap3A_1156 : vector<16xf32> to vector<16xf32>
    %swap3A_1158 = vector.shape_cast %mul3A_1154 : vector<16xf32> to vector<16xf32>
    tpu.vector_store %arg18[%swap3A_1155], %swap3A_1158 {strides = array<i32>} : memref<640xf32, #tpu.memory_space<vmem>>, vector<16xf32>,
    %get3A_1159 = arith.constant 544 : index
    %get3A_1160 = tpu.vector_load %arg16[%get3A_1159] {strides = array<i32>} : memref<640xf32, #tpu.memory_space<vmem>>, vector<16xf32>,
    %get3A_1161 = vector.shape_cast %get3A_1160 : vector<16xf32> to vector<16xf32>
    %get3A_1162 = arith.constant 544 : index
    %get3A_1163 = tpu.vector_load %arg13[%get3A_1162] {strides = array<i32>} : memref<640xf32, #tpu.memory_space<vmem>>, vector<16xf32>,
    %get3A_1164 = vector.shape_cast %get3A_1163 : vector<16xf32> to vector<16xf32>
    %get3A_1165 = arith.constant 544 : index
    %get3A_1166 = tpu.vector_load %arg14[%get3A_1165] {strides = array<i32>} : memref<640xf32, #tpu.memory_space<vmem>>, vector<16xf32>,
    %get3A_1167 = vector.shape_cast %get3A_1166 : vector<16xf32> to vector<16xf32>
    %add3A_1168 = arith.addf %get3A_1164, %get3A_1167 : vector<16xf32>
    %get3A_1169 = arith.constant 544 : index
    %get3A_1170 = tpu.vector_load %arg15[%get3A_1169] {strides = array<i32>} : memref<640xf32, #tpu.memory_space<vmem>>, vector<16xf32>,
    %get3A_1171 = vector.shape_cast %get3A_1170 : vector<16xf32> to vector<16xf32>
    %add3A_1172 = arith.addf %add3A_1168, %get3A_1171 : vector<16xf32>
    %mul3A_1173 = arith.mulf %get3A_1161, %add3A_1172 : vector<16xf32>
    %max3A_1174 = arith.constant 0.000000e+00 : f32
    %max3A_1175 = vector.broadcast %max3A_1174 : f32 to vector<16xf32>
    %max3A_1176 = arith.maximumf %mul3A_1173, %max3A_1175 : vector<16xf32>
    %mul3A_1177 = arith.mulf %max3A_1176, %get3A_1161 : vector<16xf32>
    %swap3A_1178 = arith.constant 544 : index
    %swap3A_1179 = tpu.vector_load %arg17[%swap3A_1178] {strides = array<i32>} : memref<640xf32, #tpu.memory_space<vmem>>, vector<16xf32>,
    %swap3A_1180 = vector.shape_cast %swap3A_1179 : vector<16xf32> to vector<16xf32>
    %swap3A_1181 = vector.shape_cast %mul3A_1177 : vector<16xf32> to vector<16xf32>
    tpu.vector_store %arg17[%swap3A_1178], %swap3A_1181 {strides = array<i32>} : memref<640xf32, #tpu.memory_space<vmem>>, vector<16xf32>,
    %neg3A_1182 = arith.constant 0.000000e+00 : f32
    %neg3A_1183 = vector.broadcast %neg3A_1182 : f32 to vector<16xf32>
    %neg3A_1184 = arith.subf %neg3A_1183, %mul3A_1173 : vector<16xf32>
    %max3A_1185 = arith.constant 0.000000e+00 : f32
    %max3A_1186 = vector.broadcast %max3A_1185 : f32 to vector<16xf32>
    %max3A_1187 = arith.maximumf %neg3A_1184, %max3A_1186 : vector<16xf32>
    %mul3A_1188 = arith.mulf %max3A_1187, %get3A_1161 : vector<16xf32>
    %swap3A_1189 = arith.constant 544 : index
    %swap3A_1190 = tpu.vector_load %arg18[%swap3A_1189] {strides = array<i32>} : memref<640xf32, #tpu.memory_space<vmem>>, vector<16xf32>,
    %swap3A_1191 = vector.shape_cast %swap3A_1190 : vector<16xf32> to vector<16xf32>
    %swap3A_1192 = vector.shape_cast %mul3A_1188 : vector<16xf32> to vector<16xf32>
    tpu.vector_store %arg18[%swap3A_1189], %swap3A_1192 {strides = array<i32>} : memref<640xf32, #tpu.memory_space<vmem>>, vector<16xf32>,
    %get3A_1193 = arith.constant 560 : index
    %get3A_1194 = tpu.vector_load %arg16[%get3A_1193] {strides = array<i32>} : memref<640xf32, #tpu.memory_space<vmem>>, vector<16xf32>,
    %get3A_1195 = vector.shape_cast %get3A_1194 : vector<16xf32> to vector<16xf32>
    %get3A_1196 = arith.constant 560 : index
    %get3A_1197 = tpu.vector_load %arg13[%get3A_1196] {strides = array<i32>} : memref<640xf32, #tpu.memory_space<vmem>>, vector<16xf32>,
    %get3A_1198 = vector.shape_cast %get3A_1197 : vector<16xf32> to vector<16xf32>
    %get3A_1199 = arith.constant 560 : index
    %get3A_1200 = tpu.vector_load %arg14[%get3A_1199] {strides = array<i32>} : memref<640xf32, #tpu.memory_space<vmem>>, vector<16xf32>,
    %get3A_1201 = vector.shape_cast %get3A_1200 : vector<16xf32> to vector<16xf32>
    %add3A_1202 = arith.addf %get3A_1198, %get3A_1201 : vector<16xf32>
    %get3A_1203 = arith.constant 560 : index
    %get3A_1204 = tpu.vector_load %arg15[%get3A_1203] {strides = array<i32>} : memref<640xf32, #tpu.memory_space<vmem>>, vector<16xf32>,
    %get3A_1205 = vector.shape_cast %get3A_1204 : vector<16xf32> to vector<16xf32>
    %add3A_1206 = arith.addf %add3A_1202, %get3A_1205 : vector<16xf32>
    %mul3A_1207 = arith.mulf %get3A_1195, %add3A_1206 : vector<16xf32>
    %max3A_1208 = arith.constant 0.000000e+00 : f32
    %max3A_1209 = vector.broadcast %max3A_1208 : f32 to vector<16xf32>
    %max3A_1210 = arith.maximumf %mul3A_1207, %max3A_1209 : vector<16xf32>
    %mul3A_1211 = arith.mulf %max3A_1210, %get3A_1195 : vector<16xf32>
    %swap3A_1212 = arith.constant 560 : index
    %swap3A_1213 = tpu.vector_load %arg17[%swap3A_1212] {strides = array<i32>} : memref<640xf32, #tpu.memory_space<vmem>>, vector<16xf32>,
    %swap3A_1214 = vector.shape_cast %swap3A_1213 : vector<16xf32> to vector<16xf32>
    %swap3A_1215 = vector.shape_cast %mul3A_1211 : vector<16xf32> to vector<16xf32>
    tpu.vector_store %arg17[%swap3A_1212], %swap3A_1215 {strides = array<i32>} : memref<640xf32, #tpu.memory_space<vmem>>, vector<16xf32>,
    %neg3A_1216 = arith.constant 0.000000e+00 : f32
    %neg3A_1217 = vector.broadcast %neg3A_1216 : f32 to vector<16xf32>
    %neg3A_1218 = arith.subf %neg3A_1217, %mul3A_1207 : vector<16xf32>
    %max3A_1219 = arith.constant 0.000000e+00 : f32
    %max3A_1220 = vector.broadcast %max3A_1219 : f32 to vector<16xf32>
    %max3A_1221 = arith.maximumf %neg3A_1218, %max3A_1220 : vector<16xf32>
    %mul3A_1222 = arith.mulf %max3A_1221, %get3A_1195 : vector<16xf32>
    %swap3A_1223 = arith.constant 560 : index
    %swap3A_1224 = tpu.vector_load %arg18[%swap3A_1223] {strides = array<i32>} : memref<640xf32, #tpu.memory_space<vmem>>, vector<16xf32>,
    %swap3A_1225 = vector.shape_cast %swap3A_1224 : vector<16xf32> to vector<16xf32>
    %swap3A_1226 = vector.shape_cast %mul3A_1222 : vector<16xf32> to vector<16xf32>
    tpu.vector_store %arg18[%swap3A_1223], %swap3A_1226 {strides = array<i32>} : memref<640xf32, #tpu.memory_space<vmem>>, vector<16xf32>,
    %get3A_1227 = arith.constant 576 : index
    %get3A_1228 = tpu.vector_load %arg16[%get3A_1227] {strides = array<i32>} : memref<640xf32, #tpu.memory_space<vmem>>, vector<16xf32>,
    %get3A_1229 = vector.shape_cast %get3A_1228 : vector<16xf32> to vector<16xf32>
    %get3A_1230 = arith.constant 576 : index
    %get3A_1231 = tpu.vector_load %arg13[%get3A_1230] {strides = array<i32>} : memref<640xf32, #tpu.memory_space<vmem>>, vector<16xf32>,
    %get3A_1232 = vector.shape_cast %get3A_1231 : vector<16xf32> to vector<16xf32>
    %get3A_1233 = arith.constant 576 : index
    %get3A_1234 = tpu.vector_load %arg14[%get3A_1233] {strides = array<i32>} : memref<640xf32, #tpu.memory_space<vmem>>, vector<16xf32>,
    %get3A_1235 = vector.shape_cast %get3A_1234 : vector<16xf32> to vector<16xf32>
    %add3A_1236 = arith.addf %get3A_1232, %get3A_1235 : vector<16xf32>
    %get3A_1237 = arith.constant 576 : index
    %get3A_1238 = tpu.vector_load %arg15[%get3A_1237] {strides = array<i32>} : memref<640xf32, #tpu.memory_space<vmem>>, vector<16xf32>,
    %get3A_1239 = vector.shape_cast %get3A_1238 : vector<16xf32> to vector<16xf32>
    %add3A_1240 = arith.addf %add3A_1236, %get3A_1239 : vector<16xf32>
    %mul3A_1241 = arith.mulf %get3A_1229, %add3A_1240 : vector<16xf32>
    %max3A_1242 = arith.constant 0.000000e+00 : f32
    %max3A_1243 = vector.broadcast %max3A_1242 : f32 to vector<16xf32>
    %max3A_1244 = arith.maximumf %mul3A_1241, %max3A_1243 : vector<16xf32>
    %mul3A_1245 = arith.mulf %max3A_1244, %get3A_1229 : vector<16xf32>
    %swap3A_1246 = arith.constant 576 : index
    %swap3A_1247 = tpu.vector_load %arg17[%swap3A_1246] {strides = array<i32>} : memref<640xf32, #tpu.memory_space<vmem>>, vector<16xf32>,
    %swap3A_1248 = vector.shape_cast %swap3A_1247 : vector<16xf32> to vector<16xf32>
    %swap3A_1249 = vector.shape_cast %mul3A_1245 : vector<16xf32> to vector<16xf32>
    tpu.vector_store %arg17[%swap3A_1246], %swap3A_1249 {strides = array<i32>} : memref<640xf32, #tpu.memory_space<vmem>>, vector<16xf32>,
    %neg3A_1250 = arith.constant 0.000000e+00 : f32
    %neg3A_1251 = vector.broadcast %neg3A_1250 : f32 to vector<16xf32>
    %neg3A_1252 = arith.subf %neg3A_1251, %mul3A_1241 : vector<16xf32>
    %max3A_1253 = arith.constant 0.000000e+00 : f32
    %max3A_1254 = vector.broadcast %max3A_1253 : f32 to vector<16xf32>
    %max3A_1255 = arith.maximumf %neg3A_1252, %max3A_1254 : vector<16xf32>
    %mul3A_1256 = arith.mulf %max3A_1255, %get3A_1229 : vector<16xf32>
    %swap3A_1257 = arith.constant 576 : index
    %swap3A_1258 = tpu.vector_load %arg18[%swap3A_1257] {strides = array<i32>} : memref<640xf32, #tpu.memory_space<vmem>>, vector<16xf32>,
    %swap3A_1259 = vector.shape_cast %swap3A_1258 : vector<16xf32> to vector<16xf32>
    %swap3A_1260 = vector.shape_cast %mul3A_1256 : vector<16xf32> to vector<16xf32>
    tpu.vector_store %arg18[%swap3A_1257], %swap3A_1260 {strides = array<i32>} : memref<640xf32, #tpu.memory_space<vmem>>, vector<16xf32>,
    %get3A_1261 = arith.constant 592 : index
    %get3A_1262 = tpu.vector_load %arg16[%get3A_1261] {strides = array<i32>} : memref<640xf32, #tpu.memory_space<vmem>>, vector<16xf32>,
    %get3A_1263 = vector.shape_cast %get3A_1262 : vector<16xf32> to vector<16xf32>
    %get3A_1264 = arith.constant 592 : index
    %get3A_1265 = tpu.vector_load %arg13[%get3A_1264] {strides = array<i32>} : memref<640xf32, #tpu.memory_space<vmem>>, vector<16xf32>,
    %get3A_1266 = vector.shape_cast %get3A_1265 : vector<16xf32> to vector<16xf32>
    %get3A_1267 = arith.constant 592 : index
    %get3A_1268 = tpu.vector_load %arg14[%get3A_1267] {strides = array<i32>} : memref<640xf32, #tpu.memory_space<vmem>>, vector<16xf32>,
    %get3A_1269 = vector.shape_cast %get3A_1268 : vector<16xf32> to vector<16xf32>
    %add3A_1270 = arith.addf %get3A_1266, %get3A_1269 : vector<16xf32>
    %get3A_1271 = arith.constant 592 : index
    %get3A_1272 = tpu.vector_load %arg15[%get3A_1271] {strides = array<i32>} : memref<640xf32, #tpu.memory_space<vmem>>, vector<16xf32>,
    %get3A_1273 = vector.shape_cast %get3A_1272 : vector<16xf32> to vector<16xf32>
    %add3A_1274 = arith.addf %add3A_1270, %get3A_1273 : vector<16xf32>
    %mul3A_1275 = arith.mulf %get3A_1263, %add3A_1274 : vector<16xf32>
    %max3A_1276 = arith.constant 0.000000e+00 : f32
    %max3A_1277 = vector.broadcast %max3A_1276 : f32 to vector<16xf32>
    %max3A_1278 = arith.maximumf %mul3A_1275, %max3A_1277 : vector<16xf32>
    %mul3A_1279 = arith.mulf %max3A_1278, %get3A_1263 : vector<16xf32>
    %swap3A_1280 = arith.constant 592 : index
    %swap3A_1281 = tpu.vector_load %arg17[%swap3A_1280] {strides = array<i32>} : memref<640xf32, #tpu.memory_space<vmem>>, vector<16xf32>,
    %swap3A_1282 = vector.shape_cast %swap3A_1281 : vector<16xf32> to vector<16xf32>
    %swap3A_1283 = vector.shape_cast %mul3A_1279 : vector<16xf32> to vector<16xf32>
    tpu.vector_store %arg17[%swap3A_1280], %swap3A_1283 {strides = array<i32>} : memref<640xf32, #tpu.memory_space<vmem>>, vector<16xf32>,
    %neg3A_1284 = arith.constant 0.000000e+00 : f32
    %neg3A_1285 = vector.broadcast %neg3A_1284 : f32 to vector<16xf32>
    %neg3A_1286 = arith.subf %neg3A_1285, %mul3A_1275 : vector<16xf32>
    %max3A_1287 = arith.constant 0.000000e+00 : f32
    %max3A_1288 = vector.broadcast %max3A_1287 : f32 to vector<16xf32>
    %max3A_1289 = arith.maximumf %neg3A_1286, %max3A_1288 : vector<16xf32>
    %mul3A_1290 = arith.mulf %max3A_1289, %get3A_1263 : vector<16xf32>
    %swap3A_1291 = arith.constant 592 : index
    %swap3A_1292 = tpu.vector_load %arg18[%swap3A_1291] {strides = array<i32>} : memref<640xf32, #tpu.memory_space<vmem>>, vector<16xf32>,
    %swap3A_1293 = vector.shape_cast %swap3A_1292 : vector<16xf32> to vector<16xf32>
    %swap3A_1294 = vector.shape_cast %mul3A_1290 : vector<16xf32> to vector<16xf32>
    tpu.vector_store %arg18[%swap3A_1291], %swap3A_1294 {strides = array<i32>} : memref<640xf32, #tpu.memory_space<vmem>>, vector<16xf32>,
    %get3A_1295 = arith.constant 608 : index
    %get3A_1296 = tpu.vector_load %arg16[%get3A_1295] {strides = array<i32>} : memref<640xf32, #tpu.memory_space<vmem>>, vector<16xf32>,
    %get3A_1297 = vector.shape_cast %get3A_1296 : vector<16xf32> to vector<16xf32>
    %get3A_1298 = arith.constant 608 : index
    %get3A_1299 = tpu.vector_load %arg13[%get3A_1298] {strides = array<i32>} : memref<640xf32, #tpu.memory_space<vmem>>, vector<16xf32>,
    %get3A_1300 = vector.shape_cast %get3A_1299 : vector<16xf32> to vector<16xf32>
    %get3A_1301 = arith.constant 608 : index
    %get3A_1302 = tpu.vector_load %arg14[%get3A_1301] {strides = array<i32>} : memref<640xf32, #tpu.memory_space<vmem>>, vector<16xf32>,
    %get3A_1303 = vector.shape_cast %get3A_1302 : vector<16xf32> to vector<16xf32>
    %add3A_1304 = arith.addf %get3A_1300, %get3A_1303 : vector<16xf32>
    %get3A_1305 = arith.constant 608 : index
    %get3A_1306 = tpu.vector_load %arg15[%get3A_1305] {strides = array<i32>} : memref<640xf32, #tpu.memory_space<vmem>>, vector<16xf32>,
    %get3A_1307 = vector.shape_cast %get3A_1306 : vector<16xf32> to vector<16xf32>
    %add3A_1308 = arith.addf %add3A_1304, %get3A_1307 : vector<16xf32>
    %mul3A_1309 = arith.mulf %get3A_1297, %add3A_1308 : vector<16xf32>
    %max3A_1310 = arith.constant 0.000000e+00 : f32
    %max3A_1311 = vector.broadcast %max3A_1310 : f32 to vector<16xf32>
    %max3A_1312 = arith.maximumf %mul3A_1309, %max3A_1311 : vector<16xf32>
    %mul3A_1313 = arith.mulf %max3A_1312, %get3A_1297 : vector<16xf32>
    %swap3A_1314 = arith.constant 608 : index
    %swap3A_1315 = tpu.vector_load %arg17[%swap3A_1314] {strides = array<i32>} : memref<640xf32, #tpu.memory_space<vmem>>, vector<16xf32>,
    %swap3A_1316 = vector.shape_cast %swap3A_1315 : vector<16xf32> to vector<16xf32>
    %swap3A_1317 = vector.shape_cast %mul3A_1313 : vector<16xf32> to vector<16xf32>
    tpu.vector_store %arg17[%swap3A_1314], %swap3A_1317 {strides = array<i32>} : memref<640xf32, #tpu.memory_space<vmem>>, vector<16xf32>,
    %neg3A_1318 = arith.constant 0.000000e+00 : f32
    %neg3A_1319 = vector.broadcast %neg3A_1318 : f32 to vector<16xf32>
    %neg3A_1320 = arith.subf %neg3A_1319, %mul3A_1309 : vector<16xf32>
    %max3A_1321 = arith.constant 0.000000e+00 : f32
    %max3A_1322 = vector.broadcast %max3A_1321 : f32 to vector<16xf32>
    %max3A_1323 = arith.maximumf %neg3A_1320, %max3A_1322 : vector<16xf32>
    %mul3A_1324 = arith.mulf %max3A_1323, %get3A_1297 : vector<16xf32>
    %swap3A_1325 = arith.constant 608 : index
    %swap3A_1326 = tpu.vector_load %arg18[%swap3A_1325] {strides = array<i32>} : memref<640xf32, #tpu.memory_space<vmem>>, vector<16xf32>,
    %swap3A_1327 = vector.shape_cast %swap3A_1326 : vector<16xf32> to vector<16xf32>
    %swap3A_1328 = vector.shape_cast %mul3A_1324 : vector<16xf32> to vector<16xf32>
    tpu.vector_store %arg18[%swap3A_1325], %swap3A_1328 {strides = array<i32>} : memref<640xf32, #tpu.memory_space<vmem>>, vector<16xf32>,
    %get3A_1329 = arith.constant 616 : index
    %get3A_1330 = tpu.vector_load %arg16[%get3A_1329] {strides = array<i32>} : memref<640xf32, #tpu.memory_space<vmem>>, vector<16xf32>,
    %get3A_1331 = vector.shape_cast %get3A_1330 : vector<16xf32> to vector<16xf32>
    %get3A_1332 = arith.constant 616 : index
    %get3A_1333 = tpu.vector_load %arg13[%get3A_1332] {strides = array<i32>} : memref<640xf32, #tpu.memory_space<vmem>>, vector<16xf32>,
    %get3A_1334 = vector.shape_cast %get3A_1333 : vector<16xf32> to vector<16xf32>
    %get3A_1335 = arith.constant 616 : index
    %get3A_1336 = tpu.vector_load %arg14[%get3A_1335] {strides = array<i32>} : memref<640xf32, #tpu.memory_space<vmem>>, vector<16xf32>,
    %get3A_1337 = vector.shape_cast %get3A_1336 : vector<16xf32> to vector<16xf32>
    %add3A_1338 = arith.addf %get3A_1334, %get3A_1337 : vector<16xf32>
    %get3A_1339 = arith.constant 616 : index
    %get3A_1340 = tpu.vector_load %arg15[%get3A_1339] {strides = array<i32>} : memref<640xf32, #tpu.memory_space<vmem>>, vector<16xf32>,
    %get3A_1341 = vector.shape_cast %get3A_1340 : vector<16xf32> to vector<16xf32>
    %add3A_1342 = arith.addf %add3A_1338, %get3A_1341 : vector<16xf32>
    %mul3A_1343 = arith.mulf %get3A_1331, %add3A_1342 : vector<16xf32>
    %max3A_1344 = arith.constant 0.000000e+00 : f32
    %max3A_1345 = vector.broadcast %max3A_1344 : f32 to vector<16xf32>
    %max3A_1346 = arith.maximumf %mul3A_1343, %max3A_1345 : vector<16xf32>
    %mul3A_1347 = arith.mulf %max3A_1346, %get3A_1331 : vector<16xf32>
    %swap3A_1348 = arith.constant 616 : index
    %swap3A_1349 = tpu.vector_load %arg17[%swap3A_1348] {strides = array<i32>} : memref<640xf32, #tpu.memory_space<vmem>>, vector<16xf32>,
    %swap3A_1350 = vector.shape_cast %swap3A_1349 : vector<16xf32> to vector<16xf32>
    %swap3A_1351 = vector.shape_cast %mul3A_1347 : vector<16xf32> to vector<16xf32>
    tpu.vector_store %arg17[%swap3A_1348], %swap3A_1351 {strides = array<i32>} : memref<640xf32, #tpu.memory_space<vmem>>, vector<16xf32>,
    %neg3A_1352 = arith.constant 0.000000e+00 : f32
    %neg3A_1353 = vector.broadcast %neg3A_1352 : f32 to vector<16xf32>
    %neg3A_1354 = arith.subf %neg3A_1353, %mul3A_1343 : vector<16xf32>
    %max3A_1355 = arith.constant 0.000000e+00 : f32
    %max3A_1356 = vector.broadcast %max3A_1355 : f32 to vector<16xf32>
    %max3A_1357 = arith.maximumf %neg3A_1354, %max3A_1356 : vector<16xf32>
    %mul3A_1358 = arith.mulf %max3A_1357, %get3A_1331 : vector<16xf32>
    %swap3A_1359 = arith.constant 616 : index
    %swap3A_1360 = tpu.vector_load %arg18[%swap3A_1359] {strides = array<i32>} : memref<640xf32, #tpu.memory_space<vmem>>, vector<16xf32>,
    %swap3A_1361 = vector.shape_cast %swap3A_1360 : vector<16xf32> to vector<16xf32>
    %swap3A_1362 = vector.shape_cast %mul3A_1358 : vector<16xf32> to vector<16xf32>
    tpu.vector_store %arg18[%swap3A_1359], %swap3A_1362 {strides = array<i32>} : memref<640xf32, #tpu.memory_space<vmem>>, vector<16xf32>,
    "tpu.region"() ({
      %run_scoped3A_1478 = tpu.sem_alloc : memref<!tpu.dma_semaphore, #tpu.memory_space<semaphore_mem>>
      %dma_start3A_1479 = arith.constant 0 : i32
      %dma_start3A_1480 = tpu.memref_slice %arg17[%dma_start3A_1479] : memref<640xf32, #tpu.memory_space<vmem>> -> memref<632xf32, #tpu.memory_space<vmem>>
      %dma_start3A_1481 = tpu.memref_slice %arg28[%mul3A_2] : memref<10112xf32, #tpu.memory_space<vmem_shared>> -> memref<632xf32, #tpu.memory_space<vmem_shared>>
      %dma_start3A_1482 = tpu.memref_slice %arg28[%mul3A_2] : memref<10112xf32, #tpu.memory_space<vmem_shared>> -> memref<632xf32, #tpu.memory_space<vmem_shared>>
      %dma_start3A_1483 = arith.constant 0 : i32
      %dma_start3A_1484 = tpu.memref_slice %arg17[%dma_start3A_1483] : memref<640xf32, #tpu.memory_space<vmem>> -> memref<632xf32, #tpu.memory_space<vmem>>
      tpu.enqueue_dma source(%dma_start3A_1484 : memref<632xf32, #tpu.memory_space<vmem>>) target(%dma_start3A_1482 : memref<632xf32, #tpu.memory_space<vmem_shared>>) target_semaphore(%run_scoped3A_1478 : memref<!tpu.dma_semaphore, #tpu.memory_space<semaphore_mem>>)
      %dma_wait3A_1485 = arith.constant 0 : i32
      %dma_wait3A_1486 = tpu.memref_slice %arg17[%dma_wait3A_1485] : memref<640xf32, #tpu.memory_space<vmem>> -> memref<632xf32, #tpu.memory_space<vmem>>
      %dma_wait3A_1487 = tpu.memref_slice %arg28[%mul3A_2] : memref<10112xf32, #tpu.memory_space<vmem_shared>> -> memref<632xf32, #tpu.memory_space<vmem_shared>>
      %dma_wait3A_1488 = tpu.memref_slice %arg28[%mul3A_2] : memref<10112xf32, #tpu.memory_space<vmem_shared>> -> memref<632xf32, #tpu.memory_space<vmem_shared>>
      %dma_wait3A_1489 = arith.constant 0 : i32
      %dma_wait3A_1490 = tpu.memref_slice %arg17[%dma_wait3A_1489] : memref<640xf32, #tpu.memory_space<vmem>> -> memref<632xf32, #tpu.memory_space<vmem>>
      tpu.wait_dma2 semaphore(%run_scoped3A_1478 : memref<!tpu.dma_semaphore, #tpu.memory_space<semaphore_mem>>) src(%dma_wait3A_1490 : memref<632xf32, #tpu.memory_space<vmem>>) dst(%dma_wait3A_1488 : memref<632xf32, #tpu.memory_space<vmem_shared>>)
      tpu.yield
    }) : () -> ()
    "tpu.region"() ({
      %run_scoped3A_1478 = tpu.sem_alloc : memref<!tpu.dma_semaphore, #tpu.memory_space<semaphore_mem>>
      %dma_start3A_1479 = arith.constant 0 : i32
      %dma_start3A_1480 = tpu.memref_slice %arg18[%dma_start3A_1479] : memref<640xf32, #tpu.memory_space<vmem>> -> memref<632xf32, #tpu.memory_space<vmem>>
      %dma_start3A_1481 = tpu.memref_slice %arg29[%mul3A_2] : memref<10112xf32, #tpu.memory_space<vmem_shared>> -> memref<632xf32, #tpu.memory_space<vmem_shared>>
      %dma_start3A_1482 = tpu.memref_slice %arg29[%mul3A_2] : memref<10112xf32, #tpu.memory_space<vmem_shared>> -> memref<632xf32, #tpu.memory_space<vmem_shared>>
      %dma_start3A_1483 = arith.constant 0 : i32
      %dma_start3A_1484 = tpu.memref_slice %arg18[%dma_start3A_1483] : memref<640xf32, #tpu.memory_space<vmem>> -> memref<632xf32, #tpu.memory_space<vmem>>
      tpu.enqueue_dma source(%dma_start3A_1484 : memref<632xf32, #tpu.memory_space<vmem>>) target(%dma_start3A_1482 : memref<632xf32, #tpu.memory_space<vmem_shared>>) target_semaphore(%run_scoped3A_1478 : memref<!tpu.dma_semaphore, #tpu.memory_space<semaphore_mem>>)
      %dma_wait3A_1485 = arith.constant 0 : i32
      %dma_wait3A_1486 = tpu.memref_slice %arg18[%dma_wait3A_1485] : memref<640xf32, #tpu.memory_space<vmem>> -> memref<632xf32, #tpu.memory_space<vmem>>
      %dma_wait3A_1487 = tpu.memref_slice %arg29[%mul3A_2] : memref<10112xf32, #tpu.memory_space<vmem_shared>> -> memref<632xf32, #tpu.memory_space<vmem_shared>>
      %dma_wait3A_1488 = tpu.memref_slice %arg29[%mul3A_2] : memref<10112xf32, #tpu.memory_space<vmem_shared>> -> memref<632xf32, #tpu.memory_space<vmem_shared>>
      %dma_wait3A_1489 = arith.constant 0 : i32
      %dma_wait3A_1490 = tpu.memref_slice %arg18[%dma_wait3A_1489] : memref<640xf32, #tpu.memory_space<vmem>> -> memref<632xf32, #tpu.memory_space<vmem>>
      tpu.wait_dma2 semaphore(%run_scoped3A_1478 : memref<!tpu.dma_semaphore, #tpu.memory_space<semaphore_mem>>) src(%dma_wait3A_1490 : memref<632xf32, #tpu.memory_space<vmem>>) dst(%dma_wait3A_1488 : memref<632xf32, #tpu.memory_space<vmem_shared>>)
      tpu.yield
    }) : () -> ()
    %eq3A = arith.constant 0 : i32
    %eq3A_1363 = arith.cmpi eq, %arg0, %eq3A : i32
    %convert_element_type3A = arith.extui %eq3A_1363 : i1 to i32
    %cond3A = arith.constant 0 : i32
    %cond3A_1364 = arith.cmpi ne, %convert_element_type3A, %cond3A : i32
    scf.if %cond3A_1364 {
      "tpu.region"() ({
        %run_scoped3A_1480 = tpu.sem_alloc : memref<!tpu.dma_semaphore, #tpu.memory_space<semaphore_mem>>
        %dma_start3A_1481 = arith.constant 0 : i32
        %dma_start3A_1482 = tpu.memref_slice %arg17[%dma_start3A_1481] : memref<640xf32, #tpu.memory_space<vmem>> -> memref<632xf32, #tpu.memory_space<vmem>>
        %dma_start3A_1483 = tpu.memref_slice %arg8[%mul3A_2] : memref<20224xf32, #tpu.memory_space<hbm>> -> memref<632xf32, #tpu.memory_space<hbm>>
        %dma_start3A_1484 = tpu.memref_slice %arg8[%mul3A_2] : memref<20224xf32, #tpu.memory_space<hbm>> -> memref<632xf32, #tpu.memory_space<hbm>>
        %dma_start3A_1485 = arith.constant 0 : i32
        %dma_start3A_1486 = tpu.memref_slice %arg17[%dma_start3A_1485] : memref<640xf32, #tpu.memory_space<vmem>> -> memref<632xf32, #tpu.memory_space<vmem>>
        tpu.enqueue_dma source(%dma_start3A_1486 : memref<632xf32, #tpu.memory_space<vmem>>) target(%dma_start3A_1484 : memref<632xf32, #tpu.memory_space<hbm>>) target_semaphore(%run_scoped3A_1480 : memref<!tpu.dma_semaphore, #tpu.memory_space<semaphore_mem>>)
        %dma_wait3A_1487 = arith.constant 0 : i32
        %dma_wait3A_1488 = tpu.memref_slice %arg17[%dma_wait3A_1487] : memref<640xf32, #tpu.memory_space<vmem>> -> memref<632xf32, #tpu.memory_space<vmem>>
        %dma_wait3A_1489 = tpu.memref_slice %arg8[%mul3A_2] : memref<20224xf32, #tpu.memory_space<hbm>> -> memref<632xf32, #tpu.memory_space<hbm>>
        %dma_wait3A_1490 = tpu.memref_slice %arg8[%mul3A_2] : memref<20224xf32, #tpu.memory_space<hbm>> -> memref<632xf32, #tpu.memory_space<hbm>>
        %dma_wait3A_1491 = arith.constant 0 : i32
        %dma_wait3A_1492 = tpu.memref_slice %arg17[%dma_wait3A_1491] : memref<640xf32, #tpu.memory_space<vmem>> -> memref<632xf32, #tpu.memory_space<vmem>>
        tpu.wait_dma2 semaphore(%run_scoped3A_1480 : memref<!tpu.dma_semaphore, #tpu.memory_space<semaphore_mem>>) src(%dma_wait3A_1492 : memref<632xf32, #tpu.memory_space<vmem>>) dst(%dma_wait3A_1490 : memref<632xf32, #tpu.memory_space<hbm>>)
        tpu.yield
      }) : () -> ()
      %add3A_1478 = arith.constant 10112 : i32
      %add3A_1479 = arith.addi %add3A_1478, %mul3A_2 : i32
      "tpu.region"() ({
        %run_scoped3A_1480 = tpu.sem_alloc : memref<!tpu.dma_semaphore, #tpu.memory_space<semaphore_mem>>
        %dma_start3A_1481 = arith.constant 0 : i32
        %dma_start3A_1482 = tpu.memref_slice %arg18[%dma_start3A_1481] : memref<640xf32, #tpu.memory_space<vmem>> -> memref<632xf32, #tpu.memory_space<vmem>>
        %dma_start3A_1483 = tpu.memref_slice %arg8[%add3A_1479] : memref<20224xf32, #tpu.memory_space<hbm>> -> memref<632xf32, #tpu.memory_space<hbm>>
        %dma_start3A_1484 = tpu.memref_slice %arg8[%add3A_1479] : memref<20224xf32, #tpu.memory_space<hbm>> -> memref<632xf32, #tpu.memory_space<hbm>>
        %dma_start3A_1485 = arith.constant 0 : i32
        %dma_start3A_1486 = tpu.memref_slice %arg18[%dma_start3A_1485] : memref<640xf32, #tpu.memory_space<vmem>> -> memref<632xf32, #tpu.memory_space<vmem>>
        tpu.enqueue_dma source(%dma_start3A_1486 : memref<632xf32, #tpu.memory_space<vmem>>) target(%dma_start3A_1484 : memref<632xf32, #tpu.memory_space<hbm>>) target_semaphore(%run_scoped3A_1480 : memref<!tpu.dma_semaphore, #tpu.memory_space<semaphore_mem>>)
        %dma_wait3A_1487 = arith.constant 0 : i32
        %dma_wait3A_1488 = tpu.memref_slice %arg18[%dma_wait3A_1487] : memref<640xf32, #tpu.memory_space<vmem>> -> memref<632xf32, #tpu.memory_space<vmem>>
        %dma_wait3A_1489 = tpu.memref_slice %arg8[%add3A_1479] : memref<20224xf32, #tpu.memory_space<hbm>> -> memref<632xf32, #tpu.memory_space<hbm>>
        %dma_wait3A_1490 = tpu.memref_slice %arg8[%add3A_1479] : memref<20224xf32, #tpu.memory_space<hbm>> -> memref<632xf32, #tpu.memory_space<hbm>>
        %dma_wait3A_1491 = arith.constant 0 : i32
        %dma_wait3A_1492 = tpu.memref_slice %arg18[%dma_wait3A_1491] : memref<640xf32, #tpu.memory_space<vmem>> -> memref<632xf32, #tpu.memory_space<vmem>>
        tpu.wait_dma2 semaphore(%run_scoped3A_1480 : memref<!tpu.dma_semaphore, #tpu.memory_space<semaphore_mem>>) src(%dma_wait3A_1492 : memref<632xf32, #tpu.memory_space<vmem>>) dst(%dma_wait3A_1490 : memref<632xf32, #tpu.memory_space<hbm>>)
        tpu.yield
      }) : () -> ()
    } else {
    }
    "tpu.region"() ({
      %run_scoped3A_1478 = tpu.sem_alloc : memref<!tpu.dma_semaphore, #tpu.memory_space<semaphore_mem>>
      %dma_start3A_1479 = tpu.memref_slice %arg5[%mul3A_2] : memref<10112xf32, #tpu.memory_space<hbm>> -> memref<632xf32, #tpu.memory_space<hbm>>
      %dma_start3A_1480 = tpu.memref_slice %arg5[%mul3A_2] : memref<10112xf32, #tpu.memory_space<hbm>> -> memref<632xf32, #tpu.memory_space<hbm>>
      tpu.enqueue_dma source(%dma_start3A_1480 : memref<632xf32, #tpu.memory_space<hbm>>) target(%arg19 : memref<632xf32, #tpu.memory_space<vmem>>) target_semaphore(%run_scoped3A_1478 : memref<!tpu.dma_semaphore, #tpu.memory_space<semaphore_mem>>)
      %dma_wait3A_1481 = tpu.memref_slice %arg5[%mul3A_2] : memref<10112xf32, #tpu.memory_space<hbm>> -> memref<632xf32, #tpu.memory_space<hbm>>
      %dma_wait3A_1482 = tpu.memref_slice %arg5[%mul3A_2] : memref<10112xf32, #tpu.memory_space<hbm>> -> memref<632xf32, #tpu.memory_space<hbm>>
      tpu.wait_dma2 semaphore(%run_scoped3A_1478 : memref<!tpu.dma_semaphore, #tpu.memory_space<semaphore_mem>>) src(%dma_wait3A_1482 : memref<632xf32, #tpu.memory_space<hbm>>) dst(%arg19 : memref<632xf32, #tpu.memory_space<vmem>>)
      tpu.yield
    }) : () -> ()
    "tpu.region"() ({
      %run_scoped3A_1478 = tpu.sem_alloc : memref<!tpu.dma_semaphore, #tpu.memory_space<semaphore_mem>>
      %dma_start3A_1479 = tpu.memref_slice %arg30[%mul3A_2] : memref<10112xf32, #tpu.memory_space<vmem_shared>> -> memref<632xf32, #tpu.memory_space<vmem_shared>>
      %dma_start3A_1480 = tpu.memref_slice %arg30[%mul3A_2] : memref<10112xf32, #tpu.memory_space<vmem_shared>> -> memref<632xf32, #tpu.memory_space<vmem_shared>>
      tpu.enqueue_dma source(%arg19 : memref<632xf32, #tpu.memory_space<vmem>>) target(%dma_start3A_1480 : memref<632xf32, #tpu.memory_space<vmem_shared>>) target_semaphore(%run_scoped3A_1478 : memref<!tpu.dma_semaphore, #tpu.memory_space<semaphore_mem>>)
      %dma_wait3A_1481 = tpu.memref_slice %arg30[%mul3A_2] : memref<10112xf32, #tpu.memory_space<vmem_shared>> -> memref<632xf32, #tpu.memory_space<vmem_shared>>
      %dma_wait3A_1482 = tpu.memref_slice %arg30[%mul3A_2] : memref<10112xf32, #tpu.memory_space<vmem_shared>> -> memref<632xf32, #tpu.memory_space<vmem_shared>>
      tpu.wait_dma2 semaphore(%run_scoped3A_1478 : memref<!tpu.dma_semaphore, #tpu.memory_space<semaphore_mem>>) src(%arg19 : memref<632xf32, #tpu.memory_space<vmem>>) dst(%dma_wait3A_1482 : memref<632xf32, #tpu.memory_space<vmem_shared>>)
      tpu.yield
    }) : () -> ()
    "tpu.region"() ({
      %run_scoped3A_1478 = tpu.sem_alloc : memref<!tpu.dma_semaphore, #tpu.memory_space<semaphore_mem>>
      %dma_start3A_1479 = tpu.memref_slice %arg5[%mul3A_2] : memref<10112xf32, #tpu.memory_space<hbm>> -> memref<632xf32, #tpu.memory_space<hbm>>
      %dma_start3A_1480 = tpu.memref_slice %arg5[%mul3A_2] : memref<10112xf32, #tpu.memory_space<hbm>> -> memref<632xf32, #tpu.memory_space<hbm>>
      tpu.enqueue_dma source(%dma_start3A_1480 : memref<632xf32, #tpu.memory_space<hbm>>) target(%arg19 : memref<632xf32, #tpu.memory_space<vmem>>) target_semaphore(%run_scoped3A_1478 : memref<!tpu.dma_semaphore, #tpu.memory_space<semaphore_mem>>)
      %dma_wait3A_1481 = tpu.memref_slice %arg5[%mul3A_2] : memref<10112xf32, #tpu.memory_space<hbm>> -> memref<632xf32, #tpu.memory_space<hbm>>
      %dma_wait3A_1482 = tpu.memref_slice %arg5[%mul3A_2] : memref<10112xf32, #tpu.memory_space<hbm>> -> memref<632xf32, #tpu.memory_space<hbm>>
      tpu.wait_dma2 semaphore(%run_scoped3A_1478 : memref<!tpu.dma_semaphore, #tpu.memory_space<semaphore_mem>>) src(%dma_wait3A_1482 : memref<632xf32, #tpu.memory_space<hbm>>) dst(%arg19 : memref<632xf32, #tpu.memory_space<vmem>>)
      tpu.yield
    }) : () -> ()
    "tpu.region"() ({
      %run_scoped3A_1478 = tpu.sem_alloc : memref<!tpu.dma_semaphore, #tpu.memory_space<semaphore_mem>>
      %dma_start3A_1479 = tpu.memref_slice %arg31[%mul3A_2] : memref<10112xf32, #tpu.memory_space<vmem_shared>> -> memref<632xf32, #tpu.memory_space<vmem_shared>>
      %dma_start3A_1480 = tpu.memref_slice %arg31[%mul3A_2] : memref<10112xf32, #tpu.memory_space<vmem_shared>> -> memref<632xf32, #tpu.memory_space<vmem_shared>>
      tpu.enqueue_dma source(%arg19 : memref<632xf32, #tpu.memory_space<vmem>>) target(%dma_start3A_1480 : memref<632xf32, #tpu.memory_space<vmem_shared>>) target_semaphore(%run_scoped3A_1478 : memref<!tpu.dma_semaphore, #tpu.memory_space<semaphore_mem>>)
      %dma_wait3A_1481 = tpu.memref_slice %arg31[%mul3A_2] : memref<10112xf32, #tpu.memory_space<vmem_shared>> -> memref<632xf32, #tpu.memory_space<vmem_shared>>
      %dma_wait3A_1482 = tpu.memref_slice %arg31[%mul3A_2] : memref<10112xf32, #tpu.memory_space<vmem_shared>> -> memref<632xf32, #tpu.memory_space<vmem_shared>>
      tpu.wait_dma2 semaphore(%run_scoped3A_1478 : memref<!tpu.dma_semaphore, #tpu.memory_space<semaphore_mem>>) src(%arg19 : memref<632xf32, #tpu.memory_space<vmem>>) dst(%dma_wait3A_1482 : memref<632xf32, #tpu.memory_space<vmem_shared>>)
      tpu.yield
    }) : () -> ()
    "tpu.region"() ({
      %run_scoped3A_1478 = tpu.sem_alloc : memref<!tpu.dma_semaphore, #tpu.memory_space<semaphore_mem>>
      %dma_start3A_1479 = arith.constant 0 : i32
      %dma_start3A_1480 = arith.constant 0 : i32
      %dma_start3A_1481 = tpu.memref_slice %arg6[%add3A, %dma_start3A_1479, %dma_start3A_1480] : memref<32x80x128xi32, #tpu.memory_space<hbm>> -> memref<1x80x128xi32, #tpu.memory_space<hbm>>
      %dma_start3A_1482 = tpu.memref_squeeze %dma_start3A_1481 : memref<1x80x128xi32, #tpu.memory_space<hbm>> -> memref<80x128xi32, #tpu.memory_space<hbm>>
      %dma_start3A_1483 = arith.constant 0 : i32
      %dma_start3A_1484 = arith.constant 0 : i32
      %dma_start3A_1485 = tpu.memref_slice %arg6[%add3A, %dma_start3A_1483, %dma_start3A_1484] : memref<32x80x128xi32, #tpu.memory_space<hbm>> -> memref<1x80x128xi32, #tpu.memory_space<hbm>>
      %dma_start3A_1486 = tpu.memref_squeeze %dma_start3A_1485 : memref<1x80x128xi32, #tpu.memory_space<hbm>> -> memref<80x128xi32, #tpu.memory_space<hbm>>
      tpu.enqueue_dma source(%dma_start3A_1486 : memref<80x128xi32, #tpu.memory_space<hbm>>) target(%arg11 : memref<80x128xi32, #tpu.memory_space<vmem>>) target_semaphore(%run_scoped3A_1478 : memref<!tpu.dma_semaphore, #tpu.memory_space<semaphore_mem>>)
      %dma_wait3A_1487 = arith.constant 0 : i32
      %dma_wait3A_1488 = arith.constant 0 : i32
      %dma_wait3A_1489 = tpu.memref_slice %arg6[%add3A, %dma_wait3A_1487, %dma_wait3A_1488] : memref<32x80x128xi32, #tpu.memory_space<hbm>> -> memref<1x80x128xi32, #tpu.memory_space<hbm>>
      %dma_wait3A_1490 = tpu.memref_squeeze %dma_wait3A_1489 : memref<1x80x128xi32, #tpu.memory_space<hbm>> -> memref<80x128xi32, #tpu.memory_space<hbm>>
      %dma_wait3A_1491 = arith.constant 0 : i32
      %dma_wait3A_1492 = arith.constant 0 : i32
      %dma_wait3A_1493 = tpu.memref_slice %arg6[%add3A, %dma_wait3A_1491, %dma_wait3A_1492] : memref<32x80x128xi32, #tpu.memory_space<hbm>> -> memref<1x80x128xi32, #tpu.memory_space<hbm>>
      %dma_wait3A_1494 = tpu.memref_squeeze %dma_wait3A_1493 : memref<1x80x128xi32, #tpu.memory_space<hbm>> -> memref<80x128xi32, #tpu.memory_space<hbm>>
      tpu.wait_dma2 semaphore(%run_scoped3A_1478 : memref<!tpu.dma_semaphore, #tpu.memory_space<semaphore_mem>>) src(%dma_wait3A_1494 : memref<80x128xi32, #tpu.memory_space<hbm>>) dst(%arg11 : memref<80x128xi32, #tpu.memory_space<vmem>>)
      tpu.yield
    }) : () -> ()
    "tpu.region"() ({
      %run_scoped3A_1478 = tpu.sem_alloc : memref<!tpu.dma_semaphore, #tpu.memory_space<semaphore_mem>>
      %dma_start3A_1479 = arith.constant 0 : i32
      %dma_start3A_1480 = arith.constant 0 : i32
      %dma_start3A_1481 = tpu.memref_slice %arg7[%add3A, %dma_start3A_1479, %dma_start3A_1480] : memref<32x80x128xi32, #tpu.memory_space<hbm>> -> memref<1x80x128xi32, #tpu.memory_space<hbm>>
      %dma_start3A_1482 = tpu.memref_squeeze %dma_start3A_1481 : memref<1x80x128xi32, #tpu.memory_space<hbm>> -> memref<80x128xi32, #tpu.memory_space<hbm>>
      %dma_start3A_1483 = arith.constant 0 : i32
      %dma_start3A_1484 = arith.constant 0 : i32
      %dma_start3A_1485 = tpu.memref_slice %arg7[%add3A, %dma_start3A_1483, %dma_start3A_1484] : memref<32x80x128xi32, #tpu.memory_space<hbm>> -> memref<1x80x128xi32, #tpu.memory_space<hbm>>
      %dma_start3A_1486 = tpu.memref_squeeze %dma_start3A_1485 : memref<1x80x128xi32, #tpu.memory_space<hbm>> -> memref<80x128xi32, #tpu.memory_space<hbm>>
      tpu.enqueue_dma source(%dma_start3A_1486 : memref<80x128xi32, #tpu.memory_space<hbm>>) target(%arg12 : memref<80x128xi32, #tpu.memory_space<vmem>>) target_semaphore(%run_scoped3A_1478 : memref<!tpu.dma_semaphore, #tpu.memory_space<semaphore_mem>>)
      %dma_wait3A_1487 = arith.constant 0 : i32
      %dma_wait3A_1488 = arith.constant 0 : i32
      %dma_wait3A_1489 = tpu.memref_slice %arg7[%add3A, %dma_wait3A_1487, %dma_wait3A_1488] : memref<32x80x128xi32, #tpu.memory_space<hbm>> -> memref<1x80x128xi32, #tpu.memory_space<hbm>>
      %dma_wait3A_1490 = tpu.memref_squeeze %dma_wait3A_1489 : memref<1x80x128xi32, #tpu.memory_space<hbm>> -> memref<80x128xi32, #tpu.memory_space<hbm>>
      %dma_wait3A_1491 = arith.constant 0 : i32
      %dma_wait3A_1492 = arith.constant 0 : i32
      %dma_wait3A_1493 = tpu.memref_slice %arg7[%add3A, %dma_wait3A_1491, %dma_wait3A_1492] : memref<32x80x128xi32, #tpu.memory_space<hbm>> -> memref<1x80x128xi32, #tpu.memory_space<hbm>>
      %dma_wait3A_1494 = tpu.memref_squeeze %dma_wait3A_1493 : memref<1x80x128xi32, #tpu.memory_space<hbm>> -> memref<80x128xi32, #tpu.memory_space<hbm>>
      tpu.wait_dma2 semaphore(%run_scoped3A_1478 : memref<!tpu.dma_semaphore, #tpu.memory_space<semaphore_mem>>) src(%dma_wait3A_1494 : memref<80x128xi32, #tpu.memory_space<hbm>>) dst(%arg12 : memref<80x128xi32, #tpu.memory_space<vmem>>)
      tpu.yield
    }) : () -> ()
    %barrier3A = arith.constant 0 : index
    tpu.barrier barrier_id(%barrier3A)
    %dma_start3A = arith.constant 0 : i32
    %dma_start3A_1365 = arith.constant 0 : i32
    %dma_start3A_1366 = tpu.memref_slice %arg11[%dma_start3A, %dma_start3A_1365] : memref<80x128xi32, #tpu.memory_space<vmem>> -> memref<1x128xi32, #tpu.memory_space<vmem>>
    %dma_start3A_1367 = tpu.memref_squeeze %dma_start3A_1366 : memref<1x128xi32, #tpu.memory_space<vmem>> -> memref<128xi32, #tpu.memory_space<vmem>>
    %dma_start3A_1368 = arith.constant 0 : i32
    %dma_start3A_1369 = tpu.memref_slice %arg28[%dma_start3A_1368] : memref<10112xf32, #tpu.memory_space<vmem_shared>> -> memref<10112xf32, #tpu.memory_space<vmem_shared>>
    tpu.enqueue_indirect_dma source(%dma_start3A_1369 : memref<10112xf32, #tpu.memory_space<vmem_shared>>) target(%arg20 : memref<128xf32, #tpu.memory_space<vmem>>) offsets(%dma_start3A_1367 : memref<128xi32, #tpu.memory_space<vmem>>) semaphore(%arg32 : memref<!tpu.dma_semaphore, #tpu.memory_space<semaphore_mem>>)
    %dma_start3A_1370 = arith.constant 0 : i32
    %dma_start3A_1371 = arith.constant 0 : i32
    %dma_start3A_1372 = tpu.memref_slice %arg11[%dma_start3A_1370, %dma_start3A_1371] : memref<80x128xi32, #tpu.memory_space<vmem>> -> memref<1x128xi32, #tpu.memory_space<vmem>>
    %dma_start3A_1373 = tpu.memref_squeeze %dma_start3A_1372 : memref<1x128xi32, #tpu.memory_space<vmem>> -> memref<128xi32, #tpu.memory_space<vmem>>
    %dma_start3A_1374 = arith.constant 0 : i32
    %dma_start3A_1375 = tpu.memref_slice %arg29[%dma_start3A_1374] : memref<10112xf32, #tpu.memory_space<vmem_shared>> -> memref<10112xf32, #tpu.memory_space<vmem_shared>>
    tpu.enqueue_indirect_dma source(%dma_start3A_1375 : memref<10112xf32, #tpu.memory_space<vmem_shared>>) target(%arg24 : memref<128xf32, #tpu.memory_space<vmem>>) offsets(%dma_start3A_1373 : memref<128xi32, #tpu.memory_space<vmem>>) semaphore(%arg36 : memref<!tpu.dma_semaphore, #tpu.memory_space<semaphore_mem>>)
    %dma_start3A_1376 = arith.constant 1 : i32
    %dma_start3A_1377 = arith.constant 0 : i32
    %dma_start3A_1378 = tpu.memref_slice %arg11[%dma_start3A_1376, %dma_start3A_1377] : memref<80x128xi32, #tpu.memory_space<vmem>> -> memref<1x128xi32, #tpu.memory_space<vmem>>
    %dma_start3A_1379 = tpu.memref_squeeze %dma_start3A_1378 : memref<1x128xi32, #tpu.memory_space<vmem>> -> memref<128xi32, #tpu.memory_space<vmem>>
    %dma_start3A_1380 = arith.constant 0 : i32
    %dma_start3A_1381 = tpu.memref_slice %arg28[%dma_start3A_1380] : memref<10112xf32, #tpu.memory_space<vmem_shared>> -> memref<10112xf32, #tpu.memory_space<vmem_shared>>
    tpu.enqueue_indirect_dma source(%dma_start3A_1381 : memref<10112xf32, #tpu.memory_space<vmem_shared>>) target(%arg21 : memref<128xf32, #tpu.memory_space<vmem>>) offsets(%dma_start3A_1379 : memref<128xi32, #tpu.memory_space<vmem>>) semaphore(%arg33 : memref<!tpu.dma_semaphore, #tpu.memory_space<semaphore_mem>>)
    %dma_start3A_1382 = arith.constant 1 : i32
    %dma_start3A_1383 = arith.constant 0 : i32
    %dma_start3A_1384 = tpu.memref_slice %arg11[%dma_start3A_1382, %dma_start3A_1383] : memref<80x128xi32, #tpu.memory_space<vmem>> -> memref<1x128xi32, #tpu.memory_space<vmem>>
    %dma_start3A_1385 = tpu.memref_squeeze %dma_start3A_1384 : memref<1x128xi32, #tpu.memory_space<vmem>> -> memref<128xi32, #tpu.memory_space<vmem>>
    %dma_start3A_1386 = arith.constant 0 : i32
    %dma_start3A_1387 = tpu.memref_slice %arg29[%dma_start3A_1386] : memref<10112xf32, #tpu.memory_space<vmem_shared>> -> memref<10112xf32, #tpu.memory_space<vmem_shared>>
    tpu.enqueue_indirect_dma source(%dma_start3A_1387 : memref<10112xf32, #tpu.memory_space<vmem_shared>>) target(%arg25 : memref<128xf32, #tpu.memory_space<vmem>>) offsets(%dma_start3A_1385 : memref<128xi32, #tpu.memory_space<vmem>>) semaphore(%arg37 : memref<!tpu.dma_semaphore, #tpu.memory_space<semaphore_mem>>)
    %dma_start3A_1388 = arith.constant 2 : i32
    %dma_start3A_1389 = arith.constant 0 : i32
    %dma_start3A_1390 = tpu.memref_slice %arg11[%dma_start3A_1388, %dma_start3A_1389] : memref<80x128xi32, #tpu.memory_space<vmem>> -> memref<1x128xi32, #tpu.memory_space<vmem>>
    %dma_start3A_1391 = tpu.memref_squeeze %dma_start3A_1390 : memref<1x128xi32, #tpu.memory_space<vmem>> -> memref<128xi32, #tpu.memory_space<vmem>>
    %dma_start3A_1392 = arith.constant 0 : i32
    %dma_start3A_1393 = tpu.memref_slice %arg28[%dma_start3A_1392] : memref<10112xf32, #tpu.memory_space<vmem_shared>> -> memref<10112xf32, #tpu.memory_space<vmem_shared>>
    tpu.enqueue_indirect_dma source(%dma_start3A_1393 : memref<10112xf32, #tpu.memory_space<vmem_shared>>) target(%arg22 : memref<128xf32, #tpu.memory_space<vmem>>) offsets(%dma_start3A_1391 : memref<128xi32, #tpu.memory_space<vmem>>) semaphore(%arg34 : memref<!tpu.dma_semaphore, #tpu.memory_space<semaphore_mem>>)
    %dma_start3A_1394 = arith.constant 2 : i32
    %dma_start3A_1395 = arith.constant 0 : i32
    %dma_start3A_1396 = tpu.memref_slice %arg11[%dma_start3A_1394, %dma_start3A_1395] : memref<80x128xi32, #tpu.memory_space<vmem>> -> memref<1x128xi32, #tpu.memory_space<vmem>>
    %dma_start3A_1397 = tpu.memref_squeeze %dma_start3A_1396 : memref<1x128xi32, #tpu.memory_space<vmem>> -> memref<128xi32, #tpu.memory_space<vmem>>
    %dma_start3A_1398 = arith.constant 0 : i32
    %dma_start3A_1399 = tpu.memref_slice %arg29[%dma_start3A_1398] : memref<10112xf32, #tpu.memory_space<vmem_shared>> -> memref<10112xf32, #tpu.memory_space<vmem_shared>>
    tpu.enqueue_indirect_dma source(%dma_start3A_1399 : memref<10112xf32, #tpu.memory_space<vmem_shared>>) target(%arg26 : memref<128xf32, #tpu.memory_space<vmem>>) offsets(%dma_start3A_1397 : memref<128xi32, #tpu.memory_space<vmem>>) semaphore(%arg38 : memref<!tpu.dma_semaphore, #tpu.memory_space<semaphore_mem>>)
    %dma_start3A_1400 = arith.constant 3 : i32
    %dma_start3A_1401 = arith.constant 0 : i32
    %dma_start3A_1402 = tpu.memref_slice %arg11[%dma_start3A_1400, %dma_start3A_1401] : memref<80x128xi32, #tpu.memory_space<vmem>> -> memref<1x128xi32, #tpu.memory_space<vmem>>
    %dma_start3A_1403 = tpu.memref_squeeze %dma_start3A_1402 : memref<1x128xi32, #tpu.memory_space<vmem>> -> memref<128xi32, #tpu.memory_space<vmem>>
    %dma_start3A_1404 = arith.constant 0 : i32
    %dma_start3A_1405 = tpu.memref_slice %arg28[%dma_start3A_1404] : memref<10112xf32, #tpu.memory_space<vmem_shared>> -> memref<10112xf32, #tpu.memory_space<vmem_shared>>
    tpu.enqueue_indirect_dma source(%dma_start3A_1405 : memref<10112xf32, #tpu.memory_space<vmem_shared>>) target(%arg23 : memref<128xf32, #tpu.memory_space<vmem>>) offsets(%dma_start3A_1403 : memref<128xi32, #tpu.memory_space<vmem>>) semaphore(%arg35 : memref<!tpu.dma_semaphore, #tpu.memory_space<semaphore_mem>>)
    %dma_start3A_1406 = arith.constant 3 : i32
    %dma_start3A_1407 = arith.constant 0 : i32
    %dma_start3A_1408 = tpu.memref_slice %arg11[%dma_start3A_1406, %dma_start3A_1407] : memref<80x128xi32, #tpu.memory_space<vmem>> -> memref<1x128xi32, #tpu.memory_space<vmem>>
    %dma_start3A_1409 = tpu.memref_squeeze %dma_start3A_1408 : memref<1x128xi32, #tpu.memory_space<vmem>> -> memref<128xi32, #tpu.memory_space<vmem>>
    %dma_start3A_1410 = arith.constant 0 : i32
    %dma_start3A_1411 = tpu.memref_slice %arg29[%dma_start3A_1410] : memref<10112xf32, #tpu.memory_space<vmem_shared>> -> memref<10112xf32, #tpu.memory_space<vmem_shared>>
    tpu.enqueue_indirect_dma source(%dma_start3A_1411 : memref<10112xf32, #tpu.memory_space<vmem_shared>>) target(%arg27 : memref<128xf32, #tpu.memory_space<vmem>>) offsets(%dma_start3A_1409 : memref<128xi32, #tpu.memory_space<vmem>>) semaphore(%arg39 : memref<!tpu.dma_semaphore, #tpu.memory_space<semaphore_mem>>)
    %scan3A = arith.constant 0 : i32
    %scan3A_1412 = arith.constant 0 : i32
    %scan3A_1413 = arith.constant 19 : i32
    %scan3A_1414 = arith.addi %scan3A_1412, %scan3A_1413 : i32
    %scan3A_1415 = arith.constant 1 : i32
    scf.for %scan3A_1478 = %scan3A_1412 to %scan3A_1414 step %scan3A_1415  : i32 {
      %mul3A_1479 = arith.constant 4 : i32
      %mul3A_1480 = arith.muli %mul3A_1479, %scan3A_1478 : i32
      %add3A_1481 = arith.constant 0 : i32
      %add3A_1482 = arith.addi %mul3A_1480, %add3A_1481 : i32
      %dma_wait3A_1483 = arith.constant 0 : i32
      %dma_wait3A_1484 = tpu.memref_slice %arg11[%add3A_1482, %dma_wait3A_1483] : memref<80x128xi32, #tpu.memory_space<vmem>> -> memref<1x128xi32, #tpu.memory_space<vmem>>
      %dma_wait3A_1485 = tpu.memref_squeeze %dma_wait3A_1484 : memref<1x128xi32, #tpu.memory_space<vmem>> -> memref<128xi32, #tpu.memory_space<vmem>>
      %dma_wait3A_1486 = arith.constant 0 : i32
      %dma_wait3A_1487 = tpu.memref_slice %arg28[%dma_wait3A_1486] : memref<10112xf32, #tpu.memory_space<vmem_shared>> -> memref<10112xf32, #tpu.memory_space<vmem_shared>>
      tpu.wait_indirect_dma semaphore(%arg32 : memref<!tpu.dma_semaphore, #tpu.memory_space<semaphore_mem>>) src(%dma_wait3A_1487 : memref<10112xf32, #tpu.memory_space<vmem_shared>>) dst(%arg20 : memref<128xf32, #tpu.memory_space<vmem>>)
      %add3A_1488 = arith.constant 0 : i32
      %add3A_1489 = arith.addi %mul3A_1480, %add3A_1488 : i32
      %dma_start3A_1490 = arith.constant 0 : i32
      %dma_start3A_1491 = tpu.memref_slice %arg12[%add3A_1489, %dma_start3A_1490] : memref<80x128xi32, #tpu.memory_space<vmem>> -> memref<1x128xi32, #tpu.memory_space<vmem>>
      %dma_start3A_1492 = tpu.memref_squeeze %dma_start3A_1491 : memref<1x128xi32, #tpu.memory_space<vmem>> -> memref<128xi32, #tpu.memory_space<vmem>>
      %dma_start3A_1493 = arith.constant 0 : i32
      %dma_start3A_1494 = tpu.memref_slice %arg30[%dma_start3A_1493] : memref<10112xf32, #tpu.memory_space<vmem_shared>> -> memref<10112xf32, #tpu.memory_space<vmem_shared>>
      tpu.enqueue_indirect_dma source(%arg20 : memref<128xf32, #tpu.memory_space<vmem>>) target(%dma_start3A_1494 : memref<10112xf32, #tpu.memory_space<vmem_shared>>) offsets(%dma_start3A_1492 : memref<128xi32, #tpu.memory_space<vmem>>) semaphore(%arg40 : memref<!tpu.dma_semaphore, #tpu.memory_space<semaphore_mem>>) {add = true}
      %add3A_1495 = arith.constant 0 : i32
      %add3A_1496 = arith.addi %mul3A_1480, %add3A_1495 : i32
      %dma_wait3A_1497 = arith.constant 0 : i32
      %dma_wait3A_1498 = tpu.memref_slice %arg11[%add3A_1496, %dma_wait3A_1497] : memref<80x128xi32, #tpu.memory_space<vmem>> -> memref<1x128xi32, #tpu.memory_space<vmem>>
      %dma_wait3A_1499 = tpu.memref_squeeze %dma_wait3A_1498 : memref<1x128xi32, #tpu.memory_space<vmem>> -> memref<128xi32, #tpu.memory_space<vmem>>
      %dma_wait3A_1500 = arith.constant 0 : i32
      %dma_wait3A_1501 = tpu.memref_slice %arg29[%dma_wait3A_1500] : memref<10112xf32, #tpu.memory_space<vmem_shared>> -> memref<10112xf32, #tpu.memory_space<vmem_shared>>
      tpu.wait_indirect_dma semaphore(%arg36 : memref<!tpu.dma_semaphore, #tpu.memory_space<semaphore_mem>>) src(%dma_wait3A_1501 : memref<10112xf32, #tpu.memory_space<vmem_shared>>) dst(%arg24 : memref<128xf32, #tpu.memory_space<vmem>>)
      %add3A_1502 = arith.constant 0 : i32
      %add3A_1503 = arith.addi %mul3A_1480, %add3A_1502 : i32
      %dma_start3A_1504 = arith.constant 0 : i32
      %dma_start3A_1505 = tpu.memref_slice %arg12[%add3A_1503, %dma_start3A_1504] : memref<80x128xi32, #tpu.memory_space<vmem>> -> memref<1x128xi32, #tpu.memory_space<vmem>>
      %dma_start3A_1506 = tpu.memref_squeeze %dma_start3A_1505 : memref<1x128xi32, #tpu.memory_space<vmem>> -> memref<128xi32, #tpu.memory_space<vmem>>
      %dma_start3A_1507 = arith.constant 0 : i32
      %dma_start3A_1508 = tpu.memref_slice %arg31[%dma_start3A_1507] : memref<10112xf32, #tpu.memory_space<vmem_shared>> -> memref<10112xf32, #tpu.memory_space<vmem_shared>>
      tpu.enqueue_indirect_dma source(%arg24 : memref<128xf32, #tpu.memory_space<vmem>>) target(%dma_start3A_1508 : memref<10112xf32, #tpu.memory_space<vmem_shared>>) offsets(%dma_start3A_1506 : memref<128xi32, #tpu.memory_space<vmem>>) semaphore(%arg44 : memref<!tpu.dma_semaphore, #tpu.memory_space<semaphore_mem>>) {add = true}
      %add3A_1509 = arith.constant 1 : i32
      %add3A_1510 = arith.addi %mul3A_1480, %add3A_1509 : i32
      %dma_wait3A_1511 = arith.constant 0 : i32
      %dma_wait3A_1512 = tpu.memref_slice %arg11[%add3A_1510, %dma_wait3A_1511] : memref<80x128xi32, #tpu.memory_space<vmem>> -> memref<1x128xi32, #tpu.memory_space<vmem>>
      %dma_wait3A_1513 = tpu.memref_squeeze %dma_wait3A_1512 : memref<1x128xi32, #tpu.memory_space<vmem>> -> memref<128xi32, #tpu.memory_space<vmem>>
      %dma_wait3A_1514 = arith.constant 0 : i32
      %dma_wait3A_1515 = tpu.memref_slice %arg28[%dma_wait3A_1514] : memref<10112xf32, #tpu.memory_space<vmem_shared>> -> memref<10112xf32, #tpu.memory_space<vmem_shared>>
      tpu.wait_indirect_dma semaphore(%arg33 : memref<!tpu.dma_semaphore, #tpu.memory_space<semaphore_mem>>) src(%dma_wait3A_1515 : memref<10112xf32, #tpu.memory_space<vmem_shared>>) dst(%arg21 : memref<128xf32, #tpu.memory_space<vmem>>)
      %add3A_1516 = arith.constant 1 : i32
      %add3A_1517 = arith.addi %mul3A_1480, %add3A_1516 : i32
      %dma_start3A_1518 = arith.constant 0 : i32
      %dma_start3A_1519 = tpu.memref_slice %arg12[%add3A_1517, %dma_start3A_1518] : memref<80x128xi32, #tpu.memory_space<vmem>> -> memref<1x128xi32, #tpu.memory_space<vmem>>
      %dma_start3A_1520 = tpu.memref_squeeze %dma_start3A_1519 : memref<1x128xi32, #tpu.memory_space<vmem>> -> memref<128xi32, #tpu.memory_space<vmem>>
      %dma_start3A_1521 = arith.constant 0 : i32
      %dma_start3A_1522 = tpu.memref_slice %arg30[%dma_start3A_1521] : memref<10112xf32, #tpu.memory_space<vmem_shared>> -> memref<10112xf32, #tpu.memory_space<vmem_shared>>
      tpu.enqueue_indirect_dma source(%arg21 : memref<128xf32, #tpu.memory_space<vmem>>) target(%dma_start3A_1522 : memref<10112xf32, #tpu.memory_space<vmem_shared>>) offsets(%dma_start3A_1520 : memref<128xi32, #tpu.memory_space<vmem>>) semaphore(%arg41 : memref<!tpu.dma_semaphore, #tpu.memory_space<semaphore_mem>>) {add = true}
      %add3A_1523 = arith.constant 1 : i32
      %add3A_1524 = arith.addi %mul3A_1480, %add3A_1523 : i32
      %dma_wait3A_1525 = arith.constant 0 : i32
      %dma_wait3A_1526 = tpu.memref_slice %arg11[%add3A_1524, %dma_wait3A_1525] : memref<80x128xi32, #tpu.memory_space<vmem>> -> memref<1x128xi32, #tpu.memory_space<vmem>>
      %dma_wait3A_1527 = tpu.memref_squeeze %dma_wait3A_1526 : memref<1x128xi32, #tpu.memory_space<vmem>> -> memref<128xi32, #tpu.memory_space<vmem>>
      %dma_wait3A_1528 = arith.constant 0 : i32
      %dma_wait3A_1529 = tpu.memref_slice %arg29[%dma_wait3A_1528] : memref<10112xf32, #tpu.memory_space<vmem_shared>> -> memref<10112xf32, #tpu.memory_space<vmem_shared>>
      tpu.wait_indirect_dma semaphore(%arg37 : memref<!tpu.dma_semaphore, #tpu.memory_space<semaphore_mem>>) src(%dma_wait3A_1529 : memref<10112xf32, #tpu.memory_space<vmem_shared>>) dst(%arg25 : memref<128xf32, #tpu.memory_space<vmem>>)
      %add3A_1530 = arith.constant 1 : i32
      %add3A_1531 = arith.addi %mul3A_1480, %add3A_1530 : i32
      %dma_start3A_1532 = arith.constant 0 : i32
      %dma_start3A_1533 = tpu.memref_slice %arg12[%add3A_1531, %dma_start3A_1532] : memref<80x128xi32, #tpu.memory_space<vmem>> -> memref<1x128xi32, #tpu.memory_space<vmem>>
      %dma_start3A_1534 = tpu.memref_squeeze %dma_start3A_1533 : memref<1x128xi32, #tpu.memory_space<vmem>> -> memref<128xi32, #tpu.memory_space<vmem>>
      %dma_start3A_1535 = arith.constant 0 : i32
      %dma_start3A_1536 = tpu.memref_slice %arg31[%dma_start3A_1535] : memref<10112xf32, #tpu.memory_space<vmem_shared>> -> memref<10112xf32, #tpu.memory_space<vmem_shared>>
      tpu.enqueue_indirect_dma source(%arg25 : memref<128xf32, #tpu.memory_space<vmem>>) target(%dma_start3A_1536 : memref<10112xf32, #tpu.memory_space<vmem_shared>>) offsets(%dma_start3A_1534 : memref<128xi32, #tpu.memory_space<vmem>>) semaphore(%arg45 : memref<!tpu.dma_semaphore, #tpu.memory_space<semaphore_mem>>) {add = true}
      %add3A_1537 = arith.constant 2 : i32
      %add3A_1538 = arith.addi %mul3A_1480, %add3A_1537 : i32
      %dma_wait3A_1539 = arith.constant 0 : i32
      %dma_wait3A_1540 = tpu.memref_slice %arg11[%add3A_1538, %dma_wait3A_1539] : memref<80x128xi32, #tpu.memory_space<vmem>> -> memref<1x128xi32, #tpu.memory_space<vmem>>
      %dma_wait3A_1541 = tpu.memref_squeeze %dma_wait3A_1540 : memref<1x128xi32, #tpu.memory_space<vmem>> -> memref<128xi32, #tpu.memory_space<vmem>>
      %dma_wait3A_1542 = arith.constant 0 : i32
      %dma_wait3A_1543 = tpu.memref_slice %arg28[%dma_wait3A_1542] : memref<10112xf32, #tpu.memory_space<vmem_shared>> -> memref<10112xf32, #tpu.memory_space<vmem_shared>>
      tpu.wait_indirect_dma semaphore(%arg34 : memref<!tpu.dma_semaphore, #tpu.memory_space<semaphore_mem>>) src(%dma_wait3A_1543 : memref<10112xf32, #tpu.memory_space<vmem_shared>>) dst(%arg22 : memref<128xf32, #tpu.memory_space<vmem>>)
      %add3A_1544 = arith.constant 2 : i32
      %add3A_1545 = arith.addi %mul3A_1480, %add3A_1544 : i32
      %dma_start3A_1546 = arith.constant 0 : i32
      %dma_start3A_1547 = tpu.memref_slice %arg12[%add3A_1545, %dma_start3A_1546] : memref<80x128xi32, #tpu.memory_space<vmem>> -> memref<1x128xi32, #tpu.memory_space<vmem>>
      %dma_start3A_1548 = tpu.memref_squeeze %dma_start3A_1547 : memref<1x128xi32, #tpu.memory_space<vmem>> -> memref<128xi32, #tpu.memory_space<vmem>>
      %dma_start3A_1549 = arith.constant 0 : i32
      %dma_start3A_1550 = tpu.memref_slice %arg30[%dma_start3A_1549] : memref<10112xf32, #tpu.memory_space<vmem_shared>> -> memref<10112xf32, #tpu.memory_space<vmem_shared>>
      tpu.enqueue_indirect_dma source(%arg22 : memref<128xf32, #tpu.memory_space<vmem>>) target(%dma_start3A_1550 : memref<10112xf32, #tpu.memory_space<vmem_shared>>) offsets(%dma_start3A_1548 : memref<128xi32, #tpu.memory_space<vmem>>) semaphore(%arg42 : memref<!tpu.dma_semaphore, #tpu.memory_space<semaphore_mem>>) {add = true}
      %add3A_1551 = arith.constant 2 : i32
      %add3A_1552 = arith.addi %mul3A_1480, %add3A_1551 : i32
      %dma_wait3A_1553 = arith.constant 0 : i32
      %dma_wait3A_1554 = tpu.memref_slice %arg11[%add3A_1552, %dma_wait3A_1553] : memref<80x128xi32, #tpu.memory_space<vmem>> -> memref<1x128xi32, #tpu.memory_space<vmem>>
      %dma_wait3A_1555 = tpu.memref_squeeze %dma_wait3A_1554 : memref<1x128xi32, #tpu.memory_space<vmem>> -> memref<128xi32, #tpu.memory_space<vmem>>
      %dma_wait3A_1556 = arith.constant 0 : i32
      %dma_wait3A_1557 = tpu.memref_slice %arg29[%dma_wait3A_1556] : memref<10112xf32, #tpu.memory_space<vmem_shared>> -> memref<10112xf32, #tpu.memory_space<vmem_shared>>
      tpu.wait_indirect_dma semaphore(%arg38 : memref<!tpu.dma_semaphore, #tpu.memory_space<semaphore_mem>>) src(%dma_wait3A_1557 : memref<10112xf32, #tpu.memory_space<vmem_shared>>) dst(%arg26 : memref<128xf32, #tpu.memory_space<vmem>>)
      %add3A_1558 = arith.constant 2 : i32
      %add3A_1559 = arith.addi %mul3A_1480, %add3A_1558 : i32
      %dma_start3A_1560 = arith.constant 0 : i32
      %dma_start3A_1561 = tpu.memref_slice %arg12[%add3A_1559, %dma_start3A_1560] : memref<80x128xi32, #tpu.memory_space<vmem>> -> memref<1x128xi32, #tpu.memory_space<vmem>>
      %dma_start3A_1562 = tpu.memref_squeeze %dma_start3A_1561 : memref<1x128xi32, #tpu.memory_space<vmem>> -> memref<128xi32, #tpu.memory_space<vmem>>
      %dma_start3A_1563 = arith.constant 0 : i32
      %dma_start3A_1564 = tpu.memref_slice %arg31[%dma_start3A_1563] : memref<10112xf32, #tpu.memory_space<vmem_shared>> -> memref<10112xf32, #tpu.memory_space<vmem_shared>>
      tpu.enqueue_indirect_dma source(%arg26 : memref<128xf32, #tpu.memory_space<vmem>>) target(%dma_start3A_1564 : memref<10112xf32, #tpu.memory_space<vmem_shared>>) offsets(%dma_start3A_1562 : memref<128xi32, #tpu.memory_space<vmem>>) semaphore(%arg46 : memref<!tpu.dma_semaphore, #tpu.memory_space<semaphore_mem>>) {add = true}
      %add3A_1565 = arith.constant 3 : i32
      %add3A_1566 = arith.addi %mul3A_1480, %add3A_1565 : i32
      %dma_wait3A_1567 = arith.constant 0 : i32
      %dma_wait3A_1568 = tpu.memref_slice %arg11[%add3A_1566, %dma_wait3A_1567] : memref<80x128xi32, #tpu.memory_space<vmem>> -> memref<1x128xi32, #tpu.memory_space<vmem>>
      %dma_wait3A_1569 = tpu.memref_squeeze %dma_wait3A_1568 : memref<1x128xi32, #tpu.memory_space<vmem>> -> memref<128xi32, #tpu.memory_space<vmem>>
      %dma_wait3A_1570 = arith.constant 0 : i32
      %dma_wait3A_1571 = tpu.memref_slice %arg28[%dma_wait3A_1570] : memref<10112xf32, #tpu.memory_space<vmem_shared>> -> memref<10112xf32, #tpu.memory_space<vmem_shared>>
      tpu.wait_indirect_dma semaphore(%arg35 : memref<!tpu.dma_semaphore, #tpu.memory_space<semaphore_mem>>) src(%dma_wait3A_1571 : memref<10112xf32, #tpu.memory_space<vmem_shared>>) dst(%arg23 : memref<128xf32, #tpu.memory_space<vmem>>)
      %add3A_1572 = arith.constant 3 : i32
      %add3A_1573 = arith.addi %mul3A_1480, %add3A_1572 : i32
      %dma_start3A_1574 = arith.constant 0 : i32
      %dma_start3A_1575 = tpu.memref_slice %arg12[%add3A_1573, %dma_start3A_1574] : memref<80x128xi32, #tpu.memory_space<vmem>> -> memref<1x128xi32, #tpu.memory_space<vmem>>
      %dma_start3A_1576 = tpu.memref_squeeze %dma_start3A_1575 : memref<1x128xi32, #tpu.memory_space<vmem>> -> memref<128xi32, #tpu.memory_space<vmem>>
      %dma_start3A_1577 = arith.constant 0 : i32
      %dma_start3A_1578 = tpu.memref_slice %arg30[%dma_start3A_1577] : memref<10112xf32, #tpu.memory_space<vmem_shared>> -> memref<10112xf32, #tpu.memory_space<vmem_shared>>
      tpu.enqueue_indirect_dma source(%arg23 : memref<128xf32, #tpu.memory_space<vmem>>) target(%dma_start3A_1578 : memref<10112xf32, #tpu.memory_space<vmem_shared>>) offsets(%dma_start3A_1576 : memref<128xi32, #tpu.memory_space<vmem>>) semaphore(%arg43 : memref<!tpu.dma_semaphore, #tpu.memory_space<semaphore_mem>>) {add = true}
      %add3A_1579 = arith.constant 3 : i32
      %add3A_1580 = arith.addi %mul3A_1480, %add3A_1579 : i32
      %dma_wait3A_1581 = arith.constant 0 : i32
      %dma_wait3A_1582 = tpu.memref_slice %arg11[%add3A_1580, %dma_wait3A_1581] : memref<80x128xi32, #tpu.memory_space<vmem>> -> memref<1x128xi32, #tpu.memory_space<vmem>>
      %dma_wait3A_1583 = tpu.memref_squeeze %dma_wait3A_1582 : memref<1x128xi32, #tpu.memory_space<vmem>> -> memref<128xi32, #tpu.memory_space<vmem>>
      %dma_wait3A_1584 = arith.constant 0 : i32
      %dma_wait3A_1585 = tpu.memref_slice %arg29[%dma_wait3A_1584] : memref<10112xf32, #tpu.memory_space<vmem_shared>> -> memref<10112xf32, #tpu.memory_space<vmem_shared>>
      tpu.wait_indirect_dma semaphore(%arg39 : memref<!tpu.dma_semaphore, #tpu.memory_space<semaphore_mem>>) src(%dma_wait3A_1585 : memref<10112xf32, #tpu.memory_space<vmem_shared>>) dst(%arg27 : memref<128xf32, #tpu.memory_space<vmem>>)
      %add3A_1586 = arith.constant 3 : i32
      %add3A_1587 = arith.addi %mul3A_1480, %add3A_1586 : i32
      %dma_start3A_1588 = arith.constant 0 : i32
      %dma_start3A_1589 = tpu.memref_slice %arg12[%add3A_1587, %dma_start3A_1588] : memref<80x128xi32, #tpu.memory_space<vmem>> -> memref<1x128xi32, #tpu.memory_space<vmem>>
      %dma_start3A_1590 = tpu.memref_squeeze %dma_start3A_1589 : memref<1x128xi32, #tpu.memory_space<vmem>> -> memref<128xi32, #tpu.memory_space<vmem>>
      %dma_start3A_1591 = arith.constant 0 : i32
      %dma_start3A_1592 = tpu.memref_slice %arg31[%dma_start3A_1591] : memref<10112xf32, #tpu.memory_space<vmem_shared>> -> memref<10112xf32, #tpu.memory_space<vmem_shared>>
      tpu.enqueue_indirect_dma source(%arg27 : memref<128xf32, #tpu.memory_space<vmem>>) target(%dma_start3A_1592 : memref<10112xf32, #tpu.memory_space<vmem_shared>>) offsets(%dma_start3A_1590 : memref<128xi32, #tpu.memory_space<vmem>>) semaphore(%arg47 : memref<!tpu.dma_semaphore, #tpu.memory_space<semaphore_mem>>) {add = true}
      %dma_wait3A_1593 = arith.constant 0 : i32
      %dma_wait3A_1594 = tpu.memref_slice %arg12[%add3A_1489, %dma_wait3A_1593] : memref<80x128xi32, #tpu.memory_space<vmem>> -> memref<1x128xi32, #tpu.memory_space<vmem>>
      %dma_wait3A_1595 = tpu.memref_squeeze %dma_wait3A_1594 : memref<1x128xi32, #tpu.memory_space<vmem>> -> memref<128xi32, #tpu.memory_space<vmem>>
      %dma_wait3A_1596 = arith.constant 0 : i32
      %dma_wait3A_1597 = tpu.memref_slice %arg30[%dma_wait3A_1596] : memref<10112xf32, #tpu.memory_space<vmem_shared>> -> memref<10112xf32, #tpu.memory_space<vmem_shared>>
      tpu.wait_indirect_dma semaphore(%arg40 : memref<!tpu.dma_semaphore, #tpu.memory_space<semaphore_mem>>) src(%arg20 : memref<128xf32, #tpu.memory_space<vmem>>) dst(%dma_wait3A_1597 : memref<10112xf32, #tpu.memory_space<vmem_shared>>)
      %add3A_1598 = arith.constant 4 : i32
      %add3A_1599 = arith.addi %mul3A_1480, %add3A_1598 : i32
      %add3A_1600 = arith.constant 0 : i32
      %add3A_1601 = arith.addi %add3A_1599, %add3A_1600 : i32
      %dma_start3A_1602 = arith.constant 0 : i32
      %dma_start3A_1603 = tpu.memref_slice %arg11[%add3A_1601, %dma_start3A_1602] : memref<80x128xi32, #tpu.memory_space<vmem>> -> memref<1x128xi32, #tpu.memory_space<vmem>>
      %dma_start3A_1604 = tpu.memref_squeeze %dma_start3A_1603 : memref<1x128xi32, #tpu.memory_space<vmem>> -> memref<128xi32, #tpu.memory_space<vmem>>
      %dma_start3A_1605 = arith.constant 0 : i32
      %dma_start3A_1606 = tpu.memref_slice %arg28[%dma_start3A_1605] : memref<10112xf32, #tpu.memory_space<vmem_shared>> -> memref<10112xf32, #tpu.memory_space<vmem_shared>>
      tpu.enqueue_indirect_dma source(%dma_start3A_1606 : memref<10112xf32, #tpu.memory_space<vmem_shared>>) target(%arg20 : memref<128xf32, #tpu.memory_space<vmem>>) offsets(%dma_start3A_1604 : memref<128xi32, #tpu.memory_space<vmem>>) semaphore(%arg32 : memref<!tpu.dma_semaphore, #tpu.memory_space<semaphore_mem>>)
      %dma_wait3A_1607 = arith.constant 0 : i32
      %dma_wait3A_1608 = tpu.memref_slice %arg12[%add3A_1503, %dma_wait3A_1607] : memref<80x128xi32, #tpu.memory_space<vmem>> -> memref<1x128xi32, #tpu.memory_space<vmem>>
      %dma_wait3A_1609 = tpu.memref_squeeze %dma_wait3A_1608 : memref<1x128xi32, #tpu.memory_space<vmem>> -> memref<128xi32, #tpu.memory_space<vmem>>
      %dma_wait3A_1610 = arith.constant 0 : i32
      %dma_wait3A_1611 = tpu.memref_slice %arg31[%dma_wait3A_1610] : memref<10112xf32, #tpu.memory_space<vmem_shared>> -> memref<10112xf32, #tpu.memory_space<vmem_shared>>
      tpu.wait_indirect_dma semaphore(%arg44 : memref<!tpu.dma_semaphore, #tpu.memory_space<semaphore_mem>>) src(%arg24 : memref<128xf32, #tpu.memory_space<vmem>>) dst(%dma_wait3A_1611 : memref<10112xf32, #tpu.memory_space<vmem_shared>>)
      %add3A_1612 = arith.constant 4 : i32
      %add3A_1613 = arith.addi %mul3A_1480, %add3A_1612 : i32
      %add3A_1614 = arith.constant 0 : i32
      %add3A_1615 = arith.addi %add3A_1613, %add3A_1614 : i32
      %dma_start3A_1616 = arith.constant 0 : i32
      %dma_start3A_1617 = tpu.memref_slice %arg11[%add3A_1615, %dma_start3A_1616] : memref<80x128xi32, #tpu.memory_space<vmem>> -> memref<1x128xi32, #tpu.memory_space<vmem>>
      %dma_start3A_1618 = tpu.memref_squeeze %dma_start3A_1617 : memref<1x128xi32, #tpu.memory_space<vmem>> -> memref<128xi32, #tpu.memory_space<vmem>>
      %dma_start3A_1619 = arith.constant 0 : i32
      %dma_start3A_1620 = tpu.memref_slice %arg29[%dma_start3A_1619] : memref<10112xf32, #tpu.memory_space<vmem_shared>> -> memref<10112xf32, #tpu.memory_space<vmem_shared>>
      tpu.enqueue_indirect_dma source(%dma_start3A_1620 : memref<10112xf32, #tpu.memory_space<vmem_shared>>) target(%arg24 : memref<128xf32, #tpu.memory_space<vmem>>) offsets(%dma_start3A_1618 : memref<128xi32, #tpu.memory_space<vmem>>) semaphore(%arg36 : memref<!tpu.dma_semaphore, #tpu.memory_space<semaphore_mem>>)
      %dma_wait3A_1621 = arith.constant 0 : i32
      %dma_wait3A_1622 = tpu.memref_slice %arg12[%add3A_1517, %dma_wait3A_1621] : memref<80x128xi32, #tpu.memory_space<vmem>> -> memref<1x128xi32, #tpu.memory_space<vmem>>
      %dma_wait3A_1623 = tpu.memref_squeeze %dma_wait3A_1622 : memref<1x128xi32, #tpu.memory_space<vmem>> -> memref<128xi32, #tpu.memory_space<vmem>>
      %dma_wait3A_1624 = arith.constant 0 : i32
      %dma_wait3A_1625 = tpu.memref_slice %arg30[%dma_wait3A_1624] : memref<10112xf32, #tpu.memory_space<vmem_shared>> -> memref<10112xf32, #tpu.memory_space<vmem_shared>>
      tpu.wait_indirect_dma semaphore(%arg41 : memref<!tpu.dma_semaphore, #tpu.memory_space<semaphore_mem>>) src(%arg21 : memref<128xf32, #tpu.memory_space<vmem>>) dst(%dma_wait3A_1625 : memref<10112xf32, #tpu.memory_space<vmem_shared>>)
      %add3A_1626 = arith.constant 4 : i32
      %add3A_1627 = arith.addi %mul3A_1480, %add3A_1626 : i32
      %add3A_1628 = arith.constant 1 : i32
      %add3A_1629 = arith.addi %add3A_1627, %add3A_1628 : i32
      %dma_start3A_1630 = arith.constant 0 : i32
      %dma_start3A_1631 = tpu.memref_slice %arg11[%add3A_1629, %dma_start3A_1630] : memref<80x128xi32, #tpu.memory_space<vmem>> -> memref<1x128xi32, #tpu.memory_space<vmem>>
      %dma_start3A_1632 = tpu.memref_squeeze %dma_start3A_1631 : memref<1x128xi32, #tpu.memory_space<vmem>> -> memref<128xi32, #tpu.memory_space<vmem>>
      %dma_start3A_1633 = arith.constant 0 : i32
      %dma_start3A_1634 = tpu.memref_slice %arg28[%dma_start3A_1633] : memref<10112xf32, #tpu.memory_space<vmem_shared>> -> memref<10112xf32, #tpu.memory_space<vmem_shared>>
      tpu.enqueue_indirect_dma source(%dma_start3A_1634 : memref<10112xf32, #tpu.memory_space<vmem_shared>>) target(%arg21 : memref<128xf32, #tpu.memory_space<vmem>>) offsets(%dma_start3A_1632 : memref<128xi32, #tpu.memory_space<vmem>>) semaphore(%arg33 : memref<!tpu.dma_semaphore, #tpu.memory_space<semaphore_mem>>)
      %dma_wait3A_1635 = arith.constant 0 : i32
      %dma_wait3A_1636 = tpu.memref_slice %arg12[%add3A_1531, %dma_wait3A_1635] : memref<80x128xi32, #tpu.memory_space<vmem>> -> memref<1x128xi32, #tpu.memory_space<vmem>>
      %dma_wait3A_1637 = tpu.memref_squeeze %dma_wait3A_1636 : memref<1x128xi32, #tpu.memory_space<vmem>> -> memref<128xi32, #tpu.memory_space<vmem>>
      %dma_wait3A_1638 = arith.constant 0 : i32
      %dma_wait3A_1639 = tpu.memref_slice %arg31[%dma_wait3A_1638] : memref<10112xf32, #tpu.memory_space<vmem_shared>> -> memref<10112xf32, #tpu.memory_space<vmem_shared>>
      tpu.wait_indirect_dma semaphore(%arg45 : memref<!tpu.dma_semaphore, #tpu.memory_space<semaphore_mem>>) src(%arg25 : memref<128xf32, #tpu.memory_space<vmem>>) dst(%dma_wait3A_1639 : memref<10112xf32, #tpu.memory_space<vmem_shared>>)
      %add3A_1640 = arith.constant 4 : i32
      %add3A_1641 = arith.addi %mul3A_1480, %add3A_1640 : i32
      %add3A_1642 = arith.constant 1 : i32
      %add3A_1643 = arith.addi %add3A_1641, %add3A_1642 : i32
      %dma_start3A_1644 = arith.constant 0 : i32
      %dma_start3A_1645 = tpu.memref_slice %arg11[%add3A_1643, %dma_start3A_1644] : memref<80x128xi32, #tpu.memory_space<vmem>> -> memref<1x128xi32, #tpu.memory_space<vmem>>
      %dma_start3A_1646 = tpu.memref_squeeze %dma_start3A_1645 : memref<1x128xi32, #tpu.memory_space<vmem>> -> memref<128xi32, #tpu.memory_space<vmem>>
      %dma_start3A_1647 = arith.constant 0 : i32
      %dma_start3A_1648 = tpu.memref_slice %arg29[%dma_start3A_1647] : memref<10112xf32, #tpu.memory_space<vmem_shared>> -> memref<10112xf32, #tpu.memory_space<vmem_shared>>
      tpu.enqueue_indirect_dma source(%dma_start3A_1648 : memref<10112xf32, #tpu.memory_space<vmem_shared>>) target(%arg25 : memref<128xf32, #tpu.memory_space<vmem>>) offsets(%dma_start3A_1646 : memref<128xi32, #tpu.memory_space<vmem>>) semaphore(%arg37 : memref<!tpu.dma_semaphore, #tpu.memory_space<semaphore_mem>>)
      %dma_wait3A_1649 = arith.constant 0 : i32
      %dma_wait3A_1650 = tpu.memref_slice %arg12[%add3A_1545, %dma_wait3A_1649] : memref<80x128xi32, #tpu.memory_space<vmem>> -> memref<1x128xi32, #tpu.memory_space<vmem>>
      %dma_wait3A_1651 = tpu.memref_squeeze %dma_wait3A_1650 : memref<1x128xi32, #tpu.memory_space<vmem>> -> memref<128xi32, #tpu.memory_space<vmem>>
      %dma_wait3A_1652 = arith.constant 0 : i32
      %dma_wait3A_1653 = tpu.memref_slice %arg30[%dma_wait3A_1652] : memref<10112xf32, #tpu.memory_space<vmem_shared>> -> memref<10112xf32, #tpu.memory_space<vmem_shared>>
      tpu.wait_indirect_dma semaphore(%arg42 : memref<!tpu.dma_semaphore, #tpu.memory_space<semaphore_mem>>) src(%arg22 : memref<128xf32, #tpu.memory_space<vmem>>) dst(%dma_wait3A_1653 : memref<10112xf32, #tpu.memory_space<vmem_shared>>)
      %add3A_1654 = arith.constant 4 : i32
      %add3A_1655 = arith.addi %mul3A_1480, %add3A_1654 : i32
      %add3A_1656 = arith.constant 2 : i32
      %add3A_1657 = arith.addi %add3A_1655, %add3A_1656 : i32
      %dma_start3A_1658 = arith.constant 0 : i32
      %dma_start3A_1659 = tpu.memref_slice %arg11[%add3A_1657, %dma_start3A_1658] : memref<80x128xi32, #tpu.memory_space<vmem>> -> memref<1x128xi32, #tpu.memory_space<vmem>>
      %dma_start3A_1660 = tpu.memref_squeeze %dma_start3A_1659 : memref<1x128xi32, #tpu.memory_space<vmem>> -> memref<128xi32, #tpu.memory_space<vmem>>
      %dma_start3A_1661 = arith.constant 0 : i32
      %dma_start3A_1662 = tpu.memref_slice %arg28[%dma_start3A_1661] : memref<10112xf32, #tpu.memory_space<vmem_shared>> -> memref<10112xf32, #tpu.memory_space<vmem_shared>>
      tpu.enqueue_indirect_dma source(%dma_start3A_1662 : memref<10112xf32, #tpu.memory_space<vmem_shared>>) target(%arg22 : memref<128xf32, #tpu.memory_space<vmem>>) offsets(%dma_start3A_1660 : memref<128xi32, #tpu.memory_space<vmem>>) semaphore(%arg34 : memref<!tpu.dma_semaphore, #tpu.memory_space<semaphore_mem>>)
      %dma_wait3A_1663 = arith.constant 0 : i32
      %dma_wait3A_1664 = tpu.memref_slice %arg12[%add3A_1559, %dma_wait3A_1663] : memref<80x128xi32, #tpu.memory_space<vmem>> -> memref<1x128xi32, #tpu.memory_space<vmem>>
      %dma_wait3A_1665 = tpu.memref_squeeze %dma_wait3A_1664 : memref<1x128xi32, #tpu.memory_space<vmem>> -> memref<128xi32, #tpu.memory_space<vmem>>
      %dma_wait3A_1666 = arith.constant 0 : i32
      %dma_wait3A_1667 = tpu.memref_slice %arg31[%dma_wait3A_1666] : memref<10112xf32, #tpu.memory_space<vmem_shared>> -> memref<10112xf32, #tpu.memory_space<vmem_shared>>
      tpu.wait_indirect_dma semaphore(%arg46 : memref<!tpu.dma_semaphore, #tpu.memory_space<semaphore_mem>>) src(%arg26 : memref<128xf32, #tpu.memory_space<vmem>>) dst(%dma_wait3A_1667 : memref<10112xf32, #tpu.memory_space<vmem_shared>>)
      %add3A_1668 = arith.constant 4 : i32
      %add3A_1669 = arith.addi %mul3A_1480, %add3A_1668 : i32
      %add3A_1670 = arith.constant 2 : i32
      %add3A_1671 = arith.addi %add3A_1669, %add3A_1670 : i32
      %dma_start3A_1672 = arith.constant 0 : i32
      %dma_start3A_1673 = tpu.memref_slice %arg11[%add3A_1671, %dma_start3A_1672] : memref<80x128xi32, #tpu.memory_space<vmem>> -> memref<1x128xi32, #tpu.memory_space<vmem>>
      %dma_start3A_1674 = tpu.memref_squeeze %dma_start3A_1673 : memref<1x128xi32, #tpu.memory_space<vmem>> -> memref<128xi32, #tpu.memory_space<vmem>>
      %dma_start3A_1675 = arith.constant 0 : i32
      %dma_start3A_1676 = tpu.memref_slice %arg29[%dma_start3A_1675] : memref<10112xf32, #tpu.memory_space<vmem_shared>> -> memref<10112xf32, #tpu.memory_space<vmem_shared>>
      tpu.enqueue_indirect_dma source(%dma_start3A_1676 : memref<10112xf32, #tpu.memory_space<vmem_shared>>) target(%arg26 : memref<128xf32, #tpu.memory_space<vmem>>) offsets(%dma_start3A_1674 : memref<128xi32, #tpu.memory_space<vmem>>) semaphore(%arg38 : memref<!tpu.dma_semaphore, #tpu.memory_space<semaphore_mem>>)
      %dma_wait3A_1677 = arith.constant 0 : i32
      %dma_wait3A_1678 = tpu.memref_slice %arg12[%add3A_1573, %dma_wait3A_1677] : memref<80x128xi32, #tpu.memory_space<vmem>> -> memref<1x128xi32, #tpu.memory_space<vmem>>
      %dma_wait3A_1679 = tpu.memref_squeeze %dma_wait3A_1678 : memref<1x128xi32, #tpu.memory_space<vmem>> -> memref<128xi32, #tpu.memory_space<vmem>>
      %dma_wait3A_1680 = arith.constant 0 : i32
      %dma_wait3A_1681 = tpu.memref_slice %arg30[%dma_wait3A_1680] : memref<10112xf32, #tpu.memory_space<vmem_shared>> -> memref<10112xf32, #tpu.memory_space<vmem_shared>>
      tpu.wait_indirect_dma semaphore(%arg43 : memref<!tpu.dma_semaphore, #tpu.memory_space<semaphore_mem>>) src(%arg23 : memref<128xf32, #tpu.memory_space<vmem>>) dst(%dma_wait3A_1681 : memref<10112xf32, #tpu.memory_space<vmem_shared>>)
      %add3A_1682 = arith.constant 4 : i32
      %add3A_1683 = arith.addi %mul3A_1480, %add3A_1682 : i32
      %add3A_1684 = arith.constant 3 : i32
      %add3A_1685 = arith.addi %add3A_1683, %add3A_1684 : i32
      %dma_start3A_1686 = arith.constant 0 : i32
      %dma_start3A_1687 = tpu.memref_slice %arg11[%add3A_1685, %dma_start3A_1686] : memref<80x128xi32, #tpu.memory_space<vmem>> -> memref<1x128xi32, #tpu.memory_space<vmem>>
      %dma_start3A_1688 = tpu.memref_squeeze %dma_start3A_1687 : memref<1x128xi32, #tpu.memory_space<vmem>> -> memref<128xi32, #tpu.memory_space<vmem>>
      %dma_start3A_1689 = arith.constant 0 : i32
      %dma_start3A_1690 = tpu.memref_slice %arg28[%dma_start3A_1689] : memref<10112xf32, #tpu.memory_space<vmem_shared>> -> memref<10112xf32, #tpu.memory_space<vmem_shared>>
      tpu.enqueue_indirect_dma source(%dma_start3A_1690 : memref<10112xf32, #tpu.memory_space<vmem_shared>>) target(%arg23 : memref<128xf32, #tpu.memory_space<vmem>>) offsets(%dma_start3A_1688 : memref<128xi32, #tpu.memory_space<vmem>>) semaphore(%arg35 : memref<!tpu.dma_semaphore, #tpu.memory_space<semaphore_mem>>)
      %dma_wait3A_1691 = arith.constant 0 : i32
      %dma_wait3A_1692 = tpu.memref_slice %arg12[%add3A_1587, %dma_wait3A_1691] : memref<80x128xi32, #tpu.memory_space<vmem>> -> memref<1x128xi32, #tpu.memory_space<vmem>>
      %dma_wait3A_1693 = tpu.memref_squeeze %dma_wait3A_1692 : memref<1x128xi32, #tpu.memory_space<vmem>> -> memref<128xi32, #tpu.memory_space<vmem>>
      %dma_wait3A_1694 = arith.constant 0 : i32
      %dma_wait3A_1695 = tpu.memref_slice %arg31[%dma_wait3A_1694] : memref<10112xf32, #tpu.memory_space<vmem_shared>> -> memref<10112xf32, #tpu.memory_space<vmem_shared>>
      tpu.wait_indirect_dma semaphore(%arg47 : memref<!tpu.dma_semaphore, #tpu.memory_space<semaphore_mem>>) src(%arg27 : memref<128xf32, #tpu.memory_space<vmem>>) dst(%dma_wait3A_1695 : memref<10112xf32, #tpu.memory_space<vmem_shared>>)
      %add3A_1696 = arith.constant 4 : i32
      %add3A_1697 = arith.addi %mul3A_1480, %add3A_1696 : i32
      %add3A_1698 = arith.constant 3 : i32
      %add3A_1699 = arith.addi %add3A_1697, %add3A_1698 : i32
      %dma_start3A_1700 = arith.constant 0 : i32
      %dma_start3A_1701 = tpu.memref_slice %arg11[%add3A_1699, %dma_start3A_1700] : memref<80x128xi32, #tpu.memory_space<vmem>> -> memref<1x128xi32, #tpu.memory_space<vmem>>
      %dma_start3A_1702 = tpu.memref_squeeze %dma_start3A_1701 : memref<1x128xi32, #tpu.memory_space<vmem>> -> memref<128xi32, #tpu.memory_space<vmem>>
      %dma_start3A_1703 = arith.constant 0 : i32
      %dma_start3A_1704 = tpu.memref_slice %arg29[%dma_start3A_1703] : memref<10112xf32, #tpu.memory_space<vmem_shared>> -> memref<10112xf32, #tpu.memory_space<vmem_shared>>
      tpu.enqueue_indirect_dma source(%dma_start3A_1704 : memref<10112xf32, #tpu.memory_space<vmem_shared>>) target(%arg27 : memref<128xf32, #tpu.memory_space<vmem>>) offsets(%dma_start3A_1702 : memref<128xi32, #tpu.memory_space<vmem>>) semaphore(%arg39 : memref<!tpu.dma_semaphore, #tpu.memory_space<semaphore_mem>>)
    }
    %scan3A_1416 = arith.constant 19 : i32
    %dma_wait3A = arith.constant 76 : i32
    %dma_wait3A_1417 = arith.constant 0 : i32
    %dma_wait3A_1418 = tpu.memref_slice %arg11[%dma_wait3A, %dma_wait3A_1417] : memref<80x128xi32, #tpu.memory_space<vmem>> -> memref<1x128xi32, #tpu.memory_space<vmem>>
    %dma_wait3A_1419 = tpu.memref_squeeze %dma_wait3A_1418 : memref<1x128xi32, #tpu.memory_space<vmem>> -> memref<128xi32, #tpu.memory_space<vmem>>
    %dma_wait3A_1420 = arith.constant 0 : i32
    %dma_wait3A_1421 = tpu.memref_slice %arg28[%dma_wait3A_1420] : memref<10112xf32, #tpu.memory_space<vmem_shared>> -> memref<10112xf32, #tpu.memory_space<vmem_shared>>
    tpu.wait_indirect_dma semaphore(%arg32 : memref<!tpu.dma_semaphore, #tpu.memory_space<semaphore_mem>>) src(%dma_wait3A_1421 : memref<10112xf32, #tpu.memory_space<vmem_shared>>) dst(%arg20 : memref<128xf32, #tpu.memory_space<vmem>>)
    %run_scoped3A = arith.constant 76 : i32
    "tpu.region"() ({
      %run_scoped3A_1478 = tpu.sem_alloc : memref<!tpu.dma_semaphore, #tpu.memory_space<semaphore_mem>>
      %dma_start3A_1479 = arith.constant 0 : i32
      %dma_start3A_1480 = tpu.memref_slice %arg12[%run_scoped3A, %dma_start3A_1479] : memref<80x128xi32, #tpu.memory_space<vmem>> -> memref<1x128xi32, #tpu.memory_space<vmem>>
      %dma_start3A_1481 = tpu.memref_squeeze %dma_start3A_1480 : memref<1x128xi32, #tpu.memory_space<vmem>> -> memref<128xi32, #tpu.memory_space<vmem>>
      %dma_start3A_1482 = arith.constant 0 : i32
      %dma_start3A_1483 = tpu.memref_slice %arg30[%dma_start3A_1482] : memref<10112xf32, #tpu.memory_space<vmem_shared>> -> memref<10112xf32, #tpu.memory_space<vmem_shared>>
      tpu.enqueue_indirect_dma source(%arg20 : memref<128xf32, #tpu.memory_space<vmem>>) target(%dma_start3A_1483 : memref<10112xf32, #tpu.memory_space<vmem_shared>>) offsets(%dma_start3A_1481 : memref<128xi32, #tpu.memory_space<vmem>>) semaphore(%run_scoped3A_1478 : memref<!tpu.dma_semaphore, #tpu.memory_space<semaphore_mem>>) {add = true}
      %dma_wait3A_1484 = arith.constant 0 : i32
      %dma_wait3A_1485 = tpu.memref_slice %arg12[%run_scoped3A, %dma_wait3A_1484] : memref<80x128xi32, #tpu.memory_space<vmem>> -> memref<1x128xi32, #tpu.memory_space<vmem>>
      %dma_wait3A_1486 = tpu.memref_squeeze %dma_wait3A_1485 : memref<1x128xi32, #tpu.memory_space<vmem>> -> memref<128xi32, #tpu.memory_space<vmem>>
      %dma_wait3A_1487 = arith.constant 0 : i32
      %dma_wait3A_1488 = tpu.memref_slice %arg30[%dma_wait3A_1487] : memref<10112xf32, #tpu.memory_space<vmem_shared>> -> memref<10112xf32, #tpu.memory_space<vmem_shared>>
      tpu.wait_indirect_dma semaphore(%run_scoped3A_1478 : memref<!tpu.dma_semaphore, #tpu.memory_space<semaphore_mem>>) src(%arg20 : memref<128xf32, #tpu.memory_space<vmem>>) dst(%dma_wait3A_1488 : memref<10112xf32, #tpu.memory_space<vmem_shared>>)
      tpu.yield
    }) : () -> ()
    %dma_wait3A_1422 = arith.constant 76 : i32
    %dma_wait3A_1423 = arith.constant 0 : i32
    %dma_wait3A_1424 = tpu.memref_slice %arg11[%dma_wait3A_1422, %dma_wait3A_1423] : memref<80x128xi32, #tpu.memory_space<vmem>> -> memref<1x128xi32, #tpu.memory_space<vmem>>
    %dma_wait3A_1425 = tpu.memref_squeeze %dma_wait3A_1424 : memref<1x128xi32, #tpu.memory_space<vmem>> -> memref<128xi32, #tpu.memory_space<vmem>>
    %dma_wait3A_1426 = arith.constant 0 : i32
    %dma_wait3A_1427 = tpu.memref_slice %arg29[%dma_wait3A_1426] : memref<10112xf32, #tpu.memory_space<vmem_shared>> -> memref<10112xf32, #tpu.memory_space<vmem_shared>>
    tpu.wait_indirect_dma semaphore(%arg36 : memref<!tpu.dma_semaphore, #tpu.memory_space<semaphore_mem>>) src(%dma_wait3A_1427 : memref<10112xf32, #tpu.memory_space<vmem_shared>>) dst(%arg24 : memref<128xf32, #tpu.memory_space<vmem>>)
    %run_scoped3A_1428 = arith.constant 76 : i32
    "tpu.region"() ({
      %run_scoped3A_1478 = tpu.sem_alloc : memref<!tpu.dma_semaphore, #tpu.memory_space<semaphore_mem>>
      %dma_start3A_1479 = arith.constant 0 : i32
      %dma_start3A_1480 = tpu.memref_slice %arg12[%run_scoped3A_1428, %dma_start3A_1479] : memref<80x128xi32, #tpu.memory_space<vmem>> -> memref<1x128xi32, #tpu.memory_space<vmem>>
      %dma_start3A_1481 = tpu.memref_squeeze %dma_start3A_1480 : memref<1x128xi32, #tpu.memory_space<vmem>> -> memref<128xi32, #tpu.memory_space<vmem>>
      %dma_start3A_1482 = arith.constant 0 : i32
      %dma_start3A_1483 = tpu.memref_slice %arg31[%dma_start3A_1482] : memref<10112xf32, #tpu.memory_space<vmem_shared>> -> memref<10112xf32, #tpu.memory_space<vmem_shared>>
      tpu.enqueue_indirect_dma source(%arg24 : memref<128xf32, #tpu.memory_space<vmem>>) target(%dma_start3A_1483 : memref<10112xf32, #tpu.memory_space<vmem_shared>>) offsets(%dma_start3A_1481 : memref<128xi32, #tpu.memory_space<vmem>>) semaphore(%run_scoped3A_1478 : memref<!tpu.dma_semaphore, #tpu.memory_space<semaphore_mem>>) {add = true}
      %dma_wait3A_1484 = arith.constant 0 : i32
      %dma_wait3A_1485 = tpu.memref_slice %arg12[%run_scoped3A_1428, %dma_wait3A_1484] : memref<80x128xi32, #tpu.memory_space<vmem>> -> memref<1x128xi32, #tpu.memory_space<vmem>>
      %dma_wait3A_1486 = tpu.memref_squeeze %dma_wait3A_1485 : memref<1x128xi32, #tpu.memory_space<vmem>> -> memref<128xi32, #tpu.memory_space<vmem>>
      %dma_wait3A_1487 = arith.constant 0 : i32
      %dma_wait3A_1488 = tpu.memref_slice %arg31[%dma_wait3A_1487] : memref<10112xf32, #tpu.memory_space<vmem_shared>> -> memref<10112xf32, #tpu.memory_space<vmem_shared>>
      tpu.wait_indirect_dma semaphore(%run_scoped3A_1478 : memref<!tpu.dma_semaphore, #tpu.memory_space<semaphore_mem>>) src(%arg24 : memref<128xf32, #tpu.memory_space<vmem>>) dst(%dma_wait3A_1488 : memref<10112xf32, #tpu.memory_space<vmem_shared>>)
      tpu.yield
    }) : () -> ()
    %dma_wait3A_1429 = arith.constant 77 : i32
    %dma_wait3A_1430 = arith.constant 0 : i32
    %dma_wait3A_1431 = tpu.memref_slice %arg11[%dma_wait3A_1429, %dma_wait3A_1430] : memref<80x128xi32, #tpu.memory_space<vmem>> -> memref<1x128xi32, #tpu.memory_space<vmem>>
    %dma_wait3A_1432 = tpu.memref_squeeze %dma_wait3A_1431 : memref<1x128xi32, #tpu.memory_space<vmem>> -> memref<128xi32, #tpu.memory_space<vmem>>
    %dma_wait3A_1433 = arith.constant 0 : i32
    %dma_wait3A_1434 = tpu.memref_slice %arg28[%dma_wait3A_1433] : memref<10112xf32, #tpu.memory_space<vmem_shared>> -> memref<10112xf32, #tpu.memory_space<vmem_shared>>
    tpu.wait_indirect_dma semaphore(%arg33 : memref<!tpu.dma_semaphore, #tpu.memory_space<semaphore_mem>>) src(%dma_wait3A_1434 : memref<10112xf32, #tpu.memory_space<vmem_shared>>) dst(%arg21 : memref<128xf32, #tpu.memory_space<vmem>>)
    %run_scoped3A_1435 = arith.constant 77 : i32
    "tpu.region"() ({
      %run_scoped3A_1478 = tpu.sem_alloc : memref<!tpu.dma_semaphore, #tpu.memory_space<semaphore_mem>>
      %dma_start3A_1479 = arith.constant 0 : i32
      %dma_start3A_1480 = tpu.memref_slice %arg12[%run_scoped3A_1435, %dma_start3A_1479] : memref<80x128xi32, #tpu.memory_space<vmem>> -> memref<1x128xi32, #tpu.memory_space<vmem>>
      %dma_start3A_1481 = tpu.memref_squeeze %dma_start3A_1480 : memref<1x128xi32, #tpu.memory_space<vmem>> -> memref<128xi32, #tpu.memory_space<vmem>>
      %dma_start3A_1482 = arith.constant 0 : i32
      %dma_start3A_1483 = tpu.memref_slice %arg30[%dma_start3A_1482] : memref<10112xf32, #tpu.memory_space<vmem_shared>> -> memref<10112xf32, #tpu.memory_space<vmem_shared>>
      tpu.enqueue_indirect_dma source(%arg21 : memref<128xf32, #tpu.memory_space<vmem>>) target(%dma_start3A_1483 : memref<10112xf32, #tpu.memory_space<vmem_shared>>) offsets(%dma_start3A_1481 : memref<128xi32, #tpu.memory_space<vmem>>) semaphore(%run_scoped3A_1478 : memref<!tpu.dma_semaphore, #tpu.memory_space<semaphore_mem>>) {add = true}
      %dma_wait3A_1484 = arith.constant 0 : i32
      %dma_wait3A_1485 = tpu.memref_slice %arg12[%run_scoped3A_1435, %dma_wait3A_1484] : memref<80x128xi32, #tpu.memory_space<vmem>> -> memref<1x128xi32, #tpu.memory_space<vmem>>
      %dma_wait3A_1486 = tpu.memref_squeeze %dma_wait3A_1485 : memref<1x128xi32, #tpu.memory_space<vmem>> -> memref<128xi32, #tpu.memory_space<vmem>>
      %dma_wait3A_1487 = arith.constant 0 : i32
      %dma_wait3A_1488 = tpu.memref_slice %arg30[%dma_wait3A_1487] : memref<10112xf32, #tpu.memory_space<vmem_shared>> -> memref<10112xf32, #tpu.memory_space<vmem_shared>>
      tpu.wait_indirect_dma semaphore(%run_scoped3A_1478 : memref<!tpu.dma_semaphore, #tpu.memory_space<semaphore_mem>>) src(%arg21 : memref<128xf32, #tpu.memory_space<vmem>>) dst(%dma_wait3A_1488 : memref<10112xf32, #tpu.memory_space<vmem_shared>>)
      tpu.yield
    }) : () -> ()
    %dma_wait3A_1436 = arith.constant 77 : i32
    %dma_wait3A_1437 = arith.constant 0 : i32
    %dma_wait3A_1438 = tpu.memref_slice %arg11[%dma_wait3A_1436, %dma_wait3A_1437] : memref<80x128xi32, #tpu.memory_space<vmem>> -> memref<1x128xi32, #tpu.memory_space<vmem>>
    %dma_wait3A_1439 = tpu.memref_squeeze %dma_wait3A_1438 : memref<1x128xi32, #tpu.memory_space<vmem>> -> memref<128xi32, #tpu.memory_space<vmem>>
    %dma_wait3A_1440 = arith.constant 0 : i32
    %dma_wait3A_1441 = tpu.memref_slice %arg29[%dma_wait3A_1440] : memref<10112xf32, #tpu.memory_space<vmem_shared>> -> memref<10112xf32, #tpu.memory_space<vmem_shared>>
    tpu.wait_indirect_dma semaphore(%arg37 : memref<!tpu.dma_semaphore, #tpu.memory_space<semaphore_mem>>) src(%dma_wait3A_1441 : memref<10112xf32, #tpu.memory_space<vmem_shared>>) dst(%arg25 : memref<128xf32, #tpu.memory_space<vmem>>)
    %run_scoped3A_1442 = arith.constant 77 : i32
    "tpu.region"() ({
      %run_scoped3A_1478 = tpu.sem_alloc : memref<!tpu.dma_semaphore, #tpu.memory_space<semaphore_mem>>
      %dma_start3A_1479 = arith.constant 0 : i32
      %dma_start3A_1480 = tpu.memref_slice %arg12[%run_scoped3A_1442, %dma_start3A_1479] : memref<80x128xi32, #tpu.memory_space<vmem>> -> memref<1x128xi32, #tpu.memory_space<vmem>>
      %dma_start3A_1481 = tpu.memref_squeeze %dma_start3A_1480 : memref<1x128xi32, #tpu.memory_space<vmem>> -> memref<128xi32, #tpu.memory_space<vmem>>
      %dma_start3A_1482 = arith.constant 0 : i32
      %dma_start3A_1483 = tpu.memref_slice %arg31[%dma_start3A_1482] : memref<10112xf32, #tpu.memory_space<vmem_shared>> -> memref<10112xf32, #tpu.memory_space<vmem_shared>>
      tpu.enqueue_indirect_dma source(%arg25 : memref<128xf32, #tpu.memory_space<vmem>>) target(%dma_start3A_1483 : memref<10112xf32, #tpu.memory_space<vmem_shared>>) offsets(%dma_start3A_1481 : memref<128xi32, #tpu.memory_space<vmem>>) semaphore(%run_scoped3A_1478 : memref<!tpu.dma_semaphore, #tpu.memory_space<semaphore_mem>>) {add = true}
      %dma_wait3A_1484 = arith.constant 0 : i32
      %dma_wait3A_1485 = tpu.memref_slice %arg12[%run_scoped3A_1442, %dma_wait3A_1484] : memref<80x128xi32, #tpu.memory_space<vmem>> -> memref<1x128xi32, #tpu.memory_space<vmem>>
      %dma_wait3A_1486 = tpu.memref_squeeze %dma_wait3A_1485 : memref<1x128xi32, #tpu.memory_space<vmem>> -> memref<128xi32, #tpu.memory_space<vmem>>
      %dma_wait3A_1487 = arith.constant 0 : i32
      %dma_wait3A_1488 = tpu.memref_slice %arg31[%dma_wait3A_1487] : memref<10112xf32, #tpu.memory_space<vmem_shared>> -> memref<10112xf32, #tpu.memory_space<vmem_shared>>
      tpu.wait_indirect_dma semaphore(%run_scoped3A_1478 : memref<!tpu.dma_semaphore, #tpu.memory_space<semaphore_mem>>) src(%arg25 : memref<128xf32, #tpu.memory_space<vmem>>) dst(%dma_wait3A_1488 : memref<10112xf32, #tpu.memory_space<vmem_shared>>)
      tpu.yield
    }) : () -> ()
    %dma_wait3A_1443 = arith.constant 78 : i32
    %dma_wait3A_1444 = arith.constant 0 : i32
    %dma_wait3A_1445 = tpu.memref_slice %arg11[%dma_wait3A_1443, %dma_wait3A_1444] : memref<80x128xi32, #tpu.memory_space<vmem>> -> memref<1x128xi32, #tpu.memory_space<vmem>>
    %dma_wait3A_1446 = tpu.memref_squeeze %dma_wait3A_1445 : memref<1x128xi32, #tpu.memory_space<vmem>> -> memref<128xi32, #tpu.memory_space<vmem>>
    %dma_wait3A_1447 = arith.constant 0 : i32
    %dma_wait3A_1448 = tpu.memref_slice %arg28[%dma_wait3A_1447] : memref<10112xf32, #tpu.memory_space<vmem_shared>> -> memref<10112xf32, #tpu.memory_space<vmem_shared>>
    tpu.wait_indirect_dma semaphore(%arg34 : memref<!tpu.dma_semaphore, #tpu.memory_space<semaphore_mem>>) src(%dma_wait3A_1448 : memref<10112xf32, #tpu.memory_space<vmem_shared>>) dst(%arg22 : memref<128xf32, #tpu.memory_space<vmem>>)
    %run_scoped3A_1449 = arith.constant 78 : i32
    "tpu.region"() ({
      %run_scoped3A_1478 = tpu.sem_alloc : memref<!tpu.dma_semaphore, #tpu.memory_space<semaphore_mem>>
      %dma_start3A_1479 = arith.constant 0 : i32
      %dma_start3A_1480 = tpu.memref_slice %arg12[%run_scoped3A_1449, %dma_start3A_1479] : memref<80x128xi32, #tpu.memory_space<vmem>> -> memref<1x128xi32, #tpu.memory_space<vmem>>
      %dma_start3A_1481 = tpu.memref_squeeze %dma_start3A_1480 : memref<1x128xi32, #tpu.memory_space<vmem>> -> memref<128xi32, #tpu.memory_space<vmem>>
      %dma_start3A_1482 = arith.constant 0 : i32
      %dma_start3A_1483 = tpu.memref_slice %arg30[%dma_start3A_1482] : memref<10112xf32, #tpu.memory_space<vmem_shared>> -> memref<10112xf32, #tpu.memory_space<vmem_shared>>
      tpu.enqueue_indirect_dma source(%arg22 : memref<128xf32, #tpu.memory_space<vmem>>) target(%dma_start3A_1483 : memref<10112xf32, #tpu.memory_space<vmem_shared>>) offsets(%dma_start3A_1481 : memref<128xi32, #tpu.memory_space<vmem>>) semaphore(%run_scoped3A_1478 : memref<!tpu.dma_semaphore, #tpu.memory_space<semaphore_mem>>) {add = true}
      %dma_wait3A_1484 = arith.constant 0 : i32
      %dma_wait3A_1485 = tpu.memref_slice %arg12[%run_scoped3A_1449, %dma_wait3A_1484] : memref<80x128xi32, #tpu.memory_space<vmem>> -> memref<1x128xi32, #tpu.memory_space<vmem>>
      %dma_wait3A_1486 = tpu.memref_squeeze %dma_wait3A_1485 : memref<1x128xi32, #tpu.memory_space<vmem>> -> memref<128xi32, #tpu.memory_space<vmem>>
      %dma_wait3A_1487 = arith.constant 0 : i32
      %dma_wait3A_1488 = tpu.memref_slice %arg30[%dma_wait3A_1487] : memref<10112xf32, #tpu.memory_space<vmem_shared>> -> memref<10112xf32, #tpu.memory_space<vmem_shared>>
      tpu.wait_indirect_dma semaphore(%run_scoped3A_1478 : memref<!tpu.dma_semaphore, #tpu.memory_space<semaphore_mem>>) src(%arg22 : memref<128xf32, #tpu.memory_space<vmem>>) dst(%dma_wait3A_1488 : memref<10112xf32, #tpu.memory_space<vmem_shared>>)
      tpu.yield
    }) : () -> ()
    %dma_wait3A_1450 = arith.constant 78 : i32
    %dma_wait3A_1451 = arith.constant 0 : i32
    %dma_wait3A_1452 = tpu.memref_slice %arg11[%dma_wait3A_1450, %dma_wait3A_1451] : memref<80x128xi32, #tpu.memory_space<vmem>> -> memref<1x128xi32, #tpu.memory_space<vmem>>
    %dma_wait3A_1453 = tpu.memref_squeeze %dma_wait3A_1452 : memref<1x128xi32, #tpu.memory_space<vmem>> -> memref<128xi32, #tpu.memory_space<vmem>>
    %dma_wait3A_1454 = arith.constant 0 : i32
    %dma_wait3A_1455 = tpu.memref_slice %arg29[%dma_wait3A_1454] : memref<10112xf32, #tpu.memory_space<vmem_shared>> -> memref<10112xf32, #tpu.memory_space<vmem_shared>>
    tpu.wait_indirect_dma semaphore(%arg38 : memref<!tpu.dma_semaphore, #tpu.memory_space<semaphore_mem>>) src(%dma_wait3A_1455 : memref<10112xf32, #tpu.memory_space<vmem_shared>>) dst(%arg26 : memref<128xf32, #tpu.memory_space<vmem>>)
    %run_scoped3A_1456 = arith.constant 78 : i32
    "tpu.region"() ({
      %run_scoped3A_1478 = tpu.sem_alloc : memref<!tpu.dma_semaphore, #tpu.memory_space<semaphore_mem>>
      %dma_start3A_1479 = arith.constant 0 : i32
      %dma_start3A_1480 = tpu.memref_slice %arg12[%run_scoped3A_1456, %dma_start3A_1479] : memref<80x128xi32, #tpu.memory_space<vmem>> -> memref<1x128xi32, #tpu.memory_space<vmem>>
      %dma_start3A_1481 = tpu.memref_squeeze %dma_start3A_1480 : memref<1x128xi32, #tpu.memory_space<vmem>> -> memref<128xi32, #tpu.memory_space<vmem>>
      %dma_start3A_1482 = arith.constant 0 : i32
      %dma_start3A_1483 = tpu.memref_slice %arg31[%dma_start3A_1482] : memref<10112xf32, #tpu.memory_space<vmem_shared>> -> memref<10112xf32, #tpu.memory_space<vmem_shared>>
      tpu.enqueue_indirect_dma source(%arg26 : memref<128xf32, #tpu.memory_space<vmem>>) target(%dma_start3A_1483 : memref<10112xf32, #tpu.memory_space<vmem_shared>>) offsets(%dma_start3A_1481 : memref<128xi32, #tpu.memory_space<vmem>>) semaphore(%run_scoped3A_1478 : memref<!tpu.dma_semaphore, #tpu.memory_space<semaphore_mem>>) {add = true}
      %dma_wait3A_1484 = arith.constant 0 : i32
      %dma_wait3A_1485 = tpu.memref_slice %arg12[%run_scoped3A_1456, %dma_wait3A_1484] : memref<80x128xi32, #tpu.memory_space<vmem>> -> memref<1x128xi32, #tpu.memory_space<vmem>>
      %dma_wait3A_1486 = tpu.memref_squeeze %dma_wait3A_1485 : memref<1x128xi32, #tpu.memory_space<vmem>> -> memref<128xi32, #tpu.memory_space<vmem>>
      %dma_wait3A_1487 = arith.constant 0 : i32
      %dma_wait3A_1488 = tpu.memref_slice %arg31[%dma_wait3A_1487] : memref<10112xf32, #tpu.memory_space<vmem_shared>> -> memref<10112xf32, #tpu.memory_space<vmem_shared>>
      tpu.wait_indirect_dma semaphore(%run_scoped3A_1478 : memref<!tpu.dma_semaphore, #tpu.memory_space<semaphore_mem>>) src(%arg26 : memref<128xf32, #tpu.memory_space<vmem>>) dst(%dma_wait3A_1488 : memref<10112xf32, #tpu.memory_space<vmem_shared>>)
      tpu.yield
    }) : () -> ()
    %dma_wait3A_1457 = arith.constant 79 : i32
    %dma_wait3A_1458 = arith.constant 0 : i32
    %dma_wait3A_1459 = tpu.memref_slice %arg11[%dma_wait3A_1457, %dma_wait3A_1458] : memref<80x128xi32, #tpu.memory_space<vmem>> -> memref<1x128xi32, #tpu.memory_space<vmem>>
    %dma_wait3A_1460 = tpu.memref_squeeze %dma_wait3A_1459 : memref<1x128xi32, #tpu.memory_space<vmem>> -> memref<128xi32, #tpu.memory_space<vmem>>
    %dma_wait3A_1461 = arith.constant 0 : i32
    %dma_wait3A_1462 = tpu.memref_slice %arg28[%dma_wait3A_1461] : memref<10112xf32, #tpu.memory_space<vmem_shared>> -> memref<10112xf32, #tpu.memory_space<vmem_shared>>
    tpu.wait_indirect_dma semaphore(%arg35 : memref<!tpu.dma_semaphore, #tpu.memory_space<semaphore_mem>>) src(%dma_wait3A_1462 : memref<10112xf32, #tpu.memory_space<vmem_shared>>) dst(%arg23 : memref<128xf32, #tpu.memory_space<vmem>>)
    %run_scoped3A_1463 = arith.constant 79 : i32
    "tpu.region"() ({
      %run_scoped3A_1478 = tpu.sem_alloc : memref<!tpu.dma_semaphore, #tpu.memory_space<semaphore_mem>>
      %dma_start3A_1479 = arith.constant 0 : i32
      %dma_start3A_1480 = tpu.memref_slice %arg12[%run_scoped3A_1463, %dma_start3A_1479] : memref<80x128xi32, #tpu.memory_space<vmem>> -> memref<1x128xi32, #tpu.memory_space<vmem>>
      %dma_start3A_1481 = tpu.memref_squeeze %dma_start3A_1480 : memref<1x128xi32, #tpu.memory_space<vmem>> -> memref<128xi32, #tpu.memory_space<vmem>>
      %dma_start3A_1482 = arith.constant 0 : i32
      %dma_start3A_1483 = tpu.memref_slice %arg30[%dma_start3A_1482] : memref<10112xf32, #tpu.memory_space<vmem_shared>> -> memref<10112xf32, #tpu.memory_space<vmem_shared>>
      tpu.enqueue_indirect_dma source(%arg23 : memref<128xf32, #tpu.memory_space<vmem>>) target(%dma_start3A_1483 : memref<10112xf32, #tpu.memory_space<vmem_shared>>) offsets(%dma_start3A_1481 : memref<128xi32, #tpu.memory_space<vmem>>) semaphore(%run_scoped3A_1478 : memref<!tpu.dma_semaphore, #tpu.memory_space<semaphore_mem>>) {add = true}
      %dma_wait3A_1484 = arith.constant 0 : i32
      %dma_wait3A_1485 = tpu.memref_slice %arg12[%run_scoped3A_1463, %dma_wait3A_1484] : memref<80x128xi32, #tpu.memory_space<vmem>> -> memref<1x128xi32, #tpu.memory_space<vmem>>
      %dma_wait3A_1486 = tpu.memref_squeeze %dma_wait3A_1485 : memref<1x128xi32, #tpu.memory_space<vmem>> -> memref<128xi32, #tpu.memory_space<vmem>>
      %dma_wait3A_1487 = arith.constant 0 : i32
      %dma_wait3A_1488 = tpu.memref_slice %arg30[%dma_wait3A_1487] : memref<10112xf32, #tpu.memory_space<vmem_shared>> -> memref<10112xf32, #tpu.memory_space<vmem_shared>>
      tpu.wait_indirect_dma semaphore(%run_scoped3A_1478 : memref<!tpu.dma_semaphore, #tpu.memory_space<semaphore_mem>>) src(%arg23 : memref<128xf32, #tpu.memory_space<vmem>>) dst(%dma_wait3A_1488 : memref<10112xf32, #tpu.memory_space<vmem_shared>>)
      tpu.yield
    }) : () -> ()
    %dma_wait3A_1464 = arith.constant 79 : i32
    %dma_wait3A_1465 = arith.constant 0 : i32
    %dma_wait3A_1466 = tpu.memref_slice %arg11[%dma_wait3A_1464, %dma_wait3A_1465] : memref<80x128xi32, #tpu.memory_space<vmem>> -> memref<1x128xi32, #tpu.memory_space<vmem>>
    %dma_wait3A_1467 = tpu.memref_squeeze %dma_wait3A_1466 : memref<1x128xi32, #tpu.memory_space<vmem>> -> memref<128xi32, #tpu.memory_space<vmem>>
    %dma_wait3A_1468 = arith.constant 0 : i32
    %dma_wait3A_1469 = tpu.memref_slice %arg29[%dma_wait3A_1468] : memref<10112xf32, #tpu.memory_space<vmem_shared>> -> memref<10112xf32, #tpu.memory_space<vmem_shared>>
    tpu.wait_indirect_dma semaphore(%arg39 : memref<!tpu.dma_semaphore, #tpu.memory_space<semaphore_mem>>) src(%dma_wait3A_1469 : memref<10112xf32, #tpu.memory_space<vmem_shared>>) dst(%arg27 : memref<128xf32, #tpu.memory_space<vmem>>)
    %run_scoped3A_1470 = arith.constant 79 : i32
    "tpu.region"() ({
      %run_scoped3A_1478 = tpu.sem_alloc : memref<!tpu.dma_semaphore, #tpu.memory_space<semaphore_mem>>
      %dma_start3A_1479 = arith.constant 0 : i32
      %dma_start3A_1480 = tpu.memref_slice %arg12[%run_scoped3A_1470, %dma_start3A_1479] : memref<80x128xi32, #tpu.memory_space<vmem>> -> memref<1x128xi32, #tpu.memory_space<vmem>>
      %dma_start3A_1481 = tpu.memref_squeeze %dma_start3A_1480 : memref<1x128xi32, #tpu.memory_space<vmem>> -> memref<128xi32, #tpu.memory_space<vmem>>
      %dma_start3A_1482 = arith.constant 0 : i32
      %dma_start3A_1483 = tpu.memref_slice %arg31[%dma_start3A_1482] : memref<10112xf32, #tpu.memory_space<vmem_shared>> -> memref<10112xf32, #tpu.memory_space<vmem_shared>>
      tpu.enqueue_indirect_dma source(%arg27 : memref<128xf32, #tpu.memory_space<vmem>>) target(%dma_start3A_1483 : memref<10112xf32, #tpu.memory_space<vmem_shared>>) offsets(%dma_start3A_1481 : memref<128xi32, #tpu.memory_space<vmem>>) semaphore(%run_scoped3A_1478 : memref<!tpu.dma_semaphore, #tpu.memory_space<semaphore_mem>>) {add = true}
      %dma_wait3A_1484 = arith.constant 0 : i32
      %dma_wait3A_1485 = tpu.memref_slice %arg12[%run_scoped3A_1470, %dma_wait3A_1484] : memref<80x128xi32, #tpu.memory_space<vmem>> -> memref<1x128xi32, #tpu.memory_space<vmem>>
      %dma_wait3A_1486 = tpu.memref_squeeze %dma_wait3A_1485 : memref<1x128xi32, #tpu.memory_space<vmem>> -> memref<128xi32, #tpu.memory_space<vmem>>
      %dma_wait3A_1487 = arith.constant 0 : i32
      %dma_wait3A_1488 = tpu.memref_slice %arg31[%dma_wait3A_1487] : memref<10112xf32, #tpu.memory_space<vmem_shared>> -> memref<10112xf32, #tpu.memory_space<vmem_shared>>
      tpu.wait_indirect_dma semaphore(%run_scoped3A_1478 : memref<!tpu.dma_semaphore, #tpu.memory_space<semaphore_mem>>) src(%arg27 : memref<128xf32, #tpu.memory_space<vmem>>) dst(%dma_wait3A_1488 : memref<10112xf32, #tpu.memory_space<vmem_shared>>)
      tpu.yield
    }) : () -> ()
    %barrier3A_1471 = arith.constant 0 : index
    tpu.barrier barrier_id(%barrier3A_1471)
    %mul3A_1472 = arith.constant 10112 : i32
    %mul3A_1473 = arith.muli %arg0, %mul3A_1472 : i32
    %add3A_1474 = arith.addi %mul3A_1473, %mul3A_2 : i32
    "tpu.region"() ({
      %run_scoped3A_1478 = tpu.sem_alloc : memref<!tpu.dma_semaphore, #tpu.memory_space<semaphore_mem>>
      %dma_start3A_1479 = tpu.memref_slice %arg30[%mul3A_2] : memref<10112xf32, #tpu.memory_space<vmem_shared>> -> memref<632xf32, #tpu.memory_space<vmem_shared>>
      %dma_start3A_1480 = tpu.memref_slice %arg30[%mul3A_2] : memref<10112xf32, #tpu.memory_space<vmem_shared>> -> memref<632xf32, #tpu.memory_space<vmem_shared>>
      tpu.enqueue_dma source(%dma_start3A_1480 : memref<632xf32, #tpu.memory_space<vmem_shared>>) target(%arg19 : memref<632xf32, #tpu.memory_space<vmem>>) target_semaphore(%run_scoped3A_1478 : memref<!tpu.dma_semaphore, #tpu.memory_space<semaphore_mem>>)
      %dma_wait3A_1481 = tpu.memref_slice %arg30[%mul3A_2] : memref<10112xf32, #tpu.memory_space<vmem_shared>> -> memref<632xf32, #tpu.memory_space<vmem_shared>>
      %dma_wait3A_1482 = tpu.memref_slice %arg30[%mul3A_2] : memref<10112xf32, #tpu.memory_space<vmem_shared>> -> memref<632xf32, #tpu.memory_space<vmem_shared>>
      tpu.wait_dma2 semaphore(%run_scoped3A_1478 : memref<!tpu.dma_semaphore, #tpu.memory_space<semaphore_mem>>) src(%dma_wait3A_1482 : memref<632xf32, #tpu.memory_space<vmem_shared>>) dst(%arg19 : memref<632xf32, #tpu.memory_space<vmem>>)
      tpu.yield
    }) : () -> ()
    "tpu.region"() ({
      %run_scoped3A_1478 = tpu.sem_alloc : memref<!tpu.dma_semaphore, #tpu.memory_space<semaphore_mem>>
      %dma_start3A_1479 = tpu.memref_slice %arg9[%add3A_1474] : memref<20224xf32, #tpu.memory_space<hbm>> -> memref<632xf32, #tpu.memory_space<hbm>>
      %dma_start3A_1480 = tpu.memref_slice %arg9[%add3A_1474] : memref<20224xf32, #tpu.memory_space<hbm>> -> memref<632xf32, #tpu.memory_space<hbm>>
      tpu.enqueue_dma source(%arg19 : memref<632xf32, #tpu.memory_space<vmem>>) target(%dma_start3A_1480 : memref<632xf32, #tpu.memory_space<hbm>>) target_semaphore(%run_scoped3A_1478 : memref<!tpu.dma_semaphore, #tpu.memory_space<semaphore_mem>>)
      %dma_wait3A_1481 = tpu.memref_slice %arg9[%add3A_1474] : memref<20224xf32, #tpu.memory_space<hbm>> -> memref<632xf32, #tpu.memory_space<hbm>>
      %dma_wait3A_1482 = tpu.memref_slice %arg9[%add3A_1474] : memref<20224xf32, #tpu.memory_space<hbm>> -> memref<632xf32, #tpu.memory_space<hbm>>
      tpu.wait_dma2 semaphore(%run_scoped3A_1478 : memref<!tpu.dma_semaphore, #tpu.memory_space<semaphore_mem>>) src(%arg19 : memref<632xf32, #tpu.memory_space<vmem>>) dst(%dma_wait3A_1482 : memref<632xf32, #tpu.memory_space<hbm>>)
      tpu.yield
    }) : () -> ()
    %mul3A_1475 = arith.constant 10112 : i32
    %mul3A_1476 = arith.muli %arg0, %mul3A_1475 : i32
    %add3A_1477 = arith.addi %mul3A_1476, %mul3A_2 : i32
    "tpu.region"() ({
      %run_scoped3A_1478 = tpu.sem_alloc : memref<!tpu.dma_semaphore, #tpu.memory_space<semaphore_mem>>
      %dma_start3A_1479 = tpu.memref_slice %arg31[%mul3A_2] : memref<10112xf32, #tpu.memory_space<vmem_shared>> -> memref<632xf32, #tpu.memory_space<vmem_shared>>
      %dma_start3A_1480 = tpu.memref_slice %arg31[%mul3A_2] : memref<10112xf32, #tpu.memory_space<vmem_shared>> -> memref<632xf32, #tpu.memory_space<vmem_shared>>
      tpu.enqueue_dma source(%dma_start3A_1480 : memref<632xf32, #tpu.memory_space<vmem_shared>>) target(%arg19 : memref<632xf32, #tpu.memory_space<vmem>>) target_semaphore(%run_scoped3A_1478 : memref<!tpu.dma_semaphore, #tpu.memory_space<semaphore_mem>>)
      %dma_wait3A_1481 = tpu.memref_slice %arg31[%mul3A_2] : memref<10112xf32, #tpu.memory_space<vmem_shared>> -> memref<632xf32, #tpu.memory_space<vmem_shared>>
      %dma_wait3A_1482 = tpu.memref_slice %arg31[%mul3A_2] : memref<10112xf32, #tpu.memory_space<vmem_shared>> -> memref<632xf32, #tpu.memory_space<vmem_shared>>
      tpu.wait_dma2 semaphore(%run_scoped3A_1478 : memref<!tpu.dma_semaphore, #tpu.memory_space<semaphore_mem>>) src(%dma_wait3A_1482 : memref<632xf32, #tpu.memory_space<vmem_shared>>) dst(%arg19 : memref<632xf32, #tpu.memory_space<vmem>>)
      tpu.yield
    }) : () -> ()
    "tpu.region"() ({
      %run_scoped3A_1478 = tpu.sem_alloc : memref<!tpu.dma_semaphore, #tpu.memory_space<semaphore_mem>>
      %dma_start3A_1479 = tpu.memref_slice %arg10[%add3A_1477] : memref<20224xf32, #tpu.memory_space<hbm>> -> memref<632xf32, #tpu.memory_space<hbm>>
      %dma_start3A_1480 = tpu.memref_slice %arg10[%add3A_1477] : memref<20224xf32, #tpu.memory_space<hbm>> -> memref<632xf32, #tpu.memory_space<hbm>>
      tpu.enqueue_dma source(%arg19 : memref<632xf32, #tpu.memory_space<vmem>>) target(%dma_start3A_1480 : memref<632xf32, #tpu.memory_space<hbm>>) target_semaphore(%run_scoped3A_1478 : memref<!tpu.dma_semaphore, #tpu.memory_space<semaphore_mem>>)
      %dma_wait3A_1481 = tpu.memref_slice %arg10[%add3A_1477] : memref<20224xf32, #tpu.memory_space<hbm>> -> memref<632xf32, #tpu.memory_space<hbm>>
      %dma_wait3A_1482 = tpu.memref_slice %arg10[%add3A_1477] : memref<20224xf32, #tpu.memory_space<hbm>> -> memref<632xf32, #tpu.memory_space<hbm>>
      tpu.wait_dma2 semaphore(%run_scoped3A_1478 : memref<!tpu.dma_semaphore, #tpu.memory_space<semaphore_mem>>) src(%arg19 : memref<632xf32, #tpu.memory_space<vmem>>) dst(%dma_wait3A_1482 : memref<632xf32, #tpu.memory_space<hbm>>)
      tpu.yield
    }) : () -> ()
    return
  }
}

module attributes {stable_mosaic.version = 14 : i64} {
  func.func @_h0_body(%arg0: memref<10112x128xf32, #tpu.memory_space<vmem>>, %arg1: memref<128x128xf32, #tpu.memory_space<vmem>>, %arg2: memref<10112x128xf32, #tpu.memory_space<vmem>>) attributes {dimension_semantics = [], scalar_prefetch = 0 : i64, scratch_operands = 0 : i64, tpu.core_type = #tpu.core_type<tc>} {
    %get3A = arith.constant 0 : index
    %get3A_0 = arith.constant 0 : index
    %get3A_1 = vector.load %arg0[%get3A, %get3A_0] : memref<10112x128xf32, #tpu.memory_space<vmem>>, vector<10112x128xf32>
    %get3A_2 = arith.constant 0 : index
    %get3A_3 = arith.constant 0 : index
    %get3A_4 = vector.load %arg1[%get3A_2, %get3A_3] : memref<128x128xf32, #tpu.memory_space<vmem>>, vector<128x128xf32>
    %dot_general3A = arith.constant dense<0.000000e+00> : vector<10112x128xf32>
    %dot_general3A_5 = tpu.matmul %get3A_1, %get3A_4, %dot_general3A {dimension_numbers = #tpu.dot_dimension_numbers<[1], [0], [0], [1], [0, 0, 1, 1], [], []>, transpose_lhs_hint = false} : vector<10112x128xf32>, vector<128x128xf32>, vector<10112x128xf32> -> vector<10112x128xf32>
    %swap3A = arith.constant 0 : index
    %swap3A_6 = arith.constant 0 : index
    %swap3A_7 = vector.load %arg2[%swap3A, %swap3A_6] : memref<10112x128xf32, #tpu.memory_space<vmem>>, vector<10112x128xf32>
    tpu.vector_store %arg2[%swap3A, %swap3A_6], %dot_general3A_5 {strides = array<i32>} : memref<10112x128xf32, #tpu.memory_space<vmem>>, vector<10112x128xf32>,
    return
  }
}

module attributes {stable_mosaic.version = 14 : i64} {
  func.func @_scale_body(%arg0: memref<10112x128xf32, #tpu.memory_space<vmem>>, %arg1: memref<2x10112xf32, #tpu.memory_space<vmem>>, %arg2: memref<10112x128xf32, #tpu.memory_space<vmem>>, %arg3: memref<10112x1xf32, #tpu.memory_space<vmem>>) attributes {dimension_semantics = [], scalar_prefetch = 0 : i64, scratch_operands = 0 : i64, tpu.core_type = #tpu.core_type<tc>} {
    %get3A = arith.constant 0 : index
    %get3A_0 = arith.constant 0 : index
    %get3A_1 = vector.load %arg1[%get3A, %get3A_0] : memref<2x10112xf32, #tpu.memory_space<vmem>>, vector<1x10112xf32>
    %get3A_2 = vector.shape_cast %get3A_1 : vector<1x10112xf32> to vector<10112xf32>
    %get3A_3 = arith.constant 1 : index
    %get3A_4 = arith.constant 0 : index
    %get3A_5 = vector.load %arg1[%get3A_3, %get3A_4] : memref<2x10112xf32, #tpu.memory_space<vmem>>, vector<1x10112xf32>
    %get3A_6 = vector.shape_cast %get3A_5 : vector<1x10112xf32> to vector<10112xf32>
    %add3A = arith.addf %get3A_2, %get3A_6 : vector<10112xf32>
    %add3A_7 = arith.constant 1.000000e+00 : f32
    %add3A_8 = vector.broadcast %add3A_7 : f32 to vector<10112xf32>
    %add3A_9 = arith.addf %add3A, %add3A_8 : vector<10112xf32>
    %rsqrt3A = math.rsqrt %add3A_9 : vector<10112xf32>
    %reshape3A = vector.shape_cast %rsqrt3A : vector<10112xf32> to vector<10112x1xf32>
    %get3A_10 = arith.constant 0 : index
    %get3A_11 = arith.constant 0 : index
    %get3A_12 = vector.load %arg0[%get3A_10, %get3A_11] : memref<10112x128xf32, #tpu.memory_space<vmem>>, vector<10112x128xf32>
    %mul3A = vector.broadcast %reshape3A : vector<10112x1xf32> to vector<10112x128xf32>
    %mul3A_13 = arith.mulf %get3A_12, %mul3A : vector<10112x128xf32>
    %swap3A = arith.constant 0 : index
    %swap3A_14 = arith.constant 0 : index
    %swap3A_15 = vector.load %arg2[%swap3A, %swap3A_14] : memref<10112x128xf32, #tpu.memory_space<vmem>>, vector<10112x128xf32>
    tpu.vector_store %arg2[%swap3A, %swap3A_14], %mul3A_13 {strides = array<i32>} : memref<10112x128xf32, #tpu.memory_space<vmem>>, vector<10112x128xf32>,
    %swap3A_16 = arith.constant 0 : index
    %swap3A_17 = arith.constant 0 : index
    %swap3A_18 = vector.load %arg3[%swap3A_16, %swap3A_17] : memref<10112x1xf32, #tpu.memory_space<vmem>>, vector<10112x1xf32>
    tpu.vector_store %arg3[%swap3A_16, %swap3A_17], %reshape3A {strides = array<i32>} : memref<10112x1xf32, #tpu.memory_space<vmem>>, vector<10112x1xf32>,
    return
  }
}

module attributes {stable_mosaic.version = 14 : i64} {
  func.func @_attn_body(%arg0: memref<2x10112x128xf32, #tpu.memory_space<vmem>>, %arg1: memref<10112x1xf32, #tpu.memory_space<vmem>>, %arg2: memref<1x128xf32, #tpu.memory_space<vmem>>, %arg3: memref<128x1xf32, #tpu.memory_space<vmem>>, %arg4: memref<1x1xf32, #tpu.memory_space<vmem>>, %arg5: memref<128x1xf32, #tpu.memory_space<vmem>>, %arg6: memref<10112x1xf32, #tpu.memory_space<vmem>>) attributes {dimension_semantics = [], scalar_prefetch = 0 : i64, scratch_operands = 0 : i64, tpu.core_type = #tpu.core_type<tc>} {
    %get3A = arith.constant 0 : index
    %get3A_0 = arith.constant 0 : index
    %get3A_1 = vector.load %arg1[%get3A, %get3A_0] : memref<10112x1xf32, #tpu.memory_space<vmem>>, vector<10112x1xf32>
    %get3A_2 = arith.constant 0 : index
    %get3A_3 = arith.constant 0 : index
    %get3A_4 = arith.constant 0 : index
    %get3A_5 = vector.load %arg0[%get3A_2, %get3A_3, %get3A_4] : memref<2x10112x128xf32, #tpu.memory_space<vmem>>, vector<1x10112x128xf32>
    %get3A_6 = vector.shape_cast %get3A_5 : vector<1x10112x128xf32> to vector<10112x128xf32>
    %get3A_7 = arith.constant 1 : index
    %get3A_8 = arith.constant 0 : index
    %get3A_9 = arith.constant 0 : index
    %get3A_10 = vector.load %arg0[%get3A_7, %get3A_8, %get3A_9] : memref<2x10112x128xf32, #tpu.memory_space<vmem>>, vector<1x10112x128xf32>
    %get3A_11 = vector.shape_cast %get3A_10 : vector<1x10112x128xf32> to vector<10112x128xf32>
    %add3A = arith.addf %get3A_6, %get3A_11 : vector<10112x128xf32>
    %mul3A = vector.broadcast %get3A_1 : vector<10112x1xf32> to vector<10112x128xf32>
    %mul3A_12 = arith.mulf %mul3A, %add3A : vector<10112x128xf32>
    %get3A_13 = arith.constant 0 : index
    %get3A_14 = arith.constant 0 : index
    %get3A_15 = vector.load %arg2[%get3A_13, %get3A_14] : memref<1x128xf32, #tpu.memory_space<vmem>>, vector<1x128xf32>
    %add3A_16 = vector.broadcast %get3A_15 : vector<1x128xf32> to vector<10112x128xf32>
    %add3A_17 = arith.addf %mul3A_12, %add3A_16 : vector<10112x128xf32>
    %max3A = arith.constant 0.000000e+00 : f32
    %max3A_18 = vector.broadcast %max3A : f32 to vector<10112x128xf32>
    %max3A_19 = arith.maximumf %add3A_17, %max3A_18 : vector<10112x128xf32>
    %get3A_20 = arith.constant 0 : index
    %get3A_21 = arith.constant 0 : index
    %get3A_22 = vector.load %arg3[%get3A_20, %get3A_21] : memref<128x1xf32, #tpu.memory_space<vmem>>, vector<128x1xf32>
    %dot_general3A = arith.constant dense<0.000000e+00> : vector<10112x1xf32>
    %dot_general3A_23 = tpu.matmul %max3A_19, %get3A_22, %dot_general3A {dimension_numbers = #tpu.dot_dimension_numbers<[1], [0], [0], [1], [0, 0, 1, 1], [], []>, transpose_lhs_hint = false} : vector<10112x128xf32>, vector<128x1xf32>, vector<10112x1xf32> -> vector<10112x1xf32>
    %get3A_24 = arith.constant 0 : index
    %get3A_25 = arith.constant 0 : index
    %get3A_26 = vector.load %arg4[%get3A_24, %get3A_25] : memref<1x1xf32, #tpu.memory_space<vmem>>, vector<1x1xf32>
    %get3A_27 = vector.extract %get3A_26[0, 0] : f32 from vector<1x1xf32>
    %add3A_28 = vector.broadcast %get3A_27 : f32 to vector<10112x1xf32>
    %add3A_29 = arith.addf %dot_general3A_23, %add3A_28 : vector<10112x1xf32>
    %get3A_30 = arith.constant 0 : index
    %get3A_31 = arith.constant 0 : index
    %get3A_32 = vector.load %arg5[%get3A_30, %get3A_31] : memref<128x1xf32, #tpu.memory_space<vmem>>, vector<128x1xf32>
    %dot_general3A_33 = arith.constant dense<0.000000e+00> : vector<10112x1xf32>
    %dot_general3A_34 = tpu.matmul %max3A_19, %get3A_32, %dot_general3A_33 {dimension_numbers = #tpu.dot_dimension_numbers<[1], [0], [0], [1], [0, 0, 1, 1], [], []>, transpose_lhs_hint = false} : vector<10112x128xf32>, vector<128x1xf32>, vector<10112x1xf32> -> vector<10112x1xf32>
    %iota3A = tpu.iota {dimensions = array<i32: 0>} : vector<10112x1xi32>
    %lt3A = arith.constant 10000 : i32
    %lt3A_35 = vector.broadcast %lt3A : i32 to vector<10112x1xi32>
    %lt3A_36 = arith.cmpi slt, %iota3A, %lt3A_35 : vector<10112x1xi32>
    %jit3A = arith.constant 0xFF800000 : f32
    %broadcast_in_dim3A = vector.broadcast %jit3A : f32 to vector<10112x1xf32>
    %select_n3A = arith.select %lt3A_36, %add3A_29, %broadcast_in_dim3A : vector<10112x1xi1>, vector<10112x1xf32>
    %reduce_max3A = vector.shape_cast %select_n3A : vector<10112x1xf32> to vector<1x10112x1xf32>
    %reduce_max3A_37 = arith.constant dense<0xFF800000> : vector<1xf32>
    %reduce_max3A_38 = vector.multi_reduction <maximumf>, %reduce_max3A, %reduce_max3A_37 [1, 2] : vector<1x10112x1xf32> to vector<1xf32>
    %reduce_max3A_39 = vector.shape_cast %reduce_max3A_38 : vector<1xf32> to vector<1x1x1xf32>
    %reduce_max3A_40 = vector.extract %reduce_max3A_39[0, 0, 0] : f32 from vector<1x1x1xf32>
    %sub3A = vector.broadcast %reduce_max3A_40 : f32 to vector<10112x1xf32>
    %sub3A_41 = arith.subf %select_n3A, %sub3A : vector<10112x1xf32>
    %exp3A = math.exp %sub3A_41 : vector<10112x1xf32>
    %jit3A_42 = arith.constant 0.000000e+00 : f32
    %broadcast_in_dim3A_43 = vector.broadcast %jit3A_42 : f32 to vector<10112x1xf32>
    %select_n3A_44 = arith.select %lt3A_36, %exp3A, %broadcast_in_dim3A_43 : vector<10112x1xi1>, vector<10112x1xf32>
    %reduce_sum3A = vector.shape_cast %select_n3A_44 : vector<10112x1xf32> to vector<1x10112x1xf32>
    %reduce_sum3A_45 = arith.constant dense<0.000000e+00> : vector<1xf32>
    %reduce_sum3A_46 = vector.multi_reduction <add>, %reduce_sum3A, %reduce_sum3A_45 [1, 2] : vector<1x10112x1xf32> to vector<1xf32>
    %reduce_sum3A_47 = vector.shape_cast %reduce_sum3A_46 : vector<1xf32> to vector<1x1x1xf32>
    %reduce_sum3A_48 = vector.extract %reduce_sum3A_47[0, 0, 0] : f32 from vector<1x1x1xf32>
    %div3A = vector.broadcast %reduce_sum3A_48 : f32 to vector<10112x1xf32>
    %div3A_49 = arith.divf %select_n3A_44, %div3A : vector<10112x1xf32>
    %mul3A_50 = arith.mulf %div3A_49, %dot_general3A_34 : vector<10112x1xf32>
    %mul3A_51 = arith.mulf %mul3A_50, %get3A_1 : vector<10112x1xf32>
    %swap3A = arith.constant 0 : index
    %swap3A_52 = arith.constant 0 : index
    %swap3A_53 = vector.load %arg6[%swap3A, %swap3A_52] : memref<10112x1xf32, #tpu.memory_space<vmem>>, vector<10112x1xf32>
    tpu.vector_store %arg6[%swap3A, %swap3A_52], %mul3A_51 {strides = array<i32>} : memref<10112x1xf32, #tpu.memory_space<vmem>>, vector<10112x1xf32>,
    return
  }
}

module attributes {stable_mosaic.version = 14 : i64} {
  func.func @_final_body(%arg0: i32, %arg1: memref<2528x2xf32, #tpu.memory_space<vmem>>, %arg2: memref<2528x2xf32, #tpu.memory_space<vmem>>, %arg3: memref<2528x1xf32, #tpu.memory_space<vmem>>, %arg4: memref<2528x1xf32, #tpu.memory_space<vmem>>, %arg5: memref<1x128xf32, #tpu.memory_space<vmem>>, %arg6: memref<128x128xf32, #tpu.memory_space<vmem>>, %arg7: memref<1x128xf32, #tpu.memory_space<vmem>>, %arg8: memref<128x64xf32, #tpu.memory_space<vmem>>, %arg9: memref<1x64xf32, #tpu.memory_space<vmem>>, %arg10: memref<128x64xf32, #tpu.memory_space<vmem>>, %arg11: memref<128x128xf32, #tpu.memory_space<vmem>>, %arg12: memref<128x1xf32, #tpu.memory_space<vmem>>) attributes {dimension_semantics = [#tpu.dimension_semantics<arbitrary>], iteration_bounds = array<i64: 4>, scalar_prefetch = 0 : i64, scratch_operands = 2 : i64, tpu.core_type = #tpu.core_type<tc>, window_params = [{transform_indices = @transform_0, window_bounds = array<i64: 2528, 2>}, {transform_indices = @transform_1, window_bounds = array<i64: 2528, 2>}, {transform_indices = @transform_2, window_bounds = array<i64: 2528, 1>}, {transform_indices = @transform_3, window_bounds = array<i64: 2528, 1>}, {pipeline_mode = #tpu.pipeline_mode<synchronous>, transform_indices = @transform_4, window_bounds = array<i64: 1, 128>}, {pipeline_mode = #tpu.pipeline_mode<synchronous>, transform_indices = @transform_5, window_bounds = array<i64: 128, 128>}, {pipeline_mode = #tpu.pipeline_mode<synchronous>, transform_indices = @transform_6, window_bounds = array<i64: 1, 128>}, {pipeline_mode = #tpu.pipeline_mode<synchronous>, transform_indices = @transform_7, window_bounds = array<i64: 128, 64>}, {pipeline_mode = #tpu.pipeline_mode<synchronous>, transform_indices = @transform_8, window_bounds = array<i64: 1, 64>}, {pipeline_mode = #tpu.pipeline_mode<synchronous>, transform_indices = @transform_9, window_bounds = array<i64: 128, 64>}]} {
    %eq3A = arith.constant 0 : i32
    %eq3A_0 = arith.cmpi eq, %arg0, %eq3A : i32
    %convert_element_type3A = arith.extui %eq3A_0 : i1 to i32
    %cond3A = arith.constant 0 : i32
    %cond3A_1 = arith.cmpi ne, %convert_element_type3A, %cond3A : i32
    scf.if %cond3A_1 {
      %broadcast_in_dim3A_81 = arith.constant 0.000000e+00 : f32
      %broadcast_in_dim3A_82 = vector.broadcast %broadcast_in_dim3A_81 : f32 to vector<128x128xf32>
      %swap3A_83 = arith.constant 0 : index
      %swap3A_84 = arith.constant 0 : index
      %swap3A_85 = vector.load %arg11[%swap3A_83, %swap3A_84] : memref<128x128xf32, #tpu.memory_space<vmem>>, vector<128x128xf32>
      tpu.vector_store %arg11[%swap3A_83, %swap3A_84], %broadcast_in_dim3A_82 {strides = array<i32>} : memref<128x128xf32, #tpu.memory_space<vmem>>, vector<128x128xf32>,
      %broadcast_in_dim3A_86 = arith.constant 0.000000e+00 : f32
      %broadcast_in_dim3A_87 = vector.broadcast %broadcast_in_dim3A_86 : f32 to vector<128x1xf32>
      %swap3A_88 = arith.constant 0 : index
      %swap3A_89 = arith.constant 0 : index
      %swap3A_90 = vector.load %arg12[%swap3A_88, %swap3A_89] : memref<128x1xf32, #tpu.memory_space<vmem>>, vector<128x1xf32>
      tpu.vector_store %arg12[%swap3A_88, %swap3A_89], %broadcast_in_dim3A_87 {strides = array<i32>} : memref<128x1xf32, #tpu.memory_space<vmem>>, vector<128x1xf32>,
    } else {
    }
    %get3A = arith.constant 0 : index
    %get3A_2 = arith.constant 0 : index
    %get3A_3 = vector.load %arg3[%get3A, %get3A_2] : memref<2528x1xf32, #tpu.memory_space<vmem>>, vector<2528x1xf32>
    %get3A_4 = arith.constant 0 : index
    %get3A_5 = arith.constant 0 : index
    %get3A_6 = vector.load %arg1[%get3A_4, %get3A_5] : memref<2528x2xf32, #tpu.memory_space<vmem>>, vector<2528x2xf32>
    %get3A_7 = arith.constant 0 : index
    %get3A_8 = arith.constant 0 : index
    %get3A_9 = vector.load %arg2[%get3A_7, %get3A_8] : memref<2528x2xf32, #tpu.memory_space<vmem>>, vector<2528x2xf32>
    %add3A = arith.addf %get3A_6, %get3A_9 : vector<2528x2xf32>
    %mul3A = vector.broadcast %get3A_3 : vector<2528x1xf32> to vector<2528x2xf32>
    %mul3A_10 = arith.mulf %mul3A, %add3A : vector<2528x2xf32>
    %get3A_11 = arith.constant 0 : index
    %get3A_12 = arith.constant 0 : index
    %get3A_13 = vector.load %arg5[%get3A_11, %get3A_12] : memref<1x128xf32, #tpu.memory_space<vmem>>, vector<1x128xf32>
    %max3A = arith.constant 0.000000e+00 : f32
    %max3A_14 = vector.broadcast %max3A : f32 to vector<1x128xf32>
    %max3A_15 = arith.maximumf %get3A_13, %max3A_14 : vector<1x128xf32>
    %get3A_16 = arith.constant 0 : index
    %get3A_17 = arith.constant 0 : index
    %get3A_18 = vector.load %arg5[%get3A_16, %get3A_17] : memref<1x128xf32, #tpu.memory_space<vmem>>, vector<1x128xf32>
    %neg3A = arith.constant 0.000000e+00 : f32
    %neg3A_19 = vector.broadcast %neg3A : f32 to vector<1x128xf32>
    %neg3A_20 = arith.subf %neg3A_19, %get3A_18 : vector<1x128xf32>
    %max3A_21 = arith.constant 0.000000e+00 : f32
    %max3A_22 = vector.broadcast %max3A_21 : f32 to vector<1x128xf32>
    %max3A_23 = arith.maximumf %neg3A_20, %max3A_22 : vector<1x128xf32>
    %get3A_24 = arith.constant 0 : index
    %get3A_25 = arith.constant 0 : index
    %get3A_26 = vector.load %arg6[%get3A_24, %get3A_25] : memref<128x128xf32, #tpu.memory_space<vmem>>, vector<128x128xf32>
    %dot_general3A = arith.constant dense<0.000000e+00> : vector<1x128xf32>
    %dot_general3A_27 = tpu.matmul %max3A_15, %get3A_26, %dot_general3A {dimension_numbers = #tpu.dot_dimension_numbers<[1], [0], [0], [1], [0, 0, 1, 1], [], []>, transpose_lhs_hint = false} : vector<1x128xf32>, vector<128x128xf32>, vector<1x128xf32> -> vector<1x128xf32>
    %get3A_28 = arith.constant 0 : index
    %get3A_29 = arith.constant 0 : index
    %get3A_30 = vector.load %arg6[%get3A_28, %get3A_29] : memref<128x128xf32, #tpu.memory_space<vmem>>, vector<128x128xf32>
    %dot_general3A_31 = arith.constant dense<0.000000e+00> : vector<1x128xf32>
    %dot_general3A_32 = tpu.matmul %max3A_23, %get3A_30, %dot_general3A_31 {dimension_numbers = #tpu.dot_dimension_numbers<[1], [0], [0], [1], [0, 0, 1, 1], [], []>, transpose_lhs_hint = false} : vector<1x128xf32>, vector<128x128xf32>, vector<1x128xf32> -> vector<1x128xf32>
    %slice3A = vector.extract_strided_slice %mul3A_10 {offsets = [0, 0], sizes = [2528, 1], strides = [1, 1]} : vector<2528x2xf32> to vector<2528x1xf32>
    %mul3A_33 = vector.broadcast %slice3A : vector<2528x1xf32> to vector<2528x128xf32>
    %mul3A_34 = vector.broadcast %dot_general3A_27 : vector<1x128xf32> to vector<2528x128xf32>
    %mul3A_35 = arith.mulf %mul3A_33, %mul3A_34 : vector<2528x128xf32>
    %slice3A_36 = vector.extract_strided_slice %mul3A_10 {offsets = [0, 1], sizes = [2528, 1], strides = [1, 1]} : vector<2528x2xf32> to vector<2528x1xf32>
    %mul3A_37 = vector.broadcast %slice3A_36 : vector<2528x1xf32> to vector<2528x128xf32>
    %mul3A_38 = vector.broadcast %dot_general3A_32 : vector<1x128xf32> to vector<2528x128xf32>
    %mul3A_39 = arith.mulf %mul3A_37, %mul3A_38 : vector<2528x128xf32>
    %add3A_40 = arith.addf %mul3A_35, %mul3A_39 : vector<2528x128xf32>
    %get3A_41 = arith.constant 0 : index
    %get3A_42 = arith.constant 0 : index
    %get3A_43 = vector.load %arg7[%get3A_41, %get3A_42] : memref<1x128xf32, #tpu.memory_space<vmem>>, vector<1x128xf32>
    %add3A_44 = vector.broadcast %get3A_43 : vector<1x128xf32> to vector<2528x128xf32>
    %add3A_45 = arith.addf %add3A_40, %add3A_44 : vector<2528x128xf32>
    %max3A_46 = arith.constant 0.000000e+00 : f32
    %max3A_47 = vector.broadcast %max3A_46 : f32 to vector<2528x128xf32>
    %max3A_48 = arith.maximumf %add3A_45, %max3A_47 : vector<2528x128xf32>
    %iota3A = tpu.iota {dimensions = array<i32: 1>} : vector<1x128xi32>
    %convert_element_type3A_49 = arith.sitofp %iota3A : vector<1x128xi32> to vector<1x128xf32>
    %get3A_50 = arith.constant 0 : index
    %get3A_51 = arith.constant 0 : index
    %get3A_52 = vector.load %arg4[%get3A_50, %get3A_51] : memref<2528x1xf32, #tpu.memory_space<vmem>>, vector<2528x1xf32>
    %eq3A_53 = vector.broadcast %get3A_52 : vector<2528x1xf32> to vector<2528x128xf32>
    %eq3A_54 = vector.broadcast %convert_element_type3A_49 : vector<1x128xf32> to vector<2528x128xf32>
    %eq3A_55 = arith.cmpf oeq, %eq3A_53, %eq3A_54 : vector<2528x128xf32>
    %convert_element_type3A_56 = arith.extui %eq3A_55 : vector<2528x128xi1> to vector<2528x128xi32>
    %convert_element_type3A_57 = arith.sitofp %convert_element_type3A_56 : vector<2528x128xi32> to vector<2528x128xf32>
    %get3A_58 = arith.constant 0 : index
    %get3A_59 = arith.constant 0 : index
    %get3A_60 = vector.load %arg11[%get3A_58, %get3A_59] : memref<128x128xf32, #tpu.memory_space<vmem>>, vector<128x128xf32>
    %dot_general3A_61 = arith.constant dense<0.000000e+00> : vector<128x128xf32>
    %dot_general3A_62 = tpu.matmul %convert_element_type3A_57, %max3A_48, %dot_general3A_61 {dimension_numbers = #tpu.dot_dimension_numbers<[0], [0], [1], [1], [0, 1, 1, 1], [], []>, transpose_lhs_hint = false} : vector<2528x128xf32>, vector<2528x128xf32>, vector<128x128xf32> -> vector<128x128xf32>
    %add3A_63 = arith.addf %get3A_60, %dot_general3A_62 : vector<128x128xf32>
    %swap3A = arith.constant 0 : index
    %swap3A_64 = arith.constant 0 : index
    %swap3A_65 = vector.load %arg11[%swap3A, %swap3A_64] : memref<128x128xf32, #tpu.memory_space<vmem>>, vector<128x128xf32>
    tpu.vector_store %arg11[%swap3A, %swap3A_64], %add3A_63 {strides = array<i32>} : memref<128x128xf32, #tpu.memory_space<vmem>>, vector<128x128xf32>,
    %broadcast_in_dim3A = arith.constant 1.000000e+00 : f32
    %broadcast_in_dim3A_66 = vector.broadcast %broadcast_in_dim3A : f32 to vector<2528x1xf32>
    %get3A_67 = arith.constant 0 : index
    %get3A_68 = arith.constant 0 : index
    %get3A_69 = vector.load %arg12[%get3A_67, %get3A_68] : memref<128x1xf32, #tpu.memory_space<vmem>>, vector<128x1xf32>
    %dot_general3A_70 = arith.constant dense<0.000000e+00> : vector<128x1xf32>
    %dot_general3A_71 = tpu.matmul %convert_element_type3A_57, %broadcast_in_dim3A_66, %dot_general3A_70 {dimension_numbers = #tpu.dot_dimension_numbers<[0], [0], [1], [1], [0, 1, 1, 1], [], []>, transpose_lhs_hint = false} : vector<2528x128xf32>, vector<2528x1xf32>, vector<128x1xf32> -> vector<128x1xf32>
    %add3A_72 = arith.addf %get3A_69, %dot_general3A_71 : vector<128x1xf32>
    %swap3A_73 = arith.constant 0 : index
    %swap3A_74 = arith.constant 0 : index
    %swap3A_75 = vector.load %arg12[%swap3A_73, %swap3A_74] : memref<128x1xf32, #tpu.memory_space<vmem>>, vector<128x1xf32>
    tpu.vector_store %arg12[%swap3A_73, %swap3A_74], %add3A_72 {strides = array<i32>} : memref<128x1xf32, #tpu.memory_space<vmem>>, vector<128x1xf32>,
    %eq3A_76 = arith.constant 3 : i32
    %eq3A_77 = arith.cmpi eq, %arg0, %eq3A_76 : i32
    %convert_element_type3A_78 = arith.extui %eq3A_77 : i1 to i32
    %cond3A_79 = arith.constant 0 : i32
    %cond3A_80 = arith.cmpi ne, %convert_element_type3A_78, %cond3A_79 : i32
    scf.if %cond3A_80 {
      %get3A_81 = arith.constant 0 : index
      %get3A_82 = arith.constant 0 : index
      %get3A_83 = vector.load %arg11[%get3A_81, %get3A_82] : memref<128x128xf32, #tpu.memory_space<vmem>>, vector<128x128xf32>
      %get3A_84 = arith.constant 0 : index
      %get3A_85 = arith.constant 0 : index
      %get3A_86 = vector.load %arg12[%get3A_84, %get3A_85] : memref<128x1xf32, #tpu.memory_space<vmem>>, vector<128x1xf32>
      %max3A_87 = arith.constant 1.000000e+00 : f32
      %max3A_88 = vector.broadcast %max3A_87 : f32 to vector<128x1xf32>
      %max3A_89 = arith.maximumf %get3A_86, %max3A_88 : vector<128x1xf32>
      %div3A = vector.broadcast %max3A_89 : vector<128x1xf32> to vector<128x128xf32>
      %div3A_90 = arith.divf %get3A_83, %div3A : vector<128x128xf32>
      %get3A_91 = arith.constant 0 : index
      %get3A_92 = arith.constant 0 : index
      %get3A_93 = vector.load %arg8[%get3A_91, %get3A_92] : memref<128x64xf32, #tpu.memory_space<vmem>>, vector<128x64xf32>
      %dot_general3A_94 = arith.constant dense<0.000000e+00> : vector<128x64xf32>
      %dot_general3A_95 = tpu.matmul %div3A_90, %get3A_93, %dot_general3A_94 {dimension_numbers = #tpu.dot_dimension_numbers<[1], [0], [0], [1], [0, 0, 1, 1], [], []>, transpose_lhs_hint = false} : vector<128x128xf32>, vector<128x64xf32>, vector<128x64xf32> -> vector<128x64xf32>
      %get3A_96 = arith.constant 0 : index
      %get3A_97 = arith.constant 0 : index
      %get3A_98 = vector.load %arg9[%get3A_96, %get3A_97] : memref<1x64xf32, #tpu.memory_space<vmem>>, vector<1x64xf32>
      %add3A_99 = vector.broadcast %get3A_98 : vector<1x64xf32> to vector<128x64xf32>
      %add3A_100 = arith.addf %dot_general3A_95, %add3A_99 : vector<128x64xf32>
      %reduce_max3A = arith.constant dense<0xFF800000> : vector<128xf32>
      %reduce_max3A_101 = vector.multi_reduction <maximumf>, %add3A_100, %reduce_max3A [1] : vector<128x64xf32> to vector<128xf32>
      %broadcast_in_dim3A_102 = vector.shape_cast %reduce_max3A_101 : vector<128xf32> to vector<128x1xf32>
      %sub3A = vector.broadcast %broadcast_in_dim3A_102 : vector<128x1xf32> to vector<128x64xf32>
      %sub3A_103 = arith.subf %add3A_100, %sub3A : vector<128x64xf32>
      %exp3A = math.exp %sub3A_103 : vector<128x64xf32>
      %reduce_sum3A = arith.constant dense<0.000000e+00> : vector<128xf32>
      %reduce_sum3A_104 = vector.multi_reduction <add>, %exp3A, %reduce_sum3A [1] : vector<128x64xf32> to vector<128xf32>
      %broadcast_in_dim3A_105 = vector.shape_cast %reduce_sum3A_104 : vector<128xf32> to vector<128x1xf32>
      %log3A = math.log %broadcast_in_dim3A_105 : vector<128x1xf32>
      %add3A_106 = arith.addf %broadcast_in_dim3A_102, %log3A : vector<128x1xf32>
      %sub3A_107 = vector.broadcast %add3A_106 : vector<128x1xf32> to vector<128x64xf32>
      %sub3A_108 = arith.subf %add3A_100, %sub3A_107 : vector<128x64xf32>
      %swap3A_109 = arith.constant 0 : index
      %swap3A_110 = arith.constant 0 : index
      %swap3A_111 = vector.load %arg10[%swap3A_109, %swap3A_110] : memref<128x64xf32, #tpu.memory_space<vmem>>, vector<128x64xf32>
      tpu.vector_store %arg10[%swap3A_109, %swap3A_110], %sub3A_108 {strides = array<i32>} : memref<128x64xf32, #tpu.memory_space<vmem>>, vector<128x64xf32>,
    } else {
    }
    return
  }
  func.func @transform_0(%arg0: i32) -> (i32, i32) {
    %c0_i32 = arith.constant 0 : i32
    %c0_i32_0 = arith.constant 0 : i32
    return %arg0, %c0_i32 : i32, i32
  }
  func.func @transform_1(%arg0: i32) -> (i32, i32) {
    %c0_i32 = arith.constant 0 : i32
    %c0_i32_0 = arith.constant 0 : i32
    return %arg0, %c0_i32 : i32, i32
  }
  func.func @transform_2(%arg0: i32) -> (i32, i32) {
    %c0_i32 = arith.constant 0 : i32
    %c0_i32_0 = arith.constant 0 : i32
    return %arg0, %c0_i32 : i32, i32
  }
  func.func @transform_3(%arg0: i32) -> (i32, i32) {
    %c0_i32 = arith.constant 0 : i32
    %c0_i32_0 = arith.constant 0 : i32
    return %arg0, %c0_i32 : i32, i32
  }
  func.func @transform_4(%arg0: i32) -> (i32, i32) {
    %c0_i32 = arith.constant 0 : i32
    %c0_i32_0 = arith.constant 0 : i32
    %c0_i32_1 = arith.constant 0 : i32
    return %c0_i32, %c0_i32_0 : i32, i32
  }
  func.func @transform_5(%arg0: i32) -> (i32, i32) {
    %c0_i32 = arith.constant 0 : i32
    %c0_i32_0 = arith.constant 0 : i32
    %c0_i32_1 = arith.constant 0 : i32
    return %c0_i32, %c0_i32_0 : i32, i32
  }
  func.func @transform_6(%arg0: i32) -> (i32, i32) {
    %c0_i32 = arith.constant 0 : i32
    %c0_i32_0 = arith.constant 0 : i32
    %c0_i32_1 = arith.constant 0 : i32
    return %c0_i32, %c0_i32_0 : i32, i32
  }
  func.func @transform_7(%arg0: i32) -> (i32, i32) {
    %c0_i32 = arith.constant 0 : i32
    %c0_i32_0 = arith.constant 0 : i32
    %c0_i32_1 = arith.constant 0 : i32
    return %c0_i32, %c0_i32_0 : i32, i32
  }
  func.func @transform_8(%arg0: i32) -> (i32, i32) {
    %c0_i32 = arith.constant 0 : i32
    %c0_i32_0 = arith.constant 0 : i32
    %c0_i32_1 = arith.constant 0 : i32
    return %c0_i32, %c0_i32_0 : i32, i32
  }
  func.func @transform_9(%arg0: i32) -> (i32, i32) {
    %c0_i32 = arith.constant 0 : i32
    %c0_i32_0 = arith.constant 0 : i32
    %c0_i32_1 = arith.constant 0 : i32
    return %c0_i32, %c0_i32_0 : i32, i32
  }
}

</mosaic_0001>

<sc_bundles>
// kernel: kernel.10.cloned.1.call-start
scs
__scs_entry_jumppad:
0x0: {  	(pc) =	sbr.rel $0x88, $3  }
0x1: {  	(tag) =	ssettag $0x0;
	lr =	simm.s32 $0x1  }
0x2: {  	[smem:$0x3F94] =	sst lr;
	_ =	strace $0xD0000000  }
0x3: {  	_ = 	snop  }
0x4: {  	_ = 	snop  }
0x5: {  	_ = 	snop  }
0x6: {  	_ = 	snop  }
0x7: {  	_ = 	snop  }
__scs_overlays_trampoline_lowered:
0x8: {  	[smem:$0x3FA3] =	sst s0  }
0x9: {  	[smem:$0x3FA4] =	sst s1  }
0xa: {  	[smem:$0x3FA5] =	sst s2  }
0xb: {  	[smem:$0x3FA6] =	sst s3  }
0xc: {  	[smem:$0x3FA7] =	sst s4  }
0xd: {  	[smem:$0x3FA8] =	sst s5  }
0xe: {  	[smem:$0x3FA9] =	sst s6  }
0xf: {  	[smem:$0x3FAA] =	sst s7  }
0x10: {  	[smem:$0x3FAB] =	sst s8  }
0x11: {  	[smem:$0x3FAC] =	sst s9;
	s0 =	simm.s32 @!p0 $0x0  }
0x12: {  	s1 =	sld [smem:$0x3F92];
	s0 =	simm.s32 @p0 $0x1  }
0x13: {  	[smem:$0x3FAD] =	sst s0;
	s0 =	simm.s32 @!p1 $0x0  }
0x14: {  	s2 =	sld [smem:$0x3F91];
	s0 =	simm.s32 @p1 $0x1  }
0x15: {  	[smem:$0x3FAE] =	sst s0;
	s0 =	simm.s32 @!p2 $0x0  }
0x16: {  	s3 =	sld [smem:$0x3FDB];
	s0 =	simm.s32 @p2 $0x1  }
0x17: {  	s4 =	simm.s32 $0x1BF5;
	[smem:$0x3FB0] =	sst s0  }
0x18: {  	s0 =	sld [smem:$0x3F93];
	_ =	swait.ge [sflag:s4], $0x0  }
0x19: {  	s7 =	sld [smem:$0x3F94]  }
0x1a: {  	s8 =	sadd.s32 $0xFFFFE003, lr  }
0x1b: {  	s9 =	sadd.s32 $0xFFFFFEF7, lr;
	s5 =	simm.s32 $0xFFFFFFFF;
	p2 =	slt.u32 s8, $0xFFFFF086  }
0x1c: {  	p1 =	slt.u32 s9, $0xF7A;
	s5 =	simm.s32 @!p2 $0x0  }
0x1d: {  	s5 =	simm.s32 @p1 $0x1;
	p0 =	seq.s32 s7, s2  }
0x1e: {  	s7 =	smul.u32 @!p0 $0xF7A, s2;
	p2 =	seq.s32 @!p0 s5, $0x0  }
0x1f: {  	s9 =	smul.u32 $0xF7A, s1;
	s8 =	simm.s32 @!p0 $0x1BF5;
	p2 =	por !p2, p0  }
0x20: {  	[sflag:s8] =	ssyncset.s32 @!p0 $0xFFFFF086;
	s6 =	sadd.s32 @!p0 s3, s7;
	s7 =	simm.s32 @!p0 $0x108  }
0x21: {  	s3 =	sadd.s32 s3, s9;
	s6 =	sadd.s32 @!p0 $0x88, s6;
	s7 =	simm.s32 @p2 $0x1082  }
0x22: {  	[simem:s7], [sflag:s8] =	dma.local @!p0 [hbm:s6], $0xF7A  }
0x23: {  	s9 =	sor.u32 $0xD0000000, s2;
	s6 =	simm.s32 $0x108;
	_ =	swait.ge @!p0 [sflag:s8], $0x0  }
0x24: {  	s3 =	sadd.s32 $0x88, s3;
	s6 =	simm.s32 @!p1 $0x1082;
	[sflag:s4] =	ssyncset.s32 $0xFFFFF086  }
0x25: {  	[simem:s6], [sflag:s4] =	dma.local [hbm:s3], $0xF7A  }
0x26: {  	[smem:$0x3F94] =	sst s1;
	(tag) =	ssettag s2;
	_ =	strace s9  }
0x27: {  	s1 =	sld [smem:$0x3FA4]  }
0x28: {  	s2 =	sld [smem:$0x3FA5]  }
0x29: {  	s4 =	sld [smem:$0x3FA7]  }
0x2a: {  	p0 =	seq.s32 s5, $0x0;
	s5 =	sld [smem:$0x3FA8]  }
0x2b: {  	s6 =	sld [smem:$0x3FA9]  }
0x2c: {  	s7 =	sld [smem:$0x3FAA]  }
0x2d: {  	s3 =	simm.s32 $0x108;
	s8 =	sld [smem:$0x3FAB]  }
0x2e: {  	s3 =	simm.s32 @!p0 $0x1082;
	s9 =	sld [smem:$0x3FAC]  }
0x2f: {  	lr =	sadd.s32 s0, s3;
	s0 =	sld [smem:$0x3FA3]  }
0x30: {  	s3 =	sld [smem:$0x3FA6]  }
0x31: {  	[smem:$0x3FAF] =	sst s10  }
0x32: {  	s10 =	sld [smem:$0x3FAD];
	_ =	sdelay $0x3  }
0x33: {  	p0 =	seq.s32 s10, $0x1;
	s10 =	sld [smem:$0x3FAF];
	_ =	sdelay $0x3  }
0x34: {  	[smem:$0x3FAF] =	sst s10  }
0x35: {  	s10 =	sld [smem:$0x3FAE];
	_ =	sdelay $0x3  }
0x36: {  	p1 =	seq.s32 s10, $0x1;
	s10 =	sld [smem:$0x3FAF];
	_ =	sdelay $0x3  }
0x37: {  	[smem:$0x3FAF] =	sst s10  }
0x38: {  	s10 =	sld [smem:$0x3FB0]  }
0x39: {  	_ = 	snop;
	(pc) =	sbr.ind lr, $3  }
0x3a: {  	_ = 	snop  }
0x3b: {  	_ = 	snop  }
0x3c: {  	p2 =	seq.s32 s10, $0x1;
	s10 =	sld [smem:$0x3FAF]  }
0x3d: {  	_ =	shalt  }
0x3e: {  	_ =	shalt  }
0x3f: {  	_ =	shalt  }
0x40: {  	_ =	shalt  }
0x41: {  	_ =	shalt  }
0x42: {  	_ =	shalt  }
0x43: {  	_ =	shalt  }
0x44: {  	_ =	shalt  }
0x45: {  	_ =	shalt  }
0x46: {  	_ =	shalt  }
0x47: {  	_ =	shalt  }
0x48: {  	_ =	shalt  }
0x49: {  	_ =	shalt  }
0x4a: {  	_ =	shalt  }
0x4b: {  	_ =	shalt  }
0x4c: {  	_ =	shalt  }
0x4d: {  	_ =	shalt  }
0x4e: {  	_ =	shalt  }
0x4f: {  	_ =	shalt  }
0x50: {  	_ =	shalt  }
0x51: {  	_ =	shalt  }
0x52: {  	_ =	shalt  }
0x53: {  	_ =	shalt  }
0x54: {  	_ =	shalt  }
0x55: {  	_ =	shalt  }
0x56: {  	_ =	shalt  }
0x57: {  	_ =	shalt  }
0x58: {  	_ =	shalt  }
0x59: {  	_ =	shalt  }
0x5a: {  	_ =	shalt  }
0x5b: {  	_ =	shalt  }
0x5c: {  	_ =	shalt  }
0x5d: {  	_ =	shalt  }
0x5e: {  	_ =	shalt  }
0x5f: {  	_ =	shalt  }
0x60: {  	_ =	shalt  }
0x61: {  	_ =	shalt  }
0x62: {  	_ =	shalt  }
0x63: {  	_ =	shalt  }
0x64: {  	_ =	shalt  }
0x65: {  	_ =	shalt  }
0x66: {  	_ =	shalt  }
0x67: {  	_ =	shalt  }
0x68: {  	_ =	shalt  }
0x69: {  	_ =	shalt  }
0x6a: {  	_ =	shalt  }
0x6b: {  	_ =	shalt  }
0x6c: {  	_ =	shalt  }
0x6d: {  	_ =	shalt  }
0x6e: {  	_ =	shalt  }
0x6f: {  	_ =	shalt  }
0x70: {  	_ =	shalt  }
0x71: {  	_ =	shalt  }
0x72: {  	_ =	shalt  }
0x73: {  	_ =	shalt  }
0x74: {  	_ =	shalt  }
0x75: {  	_ =	shalt  }
0x76: {  	_ =	shalt  }
0x77: {  	_ =	shalt  }
0x78: {  	_ =	shalt  }
0x79: {  	_ =	shalt  }
0x7a: {  	_ =	shalt  }
0x7b: {  	_ =	shalt  }
0x7c: {  	_ =	shalt  }
0x7d: {  	_ =	shalt  }
0x7e: {  	_ =	shalt  }
0x7f: {  	_ =	shalt  }
0x80: {  	_ =	shalt  }
0x81: {  	_ =	shalt  }
0x82: {  	_ =	shalt  }
0x83: {  	_ =	shalt  }
0x84: {  	_ =	shalt  }
0x85: {  	_ =	shalt  }
0x86: {  	_ =	shalt  }
0x87: {  	_ =	shalt  }
.Lfunc_end0:
.L_simem_size_0:
called_computation_lowered:
.L_overlay_start_0:
0x88: {  	s2 =	sld [smem:$0x3FD9]  }
0x89: {  	s3 =	sld [smem:$0x3FFE];
	_ =	sdelay $0x1  }
0x8a: {  	s1 =	srdreg.scid  }
0x8b: {  	s0 =	sand.u32 $0x1, s1  }
0x8c: {  	s16 =	sshll.u32 s0, $0xA;
	s2 =	sadd.s32 s3, s2  }
0x8d: {  	s2 =	sadd.s32 s2, s16  }
0x8e: {  	[smem:$0x3FBB] =	sst s2  }
0x8f: {  	_ = 	snop  }
0x90: {  	(tm) =	ssettm $0x1  }
0x91: {  	s17 =	sld [smem:$0x3FFB];
	_ =	sdelay $0x3  }
0x92: {  	_ =	strace s17  }
0x93: {  	s2 =	sld [smem:$0x3FFC];
	_ =	sdelay $0x3  }
0x94: {  	_ =	strace s2  }
0x95: {  	s2 =	sld [smem:$0x3FFD];
	_ =	sdelay $0x3  }
0x96: {  	_ =	strace s2  }
0x97: {  	_ =	strace $0x8FFFFFFF  }
0x98: {  	s18 =	sld [smem:$0x3FDB];
	_ =	sdelay $0x1  }
0x99: {  	s19 =	simm.s32 $_scs_section_size  }
0x9a: {  	s4 =	simm.s32 $_size__tile_overlayer_lowered;
	s5 =	simm.s32 $_tile_overlayer_lowered  }
0x9b: {  	s22 =	simm.s32 $0x1BFF;
	s21 =	sshll.u32 s5, $0x1;
	s2 =	sadd.s32 s19, s18  }
0x9c: {  	s6 =	simm.s32 $0x0;
	s20 =	sshll.u32 s4, $0x1;
	s4 =	sadd.s32 s21, s2  }
0x9d: {  	[timem:s6], [sflag:s22] =	dma.local [hbm:s4], s20  }
0x9e: {  	_ =	swait.ge [sflag:s22], s20  }
0x9f: {  	s3 =	ssub.s32 $0x0, s20;
	[sflag:s22] =	ssyncset.done $0x0  }
0xa0: {  	[sflag:s22] =	ssyncadd.s32 s3;
	_ =	sdelay $0x1  }
0xa1: {  	s23 =	simm.s32 $0x1B8B  }
0xa2: {  	_ =	swait.ge [sflag:s23], $0x1  }
0xa3: {  	[sflag:s23] =	ssyncset.done $0x0  }
0xa4: {  	s25 =	simm.s32 $0x1B8E;
	s24 =	sld [smem:$0x3FFE];
	[sflag:s23] =	ssyncadd.s32 $0xFFFFFFFF  }
0xa5: {  	s26 =	simm.s32 $execute0_lowered;
	[smem:$0x3FD2] =	sst s25  }
0xa6: {  	s4 =	sshll.u32 s26, $0x1;
	_ =	strace $0x80000046;
	[dreg:$0x1] =	wrdreg $0xFFFFFFFF  }
0xa7: {  	s28 =	simm.s32 $_size_execute0_lowered;
	s2 =	sadd.s32 s2, s4;
	[dreg:$0x0] =	wrdreg $0x0  }
0xa8: {  	s4 =	sshll.u32 s28, $0x1;
	[dreg:$0x2] =	wrdreg s2  }
0xa9: {  	[dreg:$0x3] =	wrdreg s4  }
0xaa: {  	[dreg:$0x4] =	wrdreg $0xC0  }
0xab: {  	_ =	task [dreg:s6], $0x5FFFF  }
0xac: {  	[dreg:$0x1] =	wrdreg $0xFFFFFFFF  }
0xad: {  	[dreg:$0x0] =	wrdreg $0x60  }
0xae: {  	[dreg:$0x2] =	wrdreg s24  }
0xaf: {  	[dreg:$0x3] =	wrdreg $0x2B000  }
0xb0: {  	[dreg:$0x4] =	wrdreg $0x9  }
0xb1: {  	_ =	task.clear_ibuf [dreg:s6], $0x5FFFF;
	_ =	strace $0x90000046  }
0xb2: {  	s29 =	simm.s32 $0x9;
	_ =	strace $0x80000048  }
0xb3: {  	_ =	swait.ge [sflag:s29], $0x1  }
0xb4: {  	[sflag:s29] =	ssyncadd.s32 $0xFFFFFFFF  }
0xb5: {  	_ =	strace $0x90000048  }
0xb6: {  	_ =	sfence  }
0xb7: {  	s30 =	sld [smem:$0x0];
	_ =	sdelay $0x2  }
0xb8: {  	s31 =	sshll.u32 s1, $0xD;
	s1 =	sshrl.u32 s1, $0x2  }
0xb9: {  	s3 =	sand.u32 $0x4000, s31;
	s1 =	sadd.s32 s1, s30  }
0xba: {  	s0 =	sor.u32 s3, s0;
	s1 =	sshll.u32 s1, $0x11  }
0xbb: {  	s0 =	sor.u32 s1, s0  }
0xbc: {  	s0 =	sadd.s32 $0x8F2B, s0  }
0xbd: {  	[sflag:s0] =	ssyncadd.remote.s32 $0x1  }
0xbe: {  	_ =	sfence.sel $0xFFFF  }
0xbf: {  	[dreg:$0x0] =	wrdreg $0xFFFFFFFF;
	(pc) =	sbr.abs _section_cstart, $3  }
0xc0: {  	[dreg:$0x1] =	wrdreg $0xFFFFFFFF  }
0xc1: {  	_ =	task.clear_ibuf [dreg:s6], $0x2FFFF;
	_ =	strace $0x9FFFFFFF  }
0xc2: {  	(tm) =	ssettm $0x7FFFFFFF  }
0xc3: {  	_ =	shalt  }
tec
execute0_lowered:
.L_overlay_start_1:
0x0: {  	(tag) =	ssettag $0x1  }
0x1: {  	s5 =	rddreg [dreg:$0x0]  }
0x2: {  	s0 =	srdreg.scid;
	s2 =	rddreg [dreg:$0x1];
	s3 =	simm.s32 $0x0  }
0x3: {  	s11 =	simm.s32 $0x80;
	s12 =	simm.s32 $0x2800;
	s13 =	simm.s32 $0x1  }
0x4: {  	s14 =	simm.s32 $0x0;
	s4 =	sand.u32 $0x1, s0;
	s0 =	stileid.u32  }
0x5: {  	[smem:$0x7FF] =	sst s3;
	s1 =	sshll.u32 s4, $0x4;
	s7 =	smul.u32 $0x278, s0  }
0x6: {  	s8 =	smul.u32 $0x2780, s4;
	s4 =	ssub.s32 $0x2, s4;
	s1 =	sor.u32 s0, s1  }
0x7: {  	s31 =	sshrl.u32 s4, $0x1;
	s6 =	smul.u32 $0x500, s1;
	s1 =	rddreg [dreg:$0x2]  }
0x8: {  	_ =	strace $0x80000047;
	s8 =	sadd.s32 s7, s8;
	s9 =	sshrl.u32 s7, $0x3  }
0x9: {  	s10 =	ssub.s32 s4, s31;
	s8 =	sshrl.u32 s8, $0x3;
	s9 =	sadd.s32 s9, s5  }
0xa: {  	s6 =	sadd.s32 s6, s5;
	s8 =	sadd.s32 s8, s5;
	s4 =	sadd.s32 $0x16C00, s9  }
0xb: {  	s5 =	sadd.s32 s7, s2;
	s9 =	simm.s32 $0x2880;
	s6 =	sadd.s32 $0xCC00, s6  }
0xc: {  	v0 =	vimm.f32 $1.000000000e+00;
	s7 =	sadd.s32 $0x17200, s8;
	s8 =	smax.u32 s10, $0x1;
	s10 =	simm.s32 $0x2  }
.LBB2_1:
0xd: {  	[tilespmem:s9], [sflag:$0x2] =	stream.linear.gather [hbm4b:s4+s3], $0x278, $0x38;
	[tilespmem:$0x2D78] =	vst v63  }
0xe: {  	_ =	swait.ge [sflag:s10], $0x278  }
0xf: {  	[sflag:s10] =	ssyncset.done $0x0  }
0x10: {  	[sflag:s10] =	ssyncadd.s32 $0xFFFFFD88  }
0x11: {  	[spmem:s5] =	stream.linear.scatter [tilespmem:s9], [sflag:$0x2], $0x278, $0x38;
	[tilespmem:$0x2D78] =	vst v63  }
0x12: {  	_ =	swait.ge [sflag:s10], $0x278  }
0x13: {  	[sflag:s10] =	ssyncset.done $0x0  }
0x14: {  	[sflag:s10] =	ssyncadd.s32 $0xFFFFFD88  }
0x15: {  	[tilespmem:s3], [sflag:$0x2] =	stream.linear.gather [hbm4b:s6+s3], $0x2800, $0x38;
	[tilespmem:$0x2D78] =	vst v63  }
0x16: {  	_ =	swait.ge [sflag:s10], $0x2800  }
0x17: {  	[sflag:s10] =	ssyncset.done $0x0  }
0x18: {  	[sflag:s10] =	ssyncadd.s32 $0xFFFFD800  }
0x19: {  	[tilespmem:$0x2800] =	vst v0  }
0x1a: {  	[tilespmem:$0x2810] =	vst v0  }
0x1b: {  	[tilespmem:$0x2820] =	vst v0  }
0x1c: {  	[tilespmem:$0x2830] =	vst v0  }
0x1d: {  	[tilespmem:$0x2840] =	vst v0  }
0x1e: {  	[tilespmem:$0x2850] =	vst v0  }
0x1f: {  	[tilespmem:$0x2860] =	vst v0  }
0x20: {  	p0 =	por $0x1, $0x1;
	[tilespmem:$0x2870] =	vst v0  }
0x21: {  	s17 =	simm.s32 @!p0 $0x1;
	[bflag:$0x0] =	sbarrier.arrive $0xFFFF  }
0x22: {  	[spmem:s2] =	stream.indirect.scatter.add.f32 [tilespmem:s12], [sflag:$0x1], $0x1, s3, s11, $0xb8;
	[tilespmem:$0x2D78] =	vst v63  }
0x23: {  	_ =	swait.ge @!p0 [sflag:s17], $0x80  }
0x24: {  	s15 =	simm.s32 $0x1;
	s16 =	simm.s32 $0x0;
	[sflag:s17] =	ssyncset.done @!p0 $0x0  }
.LBB2_2:
0x25: {  	[sflag:s17] =	ssyncadd.s32 @!p0 $0xFFFFFF80  }
0x26: {  	s16 =	sadd.s32 $0x80, s16;
	s17 =	smov.u32 s15;
	s15 =	sadd.s32 $0x1, s15  }
0x27: {  	p1 =	sne.s32 s15, $0x50  }
0x28: {  	[spmem:s2] =	stream.indirect.scatter.add.f32 [tilespmem:s12], [sflag:$0x1], $0x1, s16, s11, $0xb8;
	[tilespmem:$0x2D78] =	vst v63  }
.Ltmp0:
0x29: {  	_ = 	snop;
	(pc) =	sbr.rel @p1 .LBB2_2-.Ltmp0, $4  }
0x2a: {  	p0 =	slt.u32 s17, $0x8  }
0x2b: {  	s17 =	simm.s32 @!p0 $0x1  }
0x2c: {  	_ =	swait.ge @!p0 [sflag:s17], $0x80  }
0x2d: {  	[sflag:s17] =	ssyncset.done @!p0 $0x0  }
0x2e: {  	[sflag:s17] =	ssyncadd.s32 @!p0 $0xFFFFFF80  }
0x2f: {  	_ =	swait.ge [sflag:s13], $0x80  }
0x30: {  	[sflag:s13] =	ssyncset.done $0x0  }
0x31: {  	[sflag:s13] =	ssyncadd.s32 $0xFFFFFF80  }
0x32: {  	_ =	swait.ge [sflag:s13], $0x80  }
0x33: {  	[sflag:s13] =	ssyncset.done $0x0  }
0x34: {  	[sflag:s13] =	ssyncadd.s32 $0xFFFFFF80  }
0x35: {  	_ =	swait.ge [sflag:s13], $0x80  }
0x36: {  	[sflag:s13] =	ssyncset.done $0x0  }
0x37: {  	[sflag:s13] =	ssyncadd.s32 $0xFFFFFF80  }
0x38: {  	_ =	swait.ge [sflag:s13], $0x80  }
0x39: {  	[sflag:s13] =	ssyncset.done $0x0  }
0x3a: {  	[sflag:s13] =	ssyncadd.s32 $0xFFFFFF80  }
0x3b: {  	_ =	swait.ge [sflag:s13], $0x80  }
0x3c: {  	[sflag:s13] =	ssyncset.done $0x0  }
0x3d: {  	[sflag:s13] =	ssyncadd.s32 $0xFFFFFF80  }
0x3e: {  	_ =	swait.ge [sflag:s13], $0x80  }
0x3f: {  	[sflag:s13] =	ssyncset.done $0x0  }
0x40: {  	[sflag:s13] =	ssyncadd.s32 $0xFFFFFF80  }
0x41: {  	_ =	swait.ge [sflag:s13], $0x80  }
0x42: {  	[sflag:s13] =	ssyncset.done $0x0  }
0x43: {  	[sflag:s13] =	ssyncadd.s32 $0xFFFFFF80  }
0x44: {  	_ =	swait.ge [sflag:s13], $0x80  }
0x45: {  	[sflag:s13] =	ssyncset.done $0x0  }
0x46: {  	[sflag:s13] =	ssyncadd.s32 $0xFFFFFF80  }
0x47: {  	[bflag:$0x0] =	sbarrier.arrive $0xFFFF  }
0x48: {  	[tilespmem:s9], [sflag:$0x2] =	stream.linear.gather [spmem:s5], $0x278, $0x38;
	[tilespmem:$0x2D78] =	vst v63  }
0x49: {  	s14 =	sadd.s32 $0x1, s14;
	_ =	swait.ge [sflag:s10], $0x278  }
0x4a: {  	p0 =	sne.s32 s14, s8;
	[sflag:s10] =	ssyncset.done $0x0  }
.Ltmp1:
0x4b: {  	[sflag:s10] =	ssyncadd.s32 $0xFFFFFD88;
	(pc) =	sbr.rel @p0 .LBB2_1-.Ltmp1, $4  }
0x4c: {  	[hbm4b:s7+s3] =	stream.linear.scatter [tilespmem:s9], [sflag:$0x2], $0x278, $0x38;
	[tilespmem:$0x2D78] =	vst v63  }
0x4d: {  	_ =	swait.ge [sflag:s10], $0x278  }
0x4e: {  	[sflag:s10] =	ssyncset.done $0x0  }
0x4f: {  	[sflag:s10] =	ssyncadd.s32 $0xFFFFFD88  }
0x50: {  	_ =	sfence.sel $0x180000  }
0x51: {  	[bflag:$0x0] =	sbarrier.arrive $0xFFFF  }
0x52: {  	p0 =	sne.s32 s0, $0x0;
	_ =	strace $0x90000047  }
0x53: {  	s0 =	sadd.s32 @!p0 $0x100000, s1;
	[bflag:$0x2] =	sbarrier.arrive $0xFFFF  }
0x54: {  	[sflag:s0] =	ssyncadd.tile.s32 @!p0 $0x1;
	_ =	shalt  }
.Lfunc_end2:
_tile_overlayer_lowered:
.L_overlay_start_2:
0x55: {  	(tag) =	ssettag $0x2  }
0x56: {  	s0 =	rddreg [dreg:$0x0];
	s2 =	stileid.u32  }
0x57: {  	s1 =	rddreg [dreg:$0x1];
	p0 =	sne.s32 s2, $0x0  }
0x58: {  	s3 =	rddreg [dreg:$0x2];
	[bflag:$0x3] =	sbarrier.arrive $0xFFFF;
	s2 =	simm.s32 @!p0 $0x1C02  }
0x59: {  	[timem:s3], [sflag:s2] =	dma.local @!p0 [hbm:s0], s1  }
0x5a: {  	s0 =	simm.s32 @!p0 $0x2  }
0x5b: {  	_ =	swait.ge @!p0 [sflag:s0], s1  }
0x5c: {  	s1 =	ssub.s32 @!p0 $0x0, s1;
	[sflag:s0] =	ssyncset.done @!p0 $0x0  }
0x5d: {  	[sflag:s0] =	ssyncadd.s32 @!p0 s1  }
0x5e: {  	[bflag:$0x3] =	sbarrier.arrive $0xFFFF  }
0x5f: {  	_ =	shalt  }

// kernel: kernel.13.cloned.1.call-start
scs
__scs_entry_jumppad:
0x0: {  	(pc) =	sbr.rel $0x88, $3  }
0x1: {  	(tag) =	ssettag $0x0;
	lr =	simm.s32 $0x1  }
0x2: {  	[smem:$0x3F94] =	sst lr;
	_ =	strace $0xD0000000  }
0x3: {  	_ = 	snop  }
0x4: {  	_ = 	snop  }
0x5: {  	_ = 	snop  }
0x6: {  	_ = 	snop  }
0x7: {  	_ = 	snop  }
__scs_overlays_trampoline_lowered:
0x8: {  	[smem:$0x3FA3] =	sst s0  }
0x9: {  	[smem:$0x3FA4] =	sst s1  }
0xa: {  	[smem:$0x3FA5] =	sst s2  }
0xb: {  	[smem:$0x3FA6] =	sst s3  }
0xc: {  	[smem:$0x3FA7] =	sst s4  }
0xd: {  	[smem:$0x3FA8] =	sst s5  }
0xe: {  	[smem:$0x3FA9] =	sst s6  }
0xf: {  	[smem:$0x3FAA] =	sst s7  }
0x10: {  	[smem:$0x3FAB] =	sst s8  }
0x11: {  	[smem:$0x3FAC] =	sst s9;
	s0 =	simm.s32 @!p0 $0x0  }
0x12: {  	s1 =	sld [smem:$0x3F92];
	s0 =	simm.s32 @p0 $0x1  }
0x13: {  	[smem:$0x3FAD] =	sst s0;
	s0 =	simm.s32 @!p1 $0x0  }
0x14: {  	s2 =	sld [smem:$0x3F91];
	s0 =	simm.s32 @p1 $0x1  }
0x15: {  	[smem:$0x3FAE] =	sst s0;
	s0 =	simm.s32 @!p2 $0x0  }
0x16: {  	s3 =	sld [smem:$0x3FDB];
	s0 =	simm.s32 @p2 $0x1  }
0x17: {  	s4 =	simm.s32 $0x1BF5;
	[smem:$0x3FB0] =	sst s0  }
0x18: {  	s0 =	sld [smem:$0x3F93];
	_ =	swait.ge [sflag:s4], $0x0  }
0x19: {  	s7 =	sld [smem:$0x3F94]  }
0x1a: {  	s8 =	sadd.s32 $0xFFFFE003, lr  }
0x1b: {  	s9 =	sadd.s32 $0xFFFFFEF7, lr;
	s5 =	simm.s32 $0xFFFFFFFF;
	p2 =	slt.u32 s8, $0xFFFFF086  }
0x1c: {  	p1 =	slt.u32 s9, $0xF7A;
	s5 =	simm.s32 @!p2 $0x0  }
0x1d: {  	s5 =	simm.s32 @p1 $0x1;
	p0 =	seq.s32 s7, s2  }
0x1e: {  	s7 =	smul.u32 @!p0 $0xF7A, s2;
	p2 =	seq.s32 @!p0 s5, $0x0  }
0x1f: {  	s9 =	smul.u32 $0xF7A, s1;
	s8 =	simm.s32 @!p0 $0x1BF5;
	p2 =	por !p2, p0  }
0x20: {  	[sflag:s8] =	ssyncset.s32 @!p0 $0xFFFFF086;
	s6 =	sadd.s32 @!p0 s3, s7;
	s7 =	simm.s32 @!p0 $0x108  }
0x21: {  	s3 =	sadd.s32 s3, s9;
	s6 =	sadd.s32 @!p0 $0x88, s6;
	s7 =	simm.s32 @p2 $0x1082  }
0x22: {  	[simem:s7], [sflag:s8] =	dma.local @!p0 [hbm:s6], $0xF7A  }
0x23: {  	s9 =	sor.u32 $0xD0000000, s2;
	s6 =	simm.s32 $0x108;
	_ =	swait.ge @!p0 [sflag:s8], $0x0  }
0x24: {  	s3 =	sadd.s32 $0x88, s3;
	s6 =	simm.s32 @!p1 $0x1082;
	[sflag:s4] =	ssyncset.s32 $0xFFFFF086  }
0x25: {  	[simem:s6], [sflag:s4] =	dma.local [hbm:s3], $0xF7A  }
0x26: {  	[smem:$0x3F94] =	sst s1;
	(tag) =	ssettag s2;
	_ =	strace s9  }
0x27: {  	s1 =	sld [smem:$0x3FA4]  }
0x28: {  	s2 =	sld [smem:$0x3FA5]  }
0x29: {  	s4 =	sld [smem:$0x3FA7]  }
0x2a: {  	p0 =	seq.s32 s5, $0x0;
	s5 =	sld [smem:$0x3FA8]  }
0x2b: {  	s6 =	sld [smem:$0x3FA9]  }
0x2c: {  	s7 =	sld [smem:$0x3FAA]  }
0x2d: {  	s3 =	simm.s32 $0x108;
	s8 =	sld [smem:$0x3FAB]  }
0x2e: {  	s3 =	simm.s32 @!p0 $0x1082;
	s9 =	sld [smem:$0x3FAC]  }
0x2f: {  	lr =	sadd.s32 s0, s3;
	s0 =	sld [smem:$0x3FA3]  }
0x30: {  	s3 =	sld [smem:$0x3FA6]  }
0x31: {  	[smem:$0x3FAF] =	sst s10  }
0x32: {  	s10 =	sld [smem:$0x3FAD];
	_ =	sdelay $0x3  }
0x33: {  	p0 =	seq.s32 s10, $0x1;
	s10 =	sld [smem:$0x3FAF];
	_ =	sdelay $0x3  }
0x34: {  	[smem:$0x3FAF] =	sst s10  }
0x35: {  	s10 =	sld [smem:$0x3FAE];
	_ =	sdelay $0x3  }
0x36: {  	p1 =	seq.s32 s10, $0x1;
	s10 =	sld [smem:$0x3FAF];
	_ =	sdelay $0x3  }
0x37: {  	[smem:$0x3FAF] =	sst s10  }
0x38: {  	s10 =	sld [smem:$0x3FB0]  }
0x39: {  	_ = 	snop;
	(pc) =	sbr.ind lr, $3  }
0x3a: {  	_ = 	snop  }
0x3b: {  	_ = 	snop  }
0x3c: {  	p2 =	seq.s32 s10, $0x1;
	s10 =	sld [smem:$0x3FAF]  }
0x3d: {  	_ =	shalt  }
0x3e: {  	_ =	shalt  }
0x3f: {  	_ =	shalt  }
0x40: {  	_ =	shalt  }
0x41: {  	_ =	shalt  }
0x42: {  	_ =	shalt  }
0x43: {  	_ =	shalt  }
0x44: {  	_ =	shalt  }
0x45: {  	_ =	shalt  }
0x46: {  	_ =	shalt  }
0x47: {  	_ =	shalt  }
0x48: {  	_ =	shalt  }
0x49: {  	_ =	shalt  }
0x4a: {  	_ =	shalt  }
0x4b: {  	_ =	shalt  }
0x4c: {  	_ =	shalt  }
0x4d: {  	_ =	shalt  }
0x4e: {  	_ =	shalt  }
0x4f: {  	_ =	shalt  }
0x50: {  	_ =	shalt  }
0x51: {  	_ =	shalt  }
0x52: {  	_ =	shalt  }
0x53: {  	_ =	shalt  }
0x54: {  	_ =	shalt  }
0x55: {  	_ =	shalt  }
0x56: {  	_ =	shalt  }
0x57: {  	_ =	shalt  }
0x58: {  	_ =	shalt  }
0x59: {  	_ =	shalt  }
0x5a: {  	_ =	shalt  }
0x5b: {  	_ =	shalt  }
0x5c: {  	_ =	shalt  }
0x5d: {  	_ =	shalt  }
0x5e: {  	_ =	shalt  }
0x5f: {  	_ =	shalt  }
0x60: {  	_ =	shalt  }
0x61: {  	_ =	shalt  }
0x62: {  	_ =	shalt  }
0x63: {  	_ =	shalt  }
0x64: {  	_ =	shalt  }
0x65: {  	_ =	shalt  }
0x66: {  	_ =	shalt  }
0x67: {  	_ =	shalt  }
0x68: {  	_ =	shalt  }
0x69: {  	_ =	shalt  }
0x6a: {  	_ =	shalt  }
0x6b: {  	_ =	shalt  }
0x6c: {  	_ =	shalt  }
0x6d: {  	_ =	shalt  }
0x6e: {  	_ =	shalt  }
0x6f: {  	_ =	shalt  }
0x70: {  	_ =	shalt  }
0x71: {  	_ =	shalt  }
0x72: {  	_ =	shalt  }
0x73: {  	_ =	shalt  }
0x74: {  	_ =	shalt  }
0x75: {  	_ =	shalt  }
0x76: {  	_ =	shalt  }
0x77: {  	_ =	shalt  }
0x78: {  	_ =	shalt  }
0x79: {  	_ =	shalt  }
0x7a: {  	_ =	shalt  }
0x7b: {  	_ =	shalt  }
0x7c: {  	_ =	shalt  }
0x7d: {  	_ =	shalt  }
0x7e: {  	_ =	shalt  }
0x7f: {  	_ =	shalt  }
0x80: {  	_ =	shalt  }
0x81: {  	_ =	shalt  }
0x82: {  	_ =	shalt  }
0x83: {  	_ =	shalt  }
0x84: {  	_ =	shalt  }
0x85: {  	_ =	shalt  }
0x86: {  	_ =	shalt  }
0x87: {  	_ =	shalt  }
.Lfunc_end0:
.L_simem_size_0:
called_computation.1_lowered:
.L_overlay_start_0:
0x88: {  	s2 =	sld [smem:$0x3FD9]  }
0x89: {  	s3 =	sld [smem:$0x3FFE];
	_ =	sdelay $0x1  }
0x8a: {  	s1 =	srdreg.scid  }
0x8b: {  	s0 =	sand.u32 $0x1, s1  }
0x8c: {  	s16 =	sshll.u32 s0, $0xA;
	s2 =	sadd.s32 s3, s2  }
0x8d: {  	s2 =	sadd.s32 s2, s16  }
0x8e: {  	[smem:$0x3FBB] =	sst s2  }
0x8f: {  	_ = 	snop  }
0x90: {  	(tm) =	ssettm $0x1  }
0x91: {  	s17 =	sld [smem:$0x3FFB];
	_ =	sdelay $0x3  }
0x92: {  	_ =	strace s17  }
0x93: {  	s2 =	sld [smem:$0x3FFC];
	_ =	sdelay $0x3  }
0x94: {  	_ =	strace s2  }
0x95: {  	s2 =	sld [smem:$0x3FFD];
	_ =	sdelay $0x3  }
0x96: {  	_ =	strace s2  }
0x97: {  	_ =	strace $0x8FFFFFFF  }
0x98: {  	s18 =	sld [smem:$0x3FDB];
	_ =	sdelay $0x1  }
0x99: {  	s19 =	simm.s32 $_scs_section_size  }
0x9a: {  	s4 =	simm.s32 $_size__tile_overlayer_lowered;
	s5 =	simm.s32 $_tile_overlayer_lowered  }
0x9b: {  	s22 =	simm.s32 $0x1BFF;
	s21 =	sshll.u32 s5, $0x1;
	s2 =	sadd.s32 s19, s18  }
0x9c: {  	s6 =	simm.s32 $0x0;
	s20 =	sshll.u32 s4, $0x1;
	s4 =	sadd.s32 s21, s2  }
0x9d: {  	[timem:s6], [sflag:s22] =	dma.local [hbm:s4], s20  }
0x9e: {  	_ =	swait.ge [sflag:s22], s20  }
0x9f: {  	s3 =	ssub.s32 $0x0, s20;
	[sflag:s22] =	ssyncset.done $0x0  }
0xa0: {  	[sflag:s22] =	ssyncadd.s32 s3;
	_ =	sdelay $0x1  }
0xa1: {  	s23 =	simm.s32 $0x1B8B  }
0xa2: {  	_ =	swait.ge [sflag:s23], $0x1  }
0xa3: {  	[sflag:s23] =	ssyncset.done $0x0  }
0xa4: {  	s25 =	simm.s32 $0x1B8E;
	s24 =	sld [smem:$0x3FFE];
	[sflag:s23] =	ssyncadd.s32 $0xFFFFFFFF  }
0xa5: {  	s26 =	simm.s32 $execute0_lowered;
	[smem:$0x3FD2] =	sst s25  }
0xa6: {  	s4 =	sshll.u32 s26, $0x1;
	_ =	strace $0x80000049;
	[dreg:$0x1] =	wrdreg $0xFFFFFFFF  }
0xa7: {  	s28 =	simm.s32 $_size_execute0_lowered;
	s2 =	sadd.s32 s2, s4;
	[dreg:$0x0] =	wrdreg $0x0  }
0xa8: {  	s4 =	sshll.u32 s28, $0x1;
	[dreg:$0x2] =	wrdreg s2  }
0xa9: {  	[dreg:$0x3] =	wrdreg s4  }
0xaa: {  	[dreg:$0x4] =	wrdreg $0xC0  }
0xab: {  	_ =	task [dreg:s6], $0x5FFFF  }
0xac: {  	[dreg:$0x1] =	wrdreg $0xFFFFFFFF  }
0xad: {  	[dreg:$0x0] =	wrdreg $0x60  }
0xae: {  	[dreg:$0x2] =	wrdreg s24  }
0xaf: {  	[dreg:$0x3] =	wrdreg $0xA9000  }
0xb0: {  	[dreg:$0x4] =	wrdreg $0x9  }
0xb1: {  	_ =	task.clear_ibuf [dreg:s6], $0x5FFFF;
	_ =	strace $0x90000049  }
0xb2: {  	s29 =	simm.s32 $0x9;
	_ =	strace $0x8000004B  }
0xb3: {  	_ =	swait.ge [sflag:s29], $0x1  }
0xb4: {  	[sflag:s29] =	ssyncadd.s32 $0xFFFFFFFF  }
0xb5: {  	_ =	strace $0x9000004B  }
0xb6: {  	_ =	sfence  }
0xb7: {  	s30 =	sld [smem:$0x0];
	_ =	sdelay $0x2  }
0xb8: {  	s31 =	sshll.u32 s1, $0xD;
	s1 =	sshrl.u32 s1, $0x2  }
0xb9: {  	s3 =	sand.u32 $0x4000, s31;
	s1 =	sadd.s32 s1, s30  }
0xba: {  	s0 =	sor.u32 s3, s0;
	s1 =	sshll.u32 s1, $0x11  }
0xbb: {  	s0 =	sor.u32 s1, s0  }
0xbc: {  	s0 =	sadd.s32 $0x8F2B, s0  }
0xbd: {  	[sflag:s0] =	ssyncadd.remote.s32 $0x1  }
0xbe: {  	_ =	sfence.sel $0xFFFF  }
0xbf: {  	[dreg:$0x0] =	wrdreg $0xFFFFFFFF;
	(pc) =	sbr.abs _section_cstart, $3  }
0xc0: {  	[dreg:$0x1] =	wrdreg $0xFFFFFFFF  }
0xc1: {  	_ =	task.clear_ibuf [dreg:s6], $0x2FFFF;
	_ =	strace $0x9FFFFFFF  }
0xc2: {  	(tm) =	ssettm $0x7FFFFFFF  }
0xc3: {  	_ =	shalt  }
tec
execute0_lowered:
.L_overlay_start_1:
0x0: {  	(tag) =	ssettag $0x1  }
0x1: {  	s0 =	srdreg.scid  }
0x2: {  	s22 =	stileid.u32;
	s5 =	rddreg [dreg:$0x0]  }
0x3: {  	s17 =	simm.s32 $0x2900;
	s18 =	simm.s32 $0x2880;
	s19 =	simm.s32 $0x6900  }
0x4: {  	s20 =	simm.s32 $0x3;
	s21 =	simm.s32 $0x80;
	s8 =	smul.u32 $0x13C00, s22  }
0x5: {  	s29 =	simm.s32 $0x2780;
	s30 =	simm.s32 $0x0;
	s10 =	smul.u32 $0x4F000, s22  }
0x6: {  	s1 =	sand.u32 $0x1, s0;
	s4 =	sadd.s32 $0x17200, s5;
	s26 =	smul.u32 $0x2780, s22  }
0x7: {  	s9 =	sadd.s32 $0x3EA00, s5;
	s13 =	sadd.s32 $0x2C00, s5;
	s16 =	smul.u32 $0x2800, s22  }
0x8: {  	s28 =	sshll.u32 s22, $0x6;
	s2 =	sshll.u32 s1, $0x4;
	s7 =	smul.u32 $0x13C000, s1  }
0x9: {  	s23 =	ssub.s32 $0x2, s1;
	p0 =	seq.s32 s1, $0x1;
	s1 =	smul.u32 $0x28000, s1  }
0xa: {  	s3 =	sor.u32 s22, s2;
	s2 =	rddreg [dreg:$0x1];
	s24 =	sshrl.u32 s23, $0x1  }
0xb: {  	s25 =	sshrl.u32 s10, $0x2;
	s22 =	simm.s32 $0x4;
	s6 =	smul.u32 $0x2800, s3  }
0xc: {  	s3 =	simm.s32 $0x0;
	s7 =	sadd.s32 s8, s7;
	s14 =	ssub.s32 s23, s24  }
0xd: {  	s15 =	sadd.s32 s25, s2;
	s1 =	sadd.s32 s16, s1;
	s16 =	simm.s32 $0x2800  }
0xe: {  	s23 =	simm.s32 $0x5;
	s24 =	simm.s32 $0x1;
	s25 =	simm.s32 $0x6  }
0xf: {  	[smem:$0x7FF] =	sst s3;
	s7 =	sshrl.u32 s7, $0x3;
	s31 =	sor.u32 $0x180, s1  }
0x10: {  	s1 =	sor.u32 $0x100, s1;
	_ =	strace $0x8000004A;
	s6 =	sshrl.u32 s6, $0x3  }
0x11: {  	s12 =	sadd.s32 s7, s5;
	s1 =	sshrl.u32 s1, $0x3;
	s11 =	sadd.s32 s6, s5  }
0x12: {  	s6 =	sadd.s32 s13, s6;
	s8 =	sadd.s32 $0x66200, s12;
	s12 =	sshrl.u32 s31, $0x3  }
0x13: {  	s5 =	sadd.s32 $0xCC00, s11;
	s11 =	smov.u32 s4;
	s7 =	sadd.s32 $0x10, s6  }
0x14: {  	s12 =	sadd.s32 s12, s13;
	s13 =	sadd.s32 s1, s13;
	s11 =	smov.u32 @p0 s9  }
0x15: {  	s9 =	smax.u32 s14, $0x1;
	s14 =	sshrl.u32 s15, $0x3;
	s15 =	simm.s32 $0x7  }
0x16: {  	s10 =	sadd.s32 s11, s26;
	s11 =	sor.u32 $0x1C07, s28;
	s26 =	simm.s32 $0x2  }
.LBB2_1:
0x17: {  	[spmem:s14], [sflag:s11] =	dma.local [hbm:s10], $0x2780  }
0x18: {  	_ =	swait.ge [sflag:s15], $0x2780  }
0x19: {  	[sflag:s15] =	ssyncset.done $0x0  }
0x1a: {  	[sflag:s15] =	ssyncadd.s32 $0xFFFFD880  }
0x1b: {  	[tilespmem:s3], [sflag:$0x7] =	stream.linear.gather [hbm4b:s5+s3], $0x2800, $0x38;
	[tilespmem:$0x1E500] =	vst v63  }
0x1c: {  	_ =	swait.ge [sflag:s15], $0x2800  }
0x1d: {  	[sflag:s15] =	ssyncset.done $0x0  }
0x1e: {  	[sflag:s15] =	ssyncadd.s32 $0xFFFFD800  }
0x1f: {  	[tilespmem:s16], [sflag:$0x7] =	stream.linear.gather [hbm4b:s6+s3], $0x80, $0x38;
	[tilespmem:$0x1E500] =	vst v63  }
0x20: {  	_ =	swait.ge [sflag:s15], $0x80  }
0x21: {  	[sflag:s15] =	ssyncset.done $0x0  }
0x22: {  	[sflag:s15] =	ssyncadd.s32 $0xFFFFFF80  }
0x23: {  	[tilespmem:s17], [sflag:$0x3] =	stream.indirect.gather [hbm4b:s4+s21], $0x80, s16, s21, $0xb8;
	[tilespmem:$0x1E500] =	vst v63  }
0x24: {  	_ = 	snop  }
0x25: {  	[tilespmem:s18], [sflag:$0x7] =	stream.linear.gather [hbm4b:s7+s3], $0x80, $0x38;
	[tilespmem:$0x1E500] =	vst v63  }
0x26: {  	_ =	swait.ge [sflag:s15], $0x80  }
0x27: {  	[sflag:s15] =	ssyncset.done $0x0  }
0x28: {  	[sflag:s15] =	ssyncadd.s32 $0xFFFFFF80  }
0x29: {  	[tilespmem:s19], [sflag:$0x4] =	stream.indirect.gather [hbm4b:s4+s21], $0x80, s18, s21, $0xb8;
	[tilespmem:$0x1E500] =	vst v63  }
0x2a: {  	[bflag:$0x0] =	sbarrier.arrive $0xFFFF  }
0x2b: {  	_ =	swait.ge [sflag:s20], $0x4000  }
0x2c: {  	[sflag:s20] =	ssyncset.done $0x0  }
0x2d: {  	s1 =	simm.s32 $0x0;
	[sflag:s20] =	ssyncadd.s32 $0xFFFFC000  }
0x2e: {  	[spmem:s2] =	stream.indirect.scatter.add.f32 [tilespmem:s17], [sflag:$0x5], $0x80, s1, s21, $0xb8;
	[tilespmem:$0x1E500] =	vst v63  }
0x2f: {  	s0 =	sadd.s32 $0x0, s13  }
0x30: {  	[tilespmem:s16], [sflag:$0x1] =	stream.linear.gather [hbm4b:s0+s3], $0x80, $0x38;
	[tilespmem:$0x1E500] =	vst v63  }
0x31: {  	_ =	swait.ge [sflag:s22], $0x4000  }
0x32: {  	[sflag:s22] =	ssyncset.done $0x0  }
0x33: {  	[sflag:s22] =	ssyncadd.s32 $0xFFFFC000  }
0x34: {  	[spmem:s2] =	stream.indirect.scatter.add.f32 [tilespmem:s19], [sflag:$0x6], $0x80, s21, s21, $0xb8;
	[tilespmem:$0x1E500] =	vst v63  }
0x35: {  	s28 =	sadd.s32 $0x0, s12  }
0x36: {  	[tilespmem:s18], [sflag:$0x2] =	stream.linear.gather [hbm4b:s28+s3], $0x80, $0x38;
	[tilespmem:$0x1E500] =	vst v63  }
0x37: {  	_ =	swait.ge [sflag:s23], $0x4000  }
0x38: {  	[sflag:s23] =	ssyncset.done $0x0  }
0x39: {  	[sflag:s23] =	ssyncadd.s32 $0xFFFFC000  }
0x3a: {  	_ =	swait.ge [sflag:s24], $0x80  }
0x3b: {  	[sflag:s24] =	ssyncset.done $0x0  }
0x3c: {  	[sflag:s24] =	ssyncadd.s32 $0xFFFFFF80  }
0x3d: {  	[tilespmem:s17], [sflag:$0x3] =	stream.indirect.gather [hbm4b:s4+s21], $0x80, s16, s21, $0xb8;
	[tilespmem:$0x1E500] =	vst v63  }
0x3e: {  	_ =	swait.ge [sflag:s25], $0x4000  }
0x3f: {  	[sflag:s25] =	ssyncset.done $0x0  }
0x40: {  	[sflag:s25] =	ssyncadd.s32 $0xFFFFC000  }
0x41: {  	_ =	swait.ge [sflag:s26], $0x80  }
0x42: {  	[sflag:s26] =	ssyncset.done $0x0  }
0x43: {  	s31 =	simm.s32 $0x20;
	s1 =	simm.s32 $0x180;
	[sflag:s26] =	ssyncadd.s32 $0xFFFFFF80  }
.LBB2_2:
0x44: {  	[tilespmem:s19], [sflag:$0x4] =	stream.indirect.gather [hbm4b:s4+s21], $0x80, s18, s21, $0xb8;
	[tilespmem:$0x1E500] =	vst v63  }
0x45: {  	s0 =	smov.u32 s31  }
0x46: {  	p0 =	sne.s32 s31, $0x4C0;
	s31 =	sadd.s32 $0x20, s31;
	_ =	swait.ge [sflag:s20], $0x4000  }
0x47: {  	[sflag:s20] =	ssyncset.done $0x0  }
0x48: {  	s28 =	sadd.s32 $0xFFFFFF80, s1;
	[sflag:s20] =	ssyncadd.s32 $0xFFFFC000  }
0x49: {  	[spmem:s2] =	stream.indirect.scatter.add.f32 [tilespmem:s17], [sflag:$0x5], $0x80, s28, s21, $0xb8;
	[tilespmem:$0x1E500] =	vst v63  }
0x4a: {  	s28 =	sadd.s32 s0, s13  }
0x4b: {  	[tilespmem:s16], [sflag:$0x1] =	stream.linear.gather [hbm4b:s28+s3], $0x80, $0x38;
	[tilespmem:$0x1E500] =	vst v63  }
0x4c: {  	_ =	swait.ge [sflag:s22], $0x4000  }
0x4d: {  	[sflag:s22] =	ssyncset.done $0x0  }
0x4e: {  	[sflag:s22] =	ssyncadd.s32 $0xFFFFC000  }
0x4f: {  	[spmem:s2] =	stream.indirect.scatter.add.f32 [tilespmem:s19], [sflag:$0x6], $0x80, s1, s21, $0xb8;
	[tilespmem:$0x1E500] =	vst v63  }
0x50: {  	s0 =	sadd.s32 s0, s12  }
0x51: {  	[tilespmem:s18], [sflag:$0x2] =	stream.linear.gather [hbm4b:s0+s3], $0x80, $0x38;
	[tilespmem:$0x1E500] =	vst v63  }
0x52: {  	_ =	swait.ge [sflag:s23], $0x4000  }
0x53: {  	[sflag:s23] =	ssyncset.done $0x0  }
0x54: {  	[sflag:s23] =	ssyncadd.s32 $0xFFFFC000  }
0x55: {  	_ =	swait.ge [sflag:s24], $0x80  }
0x56: {  	[sflag:s24] =	ssyncset.done $0x0  }
0x57: {  	[sflag:s24] =	ssyncadd.s32 $0xFFFFFF80  }
0x58: {  	[tilespmem:s17], [sflag:$0x3] =	stream.indirect.gather [hbm4b:s4+s21], $0x80, s16, s21, $0xb8;
	[tilespmem:$0x1E500] =	vst v63  }
0x59: {  	_ =	swait.ge [sflag:s25], $0x4000  }
.Ltmp0:
0x5a: {  	[sflag:s25] =	ssyncset.done $0x0;
	(pc) =	sbr.rel @p0 .LBB2_2-.Ltmp0, $4  }
0x5b: {  	[sflag:s25] =	ssyncadd.s32 $0xFFFFC000  }
0x5c: {  	_ =	swait.ge [sflag:s26], $0x80  }
0x5d: {  	[sflag:s26] =	ssyncset.done $0x0  }
0x5e: {  	s1 =	sadd.s32 $0x100, s1;
	[sflag:s26] =	ssyncadd.s32 $0xFFFFFF80  }
0x5f: {  	[tilespmem:s19], [sflag:$0x4] =	stream.indirect.gather [hbm4b:s4+s21], $0x80, s18, s21, $0xb8;
	[tilespmem:$0x1E500] =	vst v63  }
0x60: {  	_ =	swait.ge [sflag:s20], $0x4000  }
0x61: {  	[sflag:s20] =	ssyncset.done $0x0  }
0x62: {  	s0 =	simm.s32 $0x2700;
	[sflag:s20] =	ssyncadd.s32 $0xFFFFC000  }
0x63: {  	[spmem:s2] =	stream.indirect.scatter.add.f32 [tilespmem:s17], [sflag:$0x7], $0x80, s0, s21, $0xb8;
	[tilespmem:$0x1E500] =	vst v63  }
0x64: {  	_ =	swait.ge [sflag:s15], $0x4000  }
0x65: {  	[sflag:s15] =	ssyncset.done $0x0  }
0x66: {  	[sflag:s15] =	ssyncadd.s32 $0xFFFFC000  }
0x67: {  	_ =	swait.ge [sflag:s22], $0x4000  }
0x68: {  	[sflag:s22] =	ssyncset.done $0x0  }
0x69: {  	[sflag:s22] =	ssyncadd.s32 $0xFFFFC000  }
0x6a: {  	[spmem:s2] =	stream.indirect.scatter.add.f32 [tilespmem:s19], [sflag:$0x7], $0x80, s29, s21, $0xb8;
	[tilespmem:$0x1E500] =	vst v63  }
0x6b: {  	_ =	swait.ge [sflag:s15], $0x4000  }
0x6c: {  	s30 =	sadd.s32 $0x1, s30;
	[sflag:s15] =	ssyncset.done $0x0  }
0x6d: {  	p0 =	sne.s32 s30, s9;
	[sflag:s15] =	ssyncadd.s32 $0xFFFFC000  }
.Ltmp1:
0x6e: {  	[bflag:$0x0] =	sbarrier.arrive $0xFFFF;
	(pc) =	sbr.rel @p0 .LBB2_1-.Ltmp1, $4  }
0x6f: {  	[hbm:s8], [sflag:s11] =	dma.local [spmem:s14], $0x2780  }
0x70: {  	_ =	swait.ge [sflag:s15], $0x2780  }
0x71: {  	[sflag:s15] =	ssyncset.done $0x0  }
0x72: {  	[sflag:s15] =	ssyncadd.s32 $0xFFFFD880  }
0x73: {  	_ =	sfence.sel $0x180000  }
0x74: {  	[bflag:$0x0] =	sbarrier.arrive $0xFFFF  }
0x75: {  	_ =	strace $0x9000004A  }
0x76: {  	s0 =	stileid.u32;
	[bflag:$0x2] =	sbarrier.arrive $0xFFFF  }
0x77: {  	p0 =	sne.s32 s0, $0x0;
	s0 =	rddreg [dreg:$0x2]  }
0x78: {  	s0 =	sadd.s32 @!p0 $0x100000, s0  }
0x79: {  	[sflag:s0] =	ssyncadd.tile.s32 @!p0 $0x1;
	_ =	shalt  }
.Lfunc_end2:
_tile_overlayer_lowered:
.L_overlay_start_2:
0x7a: {  	(tag) =	ssettag $0x2  }
0x7b: {  	s0 =	rddreg [dreg:$0x0];
	s2 =	stileid.u32  }
0x7c: {  	s1 =	rddreg [dreg:$0x1];
	p0 =	sne.s32 s2, $0x0  }
0x7d: {  	s3 =	rddreg [dreg:$0x2];
	[bflag:$0x3] =	sbarrier.arrive $0xFFFF;
	s2 =	simm.s32 @!p0 $0x1C07  }
0x7e: {  	[timem:s3], [sflag:s2] =	dma.local @!p0 [hbm:s0], s1  }
0x7f: {  	s0 =	simm.s32 @!p0 $0x7  }
0x80: {  	_ =	swait.ge @!p0 [sflag:s0], s1  }
0x81: {  	s1 =	ssub.s32 @!p0 $0x0, s1;
	[sflag:s0] =	ssyncset.done @!p0 $0x0  }
0x82: {  	[sflag:s0] =	ssyncadd.s32 @!p0 s1  }
0x83: {  	[bflag:$0x3] =	sbarrier.arrive $0xFFFF  }
0x84: {  	_ =	shalt  }

// kernel: kernel.16.cloned.1.call-start
scs
__scs_entry_jumppad:
0x0: {  	(pc) =	sbr.rel $0x88, $3  }
0x1: {  	(tag) =	ssettag $0x0;
	lr =	simm.s32 $0x1  }
0x2: {  	[smem:$0x3F94] =	sst lr;
	_ =	strace $0xD0000000  }
0x3: {  	_ = 	snop  }
0x4: {  	_ = 	snop  }
0x5: {  	_ = 	snop  }
0x6: {  	_ = 	snop  }
0x7: {  	_ = 	snop  }
__scs_overlays_trampoline_lowered:
0x8: {  	[smem:$0x3FA3] =	sst s0  }
0x9: {  	[smem:$0x3FA4] =	sst s1  }
0xa: {  	[smem:$0x3FA5] =	sst s2  }
0xb: {  	[smem:$0x3FA6] =	sst s3  }
0xc: {  	[smem:$0x3FA7] =	sst s4  }
0xd: {  	[smem:$0x3FA8] =	sst s5  }
0xe: {  	[smem:$0x3FA9] =	sst s6  }
0xf: {  	[smem:$0x3FAA] =	sst s7  }
0x10: {  	[smem:$0x3FAB] =	sst s8  }
0x11: {  	[smem:$0x3FAC] =	sst s9;
	s0 =	simm.s32 @!p0 $0x0  }
0x12: {  	s1 =	sld [smem:$0x3F92];
	s0 =	simm.s32 @p0 $0x1  }
0x13: {  	[smem:$0x3FAD] =	sst s0;
	s0 =	simm.s32 @!p1 $0x0  }
0x14: {  	s2 =	sld [smem:$0x3F91];
	s0 =	simm.s32 @p1 $0x1  }
0x15: {  	[smem:$0x3FAE] =	sst s0;
	s0 =	simm.s32 @!p2 $0x0  }
0x16: {  	s3 =	sld [smem:$0x3FDB];
	s0 =	simm.s32 @p2 $0x1  }
0x17: {  	s4 =	simm.s32 $0x1BF5;
	[smem:$0x3FB0] =	sst s0  }
0x18: {  	s0 =	sld [smem:$0x3F93];
	_ =	swait.ge [sflag:s4], $0x0  }
0x19: {  	s7 =	sld [smem:$0x3F94]  }
0x1a: {  	s8 =	sadd.s32 $0xFFFFE003, lr  }
0x1b: {  	s9 =	sadd.s32 $0xFFFFFEF7, lr;
	s5 =	simm.s32 $0xFFFFFFFF;
	p2 =	slt.u32 s8, $0xFFFFF086  }
0x1c: {  	p1 =	slt.u32 s9, $0xF7A;
	s5 =	simm.s32 @!p2 $0x0  }
0x1d: {  	s5 =	simm.s32 @p1 $0x1;
	p0 =	seq.s32 s7, s2  }
0x1e: {  	s7 =	smul.u32 @!p0 $0xF7A, s2;
	p2 =	seq.s32 @!p0 s5, $0x0  }
0x1f: {  	s9 =	smul.u32 $0xF7A, s1;
	s8 =	simm.s32 @!p0 $0x1BF5;
	p2 =	por !p2, p0  }
0x20: {  	[sflag:s8] =	ssyncset.s32 @!p0 $0xFFFFF086;
	s6 =	sadd.s32 @!p0 s3, s7;
	s7 =	simm.s32 @!p0 $0x108  }
0x21: {  	s3 =	sadd.s32 s3, s9;
	s6 =	sadd.s32 @!p0 $0x88, s6;
	s7 =	simm.s32 @p2 $0x1082  }
0x22: {  	[simem:s7], [sflag:s8] =	dma.local @!p0 [hbm:s6], $0xF7A  }
0x23: {  	s9 =	sor.u32 $0xD0000000, s2;
	s6 =	simm.s32 $0x108;
	_ =	swait.ge @!p0 [sflag:s8], $0x0  }
0x24: {  	s3 =	sadd.s32 $0x88, s3;
	s6 =	simm.s32 @!p1 $0x1082;
	[sflag:s4] =	ssyncset.s32 $0xFFFFF086  }
0x25: {  	[simem:s6], [sflag:s4] =	dma.local [hbm:s3], $0xF7A  }
0x26: {  	[smem:$0x3F94] =	sst s1;
	(tag) =	ssettag s2;
	_ =	strace s9  }
0x27: {  	s1 =	sld [smem:$0x3FA4]  }
0x28: {  	s2 =	sld [smem:$0x3FA5]  }
0x29: {  	s4 =	sld [smem:$0x3FA7]  }
0x2a: {  	p0 =	seq.s32 s5, $0x0;
	s5 =	sld [smem:$0x3FA8]  }
0x2b: {  	s6 =	sld [smem:$0x3FA9]  }
0x2c: {  	s7 =	sld [smem:$0x3FAA]  }
0x2d: {  	s3 =	simm.s32 $0x108;
	s8 =	sld [smem:$0x3FAB]  }
0x2e: {  	s3 =	simm.s32 @!p0 $0x1082;
	s9 =	sld [smem:$0x3FAC]  }
0x2f: {  	lr =	sadd.s32 s0, s3;
	s0 =	sld [smem:$0x3FA3]  }
0x30: {  	s3 =	sld [smem:$0x3FA6]  }
0x31: {  	[smem:$0x3FAF] =	sst s10  }
0x32: {  	s10 =	sld [smem:$0x3FAD];
	_ =	sdelay $0x3  }
0x33: {  	p0 =	seq.s32 s10, $0x1;
	s10 =	sld [smem:$0x3FAF];
	_ =	sdelay $0x3  }
0x34: {  	[smem:$0x3FAF] =	sst s10  }
0x35: {  	s10 =	sld [smem:$0x3FAE];
	_ =	sdelay $0x3  }
0x36: {  	p1 =	seq.s32 s10, $0x1;
	s10 =	sld [smem:$0x3FAF];
	_ =	sdelay $0x3  }
0x37: {  	[smem:$0x3FAF] =	sst s10  }
0x38: {  	s10 =	sld [smem:$0x3FB0]  }
0x39: {  	_ = 	snop;
	(pc) =	sbr.ind lr, $3  }
0x3a: {  	_ = 	snop  }
0x3b: {  	_ = 	snop  }
0x3c: {  	p2 =	seq.s32 s10, $0x1;
	s10 =	sld [smem:$0x3FAF]  }
0x3d: {  	_ =	shalt  }
0x3e: {  	_ =	shalt  }
0x3f: {  	_ =	shalt  }
0x40: {  	_ =	shalt  }
0x41: {  	_ =	shalt  }
0x42: {  	_ =	shalt  }
0x43: {  	_ =	shalt  }
0x44: {  	_ =	shalt  }
0x45: {  	_ =	shalt  }
0x46: {  	_ =	shalt  }
0x47: {  	_ =	shalt  }
0x48: {  	_ =	shalt  }
0x49: {  	_ =	shalt  }
0x4a: {  	_ =	shalt  }
0x4b: {  	_ =	shalt  }
0x4c: {  	_ =	shalt  }
0x4d: {  	_ =	shalt  }
0x4e: {  	_ =	shalt  }
0x4f: {  	_ =	shalt  }
0x50: {  	_ =	shalt  }
0x51: {  	_ =	shalt  }
0x52: {  	_ =	shalt  }
0x53: {  	_ =	shalt  }
0x54: {  	_ =	shalt  }
0x55: {  	_ =	shalt  }
0x56: {  	_ =	shalt  }
0x57: {  	_ =	shalt  }
0x58: {  	_ =	shalt  }
0x59: {  	_ =	shalt  }
0x5a: {  	_ =	shalt  }
0x5b: {  	_ =	shalt  }
0x5c: {  	_ =	shalt  }
0x5d: {  	_ =	shalt  }
0x5e: {  	_ =	shalt  }
0x5f: {  	_ =	shalt  }
0x60: {  	_ =	shalt  }
0x61: {  	_ =	shalt  }
0x62: {  	_ =	shalt  }
0x63: {  	_ =	shalt  }
0x64: {  	_ =	shalt  }
0x65: {  	_ =	shalt  }
0x66: {  	_ =	shalt  }
0x67: {  	_ =	shalt  }
0x68: {  	_ =	shalt  }
0x69: {  	_ =	shalt  }
0x6a: {  	_ =	shalt  }
0x6b: {  	_ =	shalt  }
0x6c: {  	_ =	shalt  }
0x6d: {  	_ =	shalt  }
0x6e: {  	_ =	shalt  }
0x6f: {  	_ =	shalt  }
0x70: {  	_ =	shalt  }
0x71: {  	_ =	shalt  }
0x72: {  	_ =	shalt  }
0x73: {  	_ =	shalt  }
0x74: {  	_ =	shalt  }
0x75: {  	_ =	shalt  }
0x76: {  	_ =	shalt  }
0x77: {  	_ =	shalt  }
0x78: {  	_ =	shalt  }
0x79: {  	_ =	shalt  }
0x7a: {  	_ =	shalt  }
0x7b: {  	_ =	shalt  }
0x7c: {  	_ =	shalt  }
0x7d: {  	_ =	shalt  }
0x7e: {  	_ =	shalt  }
0x7f: {  	_ =	shalt  }
0x80: {  	_ =	shalt  }
0x81: {  	_ =	shalt  }
0x82: {  	_ =	shalt  }
0x83: {  	_ =	shalt  }
0x84: {  	_ =	shalt  }
0x85: {  	_ =	shalt  }
0x86: {  	_ =	shalt  }
0x87: {  	_ =	shalt  }
.Lfunc_end0:
.L_simem_size_0:
called_computation.2_lowered:
.L_overlay_start_0:
0x88: {  	s2 =	sld [smem:$0x3FD9]  }
0x89: {  	s3 =	sld [smem:$0x3FFE];
	_ =	sdelay $0x1  }
0x8a: {  	s1 =	srdreg.scid  }
0x8b: {  	s0 =	sand.u32 $0x1, s1  }
0x8c: {  	s16 =	sshll.u32 s0, $0xA;
	s2 =	sadd.s32 s3, s2  }
0x8d: {  	s2 =	sadd.s32 s2, s16  }
0x8e: {  	[smem:$0x3FBB] =	sst s2  }
0x8f: {  	_ = 	snop  }
0x90: {  	(tm) =	ssettm $0x1  }
0x91: {  	s17 =	sld [smem:$0x3FFB];
	_ =	sdelay $0x3  }
0x92: {  	_ =	strace s17  }
0x93: {  	s2 =	sld [smem:$0x3FFC];
	_ =	sdelay $0x3  }
0x94: {  	_ =	strace s2  }
0x95: {  	s2 =	sld [smem:$0x3FFD];
	_ =	sdelay $0x3  }
0x96: {  	_ =	strace s2  }
0x97: {  	_ =	strace $0x8FFFFFFF  }
0x98: {  	s18 =	sld [smem:$0x3FDB];
	_ =	sdelay $0x1  }
0x99: {  	s19 =	simm.s32 $_scs_section_size  }
0x9a: {  	s4 =	simm.s32 $_size__tile_overlayer_lowered;
	s5 =	simm.s32 $_tile_overlayer_lowered  }
0x9b: {  	s22 =	simm.s32 $0x1BFF;
	s21 =	sshll.u32 s5, $0x1;
	s2 =	sadd.s32 s19, s18  }
0x9c: {  	s6 =	simm.s32 $0x0;
	s20 =	sshll.u32 s4, $0x1;
	s4 =	sadd.s32 s21, s2  }
0x9d: {  	[timem:s6], [sflag:s22] =	dma.local [hbm:s4], s20  }
0x9e: {  	_ =	swait.ge [sflag:s22], s20  }
0x9f: {  	s3 =	ssub.s32 $0x0, s20;
	[sflag:s22] =	ssyncset.done $0x0  }
0xa0: {  	[sflag:s22] =	ssyncadd.s32 s3;
	_ =	sdelay $0x1  }
0xa1: {  	s23 =	simm.s32 $0x1B8B  }
0xa2: {  	_ =	swait.ge [sflag:s23], $0x1  }
0xa3: {  	[sflag:s23] =	ssyncset.done $0x0  }
0xa4: {  	s25 =	simm.s32 $0x1B8E;
	s24 =	sld [smem:$0x3FFE];
	[sflag:s23] =	ssyncadd.s32 $0xFFFFFFFF  }
0xa5: {  	s26 =	simm.s32 $execute0_lowered;
	[smem:$0x3FD2] =	sst s25  }
0xa6: {  	s4 =	sshll.u32 s26, $0x1;
	_ =	strace $0x8000004C;
	[dreg:$0x1] =	wrdreg $0xFFFFFFFF  }
0xa7: {  	s28 =	simm.s32 $_size_execute0_lowered;
	s2 =	sadd.s32 s2, s4;
	[dreg:$0x0] =	wrdreg $0x0  }
0xa8: {  	s4 =	sshll.u32 s28, $0x1;
	[dreg:$0x2] =	wrdreg s2  }
0xa9: {  	[dreg:$0x3] =	wrdreg s4  }
0xaa: {  	[dreg:$0x4] =	wrdreg $0xC0  }
0xab: {  	_ =	task [dreg:s6], $0x5FFFF  }
0xac: {  	[dreg:$0x1] =	wrdreg $0xFFFFFFFF  }
0xad: {  	[dreg:$0x0] =	wrdreg $0x60  }
0xae: {  	[dreg:$0x2] =	wrdreg s24  }
0xaf: {  	[dreg:$0x3] =	wrdreg $0x54800  }
0xb0: {  	[dreg:$0x4] =	wrdreg $0x56F80  }
0xb1: {  	[dreg:$0x5] =	wrdreg $0x9  }
0xb2: {  	_ =	task.clear_ibuf [dreg:s6], $0x6FFFF;
	_ =	strace $0x9000004C  }
0xb3: {  	s29 =	simm.s32 $0x9;
	_ =	strace $0x8000004E  }
0xb4: {  	_ =	swait.ge [sflag:s29], $0x1  }
0xb5: {  	[sflag:s29] =	ssyncadd.s32 $0xFFFFFFFF  }
0xb6: {  	_ =	strace $0x9000004E  }
0xb7: {  	_ =	sfence  }
0xb8: {  	s30 =	sld [smem:$0x0];
	_ =	sdelay $0x2  }
0xb9: {  	s31 =	sshll.u32 s1, $0xD;
	s1 =	sshrl.u32 s1, $0x2  }
0xba: {  	s3 =	sand.u32 $0x4000, s31;
	s1 =	sadd.s32 s1, s30  }
0xbb: {  	s0 =	sor.u32 s3, s0;
	s1 =	sshll.u32 s1, $0x11  }
0xbc: {  	s0 =	sor.u32 s1, s0  }
0xbd: {  	s0 =	sadd.s32 $0x8F2B, s0  }
0xbe: {  	[sflag:s0] =	ssyncadd.remote.s32 $0x1  }
0xbf: {  	_ =	sfence.sel $0xFFFF  }
0xc0: {  	[dreg:$0x0] =	wrdreg $0xFFFFFFFF;
	(pc) =	sbr.abs _section_cstart, $3  }
0xc1: {  	[dreg:$0x1] =	wrdreg $0xFFFFFFFF  }
0xc2: {  	_ =	task.clear_ibuf [dreg:s6], $0x2FFFF;
	_ =	strace $0x9FFFFFFF  }
0xc3: {  	(tm) =	ssettm $0x7FFFFFFF  }
tec
execute0_lowered:
.L_overlay_start_1:
0x0: {  	(tag) =	ssettag $0x1  }
0x1: {  	s0 =	rddreg [dreg:$0x0]  }
0x2: {  	s2 =	rddreg [dreg:$0x1]  }
0x3: {  	s3 =	rddreg [dreg:$0x2]  }
0x4: {  	s1 =	srdreg.scid;
	s6 =	stileid.u32;
	s4 =	simm.s32 $0x0  }
0x5: {  	s13 =	simm.s32 $0x5200;
	s14 =	simm.s32 $0x9;
	s16 =	simm.s32 $0x80  }
0x6: {  	s17 =	simm.s32 $0x5000;
	s18 =	simm.s32 $0x5080;
	s20 =	simm.s32 $0x5100  }
0x7: {  	s22 =	simm.s32 $0x5180;
	s23 =	simm.s32 $0x1;
	s28 =	simm.s32 $0x5  }
0x8: {  	s29 =	simm.s32 $0x6;
	s30 =	simm.s32 $0x7;
	s31 =	simm.s32 $0x8  }
0x9: {  	s19 =	simm.s32 $0x4F80;
	s21 =	simm.s32 $0x0;
	s1 =	sand.u32 $0x1, s1  }
0xa: {  	s8 =	smul.u32 $0x278, s6;
	[smem:$0x7FF] =	sst s4;
	s5 =	sshll.u32 s1, $0x4  }
0xb: {  	s24 =	smul.u32 $0x2780, s1;
	_ =	strace $0x8000004D;
	s1 =	ssub.s32 $0x2, s1  }
0xc: {  	s5 =	sor.u32 s6, s5;
	s7 =	sshrl.u32 s8, $0x3;
	s26 =	sshrl.u32 s1, $0x1  }
0xd: {  	s5 =	smul.u32 $0x500, s5;
	s7 =	sadd.s32 s7, s0;
	s6 =	sadd.s32 s8, s24  }
0xe: {  	s1 =	ssub.s32 s1, s26;
	s24 =	simm.s32 $0x2;
	s26 =	simm.s32 $0x4  }
0xf: {  	s25 =	sshrl.u32 s6, $0x3;
	s6 =	sadd.s32 s8, s2;
	s8 =	sadd.s32 s8, s3  }
0x10: {  	s12 =	smax.u32 s1, $0x1;
	s10 =	sadd.s32 s5, s0;
	s0 =	sadd.s32 s25, s0  }
0x11: {  	s5 =	sadd.s32 $0x17200, s7;
	s7 =	sadd.s32 $0x16C00, s7;
	s25 =	simm.s32 $0x3  }
0x12: {  	s9 =	sadd.s32 $0x2C00, s10;
	s10 =	sadd.s32 $0xCC00, s10;
	s11 =	sadd.s32 $0x17800, s0  }
.LBB2_1:
0x13: {  	[tilespmem:s13], [sflag:$0x9] =	stream.linear.gather [hbm4b:s5+s4], $0x278, $0x38;
	[tilespmem:$0x5970] =	vst v63  }
0x14: {  	_ =	swait.ge [sflag:s14], $0x278  }
0x15: {  	[sflag:s14] =	ssyncset.done $0x0  }
0x16: {  	[sflag:s14] =	ssyncadd.s32 $0xFFFFFD88  }
0x17: {  	[spmem:s6] =	stream.linear.scatter [tilespmem:s13], [sflag:$0x9], $0x278, $0x38;
	[tilespmem:$0x5970] =	vst v63  }
0x18: {  	_ =	swait.ge [sflag:s14], $0x278  }
0x19: {  	[sflag:s14] =	ssyncset.done $0x0  }
0x1a: {  	[sflag:s14] =	ssyncadd.s32 $0xFFFFFD88  }
0x1b: {  	[tilespmem:s13], [sflag:$0x9] =	stream.linear.gather [hbm4b:s7+s4], $0x278, $0x38;
	[tilespmem:$0x5970] =	vst v63  }
0x1c: {  	_ =	swait.ge [sflag:s14], $0x278  }
0x1d: {  	[sflag:s14] =	ssyncset.done $0x0  }
0x1e: {  	[sflag:s14] =	ssyncadd.s32 $0xFFFFFD88  }
0x1f: {  	[spmem:s8] =	stream.linear.scatter [tilespmem:s13], [sflag:$0x9], $0x278, $0x38;
	[tilespmem:$0x5970] =	vst v63  }
0x20: {  	_ =	swait.ge [sflag:s14], $0x278  }
0x21: {  	[sflag:s14] =	ssyncset.done $0x0  }
0x22: {  	[sflag:s14] =	ssyncadd.s32 $0xFFFFFD88  }
0x23: {  	[tilespmem:s4], [sflag:$0x9] =	stream.linear.gather [hbm4b:s9+s4], $0x2800, $0x38;
	[tilespmem:$0x5970] =	vst v63  }
0x24: {  	_ =	swait.ge [sflag:s14], $0x2800  }
0x25: {  	[sflag:s14] =	ssyncset.done $0x0  }
0x26: {  	s0 =	simm.s32 $0x2800;
	[sflag:s14] =	ssyncadd.s32 $0xFFFFD800  }
0x27: {  	[tilespmem:s0], [sflag:$0x9] =	stream.linear.gather [hbm4b:s10+s4], $0x2800, $0x38;
	[tilespmem:$0x5970] =	vst v63  }
0x28: {  	_ =	swait.ge [sflag:s14], $0x2800  }
0x29: {  	[sflag:s14] =	ssyncset.done $0x0  }
0x2a: {  	[sflag:s14] =	ssyncadd.s32 $0xFFFFD800  }
0x2b: {  	[bflag:$0x0] =	sbarrier.arrive $0xFFFF  }
0x2c: {  	[tilespmem:s17], [sflag:$0x1] =	stream.indirect.gather [spmem:s2], $0x1, s4, s16, $0xb8;
	[tilespmem:$0x5970] =	vst v63  }
0x2d: {  	_ = 	snop  }
0x2e: {  	[tilespmem:s18], [sflag:$0x2] =	stream.indirect.gather [spmem:s2], $0x1, s16, s16, $0xb8;
	[tilespmem:$0x5970] =	vst v63  }
0x2f: {  	s15 =	simm.s32 $0x100  }
0x30: {  	[tilespmem:s20], [sflag:$0x3] =	stream.indirect.gather [spmem:s2], $0x1, s15, s16, $0xb8;
	[tilespmem:$0x5970] =	vst v63  }
0x31: {  	s1 =	simm.s32 $0x180  }
0x32: {  	[tilespmem:s22], [sflag:$0x4] =	stream.indirect.gather [spmem:s2], $0x1, s1, s16, $0xb8;
	[tilespmem:$0x5970] =	vst v63  }
0x33: {  	_ =	swait.ge [sflag:s23], $0x80  }
0x34: {  	[sflag:s23] =	ssyncset.done $0x0  }
0x35: {  	s15 =	simm.s32 $0x2800;
	[sflag:s23] =	ssyncadd.s32 $0xFFFFFF80  }
0x36: {  	[spmem:s3] =	stream.indirect.scatter.add.f32 [tilespmem:s17], [sflag:$0x5], $0x1, s15, s16, $0xb8;
	[tilespmem:$0x5970] =	vst v63  }
0x37: {  	_ =	swait.ge [sflag:s24], $0x80  }
0x38: {  	[sflag:s24] =	ssyncset.done $0x0  }
0x39: {  	s1 =	simm.s32 $0x2880;
	[sflag:s24] =	ssyncadd.s32 $0xFFFFFF80  }
0x3a: {  	[spmem:s3] =	stream.indirect.scatter.add.f32 [tilespmem:s18], [sflag:$0x6], $0x1, s1, s16, $0xb8;
	[tilespmem:$0x5970] =	vst v63  }
0x3b: {  	_ =	swait.ge [sflag:s25], $0x80  }
0x3c: {  	[sflag:s25] =	ssyncset.done $0x0  }
0x3d: {  	s15 =	simm.s32 $0x2900;
	[sflag:s25] =	ssyncadd.s32 $0xFFFFFF80  }
0x3e: {  	[spmem:s3] =	stream.indirect.scatter.add.f32 [tilespmem:s20], [sflag:$0x7], $0x1, s15, s16, $0xb8;
	[tilespmem:$0x5970] =	vst v63  }
0x3f: {  	_ =	swait.ge [sflag:s26], $0x80  }
0x40: {  	[sflag:s26] =	ssyncset.done $0x0  }
0x41: {  	s1 =	simm.s32 $0x2980;
	[sflag:s26] =	ssyncadd.s32 $0xFFFFFF80  }
0x42: {  	[spmem:s3] =	stream.indirect.scatter.add.f32 [tilespmem:s22], [sflag:$0x8], $0x1, s1, s16, $0xb8;
	[tilespmem:$0x5970] =	vst v63  }
0x43: {  	_ =	swait.ge [sflag:s28], $0x80  }
0x44: {  	[sflag:s28] =	ssyncset.done $0x0  }
0x45: {  	s15 =	simm.s32 $0x200;
	[sflag:s28] =	ssyncadd.s32 $0xFFFFFF80  }
0x46: {  	[tilespmem:s17], [sflag:$0x1] =	stream.indirect.gather [spmem:s2], $0x1, s15, s16, $0xb8;
	[tilespmem:$0x5970] =	vst v63  }
0x47: {  	_ =	swait.ge [sflag:s29], $0x80  }
0x48: {  	[sflag:s29] =	ssyncset.done $0x0  }
0x49: {  	s1 =	simm.s32 $0x280;
	[sflag:s29] =	ssyncadd.s32 $0xFFFFFF80  }
0x4a: {  	[tilespmem:s18], [sflag:$0x2] =	stream.indirect.gather [spmem:s2], $0x1, s1, s16, $0xb8;
	[tilespmem:$0x5970] =	vst v63  }
0x4b: {  	_ =	swait.ge [sflag:s30], $0x80  }
0x4c: {  	[sflag:s30] =	ssyncset.done $0x0  }
0x4d: {  	s15 =	simm.s32 $0x300;
	[sflag:s30] =	ssyncadd.s32 $0xFFFFFF80  }
0x4e: {  	[tilespmem:s20], [sflag:$0x3] =	stream.indirect.gather [spmem:s2], $0x1, s15, s16, $0xb8;
	[tilespmem:$0x5970] =	vst v63  }
0x4f: {  	_ =	swait.ge [sflag:s31], $0x80  }
0x50: {  	[sflag:s31] =	ssyncset.done $0x0  }
0x51: {  	s0 =	simm.s32 $0x800;
	s1 =	simm.s32 $0x380;
	[sflag:s31] =	ssyncadd.s32 $0xFFFFFF80  }
.LBB2_2:
0x52: {  	[tilespmem:s22], [sflag:$0x4] =	stream.indirect.gather [spmem:s2], $0x1, s1, s16, $0xb8;
	[tilespmem:$0x5970] =	vst v63  }
0x53: {  	s1 =	smov.u32 s0  }
0x54: {  	p0 =	sne.s32 s0, $0x9000;
	s0 =	sadd.s32 $0x800, s0;
	_ =	swait.ge [sflag:s23], $0x80  }
0x55: {  	s1 =	sshra.s32 s1, $0x2;
	[sflag:s23] =	ssyncset.done $0x0  }
0x56: {  	s15 =	sadd.s32 $0x2800, s1;
	[sflag:s23] =	ssyncadd.s32 $0xFFFFFF80  }
0x57: {  	[spmem:s3] =	stream.indirect.scatter.add.f32 [tilespmem:s17], [sflag:$0x5], $0x1, s15, s16, $0xb8;
	[tilespmem:$0x5970] =	vst v63  }
0x58: {  	_ =	swait.ge [sflag:s24], $0x80  }
0x59: {  	[sflag:s24] =	ssyncset.done $0x0  }
0x5a: {  	s15 =	sadd.s32 $0x2880, s1;
	[sflag:s24] =	ssyncadd.s32 $0xFFFFFF80  }
0x5b: {  	[spmem:s3] =	stream.indirect.scatter.add.f32 [tilespmem:s18], [sflag:$0x6], $0x1, s15, s16, $0xb8;
	[tilespmem:$0x5970] =	vst v63  }
0x5c: {  	_ =	swait.ge [sflag:s25], $0x80  }
0x5d: {  	[sflag:s25] =	ssyncset.done $0x0  }
0x5e: {  	s15 =	sadd.s32 $0x2900, s1;
	[sflag:s25] =	ssyncadd.s32 $0xFFFFFF80  }
0x5f: {  	[spmem:s3] =	stream.indirect.scatter.add.f32 [tilespmem:s20], [sflag:$0x7], $0x1, s15, s16, $0xb8;
	[tilespmem:$0x5970] =	vst v63  }
0x60: {  	_ =	swait.ge [sflag:s26], $0x80  }
0x61: {  	[sflag:s26] =	ssyncset.done $0x0  }
0x62: {  	s15 =	sadd.s32 $0x2980, s1;
	[sflag:s26] =	ssyncadd.s32 $0xFFFFFF80  }
0x63: {  	[spmem:s3] =	stream.indirect.scatter.add.f32 [tilespmem:s22], [sflag:$0x8], $0x1, s15, s16, $0xb8;
	[tilespmem:$0x5970] =	vst v63  }
0x64: {  	_ =	swait.ge [sflag:s28], $0x80  }
0x65: {  	[sflag:s28] =	ssyncset.done $0x0  }
0x66: {  	s15 =	sadd.s32 $0x200, s1;
	[sflag:s28] =	ssyncadd.s32 $0xFFFFFF80  }
0x67: {  	[tilespmem:s17], [sflag:$0x1] =	stream.indirect.gather [spmem:s2], $0x1, s15, s16, $0xb8;
	[tilespmem:$0x5970] =	vst v63  }
0x68: {  	_ =	swait.ge [sflag:s29], $0x80  }
0x69: {  	[sflag:s29] =	ssyncset.done $0x0  }
0x6a: {  	s15 =	sadd.s32 $0x280, s1;
	[sflag:s29] =	ssyncadd.s32 $0xFFFFFF80  }
0x6b: {  	[tilespmem:s18], [sflag:$0x2] =	stream.indirect.gather [spmem:s2], $0x1, s15, s16, $0xb8;
	[tilespmem:$0x5970] =	vst v63  }
0x6c: {  	_ =	swait.ge [sflag:s30], $0x80  }
0x6d: {  	[sflag:s30] =	ssyncset.done $0x0  }
.Ltmp0:
0x6e: {  	s15 =	sadd.s32 $0x300, s1;
	[sflag:s30] =	ssyncadd.s32 $0xFFFFFF80;
	(pc) =	sbr.rel @p0 .LBB2_2-.Ltmp0, $4  }
0x6f: {  	[tilespmem:s20], [sflag:$0x3] =	stream.indirect.gather [spmem:s2], $0x1, s15, s16, $0xb8;
	[tilespmem:$0x5970] =	vst v63  }
0x70: {  	_ =	swait.ge [sflag:s31], $0x80  }
0x71: {  	[sflag:s31] =	ssyncset.done $0x0  }
0x72: {  	s1 =	sadd.s32 $0x380, s1;
	[sflag:s31] =	ssyncadd.s32 $0xFFFFFF80  }
0x73: {  	[tilespmem:s22], [sflag:$0x4] =	stream.indirect.gather [spmem:s2], $0x1, s1, s16, $0xb8;
	[tilespmem:$0x5970] =	vst v63  }
0x74: {  	_ =	swait.ge [sflag:s23], $0x80  }
0x75: {  	[sflag:s23] =	ssyncset.done $0x0  }
0x76: {  	s0 =	simm.s32 $0x4E00;
	[sflag:s23] =	ssyncadd.s32 $0xFFFFFF80  }
0x77: {  	[spmem:s3] =	stream.indirect.scatter.add.f32 [tilespmem:s17], [sflag:$0x9], $0x1, s0, s16, $0xb8;
	[tilespmem:$0x5970] =	vst v63  }
0x78: {  	_ =	swait.ge [sflag:s14], $0x80  }
0x79: {  	[sflag:s14] =	ssyncset.done $0x0  }
0x7a: {  	[sflag:s14] =	ssyncadd.s32 $0xFFFFFF80  }
0x7b: {  	_ =	swait.ge [sflag:s24], $0x80  }
0x7c: {  	[sflag:s24] =	ssyncset.done $0x0  }
0x7d: {  	s1 =	simm.s32 $0x4E80;
	[sflag:s24] =	ssyncadd.s32 $0xFFFFFF80  }
0x7e: {  	[spmem:s3] =	stream.indirect.scatter.add.f32 [tilespmem:s18], [sflag:$0x9], $0x1, s1, s16, $0xb8;
	[tilespmem:$0x5970] =	vst v63  }
0x7f: {  	_ =	swait.ge [sflag:s14], $0x80  }
0x80: {  	[sflag:s14] =	ssyncset.done $0x0  }
0x81: {  	[sflag:s14] =	ssyncadd.s32 $0xFFFFFF80  }
0x82: {  	_ =	swait.ge [sflag:s25], $0x80  }
0x83: {  	[sflag:s25] =	ssyncset.done $0x0  }
0x84: {  	s15 =	simm.s32 $0x4F00;
	[sflag:s25] =	ssyncadd.s32 $0xFFFFFF80  }
0x85: {  	[spmem:s3] =	stream.indirect.scatter.add.f32 [tilespmem:s20], [sflag:$0x9], $0x1, s15, s16, $0xb8;
	[tilespmem:$0x5970] =	vst v63  }
0x86: {  	_ =	swait.ge [sflag:s14], $0x80  }
0x87: {  	[sflag:s14] =	ssyncset.done $0x0  }
0x88: {  	[sflag:s14] =	ssyncadd.s32 $0xFFFFFF80  }
0x89: {  	_ =	swait.ge [sflag:s26], $0x80  }
0x8a: {  	[sflag:s26] =	ssyncset.done $0x0  }
0x8b: {  	[sflag:s26] =	ssyncadd.s32 $0xFFFFFF80  }
0x8c: {  	[spmem:s3] =	stream.indirect.scatter.add.f32 [tilespmem:s22], [sflag:$0x9], $0x1, s19, s16, $0xb8;
	[tilespmem:$0x5970] =	vst v63  }
0x8d: {  	_ =	swait.ge [sflag:s14], $0x80  }
0x8e: {  	[sflag:s14] =	ssyncset.done $0x0  }
0x8f: {  	[sflag:s14] =	ssyncadd.s32 $0xFFFFFF80  }
0x90: {  	[bflag:$0x0] =	sbarrier.arrive $0xFFFF  }
0x91: {  	[tilespmem:s13], [sflag:$0x9] =	stream.linear.gather [spmem:s8], $0x278, $0x38;
	[tilespmem:$0x5970] =	vst v63  }
0x92: {  	s21 =	sadd.s32 $0x1, s21;
	_ =	swait.ge [sflag:s14], $0x278  }
0x93: {  	p0 =	sne.s32 s21, s12;
	[sflag:s14] =	ssyncset.done $0x0  }
.Ltmp1:
0x94: {  	[sflag:s14] =	ssyncadd.s32 $0xFFFFFD88;
	(pc) =	sbr.rel @p0 .LBB2_1-.Ltmp1, $4  }
0x95: {  	[hbm4b:s11+s4] =	stream.linear.scatter [tilespmem:s13], [sflag:$0x9], $0x278, $0x38;
	[tilespmem:$0x5970] =	vst v63  }
0x96: {  	_ =	swait.ge [sflag:s14], $0x278  }
0x97: {  	[sflag:s14] =	ssyncset.done $0x0  }
0x98: {  	[sflag:s14] =	ssyncadd.s32 $0xFFFFFD88  }
0x99: {  	_ =	sfence.sel $0x180000  }
0x9a: {  	[bflag:$0x0] =	sbarrier.arrive $0xFFFF  }
0x9b: {  	_ =	strace $0x9000004D  }
0x9c: {  	s0 =	stileid.u32;
	[bflag:$0x2] =	sbarrier.arrive $0xFFFF  }
0x9d: {  	p0 =	sne.s32 s0, $0x0;
	s0 =	rddreg [dreg:$0x3]  }
0x9e: {  	s0 =	sadd.s32 @!p0 $0x100000, s0  }
0x9f: {  	[sflag:s0] =	ssyncadd.tile.s32 @!p0 $0x1;
	_ =	shalt  }
.Lfunc_end2:
_tile_overlayer_lowered:
.L_overlay_start_2:
0xa0: {  	(tag) =	ssettag $0x2  }
0xa1: {  	s0 =	rddreg [dreg:$0x0];
	s2 =	stileid.u32  }
0xa2: {  	s1 =	rddreg [dreg:$0x1];
	p0 =	sne.s32 s2, $0x0  }
0xa3: {  	s3 =	rddreg [dreg:$0x2];
	[bflag:$0x3] =	sbarrier.arrive $0xFFFF;
	s2 =	simm.s32 @!p0 $0x1C09  }
0xa4: {  	[timem:s3], [sflag:s2] =	dma.local @!p0 [hbm:s0], s1  }
0xa5: {  	s0 =	simm.s32 @!p0 $0x9  }
0xa6: {  	_ =	swait.ge @!p0 [sflag:s0], s1  }
0xa7: {  	s1 =	ssub.s32 @!p0 $0x0, s1;
	[sflag:s0] =	ssyncset.done @!p0 $0x0  }
0xa8: {  	[sflag:s0] =	ssyncadd.s32 @!p0 s1  }
0xa9: {  	[bflag:$0x3] =	sbarrier.arrive $0xFFFF  }
0xaa: {  	_ =	shalt  }

// kernel: kernel.19.cloned.1.call-start
scs
__scs_entry_jumppad:
0x0: {  	(pc) =	sbr.rel $0x88, $3  }
0x1: {  	(tag) =	ssettag $0x0;
	lr =	simm.s32 $0x1  }
0x2: {  	[smem:$0x3F94] =	sst lr;
	_ =	strace $0xD0000000  }
0x3: {  	_ = 	snop  }
0x4: {  	_ = 	snop  }
0x5: {  	_ = 	snop  }
0x6: {  	_ = 	snop  }
0x7: {  	_ = 	snop  }
__scs_overlays_trampoline_lowered:
0x8: {  	[smem:$0x3FA3] =	sst s0  }
0x9: {  	[smem:$0x3FA4] =	sst s1  }
0xa: {  	[smem:$0x3FA5] =	sst s2  }
0xb: {  	[smem:$0x3FA6] =	sst s3  }
0xc: {  	[smem:$0x3FA7] =	sst s4  }
0xd: {  	[smem:$0x3FA8] =	sst s5  }
0xe: {  	[smem:$0x3FA9] =	sst s6  }
0xf: {  	[smem:$0x3FAA] =	sst s7  }
0x10: {  	[smem:$0x3FAB] =	sst s8  }
0x11: {  	[smem:$0x3FAC] =	sst s9;
	s0 =	simm.s32 @!p0 $0x0  }
0x12: {  	s1 =	sld [smem:$0x3F92];
	s0 =	simm.s32 @p0 $0x1  }
0x13: {  	[smem:$0x3FAD] =	sst s0;
	s0 =	simm.s32 @!p1 $0x0  }
0x14: {  	s2 =	sld [smem:$0x3F91];
	s0 =	simm.s32 @p1 $0x1  }
0x15: {  	[smem:$0x3FAE] =	sst s0;
	s0 =	simm.s32 @!p2 $0x0  }
0x16: {  	s3 =	sld [smem:$0x3FDB];
	s0 =	simm.s32 @p2 $0x1  }
0x17: {  	s4 =	simm.s32 $0x1BF5;
	[smem:$0x3FB0] =	sst s0  }
0x18: {  	s0 =	sld [smem:$0x3F93];
	_ =	swait.ge [sflag:s4], $0x0  }
0x19: {  	s7 =	sld [smem:$0x3F94]  }
0x1a: {  	s8 =	sadd.s32 $0xFFFFE003, lr  }
0x1b: {  	s9 =	sadd.s32 $0xFFFFFEF7, lr;
	s5 =	simm.s32 $0xFFFFFFFF;
	p2 =	slt.u32 s8, $0xFFFFF086  }
0x1c: {  	p1 =	slt.u32 s9, $0xF7A;
	s5 =	simm.s32 @!p2 $0x0  }
0x1d: {  	s5 =	simm.s32 @p1 $0x1;
	p0 =	seq.s32 s7, s2  }
0x1e: {  	s7 =	smul.u32 @!p0 $0xF7A, s2;
	p2 =	seq.s32 @!p0 s5, $0x0  }
0x1f: {  	s9 =	smul.u32 $0xF7A, s1;
	s8 =	simm.s32 @!p0 $0x1BF5;
	p2 =	por !p2, p0  }
0x20: {  	[sflag:s8] =	ssyncset.s32 @!p0 $0xFFFFF086;
	s6 =	sadd.s32 @!p0 s3, s7;
	s7 =	simm.s32 @!p0 $0x108  }
0x21: {  	s3 =	sadd.s32 s3, s9;
	s6 =	sadd.s32 @!p0 $0x88, s6;
	s7 =	simm.s32 @p2 $0x1082  }
0x22: {  	[simem:s7], [sflag:s8] =	dma.local @!p0 [hbm:s6], $0xF7A  }
0x23: {  	s9 =	sor.u32 $0xD0000000, s2;
	s6 =	simm.s32 $0x108;
	_ =	swait.ge @!p0 [sflag:s8], $0x0  }
0x24: {  	s3 =	sadd.s32 $0x88, s3;
	s6 =	simm.s32 @!p1 $0x1082;
	[sflag:s4] =	ssyncset.s32 $0xFFFFF086  }
0x25: {  	[simem:s6], [sflag:s4] =	dma.local [hbm:s3], $0xF7A  }
0x26: {  	[smem:$0x3F94] =	sst s1;
	(tag) =	ssettag s2;
	_ =	strace s9  }
0x27: {  	s1 =	sld [smem:$0x3FA4]  }
0x28: {  	s2 =	sld [smem:$0x3FA5]  }
0x29: {  	s4 =	sld [smem:$0x3FA7]  }
0x2a: {  	p0 =	seq.s32 s5, $0x0;
	s5 =	sld [smem:$0x3FA8]  }
0x2b: {  	s6 =	sld [smem:$0x3FA9]  }
0x2c: {  	s7 =	sld [smem:$0x3FAA]  }
0x2d: {  	s3 =	simm.s32 $0x108;
	s8 =	sld [smem:$0x3FAB]  }
0x2e: {  	s3 =	simm.s32 @!p0 $0x1082;
	s9 =	sld [smem:$0x3FAC]  }
0x2f: {  	lr =	sadd.s32 s0, s3;
	s0 =	sld [smem:$0x3FA3]  }
0x30: {  	s3 =	sld [smem:$0x3FA6]  }
0x31: {  	[smem:$0x3FAF] =	sst s10  }
0x32: {  	s10 =	sld [smem:$0x3FAD];
	_ =	sdelay $0x3  }
0x33: {  	p0 =	seq.s32 s10, $0x1;
	s10 =	sld [smem:$0x3FAF];
	_ =	sdelay $0x3  }
0x34: {  	[smem:$0x3FAF] =	sst s10  }
0x35: {  	s10 =	sld [smem:$0x3FAE];
	_ =	sdelay $0x3  }
0x36: {  	p1 =	seq.s32 s10, $0x1;
	s10 =	sld [smem:$0x3FAF];
	_ =	sdelay $0x3  }
0x37: {  	[smem:$0x3FAF] =	sst s10  }
0x38: {  	s10 =	sld [smem:$0x3FB0]  }
0x39: {  	_ = 	snop;
	(pc) =	sbr.ind lr, $3  }
0x3a: {  	_ = 	snop  }
0x3b: {  	_ = 	snop  }
0x3c: {  	p2 =	seq.s32 s10, $0x1;
	s10 =	sld [smem:$0x3FAF]  }
0x3d: {  	_ =	shalt  }
0x3e: {  	_ =	shalt  }
0x3f: {  	_ =	shalt  }
0x40: {  	_ =	shalt  }
0x41: {  	_ =	shalt  }
0x42: {  	_ =	shalt  }
0x43: {  	_ =	shalt  }
0x44: {  	_ =	shalt  }
0x45: {  	_ =	shalt  }
0x46: {  	_ =	shalt  }
0x47: {  	_ =	shalt  }
0x48: {  	_ =	shalt  }
0x49: {  	_ =	shalt  }
0x4a: {  	_ =	shalt  }
0x4b: {  	_ =	shalt  }
0x4c: {  	_ =	shalt  }
0x4d: {  	_ =	shalt  }
0x4e: {  	_ =	shalt  }
0x4f: {  	_ =	shalt  }
0x50: {  	_ =	shalt  }
0x51: {  	_ =	shalt  }
0x52: {  	_ =	shalt  }
0x53: {  	_ =	shalt  }
0x54: {  	_ =	shalt  }
0x55: {  	_ =	shalt  }
0x56: {  	_ =	shalt  }
0x57: {  	_ =	shalt  }
0x58: {  	_ =	shalt  }
0x59: {  	_ =	shalt  }
0x5a: {  	_ =	shalt  }
0x5b: {  	_ =	shalt  }
0x5c: {  	_ =	shalt  }
0x5d: {  	_ =	shalt  }
0x5e: {  	_ =	shalt  }
0x5f: {  	_ =	shalt  }
0x60: {  	_ =	shalt  }
0x61: {  	_ =	shalt  }
0x62: {  	_ =	shalt  }
0x63: {  	_ =	shalt  }
0x64: {  	_ =	shalt  }
0x65: {  	_ =	shalt  }
0x66: {  	_ =	shalt  }
0x67: {  	_ =	shalt  }
0x68: {  	_ =	shalt  }
0x69: {  	_ =	shalt  }
0x6a: {  	_ =	shalt  }
0x6b: {  	_ =	shalt  }
0x6c: {  	_ =	shalt  }
0x6d: {  	_ =	shalt  }
0x6e: {  	_ =	shalt  }
0x6f: {  	_ =	shalt  }
0x70: {  	_ =	shalt  }
0x71: {  	_ =	shalt  }
0x72: {  	_ =	shalt  }
0x73: {  	_ =	shalt  }
0x74: {  	_ =	shalt  }
0x75: {  	_ =	shalt  }
0x76: {  	_ =	shalt  }
0x77: {  	_ =	shalt  }
0x78: {  	_ =	shalt  }
0x79: {  	_ =	shalt  }
0x7a: {  	_ =	shalt  }
0x7b: {  	_ =	shalt  }
0x7c: {  	_ =	shalt  }
0x7d: {  	_ =	shalt  }
0x7e: {  	_ =	shalt  }
0x7f: {  	_ =	shalt  }
0x80: {  	_ =	shalt  }
0x81: {  	_ =	shalt  }
0x82: {  	_ =	shalt  }
0x83: {  	_ =	shalt  }
0x84: {  	_ =	shalt  }
0x85: {  	_ =	shalt  }
0x86: {  	_ =	shalt  }
0x87: {  	_ =	shalt  }
.Lfunc_end0:
.L_simem_size_0:
called_computation.3_lowered:
.L_overlay_start_0:
0x88: {  	s2 =	sld [smem:$0x3FD9]  }
0x89: {  	s3 =	sld [smem:$0x3FFE];
	_ =	sdelay $0x1  }
0x8a: {  	s1 =	srdreg.scid  }
0x8b: {  	s0 =	sand.u32 $0x1, s1  }
0x8c: {  	s16 =	sshll.u32 s0, $0xA;
	s2 =	sadd.s32 s3, s2  }
0x8d: {  	s2 =	sadd.s32 s2, s16  }
0x8e: {  	[smem:$0x3FBB] =	sst s2  }
0x8f: {  	_ = 	snop  }
0x90: {  	(tm) =	ssettm $0x1  }
0x91: {  	s17 =	sld [smem:$0x3FFB];
	_ =	sdelay $0x3  }
0x92: {  	_ =	strace s17  }
0x93: {  	s2 =	sld [smem:$0x3FFC];
	_ =	sdelay $0x3  }
0x94: {  	_ =	strace s2  }
0x95: {  	s2 =	sld [smem:$0x3FFD];
	_ =	sdelay $0x3  }
0x96: {  	_ =	strace s2  }
0x97: {  	_ =	strace $0x8FFFFFFF  }
0x98: {  	s18 =	sld [smem:$0x3FDB];
	_ =	sdelay $0x1  }
0x99: {  	s19 =	simm.s32 $_scs_section_size  }
0x9a: {  	s4 =	simm.s32 $_size__tile_overlayer_lowered;
	s5 =	simm.s32 $_tile_overlayer_lowered  }
0x9b: {  	s22 =	simm.s32 $0x1BFF;
	s21 =	sshll.u32 s5, $0x1;
	s2 =	sadd.s32 s19, s18  }
0x9c: {  	s6 =	simm.s32 $0x0;
	s20 =	sshll.u32 s4, $0x1;
	s4 =	sadd.s32 s21, s2  }
0x9d: {  	[timem:s6], [sflag:s22] =	dma.local [hbm:s4], s20  }
0x9e: {  	_ =	swait.ge [sflag:s22], s20  }
0x9f: {  	s3 =	ssub.s32 $0x0, s20;
	[sflag:s22] =	ssyncset.done $0x0  }
0xa0: {  	[sflag:s22] =	ssyncadd.s32 s3;
	_ =	sdelay $0x1  }
0xa1: {  	s23 =	simm.s32 $0x1B8B  }
0xa2: {  	_ =	swait.ge [sflag:s23], $0x1  }
0xa3: {  	[sflag:s23] =	ssyncset.done $0x0  }
0xa4: {  	s25 =	simm.s32 $0x1B8E;
	s24 =	sld [smem:$0x3FFE];
	[sflag:s23] =	ssyncadd.s32 $0xFFFFFFFF  }
0xa5: {  	s26 =	simm.s32 $execute0_lowered;
	[smem:$0x3FD2] =	sst s25  }
0xa6: {  	s4 =	sshll.u32 s26, $0x1;
	_ =	strace $0x8000004F;
	[dreg:$0x1] =	wrdreg $0xFFFFFFFF  }
0xa7: {  	s28 =	simm.s32 $_size_execute0_lowered;
	s2 =	sadd.s32 s2, s4;
	[dreg:$0x0] =	wrdreg $0x0  }
0xa8: {  	s4 =	sshll.u32 s28, $0x1;
	[dreg:$0x2] =	wrdreg s2  }
0xa9: {  	[dreg:$0x3] =	wrdreg s4  }
0xaa: {  	[dreg:$0x4] =	wrdreg $0xC0  }
0xab: {  	_ =	task [dreg:s6], $0x5FFFF  }
0xac: {  	[dreg:$0x1] =	wrdreg $0xFFFFFFFF  }
0xad: {  	[dreg:$0x0] =	wrdreg $0x60  }
0xae: {  	[dreg:$0x2] =	wrdreg s24  }
0xaf: {  	[dreg:$0x3] =	wrdreg $0x65800  }
0xb0: {  	[dreg:$0x4] =	wrdreg $0x67F80  }
0xb1: {  	[dreg:$0x5] =	wrdreg $0x6A700  }
0xb2: {  	[dreg:$0x6] =	wrdreg $0x6CE80  }
0xb3: {  	[dreg:$0x7] =	wrdreg $0x9  }
0xb4: {  	_ =	task.clear_ibuf [dreg:s6], $0x8FFFF;
	_ =	strace $0x9000004F  }
0xb5: {  	s29 =	simm.s32 $0x9;
	_ =	strace $0x80000051  }
0xb6: {  	_ =	swait.ge [sflag:s29], $0x1  }
0xb7: {  	[sflag:s29] =	ssyncadd.s32 $0xFFFFFFFF  }
0xb8: {  	_ =	strace $0x90000051  }
0xb9: {  	_ =	sfence  }
0xba: {  	s30 =	sld [smem:$0x0];
	_ =	sdelay $0x2  }
0xbb: {  	s31 =	sshll.u32 s1, $0xD;
	s1 =	sshrl.u32 s1, $0x2  }
0xbc: {  	s3 =	sand.u32 $0x4000, s31;
	s1 =	sadd.s32 s1, s30  }
0xbd: {  	s0 =	sor.u32 s3, s0;
	s1 =	sshll.u32 s1, $0x11  }
0xbe: {  	s0 =	sor.u32 s1, s0  }
0xbf: {  	s0 =	sadd.s32 $0x8F2B, s0  }
0xc0: {  	[sflag:s0] =	ssyncadd.remote.s32 $0x1  }
0xc1: {  	_ =	sfence.sel $0xFFFF  }
0xc2: {  	[dreg:$0x0] =	wrdreg $0xFFFFFFFF;
	(pc) =	sbr.abs _section_cstart, $3  }
0xc3: {  	[dreg:$0x1] =	wrdreg $0xFFFFFFFF  }
0xc4: {  	_ =	task.clear_ibuf [dreg:s6], $0x2FFFF;
	_ =	strace $0x9FFFFFFF  }
0xc5: {  	(tm) =	ssettm $0x7FFFFFFF  }
tec
execute0_lowered:
.L_overlay_start_1:
0x0: {  	(tag) =	ssettag $0x1  }
0x1: {  	s0 =	rddreg [dreg:$0x0]  }
0x2: {  	s1 =	rddreg [dreg:$0x1]  }
0x3: {  	s2 =	rddreg [dreg:$0x2]  }
0x4: {  	s4 =	rddreg [dreg:$0x3]  }
0x5: {  	s5 =	rddreg [dreg:$0x4]  }
0x6: {  	s3 =	srdreg.scid;
	s8 =	stileid.u32  }
0x7: {  	s25 =	simm.s32 $0x0;
	s14 =	simm.s32 $0x3;
	s29 =	simm.s32 $0xA  }
0x8: {  	s31 =	simm.s32 $0x10;
	s3 =	sand.u32 $0x1, s3;
	s6 =	smul.u32 $0x278, s8  }
0x9: {  	[smem:$0x7FF] =	sst s25;
	s10 =	sadd.s32 $0x17800, s0;
	s13 =	sadd.s32 $0x18800, s0  }
0xa: {  	s7 =	sshll.u32 s3, $0x4;
	s15 =	smul.u32 $0x2780, s3;
	_ =	strace $0x80000050  }
0xb: {  	s12 =	ssub.s32 $0x2, s3;
	p0 =	sne.s32 s3, $0x0;
	s3 =	simm.s32 $0x80  }
0xc: {  	s7 =	sor.u32 s8, s7;
	s9 =	sshrl.u32 s6, $0x3;
	s16 =	sshrl.u32 s12, $0x1  }
0xd: {  	s21 =	sadd.s32 s6, s1;
	s22 =	sadd.s32 s6, s2;
	s7 =	smul.u32 $0x500, s7  }
0xe: {  	s11 =	sadd.s32 s9, s0;
	s8 =	sadd.s32 s6, s15;
	[dreg:$0xa] =	wrdreg s21  }
0xf: {  	s17 =	sadd.s32 s10, s9;
	s18 =	sadd.s32 $0x4F0, s9;
	[dreg:$0xb] =	wrdreg s22  }
0x10: {  	s9 =	sadd.s32 s13, s9;
	s21 =	simm.s32 $0x9;
	s22 =	simm.s32 $0xD  }
0x11: {  	s15 =	simm.s32 $0xB;
	s8 =	sshrl.u32 s8, $0x3;
	[dreg:$0x6] =	wrdreg s17  }
0x12: {  	s10 =	sadd.s32 s10, s18;
	s19 =	sadd.s32 $0x17200, s11;
	[dreg:$0xc] =	wrdreg s9  }
0x13: {  	s20 =	sadd.s32 $0x18200, s11;
	s23 =	sadd.s32 s13, s18;
	[dreg:$0x7] =	wrdreg s10  }
0x14: {  	s24 =	sadd.s32 $0x16C00, s11;
	s11 =	simm.s32 $0x5;
	[dreg:$0x8] =	wrdreg s19  }
0x15: {  	s13 =	simm.s32 $0x6;
	s18 =	simm.s32 $0x7;
	[dreg:$0x9] =	wrdreg s20  }
0x16: {  	s17 =	simm.s32 $0xC;
	s7 =	sadd.s32 s7, s0;
	[dreg:$0xd] =	wrdreg s23  }
0x17: {  	s0 =	sadd.s32 s8, s0;
	[dreg:$0xe] =	wrdreg s24;
	s10 =	sadd.s32 s6, s4  }
0x18: {  	s8 =	ssub.s32 s12, s16;
	s6 =	sadd.s32 s6, s5;
	[dreg:$0xf] =	wrdreg s10  }
0x19: {  	s12 =	simm.s32 $0x2;
	s26 =	sadd.s32 $0x2C00, s7;
	[dreg:$0x10] =	wrdreg s6  }
0x1a: {  	s19 =	simm.s32 $0x4;
	s7 =	sadd.s32 $0xCC00, s7;
	[dreg:$0x11] =	wrdreg s26  }
0x1b: {  	s20 =	simm.s32 $0x8;
	s28 =	sadd.s32 $0x19200, s0;
	[dreg:$0x12] =	wrdreg s7  }
0x1c: {  	s16 =	simm.s32 $0xF;
	s0 =	sadd.s32 $0x19C00, s0;
	[dreg:$0x13] =	wrdreg s28  }
0x1d: {  	s30 =	smax.u32 s8, $0x1;
	s8 =	simm.s32 $0x5F00;
	[dreg:$0x14] =	wrdreg s0  }
0x1e: {  	[dreg:$0x15] =	wrdreg s30;
	s7 =	simm.s32 $0xE;
	s0 =	simm.s32 $0x0  }
.LBB2_1:
0x1f: {  	[dreg:$0x16] =	wrdreg s0  }
0x20: {  	s28 =	rddreg [dreg:$0x6];
	s0 =	simm.s32 $0x11;
	s24 =	simm.s32 $0x5000  }
0x21: {  	[tilespmem:s24], [sflag:$0x11] =	stream.linear.gather [hbm4b:s28+s25], $0x278, $0x38;
	[tilespmem:$0x6F60] =	vst v63  }
0x22: {  	_ =	swait.ge [sflag:s0], $0x278  }
0x23: {  	[sflag:s0] =	ssyncset.done $0x0  }
0x24: {  	s23 =	simm.s32 $0x5280;
	s30 =	rddreg [dreg:$0x7];
	[sflag:s0] =	ssyncadd.s32 $0xFFFFFD88  }
0x25: {  	[tilespmem:s23], [sflag:$0x11] =	stream.linear.gather [hbm4b:s30+s25], $0x278, $0x38;
	[tilespmem:$0x6F60] =	vst v63  }
0x26: {  	_ =	swait.ge [sflag:s0], $0x278  }
0x27: {  	[sflag:s0] =	ssyncset.done $0x0  }
0x28: {  	s26 =	simm.s32 $0x5500;
	s24 =	rddreg [dreg:$0x8];
	[sflag:s0] =	ssyncadd.s32 $0xFFFFFD88  }
0x29: {  	[tilespmem:s26], [sflag:$0x11] =	stream.linear.gather [hbm4b:s24+s25], $0x278, $0x38;
	[tilespmem:$0x6F60] =	vst v63  }
0x2a: {  	_ =	swait.ge [sflag:s0], $0x278  }
0x2b: {  	[sflag:s0] =	ssyncset.done $0x0  }
0x2c: {  	s30 =	simm.s32 $0x5780;
	s28 =	rddreg [dreg:$0x9];
	[sflag:s0] =	ssyncadd.s32 $0xFFFFFD88  }
0x2d: {  	[tilespmem:s30], [sflag:$0x11] =	stream.linear.gather [hbm4b:s28+s25], $0x278, $0x38;
	[tilespmem:$0x6F60] =	vst v63  }
0x2e: {  	_ =	swait.ge [sflag:s0], $0x278  }
0x2f: {  	[sflag:s0] =	ssyncset.done $0x0  }
0x30: {  	[sflag:s0] =	ssyncadd.s32 $0xFFFFFD88  }
0x31: {  	v0 =	vld [tilespmem:$0x5780]  }
0x32: {  	v1 =	vld [tilespmem:$0x5000]  }
0x33: {  	v2 =	vld [tilespmem:$0x5280]  }
0x34: {  	v3 =	vld [tilespmem:$0x5500]  }
0x35: {  	v5 =	vld [tilespmem:$0x5790]  }
0x36: {  	v6 =	vld [tilespmem:$0x5010]  }
0x37: {  	v7 =	vld [tilespmem:$0x5290]  }
0x38: {  	v13 =	vld [tilespmem:$0x5510]  }
0x39: {  	v15 =	vld [tilespmem:$0x57A0]  }
0x3a: {  	v14 =	vld [tilespmem:$0x5020]  }
0x3b: {  	v17 =	vld [tilespmem:$0x52A0]  }
0x3c: {  	v18 =	vld [tilespmem:$0x5520]  }
0x3d: {  	v19 =	vld [tilespmem:$0x57B0]  }
0x3e: {  	v20 =	vld [tilespmem:$0x5030]  }
0x3f: {  	v21 =	vld [tilespmem:$0x52B0]  }
0x40: {  	v23 =	vld [tilespmem:$0x5530]  }
0x41: {  	v29 =	vld [tilespmem:$0x57C0]  }
0x42: {  	v24 =	vld [tilespmem:$0x5040]  }
0x43: {  	v26 =	vld [tilespmem:$0x52C0]  }
0x44: {  	v30 =	vld [tilespmem:$0x5540]  }
0x45: {  	v31 =	vld [tilespmem:$0x57D0]  }
0x46: {  	v32 =	vld [tilespmem:$0x5050]  }
0x47: {  	v33 =	vld [tilespmem:$0x52D0]  }
0x48: {  	v34 =	vld [tilespmem:$0x5550]  }
0x49: {  	v35 =	vld [tilespmem:$0x57E0]  }
0x4a: {  	v36 =	vld [tilespmem:$0x5060]  }
0x4b: {  	v37 =	vld [tilespmem:$0x52E0]  }
0x4c: {  	v38 =	vld [tilespmem:$0x5560]  }
0x4d: {  	v39 =	vld [tilespmem:$0x57F0]  }
0x4e: {  	v40 =	vld [tilespmem:$0x5070]  }
0x4f: {  	v41 =	vld [tilespmem:$0x52F0]  }
0x50: {  	v42 =	vld [tilespmem:$0x5570]  }
0x51: {  	v43 =	vld [tilespmem:$0x5800]  }
0x52: {  	v44 =	vld [tilespmem:$0x5080]  }
0x53: {  	v45 =	vld [tilespmem:$0x5300]  }
0x54: {  	v46 =	vld [tilespmem:$0x5580]  }
0x55: {  	v9 =	vld [tilespmem:$0x5810]  }
0x56: {  	v47 =	vld [tilespmem:$0x5090]  }
0x57: {  	v48 =	vld [tilespmem:$0x5310]  }
0x58: {  	v49 =	vld [tilespmem:$0x5590]  }
0x59: {  	v10 =	vld [tilespmem:$0x5820]  }
0x5a: {  	v50 =	vld [tilespmem:$0x50A0]  }
0x5b: {  	v51 =	vld [tilespmem:$0x5320]  }
0x5c: {  	v52 =	vld [tilespmem:$0x55A0]  }
0x5d: {  	v12 =	vld [tilespmem:$0x5830]  }
0x5e: {  	v53 =	vld [tilespmem:$0x50B0]  }
0x5f: {  	v54 =	vld [tilespmem:$0x5330]  }
0x60: {  	v55 =	vld [tilespmem:$0x55B0]  }
0x61: {  	v11 =	vld [tilespmem:$0x5840]  }
0x62: {  	v56 =	vld [tilespmem:$0x50C0]  }
0x63: {  	v57 =	vld [tilespmem:$0x5340]  }
0x64: {  	v58 =	vld [tilespmem:$0x55C0]  }
0x65: {  	v8 =	vld [tilespmem:$0x5850]  }
0x66: {  	v59 =	vld [tilespmem:$0x50D0]  }
0x67: {  	v60 =	vld [tilespmem:$0x5350]  }
0x68: {  	v28 =	vld [tilespmem:$0x55D0]  }
0x69: {  	v4 =	vld [tilespmem:$0x5860]  }
0x6a: {  	v25 =	vld [tilespmem:$0x50E0]  }
0x6b: {  	v27 =	vld [tilespmem:$0x5360]  }
0x6c: {  	v16 =	vld [tilespmem:$0x55E0]  }
0x6d: {  	v63 =	vld [tilespmem:$0x55F0]  }
0x6e: {  	v1 =	vadd.f32 v2, v1;
	v61 =	vadd.f32 v17, v14;
	v17 =	vld [tilespmem:$0x50F0]  }
0x6f: {  	v22 =	vadd.f32 v7, v6;
	v26 =	vadd.f32 v26, v24;
	v24 =	vld [tilespmem:$0x5390]  }
0x70: {  	v41 =	vadd.f32 v41, v40;
	v25 =	vadd.f32 v27, v25;
	v27 =	vld [tilespmem:$0x5170]  }
0x71: {  	v40 =	vadd.f32 v45, v44;
	v2 =	vadd.f32 v13, v22;
	v22 =	vld [tilespmem:$0x5370]  }
0x72: {  	v1 =	vadd.f32 v3, v1;
	v13 =	vadd.f32 v21, v20;
	v20 =	vld [tilespmem:$0x5600]  }
0x73: {  	v6 =	vadd.f32 v18, v61;
	v18 =	vld [tilespmem:$0x5100]  }
0x74: {  	v40 =	vadd.f32 v46, v40;
	v46 =	vld [tilespmem:$0x5140];
	v3 =	vmul.f32 v1, v0;
	v2 =	vmul.f32 v2, v5  }
0x75: {  	v7 =	vadd.f32 v33, v32;
	v16 =	vadd.f32 v16, v25;
	v25 =	vld [tilespmem:$0x5670];
	v6 =	vmul.f32 v6, v15  }
0x76: {  	v1 =	vld [tilespmem:$0x5870];
	v62 =	vmax.f32 v3, $0.0e+00;
	v3 =	vxor.u32 $0x80000000, v3;
	v14 =	vmax.f32 v2, $0.0e+00  }
0x77: {  	v2 =	vxor.u32 $0x80000000, v2;
	v21 =	vmax.f32 v6, $0.0e+00;
	v3 =	vmax.f32 v3, $0.0e+00;
	[tilespmem:$0x1FFF0] =	vst v20;
	v20 =	vld [tilespmem:$0x5110]  }
0x78: {  	v6 =	vxor.u32 $0x80000000, v6;
	v61 =	vmul.f32 v62, v0;
	v62 =	vmul.f32 v3, v0;
	v0 =	vld [tilespmem:$0x5880]  }
0x79: {  	[tilespmem:$0x1FFE0] =	vst v63;
	v63 =	vmul.f32 v14, v5;
	v2 =	vmax.f32 v2, $0.0e+00;
	v3 =	vadd.f32 v23, v13;
	v23 =	vld [tilespmem:$0x5380]  }
0x7a: {  	v14 =	vmul.f32 v21, v15;
	v6 =	vmax.f32 v6, $0.0e+00;
	v13 =	vmul.f32 v2, v5;
	v2 =	vld [tilespmem:$0x5890]  }
0x7b: {  	v5 =	vadd.f32 v30, v26;
	v32 =	vmul.f32 v6, v15;
	v15 =	vld [tilespmem:$0x5610];
	v30 =	vadd.f32 v37, v36  }
0x7c: {  	v7 =	vadd.f32 v34, v7;
	v26 =	vld [tilespmem:$0x53A0]  }
0x7d: {  	v3 =	vmul.f32 v3, v19;
	v6 =	vadd.f32 v38, v30;
	v30 =	vld [tilespmem:$0x5130]  }
0x7e: {  	v7 =	vmul.f32 v7, v31;
	[tilespmem:$0x5C80] =	vst v62;
	v62 =	vld [tilespmem:$0x1FFE0]  }
0x7f: {  	v17 =	vadd.f32 v22, v17;
	v21 =	vmax.f32 v3, $0.0e+00;
	v20 =	vadd.f32 v24, v20;
	v24 =	vld [tilespmem:$0x5410]  }
0x80: {  	v5 =	vmul.f32 v5, v29;
	v3 =	vxor.u32 $0x80000000, v3;
	v33 =	vmul.f32 v21, v19;
	v21 =	vld [tilespmem:$0x5120]  }
0x81: {  	v38 =	vmax.f32 v7, $0.0e+00;
	v3 =	vmax.f32 v3, $0.0e+00;
	v18 =	vadd.f32 v23, v18;
	v23 =	vld [tilespmem:$0x5680]  }
0x82: {  	v37 =	vmax.f32 v5, $0.0e+00;
	v5 =	vxor.u32 $0x80000000, v5;
	v34 =	vmul.f32 v3, v19;
	v3 =	vld [tilespmem:$0x58A0]  }
0x83: {  	v7 =	vxor.u32 $0x80000000, v7;
	v6 =	vmul.f32 v6, v35;
	v5 =	vmax.f32 v5, $0.0e+00;
	v19 =	vld [tilespmem:$0x5620]  }
0x84: {  	v7 =	vmax.f32 v7, $0.0e+00;
	v36 =	vmul.f32 v37, v29;
	v37 =	vmul.f32 v5, v29;
	v5 =	vld [tilespmem:$0x58B0]  }
0x85: {  	v38 =	vmul.f32 v38, v31;
	v29 =	vadd.f32 v42, v41;
	v41 =	vmul.f32 v7, v31;
	v42 =	vld [tilespmem:$0x53B0]  }
0x86: {  	v45 =	vmax.f32 v6, $0.0e+00;
	v6 =	vxor.u32 $0x80000000, v6;
	v7 =	vadd.f32 v48, v47;
	v47 =	vld [tilespmem:$0x53C0]  }
0x87: {  	v15 =	vadd.f32 v15, v20;
	v6 =	vmax.f32 v6, $0.0e+00;
	v31 =	vmul.f32 v29, v39;
	v29 =	vld [tilespmem:$0x5630]  }
0x88: {  	v44 =	vmul.f32 v45, v35;
	v35 =	vmul.f32 v6, v35;
	v6 =	vld [tilespmem:$0x58C0];
	v7 =	vadd.f32 v49, v7  }
0x89: {  	v16 =	vmul.f32 v16, v4;
	v49 =	vadd.f32 v51, v50;
	v51 =	vadd.f32 v54, v53;
	v54 =	vld [tilespmem:$0x53D0]  }
0x8a: {  	v40 =	vmul.f32 v40, v43;
	v17 =	vadd.f32 v62, v17;
	v53 =	vadd.f32 v57, v56;
	v56 =	vld [tilespmem:$0x5650]  }
0x8b: {  	[tilespmem:$0x5A40] =	vst v36;
	v36 =	vmax.f32 v16, $0.0e+00;
	v16 =	vxor.u32 $0x80000000, v16;
	v57 =	vadd.f32 v60, v59;
	v59 =	vld [tilespmem:$0x53E0]  }
0x8c: {  	[tilespmem:$0x5A30] =	vst v33;
	v60 =	vld [tilespmem:$0x5660];
	v33 =	vmul.f32 v36, v4;
	v16 =	vmax.f32 v16, $0.0e+00;
	v15 =	vmul.f32 v15, v2  }
0x8d: {  	[tilespmem:$0x5CC0] =	vst v37;
	v37 =	vld [tilespmem:$0x1FFF0];
	v17 =	vmul.f32 v17, v1;
	v4 =	vmul.f32 v16, v4  }
0x8e: {  	[tilespmem:$0x5CB0] =	vst v34;
	v34 =	vld [tilespmem:$0x5190];
	v48 =	vmax.f32 v31, $0.0e+00;
	v31 =	vxor.u32 $0x80000000, v31;
	v51 =	vadd.f32 v55, v51  }
0x8f: {  	v36 =	vld [tilespmem:$0x5690];
	v50 =	vmul.f32 v7, v9;
	v53 =	vadd.f32 v58, v53;
	v28 =	vadd.f32 v28, v57  }
0x90: {  	v7 =	vld [tilespmem:$0x58D0];
	v21 =	vadd.f32 v26, v21;
	v45 =	vmul.f32 v48, v39;
	v31 =	vmax.f32 v31, $0.0e+00  }
0x91: {  	[tilespmem:$0x5A50] =	vst v38;
	v58 =	vld [tilespmem:$0x5160];
	v48 =	vxor.u32 $0x80000000, v40;
	v40 =	vmax.f32 v40, $0.0e+00;
	v38 =	vxor.u32 $0x80000000, v17  }
0x92: {  	v26 =	vld [tilespmem:$0x51A0];
	v17 =	vmax.f32 v17, $0.0e+00;
	v30 =	vadd.f32 v42, v30;
	v39 =	vmul.f32 v31, v39  }
0x93: {  	[tilespmem:$0x5CE0] =	vst v35;
	v35 =	vld [tilespmem:$0x5420];
	v46 =	vadd.f32 v47, v46;
	v40 =	vmul.f32 v40, v43;
	v51 =	vmul.f32 v51, v12  }
0x94: {  	v42 =	vld [tilespmem:$0x51C0];
	v48 =	vmax.f32 v48, $0.0e+00;
	v53 =	vmul.f32 v53, v11;
	v28 =	vmul.f32 v28, v8  }
0x95: {  	v31 =	vld [tilespmem:$0x5640];
	v16 =	vmax.f32 v38, $0.0e+00;
	v17 =	vmul.f32 v17, v1;
	v19 =	vadd.f32 v19, v21  }
0x96: {  	v21 =	vld [tilespmem:$0x56A0];
	v43 =	vmul.f32 v48, v43;
	v48 =	vadd.f32 v52, v49;
	v52 =	vxor.u32 $0x80000000, v50  }
0x97: {  	v38 =	vld [tilespmem:$0x51B0];
	v50 =	vmax.f32 v50, $0.0e+00;
	v18 =	vadd.f32 v37, v18;
	v16 =	vmul.f32 v16, v1  }
0x98: {  	v49 =	vld [tilespmem:$0x5150];
	[tilespmem:$0x5A70] =	vst v45;
	v45 =	vmax.f32 v15, $0.0e+00;
	v15 =	vxor.u32 $0x80000000, v15;
	v29 =	vadd.f32 v29, v30  }
0x99: {  	[tilespmem:$0x5A00] =	vst v61;
	v1 =	vld [tilespmem:$0x5920];
	v34 =	vadd.f32 v24, v34;
	v52 =	vmax.f32 v52, $0.0e+00;
	v50 =	vmul.f32 v50, v9  }
0x9a: {  	[tilespmem:$0x5A10] =	vst v63;
	v24 =	vld [tilespmem:$0x5970];
	v61 =	vxor.u32 $0x80000000, v51;
	v51 =	vmax.f32 v51, $0.0e+00;
	v63 =	vxor.u32 $0x80000000, v53  }
0x9b: {  	[tilespmem:$0x5CF0] =	vst v39;
	v15 =	vmax.f32 v15, $0.0e+00;
	v19 =	vmul.f32 v19, v3;
	v37 =	vmul.f32 v45, v2;
	v39 =	vld [tilespmem:$0x5430]  }
0x9c: {  	[tilespmem:$0x5C90] =	vst v13;
	v45 =	vld [tilespmem:$0x56C0];
	v48 =	vmul.f32 v48, v10;
	v52 =	vmul.f32 v52, v9;
	v57 =	vmax.f32 v61, $0.0e+00  }
0x9d: {  	[tilespmem:$0x5AF0] =	vst v17;
	v17 =	vld [tilespmem:$0x56E0];
	v51 =	vmul.f32 v51, v12;
	v13 =	vmax.f32 v63, $0.0e+00;
	v18 =	vmul.f32 v18, v0  }
0x9e: {  	[tilespmem:$0x5A20] =	vst v14;
	v9 =	vld [tilespmem:$0x58E0];
	v15 =	vmul.f32 v15, v2;
	v29 =	vmul.f32 v29, v5;
	v35 =	vadd.f32 v35, v26  }
0x9f: {  	[tilespmem:$0x5CA0] =	vst v32;
	v61 =	vld [tilespmem:$0x53F0];
	v57 =	vmul.f32 v57, v12;
	v12 =	vmax.f32 v53, $0.0e+00;
	v53 =	vxor.u32 $0x80000000, v28  }
0xa0: {  	[tilespmem:$0x5CD0] =	vst v41;
	v63 =	vld [tilespmem:$0x5400];
	v47 =	vxor.u32 $0x80000000, v19;
	v19 =	vmax.f32 v19, $0.0e+00;
	v55 =	vxor.u32 $0x80000000, v48  }
0xa1: {  	[tilespmem:$0x5A60] =	vst v44;
	v2 =	vld [tilespmem:$0x5940];
	v48 =	vmax.f32 v48, $0.0e+00;
	v14 =	vmul.f32 v12, v11;
	v11 =	vmul.f32 v13, v11  }
0xa2: {  	[tilespmem:$0x5D00] =	vst v43;
	v43 =	vld [tilespmem:$0x5440];
	v13 =	vmax.f32 v28, $0.0e+00;
	v22 =	vmax.f32 v53, $0.0e+00;
	v44 =	vmax.f32 v18, $0.0e+00  }
0xa3: {  	[tilespmem:$0x5A90] =	vst v50;
	v12 =	vld [tilespmem:$0x5900];
	v18 =	vxor.u32 $0x80000000, v18;
	v30 =	vadd.f32 v31, v46;
	v19 =	vmul.f32 v19, v3  }
0xa4: {  	v28 =	vld [tilespmem:$0x5180];
	v50 =	vmax.f32 v29, $0.0e+00;
	[tilespmem:$0x5AB0] =	vst v51;
	v29 =	vxor.u32 $0x80000000, v29;
	v51 =	vadd.f32 v59, v58  }
0xa5: {  	[tilespmem:$0x5A80] =	vst v40;
	v31 =	vld [tilespmem:$0x56B0];
	v55 =	vmax.f32 v55, $0.0e+00;
	v48 =	vmul.f32 v48, v10;
	v13 =	vmul.f32 v13, v8  }
0xa6: {  	[tilespmem:$0x5D10] =	vst v52;
	v46 =	vld [tilespmem:$0x51F0];
	v22 =	vmul.f32 v22, v8;
	v18 =	vmax.f32 v18, $0.0e+00;
	v20 =	vmul.f32 v44, v0  }
0xa7: {  	v8 =	vld [tilespmem:$0x5910];
	v49 =	vadd.f32 v54, v49;
	[tilespmem:$0x5D30] =	vst v57;
	v40 =	vmul.f32 v50, v5;
	v55 =	vmul.f32 v55, v10  }
0xa8: {  	v29 =	vmax.f32 v29, $0.0e+00;
	v44 =	vld [tilespmem:$0x51D0];
	v18 =	vmul.f32 v18, v0;
	v30 =	vmul.f32 v30, v6;
	[tilespmem:$0x5AC0] =	vst v14  }
0xa9: {  	v50 =	vld [tilespmem:$0x56F0];
	v5 =	vmul.f32 v29, v5;
	[tilespmem:$0x5D40] =	vst v11;
	v41 =	vadd.f32 v56, v49;
	v56 =	vadd.f32 v60, v51  }
0xaa: {  	v10 =	vld [tilespmem:$0x58F0];
	[tilespmem:$0x5AA0] =	vst v48;
	v48 =	vmax.f32 v47, $0.0e+00;
	v57 =	vadd.f32 v61, v27;
	v47 =	vadd.f32 v36, v34  }
0xab: {  	v0 =	vld [tilespmem:$0x5930];
	[tilespmem:$0x5AD0] =	vst v13;
	v51 =	vadd.f32 v39, v38;
	v3 =	vmul.f32 v48, v3;
	v53 =	vxor.u32 $0x80000000, v30  }
0xac: {  	v14 =	vld [tilespmem:$0x5450];
	v52 =	vmax.f32 v30, $0.0e+00;
	[tilespmem:$0x5D80] =	vst v18;
	v18 =	vadd.f32 v21, v35;
	v54 =	vmax.f32 v53, $0.0e+00  }
0xad: {  	v29 =	vld [tilespmem:$0x5460];
	[tilespmem:$0x5D20] =	vst v55;
	v55 =	vmul.f32 v41, v7;
	v13 =	vmul.f32 v52, v6;
	v11 =	vadd.f32 v25, v57  }
0xae: {  	[tilespmem:$0x5B20] =	vst v19;
	v36 =	vld [tilespmem:$0x5710];
	v60 =	vmul.f32 v56, v9;
	v62 =	vadd.f32 v63, v28;
	v19 =	vadd.f32 v31, v51  }
0xaf: {  	[tilespmem:$0x5AE0] =	vst v33;
	v38 =	vld [tilespmem:$0x5220];
	v6 =	vmul.f32 v54, v6;
	v18 =	vmul.f32 v18, v1;
	v58 =	vmax.f32 v55, $0.0e+00  }
0xb0: {  	[tilespmem:$0x5B30] =	vst v40;
	v40 =	vld [tilespmem:$0x54A0];
	v59 =	vxor.u32 $0x80000000, v55;
	v61 =	vxor.u32 $0x80000000, v60;
	v63 =	vmax.f32 v60, $0.0e+00  }
0xb1: {  	[tilespmem:$0x5D60] =	vst v4;
	v48 =	vld [tilespmem:$0x5470];
	v11 =	vmul.f32 v11, v10;
	v32 =	vadd.f32 v23, v62;
	v62 =	vmul.f32 v19, v0  }
0xb2: {  	[tilespmem:$0x5D50] =	vst v22;
	v30 =	vld [tilespmem:$0x5950];
	v14 =	vadd.f32 v14, v44;
	v22 =	vmul.f32 v58, v7;
	v27 =	vmax.f32 v59, $0.0e+00  }
0xb3: {  	[tilespmem:$0x5D70] =	vst v16;
	v41 =	vld [tilespmem:$0x56D0];
	v16 =	vmul.f32 v63, v9;
	v58 =	vadd.f32 v43, v42;
	v60 =	vmax.f32 v18, $0.0e+00  }
0xb4: {  	[tilespmem:$0x5B10] =	vst v37;
	v28 =	vld [tilespmem:$0x51E0];
	v4 =	vmul.f32 v27, v7;
	v7 =	vmax.f32 v61, $0.0e+00;
	v33 =	vmax.f32 v11, $0.0e+00  }
0xb5: {  	[tilespmem:$0x5D90] =	vst v15;
	v25 =	vld [tilespmem:$0x5960];
	v11 =	vxor.u32 $0x80000000, v11;
	v61 =	vxor.u32 $0x80000000, v18;
	v34 =	vmax.f32 v62, $0.0e+00  }
0xb6: {  	[tilespmem:$0x5B00] =	vst v20;
	v53 =	vld [tilespmem:$0x5200];
	v35 =	vxor.u32 $0x80000000, v62;
	v44 =	vadd.f32 v48, v46;
	v7 =	vmul.f32 v7, v9  }
0xb7: {  	v55 =	vld [tilespmem:$0x5480];
	[tilespmem:$0x5B40] =	vst v13;
	v11 =	vmax.f32 v11, $0.0e+00;
	v9 =	vmul.f32 v32, v12;
	v20 =	vmul.f32 v33, v10  }
0xb8: {  	v13 =	vld [tilespmem:$0x5990];
	[tilespmem:$0x5DC0] =	vst v6;
	v15 =	vadd.f32 v45, v58;
	v6 =	vmax.f32 v61, $0.0e+00;
	v14 =	vadd.f32 v41, v14  }
0xb9: {  	[tilespmem:$0x5DB0] =	vst v5;
	v59 =	vld [tilespmem:$0x5700];
	v37 =	vadd.f32 v29, v28;
	v10 =	vmul.f32 v11, v10;
	v11 =	vmul.f32 v47, v8  }
0xba: {  	v63 =	vld [tilespmem:$0x5210];
	[tilespmem:$0x5DD0] =	vst v4;
	v4 =	vmul.f32 v34, v0;
	v49 =	vmax.f32 v9, $0.0e+00;
	v9 =	vxor.u32 $0x80000000, v9  }
0xbb: {  	v42 =	vld [tilespmem:$0x5720];
	v15 =	vmul.f32 v15, v2;
	[tilespmem:$0x5DE0] =	vst v7;
	v14 =	vmul.f32 v14, v30;
	v7 =	vadd.f32 v40, v38  }
0xbc: {  	[tilespmem:$0x5DA0] =	vst v3;
	v27 =	vld [tilespmem:$0x5980];
	v9 =	vmax.f32 v9, $0.0e+00;
	v52 =	vmul.f32 v49, v12;
	v54 =	vxor.u32 $0x80000000, v11  }
0xbd: {  	[tilespmem:$0x5B50] =	vst v22;
	v33 =	vld [tilespmem:$0x5490];
	v56 =	vmax.f32 v11, $0.0e+00;
	v11 =	vmul.f32 v60, v1;
	v1 =	vmul.f32 v6, v1  }
0xbe: {  	[tilespmem:$0x5B60] =	vst v16;
	v16 =	vld [tilespmem:$0x59A0];
	v6 =	vmax.f32 v35, $0.0e+00;
	v49 =	vadd.f32 v50, v44;
	v9 =	vmul.f32 v9, v12  }
0xbf: {  	v45 =	vld [tilespmem:$0x59B0];
	[tilespmem:$0x5B70] =	vst v20;
	v57 =	vmax.f32 v54, $0.0e+00;
	v5 =	vmul.f32 v56, v8;
	v0 =	vmul.f32 v6, v0  }
0xc0: {  	v61 =	vld [tilespmem:$0x5740];
	[tilespmem:$0x5DF0] =	vst v10;
	v39 =	vmax.f32 v15, $0.0e+00;
	v15 =	vxor.u32 $0x80000000, v15;
	v6 =	vadd.f32 v17, v37  }
0xc1: {  	v22 =	vld [tilespmem:$0x5250];
	[tilespmem:$0x5BB0] =	vst v4;
	v43 =	vxor.u32 $0x80000000, v14;
	v46 =	vmax.f32 v14, $0.0e+00;
	v12 =	vadd.f32 v55, v53  }
0xc2: {  	v32 =	vld [tilespmem:$0x54E0];
	v7 =	vadd.f32 v42, v7;
	v8 =	vmul.f32 v57, v8;
	v41 =	vmul.f32 v39, v2;
	[tilespmem:$0x5B80] =	vst v52  }
0xc3: {  	v47 =	vld [tilespmem:$0x5230];
	v15 =	vmax.f32 v15, $0.0e+00;
	v3 =	vmax.f32 v43, $0.0e+00;
	v48 =	vmul.f32 v46, v30;
	[tilespmem:$0x5BA0] =	vst v11  }
0xc4: {  	v34 =	vld [tilespmem:$0x5268];
	v53 =	vadd.f32 v33, v63;
	[tilespmem:$0x5E20] =	vst v1;
	v2 =	vmul.f32 v15, v2;
	v6 =	vmul.f32 v6, v25  }
0xc5: {  	v50 =	vld [tilespmem:$0x54B0];
	[tilespmem:$0x5E00] =	vst v9;
	v3 =	vmul.f32 v3, v30;
	v9 =	vmul.f32 v49, v24;
	v56 =	vadd.f32 v59, v12  }
0xc6: {  	v37 =	vld [tilespmem:$0x54E8];
	[tilespmem:$0x5B90] =	vst v5;
	v7 =	vmul.f32 v7, v16;
	v11 =	vadd.f32 v36, v53;
	v51 =	vmax.f32 v6, $0.0e+00  }
0xc7: {  	v57 =	vld [tilespmem:$0x5240];
	[tilespmem:$0x5E30] =	vst v0;
	v6 =	vxor.u32 $0x80000000, v6;
	v58 =	vmax.f32 v9, $0.0e+00;
	v9 =	vxor.u32 $0x80000000, v9  }
0xc8: {  	v59 =	vld [tilespmem:$0x54C0];
	[tilespmem:$0x5E10] =	vst v8;
	v8 =	vmul.f32 v56, v27;
	v33 =	vmax.f32 v7, $0.0e+00;
	v7 =	vxor.u32 $0x80000000, v7  }
0xc9: {  	v30 =	vld [tilespmem:$0x5260];
	[tilespmem:$0x5BC0] =	vst v41;
	v6 =	vmax.f32 v6, $0.0e+00;
	v55 =	vmul.f32 v51, v25;
	v60 =	vmax.f32 v9, $0.0e+00  }
0xca: {  	v52 =	vld [tilespmem:$0x5730];
	[tilespmem:$0x5BD0] =	vst v48;
	v4 =	vmul.f32 v58, v24;
	v11 =	vmul.f32 v11, v13;
	v35 =	vmax.f32 v7, $0.0e+00  }
0xcb: {  	v40 =	vld [tilespmem:$0x5760];
	[tilespmem:$0x5E40] =	vst v2;
	v38 =	vmul.f32 v33, v16;
	v49 =	vadd.f32 v37, v34;
	v6 =	vmul.f32 v6, v25  }
0xcc: {  	v54 =	vld [tilespmem:$0x59C0];
	[tilespmem:$0x5E50] =	vst v3;
	v0 =	vmul.f32 v60, v24;
	v63 =	vxor.u32 $0x80000000, v8;
	v23 =	vmax.f32 v8, $0.0e+00  }
0xcd: {  	v24 =	vadd.f32 v50, v47;
	v25 =	vld [tilespmem:$0x54D0];
	v2 =	vmax.f32 v63, $0.0e+00;
	v26 =	vmul.f32 v23, v27;
	[tilespmem:$0x5BE0] =	vst v55  }
0xce: {  	v44 =	vld [tilespmem:$0x59E0];
	v29 =	vxor.u32 $0x80000000, v11;
	v31 =	vadd.f32 v59, v57;
	[tilespmem:$0x5BF0] =	vst v4;
	v46 =	vadd.f32 v32, v30  }
0xcf: {  	v28 =	vld [tilespmem:$0x5750];
	v2 =	vmul.f32 v2, v27;
	v27 =	vmax.f32 v11, $0.0e+00;
	v8 =	vadd.f32 v52, v24;
	[tilespmem:$0x5E60] =	vst v6  }
0xd0: {  	v1 =	vmax.f32 v29, $0.0e+00;
	[tilespmem:$0x5E70] =	vst v0;
	v0 =	vmul.f32 v35, v16;
	v6 =	vadd.f32 v61, v31  }
0xd1: {  	[tilespmem:$0x5C20] =	vst v38;
	v5 =	vmul.f32 v27, v13;
	v51 =	vadd.f32 v40, v46;
	v36 =	vmul.f32 v8, v45  }
0xd2: {  	v62 =	vld [tilespmem:$0x59D0];
	v1 =	vmul.f32 v1, v13;
	[tilespmem:$0x5C00] =	vst v26;
	v39 =	vadd.f32 v25, v22;
	v6 =	vmul.f32 v6, v54  }
0xd3: {  	v42 =	vld [tilespmem:$0x5768];
	[tilespmem:$0x5EA0] =	vst v0;
	v0 =	vmul.f32 v51, v44;
	v41 =	vmax.f32 v36, $0.0e+00;
	v7 =	vxor.u32 $0x80000000, v36  }
0xd4: {  	[tilespmem:$0x5E80] =	vst v2;
	v2 =	vmul.f32 v41, v45;
	v43 =	vmax.f32 v7, $0.0e+00;
	v4 =	vadd.f32 v28, v39  }
0xd5: {  	v50 =	vld [tilespmem:$0x59E8];
	[tilespmem:$0x5C10] =	vst v5;
	v47 =	vmax.f32 v6, $0.0e+00;
	v48 =	vxor.u32 $0x80000000, v6;
	v58 =	vmax.f32 v0, $0.0e+00  }
0xd6: {  	[tilespmem:$0x5E90] =	vst v1;
	v0 =	vxor.u32 $0x80000000, v0;
	v45 =	vmul.f32 v43, v45;
	v52 =	vmul.f32 v47, v54  }
0xd7: {  	v3 =	vmax.f32 v48, $0.0e+00;
	v59 =	vmul.f32 v58, v44;
	v0 =	vmax.f32 v0, $0.0e+00;
	[tilespmem:$0x5C30] =	vst v2  }
0xd8: {  	v4 =	vmul.f32 v4, v62;
	v53 =	vmul.f32 v3, v54;
	v54 =	vadd.f32 v42, v49;
	[tilespmem:$0x5EB0] =	vst v45  }
0xd9: {  	v0 =	vmul.f32 v0, v44;
	[tilespmem:$0x5C40] =	vst v52  }
0xda: {  	[tilespmem:$0x5C60] =	vst v59;
	v55 =	vxor.u32 $0x80000000, v4;
	v56 =	vmax.f32 v4, $0.0e+00;
	v3 =	vmul.f32 v54, v50  }
0xdb: {  	[tilespmem:$0x5EC0] =	vst v53;
	v57 =	vmax.f32 v55, $0.0e+00;
	v1 =	vmul.f32 v56, v62  }
0xdc: {  	[tilespmem:$0x5EE0] =	vst v0;
	v4 =	vmul.f32 v57, v62;
	v60 =	vmax.f32 v3, $0.0e+00;
	v3 =	vxor.u32 $0x80000000, v3  }
0xdd: {  	[tilespmem:$0x5C50] =	vst v1;
	v61 =	vmul.f32 v60, v50;
	v62 =	vmax.f32 v3, $0.0e+00  }
0xde: {  	[tilespmem:$0x5ED0] =	vst v4;
	v63 =	vmul.f32 v62, v50  }
0xdf: {  	[tilespmem:$0x5C68] =	vst v61  }
0xe0: {  	s24 =	simm.s32 $0x5A00;
	s23 =	rddreg [dreg:$0xa];
	[tilespmem:$0x5EE8] =	vst v63  }
0xe1: {  	[spmem:s23] =	stream.linear.scatter [tilespmem:s24], [sflag:$0x11], $0x278, $0x38;
	[tilespmem:$0x6F60] =	vst v63  }
0xe2: {  	_ =	swait.ge [sflag:s0], $0x278  }
0xe3: {  	[sflag:s0] =	ssyncset.done $0x0  }
0xe4: {  	s28 =	simm.s32 $0x5C80;
	s26 =	rddreg [dreg:$0xb];
	[sflag:s0] =	ssyncadd.s32 $0xFFFFFD88  }
0xe5: {  	[spmem:s26] =	stream.linear.scatter [tilespmem:s28], [sflag:$0x11], $0x278, $0x38;
	[tilespmem:$0x6F60] =	vst v63  }
0xe6: {  	_ =	swait.ge [sflag:s0], $0x278  }
0xe7: {  	s9 =	smov.u32 s6;
	s24 =	simm.s32 @!p0 $0x5A00;
	[sflag:s0] =	ssyncset.done $0x0  }
0xe8: {  	s26 =	simm.s32 @!p0 $0x0;
	s6 =	rddreg [dreg:$0xc];
	[sflag:s0] =	ssyncadd.s32 $0xFFFFFD88  }
0xe9: {  	[hbm4b:s6+s26] =	stream.linear.scatter @!p0 [tilespmem:s24], [sflag:$0x11], $0x278, $0x38;
	[tilespmem:$0x6F60] =	vst v63  }
0xea: {  	s24 =	simm.s32 @!p0 $0x11  }
0xeb: {  	_ =	swait.ge @!p0 [sflag:s24], $0x278  }
0xec: {  	[sflag:s24] =	ssyncset.done @!p0 $0x0  }
0xed: {  	s6 =	simm.s32 @!p0 $0x5C80;
	s23 =	rddreg [dreg:$0xd];
	[sflag:s24] =	ssyncadd.s32 @!p0 $0xFFFFFD88  }
0xee: {  	[hbm4b:s23+s26] =	stream.linear.scatter @!p0 [tilespmem:s6], [sflag:$0x11], $0x278, $0x38;
	[tilespmem:$0x6F60] =	vst v63  }
0xef: {  	_ =	swait.ge @!p0 [sflag:s24], $0x278  }
0xf0: {  	[sflag:s24] =	ssyncset.done @!p0 $0x0  }
0xf1: {  	s30 =	rddreg [dreg:$0xe];
	[sflag:s24] =	ssyncadd.s32 @!p0 $0xFFFFFD88  }
0xf2: {  	[tilespmem:s8], [sflag:$0x11] =	stream.linear.gather [hbm4b:s30+s25], $0x278, $0x38;
	[tilespmem:$0x6F60] =	vst v63  }
0xf3: {  	_ =	swait.ge [sflag:s0], $0x278  }
0xf4: {  	[sflag:s0] =	ssyncset.done $0x0  }
0xf5: {  	[sflag:s0] =	ssyncadd.s32 $0xFFFFFD88  }
0xf6: {  	[spmem:s10] =	stream.linear.scatter [tilespmem:s8], [sflag:$0x11], $0x278, $0x38;
	[tilespmem:$0x6F60] =	vst v63  }
0xf7: {  	_ =	swait.ge [sflag:s0], $0x278  }
0xf8: {  	[sflag:s0] =	ssyncset.done $0x0  }
0xf9: {  	[sflag:s0] =	ssyncadd.s32 $0xFFFFFD88  }
0xfa: {  	[tilespmem:s8], [sflag:$0x11] =	stream.linear.gather [hbm4b:s30+s25], $0x278, $0x38;
	[tilespmem:$0x6F60] =	vst v63  }
0xfb: {  	_ =	swait.ge [sflag:s0], $0x278  }
0xfc: {  	[sflag:s0] =	ssyncset.done $0x0  }
0xfd: {  	[sflag:s0] =	ssyncadd.s32 $0xFFFFFD88  }
0xfe: {  	[spmem:s9] =	stream.linear.scatter [tilespmem:s8], [sflag:$0x11], $0x278, $0x38;
	[tilespmem:$0x6F60] =	vst v63  }
0xff: {  	_ =	swait.ge [sflag:s0], $0x278  }
0x100: {  	[sflag:s0] =	ssyncset.done $0x0  }
0x101: {  	s10 =	rddreg [dreg:$0x11];
	[sflag:s0] =	ssyncadd.s32 $0xFFFFFD88  }
0x102: {  	[tilespmem:s25], [sflag:$0x11] =	stream.linear.gather [hbm4b:s10+s25], $0x2800, $0x38;
	[tilespmem:$0x6F60] =	vst v63  }
0x103: {  	_ =	swait.ge [sflag:s0], $0x2800  }
0x104: {  	[sflag:s0] =	ssyncset.done $0x0  }
0x105: {  	s24 =	simm.s32 $0x2800;
	s23 =	rddreg [dreg:$0x12];
	[sflag:s0] =	ssyncadd.s32 $0xFFFFD800  }
0x106: {  	[tilespmem:s24], [sflag:$0x11] =	stream.linear.gather [hbm4b:s23+s25], $0x2800, $0x38;
	[tilespmem:$0x6F60] =	vst v63  }
0x107: {  	_ =	swait.ge [sflag:s0], $0x2800  }
0x108: {  	[sflag:s0] =	ssyncset.done $0x0  }
0x109: {  	[sflag:s0] =	ssyncadd.s32 $0xFFFFD800  }
0x10a: {  	s23 =	simm.s32 $0x6180;
	[bflag:$0x0] =	sbarrier.arrive $0xFFFF  }
0x10b: {  	[tilespmem:s23], [sflag:$0x1] =	stream.indirect.gather [spmem:s1], $0x1, s25, s3, $0xb8;
	[tilespmem:$0x6F60] =	vst v63  }
0x10c: {  	s24 =	simm.s32 $0x6380  }
0x10d: {  	[tilespmem:s24], [sflag:$0x5] =	stream.indirect.gather [spmem:s2], $0x1, s25, s3, $0xb8;
	[tilespmem:$0x6F60] =	vst v63  }
0x10e: {  	s25 =	simm.s32 $0x6200  }
0x10f: {  	[tilespmem:s25], [sflag:$0x2] =	stream.indirect.gather [spmem:s1], $0x1, s3, s3, $0xb8;
	[tilespmem:$0x6F60] =	vst v63  }
0x110: {  	s0 =	simm.s32 $0x6400  }
0x111: {  	[tilespmem:s0], [sflag:$0x6] =	stream.indirect.gather [spmem:s2], $0x1, s3, s3, $0xb8;
	[tilespmem:$0x6F60] =	vst v63  }
0x112: {  	s26 =	simm.s32 $0x100;
	s8 =	simm.s32 $0x6280  }
0x113: {  	[tilespmem:s8], [sflag:$0x3] =	stream.indirect.gather [spmem:s1], $0x1, s26, s3, $0xb8;
	[tilespmem:$0x6F60] =	vst v63  }
0x114: {  	s9 =	simm.s32 $0x6480  }
0x115: {  	[tilespmem:s9], [sflag:$0x7] =	stream.indirect.gather [spmem:s2], $0x1, s26, s3, $0xb8;
	[tilespmem:$0x6F60] =	vst v63  }
0x116: {  	s28 =	simm.s32 $0x180;
	s26 =	simm.s32 $0x6300  }
0x117: {  	[tilespmem:s26], [sflag:$0x4] =	stream.indirect.gather [spmem:s1], $0x1, s28, s3, $0xb8;
	[tilespmem:$0x6F60] =	vst v63  }
0x118: {  	s30 =	simm.s32 $0x1;
	s10 =	simm.s32 $0x6500  }
0x119: {  	[tilespmem:s10], [sflag:$0x8] =	stream.indirect.gather [spmem:s2], $0x1, s28, s3, $0xb8;
	[tilespmem:$0x6F60] =	vst v63  }
0x11a: {  	_ =	swait.ge [sflag:s30], $0x80  }
0x11b: {  	[sflag:s30] =	ssyncset.done $0x0  }
0x11c: {  	s28 =	simm.s32 $0x2800;
	[sflag:s30] =	ssyncadd.s32 $0xFFFFFF80  }
0x11d: {  	[spmem:s4] =	stream.indirect.scatter.add.f32 [tilespmem:s23], [sflag:$0x9], $0x1, s28, s3, $0xb8;
	[tilespmem:$0x6F60] =	vst v63  }
0x11e: {  	_ =	swait.ge [sflag:s11], $0x80  }
0x11f: {  	[sflag:s11] =	ssyncset.done $0x0  }
0x120: {  	[sflag:s11] =	ssyncadd.s32 $0xFFFFFF80  }
0x121: {  	[spmem:s5] =	stream.indirect.scatter.add.f32 [tilespmem:s24], [sflag:$0xD], $0x1, s28, s3, $0xb8;
	[tilespmem:$0x6F60] =	vst v63  }
0x122: {  	_ =	swait.ge [sflag:s12], $0x80  }
0x123: {  	[sflag:s12] =	ssyncset.done $0x0  }
0x124: {  	s30 =	simm.s32 $0x2880;
	[sflag:s12] =	ssyncadd.s32 $0xFFFFFF80  }
0x125: {  	[spmem:s4] =	stream.indirect.scatter.add.f32 [tilespmem:s25], [sflag:$0xA], $0x1, s30, s3, $0xb8;
	[tilespmem:$0x6F60] =	vst v63  }
0x126: {  	_ =	swait.ge [sflag:s13], $0x80  }
0x127: {  	[sflag:s13] =	ssyncset.done $0x0  }
0x128: {  	[sflag:s13] =	ssyncadd.s32 $0xFFFFFF80  }
0x129: {  	[spmem:s5] =	stream.indirect.scatter.add.f32 [tilespmem:s0], [sflag:$0xE], $0x1, s30, s3, $0xb8;
	[tilespmem:$0x6F60] =	vst v63  }
0x12a: {  	_ =	swait.ge [sflag:s14], $0x80  }
0x12b: {  	[sflag:s14] =	ssyncset.done $0x0  }
0x12c: {  	s28 =	simm.s32 $0x2900;
	[sflag:s14] =	ssyncadd.s32 $0xFFFFFF80  }
0x12d: {  	[spmem:s4] =	stream.indirect.scatter.add.f32 [tilespmem:s8], [sflag:$0xB], $0x1, s28, s3, $0xb8;
	[tilespmem:$0x6F60] =	vst v63  }
0x12e: {  	_ =	swait.ge [sflag:s18], $0x80  }
0x12f: {  	[sflag:s18] =	ssyncset.done $0x0  }
0x130: {  	[sflag:s18] =	ssyncadd.s32 $0xFFFFFF80  }
0x131: {  	[spmem:s5] =	stream.indirect.scatter.add.f32 [tilespmem:s9], [sflag:$0xF], $0x1, s28, s3, $0xb8;
	[tilespmem:$0x6F60] =	vst v63  }
0x132: {  	_ =	swait.ge [sflag:s19], $0x80  }
0x133: {  	[sflag:s19] =	ssyncset.done $0x0  }
0x134: {  	s30 =	simm.s32 $0x2980;
	[sflag:s19] =	ssyncadd.s32 $0xFFFFFF80  }
0x135: {  	[spmem:s4] =	stream.indirect.scatter.add.f32 [tilespmem:s26], [sflag:$0xC], $0x1, s30, s3, $0xb8;
	[tilespmem:$0x6F60] =	vst v63  }
0x136: {  	_ =	swait.ge [sflag:s20], $0x80  }
0x137: {  	[sflag:s20] =	ssyncset.done $0x0  }
0x138: {  	[sflag:s20] =	ssyncadd.s32 $0xFFFFFF80  }
0x139: {  	[spmem:s5] =	stream.indirect.scatter.add.f32 [tilespmem:s10], [sflag:$0x10], $0x1, s30, s3, $0xb8;
	[tilespmem:$0x6F60] =	vst v63  }
0x13a: {  	_ =	swait.ge [sflag:s21], $0x80  }
0x13b: {  	[sflag:s21] =	ssyncset.done $0x0  }
0x13c: {  	s10 =	simm.s32 $0x200;
	[sflag:s21] =	ssyncadd.s32 $0xFFFFFF80  }
0x13d: {  	[tilespmem:s23], [sflag:$0x1] =	stream.indirect.gather [spmem:s1], $0x1, s10, s3, $0xb8;
	[tilespmem:$0x6F60] =	vst v63  }
0x13e: {  	_ =	swait.ge [sflag:s22], $0x80  }
0x13f: {  	[sflag:s22] =	ssyncset.done $0x0  }
0x140: {  	[sflag:s22] =	ssyncadd.s32 $0xFFFFFF80  }
0x141: {  	[tilespmem:s24], [sflag:$0x5] =	stream.indirect.gather [spmem:s2], $0x1, s10, s3, $0xb8;
	[tilespmem:$0x6F60] =	vst v63  }
0x142: {  	_ =	swait.ge [sflag:s29], $0x80  }
0x143: {  	[sflag:s29] =	ssyncset.done $0x0  }
0x144: {  	s28 =	simm.s32 $0x280;
	[sflag:s29] =	ssyncadd.s32 $0xFFFFFF80  }
0x145: {  	[tilespmem:s25], [sflag:$0x2] =	stream.indirect.gather [spmem:s1], $0x1, s28, s3, $0xb8;
	[tilespmem:$0x6F60] =	vst v63  }
0x146: {  	_ =	swait.ge [sflag:s7], $0x80  }
0x147: {  	[sflag:s7] =	ssyncset.done $0x0  }
0x148: {  	[sflag:s7] =	ssyncadd.s32 $0xFFFFFF80  }
0x149: {  	[tilespmem:s0], [sflag:$0x6] =	stream.indirect.gather [spmem:s2], $0x1, s28, s3, $0xb8;
	[tilespmem:$0x6F60] =	vst v63  }
0x14a: {  	_ =	swait.ge [sflag:s15], $0x80  }
0x14b: {  	[sflag:s15] =	ssyncset.done $0x0  }
0x14c: {  	s30 =	simm.s32 $0x300;
	[sflag:s15] =	ssyncadd.s32 $0xFFFFFF80  }
0x14d: {  	[tilespmem:s8], [sflag:$0x3] =	stream.indirect.gather [spmem:s1], $0x1, s30, s3, $0xb8;
	[tilespmem:$0x6F60] =	vst v63  }
0x14e: {  	_ =	swait.ge [sflag:s16], $0x80  }
0x14f: {  	[sflag:s16] =	ssyncset.done $0x0  }
0x150: {  	[sflag:s16] =	ssyncadd.s32 $0xFFFFFF80  }
0x151: {  	[tilespmem:s9], [sflag:$0x7] =	stream.indirect.gather [spmem:s2], $0x1, s30, s3, $0xb8;
	[tilespmem:$0x6F60] =	vst v63  }
0x152: {  	_ =	swait.ge [sflag:s17], $0x80  }
0x153: {  	[sflag:s17] =	ssyncset.done $0x0  }
0x154: {  	s24 =	simm.s32 $0x380;
	[sflag:s17] =	ssyncadd.s32 $0xFFFFFF80  }
0x155: {  	[tilespmem:s26], [sflag:$0x4] =	stream.indirect.gather [spmem:s1], $0x1, s24, s3, $0xb8;
	[tilespmem:$0x6F60] =	vst v63  }
0x156: {  	_ =	swait.ge [sflag:s31], $0x80  }
0x157: {  	[sflag:s31] =	ssyncset.done $0x0  }
0x158: {  	s6 =	simm.s32 $0x800;
	[sflag:s31] =	ssyncadd.s32 $0xFFFFFF80  }
.LBB2_2:
0x159: {  	s26 =	simm.s32 $0x6500  }
0x15a: {  	[tilespmem:s26], [sflag:$0x8] =	stream.indirect.gather [spmem:s2], $0x1, s24, s3, $0xb8;
	[tilespmem:$0x6F60] =	vst v63  }
0x15b: {  	s0 =	simm.s32 $0x1;
	s24 =	smov.u32 s6  }
0x15c: {  	p1 =	sne.s32 s6, $0x9000;
	s6 =	sadd.s32 $0x800, s6;
	_ =	swait.ge [sflag:s0], $0x80  }
0x15d: {  	s24 =	sshra.s32 s24, $0x2;
	[sflag:s0] =	ssyncset.done $0x0  }
0x15e: {  	s25 =	simm.s32 $0x6180;
	s23 =	sadd.s32 $0x2800, s24;
	[sflag:s0] =	ssyncadd.s32 $0xFFFFFF80  }
0x15f: {  	[spmem:s4] =	stream.indirect.scatter.add.f32 [tilespmem:s25], [sflag:$0x9], $0x1, s23, s3, $0xb8;
	[tilespmem:$0x6F60] =	vst v63  }
0x160: {  	_ =	swait.ge [sflag:s11], $0x80  }
0x161: {  	[sflag:s11] =	ssyncset.done $0x0  }
0x162: {  	s28 =	simm.s32 $0x6380;
	[sflag:s11] =	ssyncadd.s32 $0xFFFFFF80  }
0x163: {  	[spmem:s5] =	stream.indirect.scatter.add.f32 [tilespmem:s28], [sflag:$0xD], $0x1, s23, s3, $0xb8;
	[tilespmem:$0x6F60] =	vst v63  }
0x164: {  	_ =	swait.ge [sflag:s12], $0x80  }
0x165: {  	[sflag:s12] =	ssyncset.done $0x0  }
0x166: {  	s30 =	simm.s32 $0x6200;
	s23 =	sadd.s32 $0x2880, s24;
	[sflag:s12] =	ssyncadd.s32 $0xFFFFFF80  }
0x167: {  	[spmem:s4] =	stream.indirect.scatter.add.f32 [tilespmem:s30], [sflag:$0xA], $0x1, s23, s3, $0xb8;
	[tilespmem:$0x6F60] =	vst v63  }
0x168: {  	_ =	swait.ge [sflag:s13], $0x80  }
0x169: {  	[sflag:s13] =	ssyncset.done $0x0  }
0x16a: {  	s0 =	simm.s32 $0x6400;
	[sflag:s13] =	ssyncadd.s32 $0xFFFFFF80  }
0x16b: {  	[spmem:s5] =	stream.indirect.scatter.add.f32 [tilespmem:s0], [sflag:$0xE], $0x1, s23, s3, $0xb8;
	[tilespmem:$0x6F60] =	vst v63  }
0x16c: {  	_ =	swait.ge [sflag:s14], $0x80  }
0x16d: {  	[sflag:s14] =	ssyncset.done $0x0  }
0x16e: {  	s8 =	simm.s32 $0x6280;
	s23 =	sadd.s32 $0x2900, s24;
	[sflag:s14] =	ssyncadd.s32 $0xFFFFFF80  }
0x16f: {  	[spmem:s4] =	stream.indirect.scatter.add.f32 [tilespmem:s8], [sflag:$0xB], $0x1, s23, s3, $0xb8;
	[tilespmem:$0x6F60] =	vst v63  }
0x170: {  	_ =	swait.ge [sflag:s18], $0x80  }
0x171: {  	[sflag:s18] =	ssyncset.done $0x0  }
0x172: {  	s9 =	simm.s32 $0x6480;
	[sflag:s18] =	ssyncadd.s32 $0xFFFFFF80  }
0x173: {  	[spmem:s5] =	stream.indirect.scatter.add.f32 [tilespmem:s9], [sflag:$0xF], $0x1, s23, s3, $0xb8;
	[tilespmem:$0x6F60] =	vst v63  }
0x174: {  	_ =	swait.ge [sflag:s19], $0x80  }
0x175: {  	[sflag:s19] =	ssyncset.done $0x0  }
0x176: {  	s10 =	simm.s32 $0x6300;
	s23 =	sadd.s32 $0x2980, s24;
	[sflag:s19] =	ssyncadd.s32 $0xFFFFFF80  }
0x177: {  	[spmem:s4] =	stream.indirect.scatter.add.f32 [tilespmem:s10], [sflag:$0xC], $0x1, s23, s3, $0xb8;
	[tilespmem:$0x6F60] =	vst v63  }
0x178: {  	_ =	swait.ge [sflag:s20], $0x80  }
0x179: {  	[sflag:s20] =	ssyncset.done $0x0  }
0x17a: {  	[sflag:s20] =	ssyncadd.s32 $0xFFFFFF80  }
0x17b: {  	[spmem:s5] =	stream.indirect.scatter.add.f32 [tilespmem:s26], [sflag:$0x10], $0x1, s23, s3, $0xb8;
	[tilespmem:$0x6F60] =	vst v63  }
0x17c: {  	_ =	swait.ge [sflag:s21], $0x80  }
0x17d: {  	[sflag:s21] =	ssyncset.done $0x0  }
0x17e: {  	s23 =	sadd.s32 $0x200, s24;
	s26 =	simm.s32 $0x6180;
	[sflag:s21] =	ssyncadd.s32 $0xFFFFFF80  }
0x17f: {  	[tilespmem:s25], [sflag:$0x1] =	stream.indirect.gather [spmem:s1], $0x1, s23, s3, $0xb8;
	[tilespmem:$0x6F60] =	vst v63  }
0x180: {  	_ =	swait.ge [sflag:s22], $0x80  }
0x181: {  	[sflag:s22] =	ssyncset.done $0x0  }
0x182: {  	s25 =	simm.s32 $0x6380;
	[sflag:s22] =	ssyncadd.s32 $0xFFFFFF80  }
0x183: {  	[tilespmem:s28], [sflag:$0x5] =	stream.indirect.gather [spmem:s2], $0x1, s23, s3, $0xb8;
	[tilespmem:$0x6F60] =	vst v63  }
0x184: {  	_ =	swait.ge [sflag:s29], $0x80  }
0x185: {  	[sflag:s29] =	ssyncset.done $0x0  }
0x186: {  	s23 =	sadd.s32 $0x280, s24;
	s28 =	simm.s32 $0x6200;
	[sflag:s29] =	ssyncadd.s32 $0xFFFFFF80  }
0x187: {  	[tilespmem:s30], [sflag:$0x2] =	stream.indirect.gather [spmem:s1], $0x1, s23, s3, $0xb8;
	[tilespmem:$0x6F60] =	vst v63  }
0x188: {  	_ =	swait.ge [sflag:s7], $0x80  }
0x189: {  	[sflag:s7] =	ssyncset.done $0x0  }
0x18a: {  	s30 =	simm.s32 $0x6400;
	[sflag:s7] =	ssyncadd.s32 $0xFFFFFF80  }
0x18b: {  	[tilespmem:s0], [sflag:$0x6] =	stream.indirect.gather [spmem:s2], $0x1, s23, s3, $0xb8;
	[tilespmem:$0x6F60] =	vst v63  }
0x18c: {  	_ =	swait.ge [sflag:s15], $0x80  }
0x18d: {  	[sflag:s15] =	ssyncset.done $0x0  }
0x18e: {  	s23 =	sadd.s32 $0x300, s24;
	s0 =	simm.s32 $0x6280;
	[sflag:s15] =	ssyncadd.s32 $0xFFFFFF80  }
0x18f: {  	[tilespmem:s8], [sflag:$0x3] =	stream.indirect.gather [spmem:s1], $0x1, s23, s3, $0xb8;
	[tilespmem:$0x6F60] =	vst v63  }
0x190: {  	_ =	swait.ge [sflag:s16], $0x80  }
0x191: {  	[sflag:s16] =	ssyncset.done $0x0  }
0x192: {  	s8 =	simm.s32 $0x6480;
	[sflag:s16] =	ssyncadd.s32 $0xFFFFFF80  }
0x193: {  	[tilespmem:s9], [sflag:$0x7] =	stream.indirect.gather [spmem:s2], $0x1, s23, s3, $0xb8;
	[tilespmem:$0x6F60] =	vst v63  }
0x194: {  	_ =	swait.ge [sflag:s17], $0x80  }
0x195: {  	s24 =	sadd.s32 $0x380, s24;
	[sflag:s17] =	ssyncset.done $0x0  }
.Ltmp0:
0x196: {  	s9 =	simm.s32 $0x6300;
	[sflag:s17] =	ssyncadd.s32 $0xFFFFFF80;
	(pc) =	sbr.rel @p1 .LBB2_2-.Ltmp0, $4  }
0x197: {  	[tilespmem:s10], [sflag:$0x4] =	stream.indirect.gather [spmem:s1], $0x1, s24, s3, $0xb8;
	[tilespmem:$0x6F60] =	vst v63  }
0x198: {  	_ =	swait.ge [sflag:s31], $0x80  }
0x199: {  	[sflag:s31] =	ssyncset.done $0x0  }
0x19a: {  	[sflag:s31] =	ssyncadd.s32 $0xFFFFFF80  }
0x19b: {  	s6 =	simm.s32 $0x6500;
	s10 =	simm.s32 $0x1  }
0x19c: {  	[tilespmem:s6], [sflag:$0x8] =	stream.indirect.gather [spmem:s2], $0x1, s24, s3, $0xb8;
	[tilespmem:$0x6F60] =	vst v63  }
0x19d: {  	_ =	swait.ge [sflag:s10], $0x80  }
0x19e: {  	[sflag:s10] =	ssyncset.done $0x0  }
0x19f: {  	s23 =	simm.s32 $0x11;
	s24 =	simm.s32 $0x4E00;
	[sflag:s10] =	ssyncadd.s32 $0xFFFFFF80  }
0x1a0: {  	[spmem:s4] =	stream.indirect.scatter.add.f32 [tilespmem:s26], [sflag:$0x11], $0x1, s24, s3, $0xb8;
	[tilespmem:$0x6F60] =	vst v63  }
0x1a1: {  	_ =	swait.ge [sflag:s23], $0x80  }
0x1a2: {  	[sflag:s23] =	ssyncset.done $0x0  }
0x1a3: {  	[sflag:s23] =	ssyncadd.s32 $0xFFFFFF80  }
0x1a4: {  	_ =	swait.ge [sflag:s11], $0x80  }
0x1a5: {  	[sflag:s11] =	ssyncset.done $0x0  }
0x1a6: {  	[sflag:s11] =	ssyncadd.s32 $0xFFFFFF80  }
0x1a7: {  	[spmem:s5] =	stream.indirect.scatter.add.f32 [tilespmem:s25], [sflag:$0x11], $0x1, s24, s3, $0xb8;
	[tilespmem:$0x6F60] =	vst v63  }
0x1a8: {  	_ =	swait.ge [sflag:s23], $0x80  }
0x1a9: {  	[sflag:s23] =	ssyncset.done $0x0  }
0x1aa: {  	[sflag:s23] =	ssyncadd.s32 $0xFFFFFF80  }
0x1ab: {  	_ =	swait.ge [sflag:s12], $0x80  }
0x1ac: {  	[sflag:s12] =	ssyncset.done $0x0  }
0x1ad: {  	s26 =	simm.s32 $0x4E80;
	[sflag:s12] =	ssyncadd.s32 $0xFFFFFF80  }
0x1ae: {  	[spmem:s4] =	stream.indirect.scatter.add.f32 [tilespmem:s28], [sflag:$0x11], $0x1, s26, s3, $0xb8;
	[tilespmem:$0x6F60] =	vst v63  }
0x1af: {  	_ =	swait.ge [sflag:s23], $0x80  }
0x1b0: {  	[sflag:s23] =	ssyncset.done $0x0  }
0x1b1: {  	[sflag:s23] =	ssyncadd.s32 $0xFFFFFF80  }
0x1b2: {  	_ =	swait.ge [sflag:s13], $0x80  }
0x1b3: {  	[sflag:s13] =	ssyncset.done $0x0  }
0x1b4: {  	[sflag:s13] =	ssyncadd.s32 $0xFFFFFF80  }
0x1b5: {  	[spmem:s5] =	stream.indirect.scatter.add.f32 [tilespmem:s30], [sflag:$0x11], $0x1, s26, s3, $0xb8;
	[tilespmem:$0x6F60] =	vst v63  }
0x1b6: {  	_ =	swait.ge [sflag:s23], $0x80  }
0x1b7: {  	[sflag:s23] =	ssyncset.done $0x0  }
0x1b8: {  	[sflag:s23] =	ssyncadd.s32 $0xFFFFFF80  }
0x1b9: {  	_ =	swait.ge [sflag:s14], $0x80  }
0x1ba: {  	[sflag:s14] =	ssyncset.done $0x0  }
0x1bb: {  	s28 =	simm.s32 $0x4F00;
	[sflag:s14] =	ssyncadd.s32 $0xFFFFFF80  }
0x1bc: {  	[spmem:s4] =	stream.indirect.scatter.add.f32 [tilespmem:s0], [sflag:$0x11], $0x1, s28, s3, $0xb8;
	[tilespmem:$0x6F60] =	vst v63  }
0x1bd: {  	_ =	swait.ge [sflag:s23], $0x80  }
0x1be: {  	[sflag:s23] =	ssyncset.done $0x0  }
0x1bf: {  	[sflag:s23] =	ssyncadd.s32 $0xFFFFFF80  }
0x1c0: {  	_ =	swait.ge [sflag:s18], $0x80  }
0x1c1: {  	[sflag:s18] =	ssyncset.done $0x0  }
0x1c2: {  	[sflag:s18] =	ssyncadd.s32 $0xFFFFFF80  }
0x1c3: {  	[spmem:s5] =	stream.indirect.scatter.add.f32 [tilespmem:s8], [sflag:$0x11], $0x1, s28, s3, $0xb8;
	[tilespmem:$0x6F60] =	vst v63  }
0x1c4: {  	_ =	swait.ge [sflag:s23], $0x80  }
0x1c5: {  	[sflag:s23] =	ssyncset.done $0x0  }
0x1c6: {  	[sflag:s23] =	ssyncadd.s32 $0xFFFFFF80  }
0x1c7: {  	_ =	swait.ge [sflag:s19], $0x80  }
0x1c8: {  	[sflag:s19] =	ssyncset.done $0x0  }
0x1c9: {  	s30 =	simm.s32 $0x4F80;
	[sflag:s19] =	ssyncadd.s32 $0xFFFFFF80  }
0x1ca: {  	[spmem:s4] =	stream.indirect.scatter.add.f32 [tilespmem:s9], [sflag:$0x11], $0x1, s30, s3, $0xb8;
	[tilespmem:$0x6F60] =	vst v63  }
0x1cb: {  	_ =	swait.ge [sflag:s23], $0x80  }
0x1cc: {  	[sflag:s23] =	ssyncset.done $0x0  }
0x1cd: {  	[sflag:s23] =	ssyncadd.s32 $0xFFFFFF80  }
0x1ce: {  	_ =	swait.ge [sflag:s20], $0x80  }
0x1cf: {  	[sflag:s20] =	ssyncset.done $0x0  }
0x1d0: {  	[sflag:s20] =	ssyncadd.s32 $0xFFFFFF80  }
0x1d1: {  	[spmem:s5] =	stream.indirect.scatter.add.f32 [tilespmem:s6], [sflag:$0x11], $0x1, s30, s3, $0xb8;
	[tilespmem:$0x6F60] =	vst v63  }
0x1d2: {  	_ =	swait.ge [sflag:s23], $0x80  }
0x1d3: {  	[sflag:s23] =	ssyncset.done $0x0  }
0x1d4: {  	[sflag:s23] =	ssyncadd.s32 $0xFFFFFF80  }
0x1d5: {  	[bflag:$0x0] =	sbarrier.arrive $0xFFFF  }
0x1d6: {  	s8 =	simm.s32 $0x5F00;
	s10 =	rddreg [dreg:$0xf]  }
0x1d7: {  	[tilespmem:s8], [sflag:$0x11] =	stream.linear.gather [spmem:s10], $0x278, $0x38;
	[tilespmem:$0x6F60] =	vst v63  }
0x1d8: {  	_ =	swait.ge [sflag:s23], $0x278  }
0x1d9: {  	[sflag:s23] =	ssyncset.done $0x0  }
0x1da: {  	s25 =	simm.s32 $0x0;
	s0 =	rddreg [dreg:$0x13];
	[sflag:s23] =	ssyncadd.s32 $0xFFFFFD88  }
0x1db: {  	[hbm4b:s0+s25] =	stream.linear.scatter [tilespmem:s8], [sflag:$0x11], $0x278, $0x38;
	[tilespmem:$0x6F60] =	vst v63  }
0x1dc: {  	_ =	swait.ge [sflag:s23], $0x278  }
0x1dd: {  	[sflag:s23] =	ssyncset.done $0x0  }
0x1de: {  	s6 =	rddreg [dreg:$0x10];
	[sflag:s23] =	ssyncadd.s32 $0xFFFFFD88  }
0x1df: {  	[tilespmem:s8], [sflag:$0x11] =	stream.linear.gather [spmem:s6], $0x278, $0x38;
	[tilespmem:$0x6F60] =	vst v63  }
0x1e0: {  	_ =	swait.ge [sflag:s23], $0x278  }
0x1e1: {  	[sflag:s23] =	ssyncset.done $0x0  }
0x1e2: {  	s9 =	rddreg [dreg:$0x14];
	[sflag:s23] =	ssyncadd.s32 $0xFFFFFD88  }
0x1e3: {  	[hbm4b:s9+s25] =	stream.linear.scatter [tilespmem:s8], [sflag:$0x11], $0x278, $0x38;
	[tilespmem:$0x6F60] =	vst v63  }
0x1e4: {  	_ =	swait.ge [sflag:s23], $0x278  }
0x1e5: {  	s26 =	rddreg [dreg:$0x16]  }
0x1e6: {  	s28 =	rddreg [dreg:$0x15];
	s0 =	sadd.s32 $0x1, s26  }
0x1e7: {  	p1 =	sne.s32 s0, s28  }
.Ltmp1:
0x1e8: {  	_ = 	snop;
	(pc) =	sbr.rel @p1 .LBB2_1-.Ltmp1, $3  }
0x1e9: {  	_ =	sdelay $0x1  }
0x1ea: {  	s30 =	simm.s32 $0x11;
	[sflag:s23] =	ssyncset.done $0x0  }
0x1eb: {  	[sflag:s30] =	ssyncadd.s32 $0xFFFFFD88  }
0x1ec: {  	_ =	sfence.sel $0x180000  }
0x1ed: {  	[bflag:$0x0] =	sbarrier.arrive $0xFFFF  }
0x1ee: {  	_ =	strace $0x90000050  }
0x1ef: {  	s0 =	stileid.u32;
	[bflag:$0x2] =	sbarrier.arrive $0xFFFF  }
0x1f0: {  	p0 =	sne.s32 s0, $0x0;
	s0 =	rddreg [dreg:$0x5]  }
0x1f1: {  	s0 =	sadd.s32 @!p0 $0x100000, s0  }
0x1f2: {  	[sflag:s0] =	ssyncadd.tile.s32 @!p0 $0x1;
	_ =	shalt  }
.Lfunc_end2:
_tile_overlayer_lowered:
.L_overlay_start_2:
0x1f3: {  	(tag) =	ssettag $0x2  }
0x1f4: {  	s0 =	rddreg [dreg:$0x0];
	s2 =	stileid.u32  }
0x1f5: {  	s1 =	rddreg [dreg:$0x1];
	p0 =	sne.s32 s2, $0x0  }
0x1f6: {  	s3 =	rddreg [dreg:$0x2];
	[bflag:$0x3] =	sbarrier.arrive $0xFFFF;
	s2 =	simm.s32 @!p0 $0x1C11  }
0x1f7: {  	[timem:s3], [sflag:s2] =	dma.local @!p0 [hbm:s0], s1  }
0x1f8: {  	s0 =	simm.s32 @!p0 $0x11  }
0x1f9: {  	_ =	swait.ge @!p0 [sflag:s0], s1  }
0x1fa: {  	s1 =	ssub.s32 @!p0 $0x0, s1;
	[sflag:s0] =	ssyncset.done @!p0 $0x0  }
0x1fb: {  	[sflag:s0] =	ssyncadd.s32 @!p0 s1  }
0x1fc: {  	[bflag:$0x3] =	sbarrier.arrive $0xFFFF  }
0x1fd: {  	_ =	shalt  }

</sc_bundles>
